<compile_context>
chip_gen: v7x
topology: tpu7x:2x2x1
jax: 0.10.2.dev20260603
libtpu: 0.0.44.dev20260713+nightly
codegen_flags: <defaults>
</compile_context>

<pallas_src>
import functools

import jax
import jax.numpy as jnp
from jax import lax
from jax.experimental import pallas as pl
from jax.experimental.pallas import tpu as pltpu
from jax.experimental.pallas import tpu_sc as plsc

N = 10000
E = 160000
DH = 48
NC = 2
NS = 16
NW = NC * NS
L = 16


_EP = 163840
_EPT = _EP // NW
_NFULL = _EPT // L

_deg_mesh = plsc.VectorSubcoreMesh(
    core_axis_name="c", subcore_axis_name="s", num_cores=NC, num_subcores=NS)


@functools.partial(
    pl.kernel,
    out_type=jax.ShapeDtypeStruct((NW, N), jnp.float32),
    mesh=_deg_mesh,
    compiler_params=pltpu.CompilerParams(
        needs_layout_passes=False, use_tc_tiling_on_sc=False),
    scratch_types=[
        pltpu.VMEM((N + 16,), jnp.float32),
        pltpu.VMEM((_EPT,), jnp.int32),
    ],
)
def _degree_kernel(ei_hbm, out_hbm, deg_v, idx_v):
    cid = lax.axis_index("c")
    sid = lax.axis_index("s")
    wid = sid * NC + cid

    zeros16 = jnp.zeros((L,), jnp.float32)

    def zero_body(i, _):
        deg_v[pl.ds(i * L, L)] = zeros16
        return 0

    lax.fori_loop(0, (N + 16) // L, zero_body, 0)

    pltpu.sync_copy(ei_hbm.at[1, pl.ds(wid * _EPT, _EPT)], idx_v)

    ones = jnp.ones((L,), jnp.float32)

    def body(i, _):
        iv = idx_v[pl.ds(i * L, L)]
        plsc.addupdate_scatter(deg_v, [iv], ones)
        return 0

    lax.fori_loop(0, _NFULL, body, 0)

    pltpu.sync_copy(deg_v.at[pl.ds(0, N)], out_hbm.at[wid])



_K = 128
_NCHUNK = _EP // _K
_CPT = _NCHUNK // NW
_NB = 4
_NPAD = N + 16
_RB = 632
_RB_LAST = N - (NS - 1) * _RB




@functools.partial(
    pl.kernel,
    out_type=[jax.ShapeDtypeStruct((N, DH), jnp.float32),
              jax.ShapeDtypeStruct((N, DH), jnp.float32)],
    mesh=plsc.VectorSubcoreMesh(
        core_axis_name="c", subcore_axis_name="s",
        num_cores=NC, num_subcores=NS),
    compiler_params=pltpu.CompilerParams(
        needs_layout_passes=False, use_tc_tiling_on_sc=False),
    scratch_types=[
        pltpu.VMEM_SHARED((_NPAD, DH), jnp.float32),
        pltpu.VMEM_SHARED((N, DH), jnp.float32),
        [pltpu.VMEM((2, _K), jnp.int32)] * (2 * _NB),
        [pltpu.VMEM((_K, DH), jnp.float32)] * (2 * _NB),
        [pltpu.SemaphoreType.DMA] * (2 * _NB),
        [pltpu.SemaphoreType.DMA] * (2 * _NB),
    ],
)
def _prop_kernel(z_hbm, ei_hbm, zeros_hbm, out0_hbm, out1_hbm,
                 acc, zs, idx_v, rows_v, gsem, ssem):
    cid = lax.axis_index("c")
    sid = lax.axis_index("s")
    wid = sid * NC + cid

    def _init_span(off, size):
        pltpu.sync_copy(z_hbm.at[pl.ds(off, size)], zs.at[pl.ds(off, size)])

        @pl.when(cid == 0)
        def _():
            pltpu.sync_copy(z_hbm.at[pl.ds(off, size)],
                            acc.at[pl.ds(off, size)])

        @pl.when(cid != 0)
        def _():
            pltpu.sync_copy(zeros_hbm.at[pl.ds(off, size)],
                            acc.at[pl.ds(off, size)])

    @pl.when(sid < NS - 1)
    def _():
        _init_span(pl.multiple_of(sid * _RB, 8), _RB)

    @pl.when(sid == NS - 1)
    def _():
        _init_span((NS - 1) * _RB, _RB_LAST)

    plsc.subcore_barrier()

    _edge_pipeline(ei_hbm, out0_hbm, out1_hbm, acc, zs, idx_v, rows_v,
                   gsem, ssem, wid, cid, sid)


def _edge_pipeline(ei_hbm, out0_hbm, out1_hbm, acc, zs, idx_v, rows_v,
                   gsem, ssem, wid, cid, sid):
    def start(j, b):
        base = pl.multiple_of((j * NW + wid) * _K, 8)
        pltpu.sync_copy(ei_hbm.at[:, pl.ds(base, _K)], idx_v[b])
        pltpu.async_copy(zs.at[idx_v[b].at[0]], rows_v[b], gsem[b])

    def wait_gather(b):
        pltpu.make_async_copy(zs.at[pl.ds(0, _K)], rows_v[b], gsem[b]).wait()

    def start_scatter(b):
        pltpu.async_copy(rows_v[b], acc.at[idx_v[b].at[1]], ssem[b],
                         add=True)

    def wait_scatter(b):
        pltpu.make_async_copy(rows_v[b], acc.at[pl.ds(0, _K)],
                              ssem[b]).wait()

    for b in range(2 * _NB):
        start(b, b)

    def body(i, _):
        for b in range(2 * _NB):
            wait_gather(b)
            start_scatter(b)
        for b in range(2 * _NB):
            wait_scatter(b)
            start(8 * i + 8 + b, b)
        return 0

    lax.fori_loop(0, _CPT // 8 - 1, body, 0)
    for b in range(2 * _NB):
        wait_gather(b)
        start_scatter(b)
    for b in range(2 * _NB):
        wait_scatter(b)
    plsc.subcore_barrier()

    def _writeout(off, size):
        @pl.when(cid == 0)
        def _():
            pltpu.sync_copy(acc.at[pl.ds(off, size)],
                            out0_hbm.at[pl.ds(off, size)])

        @pl.when(cid != 0)
        def _():
            pltpu.sync_copy(acc.at[pl.ds(off, size)],
                            out1_hbm.at[pl.ds(off, size)])

    @pl.when(sid < NS - 1)
    def _():
        _writeout(pl.multiple_of(sid * _RB, 8), _RB)

    @pl.when(sid == NS - 1)
    def _():
        _writeout((NS - 1) * _RB, _RB_LAST)



_R = 2000
_G = N // _R


def _tc1_body(x_ref, w1_ref, degp_ref, zp_ref, dis_ref):
    deg = jnp.sum(degp_ref[...], axis=1) + 1.0
    dis = lax.rsqrt(deg)[:, None]
    z = jnp.dot(x_ref[...].astype(jnp.bfloat16),
                w1_ref[...].astype(jnp.bfloat16),
                preferred_element_type=jnp.float32)
    zp_ref[...] = z * dis
    dis_ref[...] = dis


def _tc2_body(s0_ref, s1_ref, dis_ref, b1_ref, u_ref):
    dis = dis_ref[...]
    h = dis * (s0_ref[...] + s1_ref[...]) + b1_ref[...]
    u_ref[...] = dis * jnp.maximum(h, 0.0)


def _tc3_body(t0_ref, t1_ref, dis_ref, w2_ref, b2_ref, o_ref):
    v = dis_ref[...] * (t0_ref[...] + t1_ref[...])
    o_ref[...] = (jnp.dot(v.astype(jnp.bfloat16),
                          w2_ref[...].astype(jnp.bfloat16),
                          preferred_element_type=jnp.float32)
                  + b2_ref[...])


def kernel(x, edge_index, W1, b1, W2, b2):
    ei = edge_index.astype(jnp.int32)
    npad = _EP - E
    pad = jnp.stack([jnp.zeros((npad,), jnp.int32),
                     N + (jnp.arange(npad, dtype=jnp.int32) % 16)])
    ei_pad = jnp.concatenate([ei, pad], axis=1)
    zeros2d = jnp.zeros((N, DH), jnp.float32)

    deg_part = jnp.transpose(_degree_kernel(ei_pad))
    f32 = jnp.float32

    zp, dis = pl.pallas_call(
        _tc1_body,
        grid=(_G,),
        in_specs=[
            pl.BlockSpec((_R, 384), lambda i: (i, 0)),
            pl.BlockSpec((384, DH), lambda i: (0, 0)),
            pl.BlockSpec((_R, NW), lambda i: (i, 0)),
        ],
        out_specs=[
            pl.BlockSpec((_R, DH), lambda i: (i, 0)),
            pl.BlockSpec((_R, 1), lambda i: (i, 0)),
        ],
        out_shape=[
            jax.ShapeDtypeStruct((N, DH), f32),
            jax.ShapeDtypeStruct((N, 1), f32),
        ],
    )(x, W1, deg_part)
    del deg_part

    s0, s1 = _prop_kernel(zp, ei_pad, zeros2d)

    u = pl.pallas_call(
        _tc2_body,
        grid=(_G,),
        in_specs=[
            pl.BlockSpec((_R, DH), lambda i: (i, 0)),
            pl.BlockSpec((_R, DH), lambda i: (i, 0)),
            pl.BlockSpec((_R, 1), lambda i: (i, 0)),
            pl.BlockSpec((1, DH), lambda i: (0, 0)),
        ],
        out_specs=pl.BlockSpec((_R, DH), lambda i: (i, 0)),
        out_shape=jax.ShapeDtypeStruct((N, DH), f32),
    )(s0, s1, dis, b1.reshape(1, DH))

    t0, t1 = _prop_kernel(u, ei_pad, zeros2d)

    out = pl.pallas_call(
        _tc3_body,
        grid=(_G,),
        in_specs=[
            pl.BlockSpec((_R, DH), lambda i: (i, 0)),
            pl.BlockSpec((_R, DH), lambda i: (i, 0)),
            pl.BlockSpec((_R, 1), lambda i: (i, 0)),
            pl.BlockSpec((DH, 384), lambda i: (0, 0)),
            pl.BlockSpec((1, 384), lambda i: (0, 0)),
        ],
        out_specs=pl.BlockSpec((_R, 384), lambda i: (i, 0)),
        out_shape=jax.ShapeDtypeStruct((N, 384), f32),
    )(t0, t1, dis, W2, b2.reshape(1, 384))

    return out

# --- scband reference (transcript-rebuilt; emitter-appended) ---
"""Pipeline reference for scband-gcn-23021024706912 (READ-ONLY COPY).

The authoritative reference and input builder live on the scoring server;
editing this copy changes nothing except your own understanding.
"""

import jax, jax.numpy as jnp
import numpy as np

N_NODES = 10000

def gcn_conv(x, edge_index, W, b, num_nodes):
    # x: [N, in_dim], edge_index: [2, E]
    # PyG GCNConv semantics: add self loops, symmetric normalization, linear transform, scatter-add, bias
    h = x @ W  # [N, out_dim]
    loop = jnp.arange(num_nodes, dtype=edge_index.dtype)
    src = jnp.concatenate([edge_index[0], loop])
    dst = jnp.concatenate([edge_index[1], loop])
    ones = jnp.ones(src.shape[0], dtype=h.dtype)
    deg = jax.ops.segment_sum(ones, dst, num_segments=num_nodes)
    deg_inv_sqrt = jnp.where(deg > 0, 1.0 / jnp.sqrt(deg), 0.0)
    norm = deg_inv_sqrt[src] * deg_inv_sqrt[dst]  # [E']
    msg = h[src] * norm[:, None]  # gather + scale
    out = jax.ops.segment_sum(msg, dst, num_segments=num_nodes)  # scatter-add
    return out + b


def setup_inputs(seed: int = 0) -> dict:
    key = jax.random.key(seed)
    k1, k2, k3, k4, k5, k6 = jax.random.split(key, 6)
    x = jax.random.normal(k1, (N_NODES, 384), dtype=jnp.float32)
    edge_index = jax.random.randint(k2, (2, 160000), 0, N_NODES, dtype=jnp.int64)
    W1 = jax.random.normal(k3, (384, 48), dtype=jnp.float32) * 0.05
    b1 = jnp.zeros((48,), dtype=jnp.float32)
    W2 = jax.random.normal(k4, (48, 384), dtype=jnp.float32) * 0.05
    b2 = jnp.zeros((384,), dtype=jnp.float32)
    return {"x": x, "edge_index": edge_index, "W1": W1, "b1": b1, "W2": W2, "b2": b2}


def reference(x, edge_index, W1, b1, W2, b2):
    h = gcn_conv(x, edge_index, W1, b1, N_NODES)
    h = jax.nn.relu(h)
    out = gcn_conv(h, edge_index, W2, b2, N_NODES)
    return out

if __name__ == "__main__":
    import jax
    _d = setup_inputs()
    print(jax.jit(kernel)(*tuple(_d.values())))

</pallas_src>

<mosaic_0001>
#map = affine_map<(d0, d1) -> (0, 0)>
module attributes {stable_mosaic.version = 14 : i64} {
  func.func @_prop_kernel(%arg0: i32, %arg1: i32, %arg2: memref<10000x48xf32, #tpu.memory_space<hbm>>, %arg3: memref<2x163840xi32, #tpu.memory_space<hbm>>, %arg4: memref<10000x48xf32, #tpu.memory_space<hbm>>, %arg5: memref<10000x48xf32, #tpu.memory_space<hbm>>, %arg6: memref<10000x48xf32, #tpu.memory_space<hbm>>, %arg7: memref<10016x48xf32, #tpu.memory_space<vmem_shared>>, %arg8: memref<10000x48xf32, #tpu.memory_space<vmem_shared>>, %arg9: memref<2x128xi32, #tpu.memory_space<vmem>>, %arg10: memref<2x128xi32, #tpu.memory_space<vmem>>, %arg11: memref<2x128xi32, #tpu.memory_space<vmem>>, %arg12: memref<2x128xi32, #tpu.memory_space<vmem>>, %arg13: memref<2x128xi32, #tpu.memory_space<vmem>>, %arg14: memref<2x128xi32, #tpu.memory_space<vmem>>, %arg15: memref<2x128xi32, #tpu.memory_space<vmem>>, %arg16: memref<2x128xi32, #tpu.memory_space<vmem>>, %arg17: memref<128x48xf32, #tpu.memory_space<vmem>>, %arg18: memref<128x48xf32, #tpu.memory_space<vmem>>, %arg19: memref<128x48xf32, #tpu.memory_space<vmem>>, %arg20: memref<128x48xf32, #tpu.memory_space<vmem>>, %arg21: memref<128x48xf32, #tpu.memory_space<vmem>>, %arg22: memref<128x48xf32, #tpu.memory_space<vmem>>, %arg23: memref<128x48xf32, #tpu.memory_space<vmem>>, %arg24: memref<128x48xf32, #tpu.memory_space<vmem>>, %arg25: memref<!tpu.dma_semaphore, #tpu.memory_space<semaphore_mem>>, %arg26: memref<!tpu.dma_semaphore, #tpu.memory_space<semaphore_mem>>, %arg27: memref<!tpu.dma_semaphore, #tpu.memory_space<semaphore_mem>>, %arg28: memref<!tpu.dma_semaphore, #tpu.memory_space<semaphore_mem>>, %arg29: memref<!tpu.dma_semaphore, #tpu.memory_space<semaphore_mem>>, %arg30: memref<!tpu.dma_semaphore, #tpu.memory_space<semaphore_mem>>, %arg31: memref<!tpu.dma_semaphore, #tpu.memory_space<semaphore_mem>>, %arg32: memref<!tpu.dma_semaphore, #tpu.memory_space<semaphore_mem>>, %arg33: memref<!tpu.dma_semaphore, #tpu.memory_space<semaphore_mem>>, %arg34: memref<!tpu.dma_semaphore, #tpu.memory_space<semaphore_mem>>, %arg35: memref<!tpu.dma_semaphore, #tpu.memory_space<semaphore_mem>>, %arg36: memref<!tpu.dma_semaphore, #tpu.memory_space<semaphore_mem>>, %arg37: memref<!tpu.dma_semaphore, #tpu.memory_space<semaphore_mem>>, %arg38: memref<!tpu.dma_semaphore, #tpu.memory_space<semaphore_mem>>, %arg39: memref<!tpu.dma_semaphore, #tpu.memory_space<semaphore_mem>>, %arg40: memref<!tpu.dma_semaphore, #tpu.memory_space<semaphore_mem>>) attributes {dimension_semantics = [#tpu.dimension_semantics<core_parallel>, #tpu.dimension_semantics<subcore_parallel>], iteration_bounds = array<i64: 2, 16>, scalar_prefetch = 0 : i64, scratch_operands = 34 : i64, tpu.core_type = #tpu.core_type<sc_vector_subcore>, window_params = [{transform_indices = #map}, {transform_indices = #map}, {transform_indices = #map}, {transform_indices = #map}, {transform_indices = #map}]} {
    %mul3A = arith.constant 2 : i32
    %mul3A_0 = arith.muli %arg1, %mul3A : i32
    %add3A = arith.addi %mul3A_0, %arg0 : i32
    %lt3A = arith.constant 15 : i32
    %lt3A_1 = arith.cmpi slt, %arg1, %lt3A : i32
    %convert_element_type3A = arith.extui %lt3A_1 : i1 to i32
    %cond3A = arith.constant 0 : i32
    %cond3A_2 = arith.cmpi ne, %convert_element_type3A, %cond3A : i32
    scf.if %cond3A_2 {
      %mul3A_269 = arith.constant 632 : i32
      %mul3A_270 = arith.muli %arg1, %mul3A_269 : i32
      %multiple_of3A_271 = tpu.assume_multiple %mul3A_270, 8 : i32
      "tpu.region"() ({
        %run_scoped3A = tpu.sem_alloc : memref<!tpu.dma_semaphore, #tpu.memory_space<semaphore_mem>>
        %dma_start3A_281 = arith.constant 0 : i32
        %dma_start3A_282 = tpu.memref_slice %arg8[%multiple_of3A_271, %dma_start3A_281] : memref<10000x48xf32, #tpu.memory_space<vmem_shared>> -> memref<632x48xf32, #tpu.memory_space<vmem_shared>>
        %dma_start3A_283 = arith.constant 0 : i32
        %dma_start3A_284 = tpu.memref_slice %arg2[%multiple_of3A_271, %dma_start3A_283] : memref<10000x48xf32, #tpu.memory_space<hbm>> -> memref<632x48xf32, #tpu.memory_space<hbm>>
        tpu.enqueue_dma source(%dma_start3A_284 : memref<632x48xf32, #tpu.memory_space<hbm>>) target(%dma_start3A_282 : memref<632x48xf32, #tpu.memory_space<vmem_shared>>) target_semaphore(%run_scoped3A : memref<!tpu.dma_semaphore, #tpu.memory_space<semaphore_mem>>)
        %dma_wait3A_285 = arith.constant 0 : i32
        %dma_wait3A_286 = tpu.memref_slice %arg8[%multiple_of3A_271, %dma_wait3A_285] : memref<10000x48xf32, #tpu.memory_space<vmem_shared>> -> memref<632x48xf32, #tpu.memory_space<vmem_shared>>
        %dma_wait3A_287 = arith.constant 0 : i32
        %dma_wait3A_288 = tpu.memref_slice %arg2[%multiple_of3A_271, %dma_wait3A_287] : memref<10000x48xf32, #tpu.memory_space<hbm>> -> memref<632x48xf32, #tpu.memory_space<hbm>>
        tpu.wait_dma2 semaphore(%run_scoped3A : memref<!tpu.dma_semaphore, #tpu.memory_space<semaphore_mem>>) src(%dma_wait3A_288 : memref<632x48xf32, #tpu.memory_space<hbm>>) dst(%dma_wait3A_286 : memref<632x48xf32, #tpu.memory_space<vmem_shared>>)
        tpu.yield
      }) : () -> ()
      %eq3A_272 = arith.constant 0 : i32
      %eq3A_273 = arith.cmpi eq, %arg0, %eq3A_272 : i32
      %convert_element_type3A_274 = arith.extui %eq3A_273 : i1 to i32
      %cond3A_275 = arith.constant 0 : i32
      %cond3A_276 = arith.cmpi ne, %convert_element_type3A_274, %cond3A_275 : i32
      scf.if %cond3A_276 {
        "tpu.region"() ({
          %run_scoped3A = tpu.sem_alloc : memref<!tpu.dma_semaphore, #tpu.memory_space<semaphore_mem>>
          %dma_start3A_281 = arith.constant 0 : i32
          %dma_start3A_282 = tpu.memref_slice %arg7[%multiple_of3A_271, %dma_start3A_281] : memref<10016x48xf32, #tpu.memory_space<vmem_shared>> -> memref<632x48xf32, #tpu.memory_space<vmem_shared>>
          %dma_start3A_283 = arith.constant 0 : i32
          %dma_start3A_284 = tpu.memref_slice %arg2[%multiple_of3A_271, %dma_start3A_283] : memref<10000x48xf32, #tpu.memory_space<hbm>> -> memref<632x48xf32, #tpu.memory_space<hbm>>
          tpu.enqueue_dma source(%dma_start3A_284 : memref<632x48xf32, #tpu.memory_space<hbm>>) target(%dma_start3A_282 : memref<632x48xf32, #tpu.memory_space<vmem_shared>>) target_semaphore(%run_scoped3A : memref<!tpu.dma_semaphore, #tpu.memory_space<semaphore_mem>>)
          %dma_wait3A_285 = arith.constant 0 : i32
          %dma_wait3A_286 = tpu.memref_slice %arg7[%multiple_of3A_271, %dma_wait3A_285] : memref<10016x48xf32, #tpu.memory_space<vmem_shared>> -> memref<632x48xf32, #tpu.memory_space<vmem_shared>>
          %dma_wait3A_287 = arith.constant 0 : i32
          %dma_wait3A_288 = tpu.memref_slice %arg2[%multiple_of3A_271, %dma_wait3A_287] : memref<10000x48xf32, #tpu.memory_space<hbm>> -> memref<632x48xf32, #tpu.memory_space<hbm>>
          tpu.wait_dma2 semaphore(%run_scoped3A : memref<!tpu.dma_semaphore, #tpu.memory_space<semaphore_mem>>) src(%dma_wait3A_288 : memref<632x48xf32, #tpu.memory_space<hbm>>) dst(%dma_wait3A_286 : memref<632x48xf32, #tpu.memory_space<vmem_shared>>)
          tpu.yield
        }) : () -> ()
      } else {
      }
      %ne3A = arith.constant 0 : i32
      %ne3A_277 = arith.cmpi ne, %arg0, %ne3A : i32
      %convert_element_type3A_278 = arith.extui %ne3A_277 : i1 to i32
      %cond3A_279 = arith.constant 0 : i32
      %cond3A_280 = arith.cmpi ne, %convert_element_type3A_278, %cond3A_279 : i32
      scf.if %cond3A_280 {
        "tpu.region"() ({
          %run_scoped3A = tpu.sem_alloc : memref<!tpu.dma_semaphore, #tpu.memory_space<semaphore_mem>>
          %dma_start3A_281 = arith.constant 0 : i32
          %dma_start3A_282 = tpu.memref_slice %arg7[%multiple_of3A_271, %dma_start3A_281] : memref<10016x48xf32, #tpu.memory_space<vmem_shared>> -> memref<632x48xf32, #tpu.memory_space<vmem_shared>>
          %dma_start3A_283 = arith.constant 0 : i32
          %dma_start3A_284 = tpu.memref_slice %arg4[%multiple_of3A_271, %dma_start3A_283] : memref<10000x48xf32, #tpu.memory_space<hbm>> -> memref<632x48xf32, #tpu.memory_space<hbm>>
          tpu.enqueue_dma source(%dma_start3A_284 : memref<632x48xf32, #tpu.memory_space<hbm>>) target(%dma_start3A_282 : memref<632x48xf32, #tpu.memory_space<vmem_shared>>) target_semaphore(%run_scoped3A : memref<!tpu.dma_semaphore, #tpu.memory_space<semaphore_mem>>)
          %dma_wait3A_285 = arith.constant 0 : i32
          %dma_wait3A_286 = tpu.memref_slice %arg7[%multiple_of3A_271, %dma_wait3A_285] : memref<10016x48xf32, #tpu.memory_space<vmem_shared>> -> memref<632x48xf32, #tpu.memory_space<vmem_shared>>
          %dma_wait3A_287 = arith.constant 0 : i32
          %dma_wait3A_288 = tpu.memref_slice %arg4[%multiple_of3A_271, %dma_wait3A_287] : memref<10000x48xf32, #tpu.memory_space<hbm>> -> memref<632x48xf32, #tpu.memory_space<hbm>>
          tpu.wait_dma2 semaphore(%run_scoped3A : memref<!tpu.dma_semaphore, #tpu.memory_space<semaphore_mem>>) src(%dma_wait3A_288 : memref<632x48xf32, #tpu.memory_space<hbm>>) dst(%dma_wait3A_286 : memref<632x48xf32, #tpu.memory_space<vmem_shared>>)
          tpu.yield
        }) : () -> ()
      } else {
      }
    } else {
    }
    %eq3A = arith.constant 15 : i32
    %eq3A_3 = arith.cmpi eq, %arg1, %eq3A : i32
    %convert_element_type3A_4 = arith.extui %eq3A_3 : i1 to i32
    %cond3A_5 = arith.constant 0 : i32
    %cond3A_6 = arith.cmpi ne, %convert_element_type3A_4, %cond3A_5 : i32
    scf.if %cond3A_6 {
      "tpu.region"() ({
        %run_scoped3A = tpu.sem_alloc : memref<!tpu.dma_semaphore, #tpu.memory_space<semaphore_mem>>
        %dma_start3A_278 = arith.constant 9480 : i32
        %dma_start3A_279 = arith.constant 0 : i32
        %dma_start3A_280 = tpu.memref_slice %arg8[%dma_start3A_278, %dma_start3A_279] : memref<10000x48xf32, #tpu.memory_space<vmem_shared>> -> memref<520x48xf32, #tpu.memory_space<vmem_shared>>
        %dma_start3A_281 = arith.constant 9480 : i32
        %dma_start3A_282 = arith.constant 0 : i32
        %dma_start3A_283 = tpu.memref_slice %arg2[%dma_start3A_281, %dma_start3A_282] : memref<10000x48xf32, #tpu.memory_space<hbm>> -> memref<520x48xf32, #tpu.memory_space<hbm>>
        tpu.enqueue_dma source(%dma_start3A_283 : memref<520x48xf32, #tpu.memory_space<hbm>>) target(%dma_start3A_280 : memref<520x48xf32, #tpu.memory_space<vmem_shared>>) target_semaphore(%run_scoped3A : memref<!tpu.dma_semaphore, #tpu.memory_space<semaphore_mem>>)
        %dma_wait3A_284 = arith.constant 9480 : i32
        %dma_wait3A_285 = arith.constant 0 : i32
        %dma_wait3A_286 = tpu.memref_slice %arg8[%dma_wait3A_284, %dma_wait3A_285] : memref<10000x48xf32, #tpu.memory_space<vmem_shared>> -> memref<520x48xf32, #tpu.memory_space<vmem_shared>>
        %dma_wait3A_287 = arith.constant 9480 : i32
        %dma_wait3A_288 = arith.constant 0 : i32
        %dma_wait3A_289 = tpu.memref_slice %arg2[%dma_wait3A_287, %dma_wait3A_288] : memref<10000x48xf32, #tpu.memory_space<hbm>> -> memref<520x48xf32, #tpu.memory_space<hbm>>
        tpu.wait_dma2 semaphore(%run_scoped3A : memref<!tpu.dma_semaphore, #tpu.memory_space<semaphore_mem>>) src(%dma_wait3A_289 : memref<520x48xf32, #tpu.memory_space<hbm>>) dst(%dma_wait3A_286 : memref<520x48xf32, #tpu.memory_space<vmem_shared>>)
        tpu.yield
      }) : () -> ()
      %eq3A_269 = arith.constant 0 : i32
      %eq3A_270 = arith.cmpi eq, %arg0, %eq3A_269 : i32
      %convert_element_type3A_271 = arith.extui %eq3A_270 : i1 to i32
      %cond3A_272 = arith.constant 0 : i32
      %cond3A_273 = arith.cmpi ne, %convert_element_type3A_271, %cond3A_272 : i32
      scf.if %cond3A_273 {
        "tpu.region"() ({
          %run_scoped3A = tpu.sem_alloc : memref<!tpu.dma_semaphore, #tpu.memory_space<semaphore_mem>>
          %dma_start3A_278 = arith.constant 9480 : i32
          %dma_start3A_279 = arith.constant 0 : i32
          %dma_start3A_280 = tpu.memref_slice %arg7[%dma_start3A_278, %dma_start3A_279] : memref<10016x48xf32, #tpu.memory_space<vmem_shared>> -> memref<520x48xf32, #tpu.memory_space<vmem_shared>>
          %dma_start3A_281 = arith.constant 9480 : i32
          %dma_start3A_282 = arith.constant 0 : i32
          %dma_start3A_283 = tpu.memref_slice %arg2[%dma_start3A_281, %dma_start3A_282] : memref<10000x48xf32, #tpu.memory_space<hbm>> -> memref<520x48xf32, #tpu.memory_space<hbm>>
          tpu.enqueue_dma source(%dma_start3A_283 : memref<520x48xf32, #tpu.memory_space<hbm>>) target(%dma_start3A_280 : memref<520x48xf32, #tpu.memory_space<vmem_shared>>) target_semaphore(%run_scoped3A : memref<!tpu.dma_semaphore, #tpu.memory_space<semaphore_mem>>)
          %dma_wait3A_284 = arith.constant 9480 : i32
          %dma_wait3A_285 = arith.constant 0 : i32
          %dma_wait3A_286 = tpu.memref_slice %arg7[%dma_wait3A_284, %dma_wait3A_285] : memref<10016x48xf32, #tpu.memory_space<vmem_shared>> -> memref<520x48xf32, #tpu.memory_space<vmem_shared>>
          %dma_wait3A_287 = arith.constant 9480 : i32
          %dma_wait3A_288 = arith.constant 0 : i32
          %dma_wait3A_289 = tpu.memref_slice %arg2[%dma_wait3A_287, %dma_wait3A_288] : memref<10000x48xf32, #tpu.memory_space<hbm>> -> memref<520x48xf32, #tpu.memory_space<hbm>>
          tpu.wait_dma2 semaphore(%run_scoped3A : memref<!tpu.dma_semaphore, #tpu.memory_space<semaphore_mem>>) src(%dma_wait3A_289 : memref<520x48xf32, #tpu.memory_space<hbm>>) dst(%dma_wait3A_286 : memref<520x48xf32, #tpu.memory_space<vmem_shared>>)
          tpu.yield
        }) : () -> ()
      } else {
      }
      %ne3A = arith.constant 0 : i32
      %ne3A_274 = arith.cmpi ne, %arg0, %ne3A : i32
      %convert_element_type3A_275 = arith.extui %ne3A_274 : i1 to i32
      %cond3A_276 = arith.constant 0 : i32
      %cond3A_277 = arith.cmpi ne, %convert_element_type3A_275, %cond3A_276 : i32
      scf.if %cond3A_277 {
        "tpu.region"() ({
          %run_scoped3A = tpu.sem_alloc : memref<!tpu.dma_semaphore, #tpu.memory_space<semaphore_mem>>
          %dma_start3A_278 = arith.constant 9480 : i32
          %dma_start3A_279 = arith.constant 0 : i32
          %dma_start3A_280 = tpu.memref_slice %arg7[%dma_start3A_278, %dma_start3A_279] : memref<10016x48xf32, #tpu.memory_space<vmem_shared>> -> memref<520x48xf32, #tpu.memory_space<vmem_shared>>
          %dma_start3A_281 = arith.constant 9480 : i32
          %dma_start3A_282 = arith.constant 0 : i32
          %dma_start3A_283 = tpu.memref_slice %arg4[%dma_start3A_281, %dma_start3A_282] : memref<10000x48xf32, #tpu.memory_space<hbm>> -> memref<520x48xf32, #tpu.memory_space<hbm>>
          tpu.enqueue_dma source(%dma_start3A_283 : memref<520x48xf32, #tpu.memory_space<hbm>>) target(%dma_start3A_280 : memref<520x48xf32, #tpu.memory_space<vmem_shared>>) target_semaphore(%run_scoped3A : memref<!tpu.dma_semaphore, #tpu.memory_space<semaphore_mem>>)
          %dma_wait3A_284 = arith.constant 9480 : i32
          %dma_wait3A_285 = arith.constant 0 : i32
          %dma_wait3A_286 = tpu.memref_slice %arg7[%dma_wait3A_284, %dma_wait3A_285] : memref<10016x48xf32, #tpu.memory_space<vmem_shared>> -> memref<520x48xf32, #tpu.memory_space<vmem_shared>>
          %dma_wait3A_287 = arith.constant 9480 : i32
          %dma_wait3A_288 = arith.constant 0 : i32
          %dma_wait3A_289 = tpu.memref_slice %arg4[%dma_wait3A_287, %dma_wait3A_288] : memref<10000x48xf32, #tpu.memory_space<hbm>> -> memref<520x48xf32, #tpu.memory_space<hbm>>
          tpu.wait_dma2 semaphore(%run_scoped3A : memref<!tpu.dma_semaphore, #tpu.memory_space<semaphore_mem>>) src(%dma_wait3A_289 : memref<520x48xf32, #tpu.memory_space<hbm>>) dst(%dma_wait3A_286 : memref<520x48xf32, #tpu.memory_space<vmem_shared>>)
          tpu.yield
        }) : () -> ()
      } else {
      }
    } else {
    }
    %barrier3A = arith.constant 0 : index
    tpu.barrier barrier_id(%barrier3A)
    %add3A_7 = arith.constant 0 : i32
    %add3A_8 = arith.addi %add3A_7, %add3A : i32
    %mul3A_9 = arith.constant 128 : i32
    %mul3A_10 = arith.muli %add3A_8, %mul3A_9 : i32
    %multiple_of3A = tpu.assume_multiple %mul3A_10, 8 : i32
    "tpu.region"() ({
      %run_scoped3A = tpu.sem_alloc : memref<!tpu.dma_semaphore, #tpu.memory_space<semaphore_mem>>
      %dma_start3A_269 = arith.constant 0 : i32
      %dma_start3A_270 = tpu.memref_slice %arg3[%dma_start3A_269, %multiple_of3A] : memref<2x163840xi32, #tpu.memory_space<hbm>> -> memref<2x128xi32, #tpu.memory_space<hbm>>
      %dma_start3A_271 = arith.constant 0 : i32
      %dma_start3A_272 = tpu.memref_slice %arg3[%dma_start3A_271, %multiple_of3A] : memref<2x163840xi32, #tpu.memory_space<hbm>> -> memref<2x128xi32, #tpu.memory_space<hbm>>
      tpu.enqueue_dma source(%dma_start3A_272 : memref<2x128xi32, #tpu.memory_space<hbm>>) target(%arg9 : memref<2x128xi32, #tpu.memory_space<vmem>>) target_semaphore(%run_scoped3A : memref<!tpu.dma_semaphore, #tpu.memory_space<semaphore_mem>>)
      %dma_wait3A_273 = arith.constant 0 : i32
      %dma_wait3A_274 = tpu.memref_slice %arg3[%dma_wait3A_273, %multiple_of3A] : memref<2x163840xi32, #tpu.memory_space<hbm>> -> memref<2x128xi32, #tpu.memory_space<hbm>>
      %dma_wait3A_275 = arith.constant 0 : i32
      %dma_wait3A_276 = tpu.memref_slice %arg3[%dma_wait3A_275, %multiple_of3A] : memref<2x163840xi32, #tpu.memory_space<hbm>> -> memref<2x128xi32, #tpu.memory_space<hbm>>
      tpu.wait_dma2 semaphore(%run_scoped3A : memref<!tpu.dma_semaphore, #tpu.memory_space<semaphore_mem>>) src(%dma_wait3A_276 : memref<2x128xi32, #tpu.memory_space<hbm>>) dst(%arg9 : memref<2x128xi32, #tpu.memory_space<vmem>>)
      tpu.yield
    }) : () -> ()
    %dma_start3A = arith.constant 0 : i32
    %dma_start3A_11 = arith.constant 0 : i32
    %dma_start3A_12 = tpu.memref_slice %arg9[%dma_start3A, %dma_start3A_11] : memref<2x128xi32, #tpu.memory_space<vmem>> -> memref<1x128xi32, #tpu.memory_space<vmem>>
    %dma_start3A_13 = tpu.memref_squeeze %dma_start3A_12 : memref<1x128xi32, #tpu.memory_space<vmem>> -> memref<128xi32, #tpu.memory_space<vmem>>
    %dma_start3A_14 = arith.constant 0 : i32
    %dma_start3A_15 = arith.constant 0 : i32
    %dma_start3A_16 = tpu.memref_slice %arg8[%dma_start3A_14, %dma_start3A_15] : memref<10000x48xf32, #tpu.memory_space<vmem_shared>> -> memref<10000x48xf32, #tpu.memory_space<vmem_shared>>
    tpu.enqueue_indirect_dma source(%dma_start3A_16 : memref<10000x48xf32, #tpu.memory_space<vmem_shared>>) target(%arg17 : memref<128x48xf32, #tpu.memory_space<vmem>>) offsets(%dma_start3A_13 : memref<128xi32, #tpu.memory_space<vmem>>) semaphore(%arg25 : memref<!tpu.dma_semaphore, #tpu.memory_space<semaphore_mem>>)
    %add3A_17 = arith.constant 32 : i32
    %add3A_18 = arith.addi %add3A_17, %add3A : i32
    %mul3A_19 = arith.constant 128 : i32
    %mul3A_20 = arith.muli %add3A_18, %mul3A_19 : i32
    %multiple_of3A_21 = tpu.assume_multiple %mul3A_20, 8 : i32
    "tpu.region"() ({
      %run_scoped3A = tpu.sem_alloc : memref<!tpu.dma_semaphore, #tpu.memory_space<semaphore_mem>>
      %dma_start3A_269 = arith.constant 0 : i32
      %dma_start3A_270 = tpu.memref_slice %arg3[%dma_start3A_269, %multiple_of3A_21] : memref<2x163840xi32, #tpu.memory_space<hbm>> -> memref<2x128xi32, #tpu.memory_space<hbm>>
      %dma_start3A_271 = arith.constant 0 : i32
      %dma_start3A_272 = tpu.memref_slice %arg3[%dma_start3A_271, %multiple_of3A_21] : memref<2x163840xi32, #tpu.memory_space<hbm>> -> memref<2x128xi32, #tpu.memory_space<hbm>>
      tpu.enqueue_dma source(%dma_start3A_272 : memref<2x128xi32, #tpu.memory_space<hbm>>) target(%arg10 : memref<2x128xi32, #tpu.memory_space<vmem>>) target_semaphore(%run_scoped3A : memref<!tpu.dma_semaphore, #tpu.memory_space<semaphore_mem>>)
      %dma_wait3A_273 = arith.constant 0 : i32
      %dma_wait3A_274 = tpu.memref_slice %arg3[%dma_wait3A_273, %multiple_of3A_21] : memref<2x163840xi32, #tpu.memory_space<hbm>> -> memref<2x128xi32, #tpu.memory_space<hbm>>
      %dma_wait3A_275 = arith.constant 0 : i32
      %dma_wait3A_276 = tpu.memref_slice %arg3[%dma_wait3A_275, %multiple_of3A_21] : memref<2x163840xi32, #tpu.memory_space<hbm>> -> memref<2x128xi32, #tpu.memory_space<hbm>>
      tpu.wait_dma2 semaphore(%run_scoped3A : memref<!tpu.dma_semaphore, #tpu.memory_space<semaphore_mem>>) src(%dma_wait3A_276 : memref<2x128xi32, #tpu.memory_space<hbm>>) dst(%arg10 : memref<2x128xi32, #tpu.memory_space<vmem>>)
      tpu.yield
    }) : () -> ()
    %dma_start3A_22 = arith.constant 0 : i32
    %dma_start3A_23 = arith.constant 0 : i32
    %dma_start3A_24 = tpu.memref_slice %arg10[%dma_start3A_22, %dma_start3A_23] : memref<2x128xi32, #tpu.memory_space<vmem>> -> memref<1x128xi32, #tpu.memory_space<vmem>>
    %dma_start3A_25 = tpu.memref_squeeze %dma_start3A_24 : memref<1x128xi32, #tpu.memory_space<vmem>> -> memref<128xi32, #tpu.memory_space<vmem>>
    %dma_start3A_26 = arith.constant 0 : i32
    %dma_start3A_27 = arith.constant 0 : i32
    %dma_start3A_28 = tpu.memref_slice %arg8[%dma_start3A_26, %dma_start3A_27] : memref<10000x48xf32, #tpu.memory_space<vmem_shared>> -> memref<10000x48xf32, #tpu.memory_space<vmem_shared>>
    tpu.enqueue_indirect_dma source(%dma_start3A_28 : memref<10000x48xf32, #tpu.memory_space<vmem_shared>>) target(%arg18 : memref<128x48xf32, #tpu.memory_space<vmem>>) offsets(%dma_start3A_25 : memref<128xi32, #tpu.memory_space<vmem>>) semaphore(%arg26 : memref<!tpu.dma_semaphore, #tpu.memory_space<semaphore_mem>>)
    %add3A_29 = arith.constant 64 : i32
    %add3A_30 = arith.addi %add3A_29, %add3A : i32
    %mul3A_31 = arith.constant 128 : i32
    %mul3A_32 = arith.muli %add3A_30, %mul3A_31 : i32
    %multiple_of3A_33 = tpu.assume_multiple %mul3A_32, 8 : i32
    "tpu.region"() ({
      %run_scoped3A = tpu.sem_alloc : memref<!tpu.dma_semaphore, #tpu.memory_space<semaphore_mem>>
      %dma_start3A_269 = arith.constant 0 : i32
      %dma_start3A_270 = tpu.memref_slice %arg3[%dma_start3A_269, %multiple_of3A_33] : memref<2x163840xi32, #tpu.memory_space<hbm>> -> memref<2x128xi32, #tpu.memory_space<hbm>>
      %dma_start3A_271 = arith.constant 0 : i32
      %dma_start3A_272 = tpu.memref_slice %arg3[%dma_start3A_271, %multiple_of3A_33] : memref<2x163840xi32, #tpu.memory_space<hbm>> -> memref<2x128xi32, #tpu.memory_space<hbm>>
      tpu.enqueue_dma source(%dma_start3A_272 : memref<2x128xi32, #tpu.memory_space<hbm>>) target(%arg11 : memref<2x128xi32, #tpu.memory_space<vmem>>) target_semaphore(%run_scoped3A : memref<!tpu.dma_semaphore, #tpu.memory_space<semaphore_mem>>)
      %dma_wait3A_273 = arith.constant 0 : i32
      %dma_wait3A_274 = tpu.memref_slice %arg3[%dma_wait3A_273, %multiple_of3A_33] : memref<2x163840xi32, #tpu.memory_space<hbm>> -> memref<2x128xi32, #tpu.memory_space<hbm>>
      %dma_wait3A_275 = arith.constant 0 : i32
      %dma_wait3A_276 = tpu.memref_slice %arg3[%dma_wait3A_275, %multiple_of3A_33] : memref<2x163840xi32, #tpu.memory_space<hbm>> -> memref<2x128xi32, #tpu.memory_space<hbm>>
      tpu.wait_dma2 semaphore(%run_scoped3A : memref<!tpu.dma_semaphore, #tpu.memory_space<semaphore_mem>>) src(%dma_wait3A_276 : memref<2x128xi32, #tpu.memory_space<hbm>>) dst(%arg11 : memref<2x128xi32, #tpu.memory_space<vmem>>)
      tpu.yield
    }) : () -> ()
    %dma_start3A_34 = arith.constant 0 : i32
    %dma_start3A_35 = arith.constant 0 : i32
    %dma_start3A_36 = tpu.memref_slice %arg11[%dma_start3A_34, %dma_start3A_35] : memref<2x128xi32, #tpu.memory_space<vmem>> -> memref<1x128xi32, #tpu.memory_space<vmem>>
    %dma_start3A_37 = tpu.memref_squeeze %dma_start3A_36 : memref<1x128xi32, #tpu.memory_space<vmem>> -> memref<128xi32, #tpu.memory_space<vmem>>
    %dma_start3A_38 = arith.constant 0 : i32
    %dma_start3A_39 = arith.constant 0 : i32
    %dma_start3A_40 = tpu.memref_slice %arg8[%dma_start3A_38, %dma_start3A_39] : memref<10000x48xf32, #tpu.memory_space<vmem_shared>> -> memref<10000x48xf32, #tpu.memory_space<vmem_shared>>
    tpu.enqueue_indirect_dma source(%dma_start3A_40 : memref<10000x48xf32, #tpu.memory_space<vmem_shared>>) target(%arg19 : memref<128x48xf32, #tpu.memory_space<vmem>>) offsets(%dma_start3A_37 : memref<128xi32, #tpu.memory_space<vmem>>) semaphore(%arg27 : memref<!tpu.dma_semaphore, #tpu.memory_space<semaphore_mem>>)
    %add3A_41 = arith.constant 96 : i32
    %add3A_42 = arith.addi %add3A_41, %add3A : i32
    %mul3A_43 = arith.constant 128 : i32
    %mul3A_44 = arith.muli %add3A_42, %mul3A_43 : i32
    %multiple_of3A_45 = tpu.assume_multiple %mul3A_44, 8 : i32
    "tpu.region"() ({
      %run_scoped3A = tpu.sem_alloc : memref<!tpu.dma_semaphore, #tpu.memory_space<semaphore_mem>>
      %dma_start3A_269 = arith.constant 0 : i32
      %dma_start3A_270 = tpu.memref_slice %arg3[%dma_start3A_269, %multiple_of3A_45] : memref<2x163840xi32, #tpu.memory_space<hbm>> -> memref<2x128xi32, #tpu.memory_space<hbm>>
      %dma_start3A_271 = arith.constant 0 : i32
      %dma_start3A_272 = tpu.memref_slice %arg3[%dma_start3A_271, %multiple_of3A_45] : memref<2x163840xi32, #tpu.memory_space<hbm>> -> memref<2x128xi32, #tpu.memory_space<hbm>>
      tpu.enqueue_dma source(%dma_start3A_272 : memref<2x128xi32, #tpu.memory_space<hbm>>) target(%arg12 : memref<2x128xi32, #tpu.memory_space<vmem>>) target_semaphore(%run_scoped3A : memref<!tpu.dma_semaphore, #tpu.memory_space<semaphore_mem>>)
      %dma_wait3A_273 = arith.constant 0 : i32
      %dma_wait3A_274 = tpu.memref_slice %arg3[%dma_wait3A_273, %multiple_of3A_45] : memref<2x163840xi32, #tpu.memory_space<hbm>> -> memref<2x128xi32, #tpu.memory_space<hbm>>
      %dma_wait3A_275 = arith.constant 0 : i32
      %dma_wait3A_276 = tpu.memref_slice %arg3[%dma_wait3A_275, %multiple_of3A_45] : memref<2x163840xi32, #tpu.memory_space<hbm>> -> memref<2x128xi32, #tpu.memory_space<hbm>>
      tpu.wait_dma2 semaphore(%run_scoped3A : memref<!tpu.dma_semaphore, #tpu.memory_space<semaphore_mem>>) src(%dma_wait3A_276 : memref<2x128xi32, #tpu.memory_space<hbm>>) dst(%arg12 : memref<2x128xi32, #tpu.memory_space<vmem>>)
      tpu.yield
    }) : () -> ()
    %dma_start3A_46 = arith.constant 0 : i32
    %dma_start3A_47 = arith.constant 0 : i32
    %dma_start3A_48 = tpu.memref_slice %arg12[%dma_start3A_46, %dma_start3A_47] : memref<2x128xi32, #tpu.memory_space<vmem>> -> memref<1x128xi32, #tpu.memory_space<vmem>>
    %dma_start3A_49 = tpu.memref_squeeze %dma_start3A_48 : memref<1x128xi32, #tpu.memory_space<vmem>> -> memref<128xi32, #tpu.memory_space<vmem>>
    %dma_start3A_50 = arith.constant 0 : i32
    %dma_start3A_51 = arith.constant 0 : i32
    %dma_start3A_52 = tpu.memref_slice %arg8[%dma_start3A_50, %dma_start3A_51] : memref<10000x48xf32, #tpu.memory_space<vmem_shared>> -> memref<10000x48xf32, #tpu.memory_space<vmem_shared>>
    tpu.enqueue_indirect_dma source(%dma_start3A_52 : memref<10000x48xf32, #tpu.memory_space<vmem_shared>>) target(%arg20 : memref<128x48xf32, #tpu.memory_space<vmem>>) offsets(%dma_start3A_49 : memref<128xi32, #tpu.memory_space<vmem>>) semaphore(%arg28 : memref<!tpu.dma_semaphore, #tpu.memory_space<semaphore_mem>>)
    %add3A_53 = arith.constant 128 : i32
    %add3A_54 = arith.addi %add3A_53, %add3A : i32
    %mul3A_55 = arith.constant 128 : i32
    %mul3A_56 = arith.muli %add3A_54, %mul3A_55 : i32
    %multiple_of3A_57 = tpu.assume_multiple %mul3A_56, 8 : i32
    "tpu.region"() ({
      %run_scoped3A = tpu.sem_alloc : memref<!tpu.dma_semaphore, #tpu.memory_space<semaphore_mem>>
      %dma_start3A_269 = arith.constant 0 : i32
      %dma_start3A_270 = tpu.memref_slice %arg3[%dma_start3A_269, %multiple_of3A_57] : memref<2x163840xi32, #tpu.memory_space<hbm>> -> memref<2x128xi32, #tpu.memory_space<hbm>>
      %dma_start3A_271 = arith.constant 0 : i32
      %dma_start3A_272 = tpu.memref_slice %arg3[%dma_start3A_271, %multiple_of3A_57] : memref<2x163840xi32, #tpu.memory_space<hbm>> -> memref<2x128xi32, #tpu.memory_space<hbm>>
      tpu.enqueue_dma source(%dma_start3A_272 : memref<2x128xi32, #tpu.memory_space<hbm>>) target(%arg13 : memref<2x128xi32, #tpu.memory_space<vmem>>) target_semaphore(%run_scoped3A : memref<!tpu.dma_semaphore, #tpu.memory_space<semaphore_mem>>)
      %dma_wait3A_273 = arith.constant 0 : i32
      %dma_wait3A_274 = tpu.memref_slice %arg3[%dma_wait3A_273, %multiple_of3A_57] : memref<2x163840xi32, #tpu.memory_space<hbm>> -> memref<2x128xi32, #tpu.memory_space<hbm>>
      %dma_wait3A_275 = arith.constant 0 : i32
      %dma_wait3A_276 = tpu.memref_slice %arg3[%dma_wait3A_275, %multiple_of3A_57] : memref<2x163840xi32, #tpu.memory_space<hbm>> -> memref<2x128xi32, #tpu.memory_space<hbm>>
      tpu.wait_dma2 semaphore(%run_scoped3A : memref<!tpu.dma_semaphore, #tpu.memory_space<semaphore_mem>>) src(%dma_wait3A_276 : memref<2x128xi32, #tpu.memory_space<hbm>>) dst(%arg13 : memref<2x128xi32, #tpu.memory_space<vmem>>)
      tpu.yield
    }) : () -> ()
    %dma_start3A_58 = arith.constant 0 : i32
    %dma_start3A_59 = arith.constant 0 : i32
    %dma_start3A_60 = tpu.memref_slice %arg13[%dma_start3A_58, %dma_start3A_59] : memref<2x128xi32, #tpu.memory_space<vmem>> -> memref<1x128xi32, #tpu.memory_space<vmem>>
    %dma_start3A_61 = tpu.memref_squeeze %dma_start3A_60 : memref<1x128xi32, #tpu.memory_space<vmem>> -> memref<128xi32, #tpu.memory_space<vmem>>
    %dma_start3A_62 = arith.constant 0 : i32
    %dma_start3A_63 = arith.constant 0 : i32
    %dma_start3A_64 = tpu.memref_slice %arg8[%dma_start3A_62, %dma_start3A_63] : memref<10000x48xf32, #tpu.memory_space<vmem_shared>> -> memref<10000x48xf32, #tpu.memory_space<vmem_shared>>
    tpu.enqueue_indirect_dma source(%dma_start3A_64 : memref<10000x48xf32, #tpu.memory_space<vmem_shared>>) target(%arg21 : memref<128x48xf32, #tpu.memory_space<vmem>>) offsets(%dma_start3A_61 : memref<128xi32, #tpu.memory_space<vmem>>) semaphore(%arg29 : memref<!tpu.dma_semaphore, #tpu.memory_space<semaphore_mem>>)
    %add3A_65 = arith.constant 160 : i32
    %add3A_66 = arith.addi %add3A_65, %add3A : i32
    %mul3A_67 = arith.constant 128 : i32
    %mul3A_68 = arith.muli %add3A_66, %mul3A_67 : i32
    %multiple_of3A_69 = tpu.assume_multiple %mul3A_68, 8 : i32
    "tpu.region"() ({
      %run_scoped3A = tpu.sem_alloc : memref<!tpu.dma_semaphore, #tpu.memory_space<semaphore_mem>>
      %dma_start3A_269 = arith.constant 0 : i32
      %dma_start3A_270 = tpu.memref_slice %arg3[%dma_start3A_269, %multiple_of3A_69] : memref<2x163840xi32, #tpu.memory_space<hbm>> -> memref<2x128xi32, #tpu.memory_space<hbm>>
      %dma_start3A_271 = arith.constant 0 : i32
      %dma_start3A_272 = tpu.memref_slice %arg3[%dma_start3A_271, %multiple_of3A_69] : memref<2x163840xi32, #tpu.memory_space<hbm>> -> memref<2x128xi32, #tpu.memory_space<hbm>>
      tpu.enqueue_dma source(%dma_start3A_272 : memref<2x128xi32, #tpu.memory_space<hbm>>) target(%arg14 : memref<2x128xi32, #tpu.memory_space<vmem>>) target_semaphore(%run_scoped3A : memref<!tpu.dma_semaphore, #tpu.memory_space<semaphore_mem>>)
      %dma_wait3A_273 = arith.constant 0 : i32
      %dma_wait3A_274 = tpu.memref_slice %arg3[%dma_wait3A_273, %multiple_of3A_69] : memref<2x163840xi32, #tpu.memory_space<hbm>> -> memref<2x128xi32, #tpu.memory_space<hbm>>
      %dma_wait3A_275 = arith.constant 0 : i32
      %dma_wait3A_276 = tpu.memref_slice %arg3[%dma_wait3A_275, %multiple_of3A_69] : memref<2x163840xi32, #tpu.memory_space<hbm>> -> memref<2x128xi32, #tpu.memory_space<hbm>>
      tpu.wait_dma2 semaphore(%run_scoped3A : memref<!tpu.dma_semaphore, #tpu.memory_space<semaphore_mem>>) src(%dma_wait3A_276 : memref<2x128xi32, #tpu.memory_space<hbm>>) dst(%arg14 : memref<2x128xi32, #tpu.memory_space<vmem>>)
      tpu.yield
    }) : () -> ()
    %dma_start3A_70 = arith.constant 0 : i32
    %dma_start3A_71 = arith.constant 0 : i32
    %dma_start3A_72 = tpu.memref_slice %arg14[%dma_start3A_70, %dma_start3A_71] : memref<2x128xi32, #tpu.memory_space<vmem>> -> memref<1x128xi32, #tpu.memory_space<vmem>>
    %dma_start3A_73 = tpu.memref_squeeze %dma_start3A_72 : memref<1x128xi32, #tpu.memory_space<vmem>> -> memref<128xi32, #tpu.memory_space<vmem>>
    %dma_start3A_74 = arith.constant 0 : i32
    %dma_start3A_75 = arith.constant 0 : i32
    %dma_start3A_76 = tpu.memref_slice %arg8[%dma_start3A_74, %dma_start3A_75] : memref<10000x48xf32, #tpu.memory_space<vmem_shared>> -> memref<10000x48xf32, #tpu.memory_space<vmem_shared>>
    tpu.enqueue_indirect_dma source(%dma_start3A_76 : memref<10000x48xf32, #tpu.memory_space<vmem_shared>>) target(%arg22 : memref<128x48xf32, #tpu.memory_space<vmem>>) offsets(%dma_start3A_73 : memref<128xi32, #tpu.memory_space<vmem>>) semaphore(%arg30 : memref<!tpu.dma_semaphore, #tpu.memory_space<semaphore_mem>>)
    %add3A_77 = arith.constant 192 : i32
    %add3A_78 = arith.addi %add3A_77, %add3A : i32
    %mul3A_79 = arith.constant 128 : i32
    %mul3A_80 = arith.muli %add3A_78, %mul3A_79 : i32
    %multiple_of3A_81 = tpu.assume_multiple %mul3A_80, 8 : i32
    "tpu.region"() ({
      %run_scoped3A = tpu.sem_alloc : memref<!tpu.dma_semaphore, #tpu.memory_space<semaphore_mem>>
      %dma_start3A_269 = arith.constant 0 : i32
      %dma_start3A_270 = tpu.memref_slice %arg3[%dma_start3A_269, %multiple_of3A_81] : memref<2x163840xi32, #tpu.memory_space<hbm>> -> memref<2x128xi32, #tpu.memory_space<hbm>>
      %dma_start3A_271 = arith.constant 0 : i32
      %dma_start3A_272 = tpu.memref_slice %arg3[%dma_start3A_271, %multiple_of3A_81] : memref<2x163840xi32, #tpu.memory_space<hbm>> -> memref<2x128xi32, #tpu.memory_space<hbm>>
      tpu.enqueue_dma source(%dma_start3A_272 : memref<2x128xi32, #tpu.memory_space<hbm>>) target(%arg15 : memref<2x128xi32, #tpu.memory_space<vmem>>) target_semaphore(%run_scoped3A : memref<!tpu.dma_semaphore, #tpu.memory_space<semaphore_mem>>)
      %dma_wait3A_273 = arith.constant 0 : i32
      %dma_wait3A_274 = tpu.memref_slice %arg3[%dma_wait3A_273, %multiple_of3A_81] : memref<2x163840xi32, #tpu.memory_space<hbm>> -> memref<2x128xi32, #tpu.memory_space<hbm>>
      %dma_wait3A_275 = arith.constant 0 : i32
      %dma_wait3A_276 = tpu.memref_slice %arg3[%dma_wait3A_275, %multiple_of3A_81] : memref<2x163840xi32, #tpu.memory_space<hbm>> -> memref<2x128xi32, #tpu.memory_space<hbm>>
      tpu.wait_dma2 semaphore(%run_scoped3A : memref<!tpu.dma_semaphore, #tpu.memory_space<semaphore_mem>>) src(%dma_wait3A_276 : memref<2x128xi32, #tpu.memory_space<hbm>>) dst(%arg15 : memref<2x128xi32, #tpu.memory_space<vmem>>)
      tpu.yield
    }) : () -> ()
    %dma_start3A_82 = arith.constant 0 : i32
    %dma_start3A_83 = arith.constant 0 : i32
    %dma_start3A_84 = tpu.memref_slice %arg15[%dma_start3A_82, %dma_start3A_83] : memref<2x128xi32, #tpu.memory_space<vmem>> -> memref<1x128xi32, #tpu.memory_space<vmem>>
    %dma_start3A_85 = tpu.memref_squeeze %dma_start3A_84 : memref<1x128xi32, #tpu.memory_space<vmem>> -> memref<128xi32, #tpu.memory_space<vmem>>
    %dma_start3A_86 = arith.constant 0 : i32
    %dma_start3A_87 = arith.constant 0 : i32
    %dma_start3A_88 = tpu.memref_slice %arg8[%dma_start3A_86, %dma_start3A_87] : memref<10000x48xf32, #tpu.memory_space<vmem_shared>> -> memref<10000x48xf32, #tpu.memory_space<vmem_shared>>
    tpu.enqueue_indirect_dma source(%dma_start3A_88 : memref<10000x48xf32, #tpu.memory_space<vmem_shared>>) target(%arg23 : memref<128x48xf32, #tpu.memory_space<vmem>>) offsets(%dma_start3A_85 : memref<128xi32, #tpu.memory_space<vmem>>) semaphore(%arg31 : memref<!tpu.dma_semaphore, #tpu.memory_space<semaphore_mem>>)
    %add3A_89 = arith.constant 224 : i32
    %add3A_90 = arith.addi %add3A_89, %add3A : i32
    %mul3A_91 = arith.constant 128 : i32
    %mul3A_92 = arith.muli %add3A_90, %mul3A_91 : i32
    %multiple_of3A_93 = tpu.assume_multiple %mul3A_92, 8 : i32
    "tpu.region"() ({
      %run_scoped3A = tpu.sem_alloc : memref<!tpu.dma_semaphore, #tpu.memory_space<semaphore_mem>>
      %dma_start3A_269 = arith.constant 0 : i32
      %dma_start3A_270 = tpu.memref_slice %arg3[%dma_start3A_269, %multiple_of3A_93] : memref<2x163840xi32, #tpu.memory_space<hbm>> -> memref<2x128xi32, #tpu.memory_space<hbm>>
      %dma_start3A_271 = arith.constant 0 : i32
      %dma_start3A_272 = tpu.memref_slice %arg3[%dma_start3A_271, %multiple_of3A_93] : memref<2x163840xi32, #tpu.memory_space<hbm>> -> memref<2x128xi32, #tpu.memory_space<hbm>>
      tpu.enqueue_dma source(%dma_start3A_272 : memref<2x128xi32, #tpu.memory_space<hbm>>) target(%arg16 : memref<2x128xi32, #tpu.memory_space<vmem>>) target_semaphore(%run_scoped3A : memref<!tpu.dma_semaphore, #tpu.memory_space<semaphore_mem>>)
      %dma_wait3A_273 = arith.constant 0 : i32
      %dma_wait3A_274 = tpu.memref_slice %arg3[%dma_wait3A_273, %multiple_of3A_93] : memref<2x163840xi32, #tpu.memory_space<hbm>> -> memref<2x128xi32, #tpu.memory_space<hbm>>
      %dma_wait3A_275 = arith.constant 0 : i32
      %dma_wait3A_276 = tpu.memref_slice %arg3[%dma_wait3A_275, %multiple_of3A_93] : memref<2x163840xi32, #tpu.memory_space<hbm>> -> memref<2x128xi32, #tpu.memory_space<hbm>>
      tpu.wait_dma2 semaphore(%run_scoped3A : memref<!tpu.dma_semaphore, #tpu.memory_space<semaphore_mem>>) src(%dma_wait3A_276 : memref<2x128xi32, #tpu.memory_space<hbm>>) dst(%arg16 : memref<2x128xi32, #tpu.memory_space<vmem>>)
      tpu.yield
    }) : () -> ()
    %dma_start3A_94 = arith.constant 0 : i32
    %dma_start3A_95 = arith.constant 0 : i32
    %dma_start3A_96 = tpu.memref_slice %arg16[%dma_start3A_94, %dma_start3A_95] : memref<2x128xi32, #tpu.memory_space<vmem>> -> memref<1x128xi32, #tpu.memory_space<vmem>>
    %dma_start3A_97 = tpu.memref_squeeze %dma_start3A_96 : memref<1x128xi32, #tpu.memory_space<vmem>> -> memref<128xi32, #tpu.memory_space<vmem>>
    %dma_start3A_98 = arith.constant 0 : i32
    %dma_start3A_99 = arith.constant 0 : i32
    %dma_start3A_100 = tpu.memref_slice %arg8[%dma_start3A_98, %dma_start3A_99] : memref<10000x48xf32, #tpu.memory_space<vmem_shared>> -> memref<10000x48xf32, #tpu.memory_space<vmem_shared>>
    tpu.enqueue_indirect_dma source(%dma_start3A_100 : memref<10000x48xf32, #tpu.memory_space<vmem_shared>>) target(%arg24 : memref<128x48xf32, #tpu.memory_space<vmem>>) offsets(%dma_start3A_97 : memref<128xi32, #tpu.memory_space<vmem>>) semaphore(%arg32 : memref<!tpu.dma_semaphore, #tpu.memory_space<semaphore_mem>>)
    %scan3A = arith.constant 0 : i32
    %scan3A_101 = arith.constant 0 : i32
    %scan3A_102 = arith.constant 4 : i32
    %scan3A_103 = arith.addi %scan3A_101, %scan3A_102 : i32
    %scan3A_104 = arith.constant 1 : i32
    %scan3A_105 = scf.for %scan3A_269 = %scan3A_101 to %scan3A_103 step %scan3A_104 iter_args(%scan3A_270 = %scan3A) -> (i32)  : i32 {
      %dma_wait3A_271 = arith.constant 0 : i32
      %dma_wait3A_272 = arith.constant 0 : i32
      %dma_wait3A_273 = tpu.memref_slice %arg8[%dma_wait3A_271, %dma_wait3A_272] : memref<10000x48xf32, #tpu.memory_space<vmem_shared>> -> memref<128x48xf32, #tpu.memory_space<vmem_shared>>
      %dma_wait3A_274 = arith.constant 0 : i32
      %dma_wait3A_275 = arith.constant 0 : i32
      %dma_wait3A_276 = tpu.memref_slice %arg8[%dma_wait3A_274, %dma_wait3A_275] : memref<10000x48xf32, #tpu.memory_space<vmem_shared>> -> memref<128x48xf32, #tpu.memory_space<vmem_shared>>
      tpu.wait_dma2 semaphore(%arg25 : memref<!tpu.dma_semaphore, #tpu.memory_space<semaphore_mem>>) src(%dma_wait3A_276 : memref<128x48xf32, #tpu.memory_space<vmem_shared>>) dst(%arg17 : memref<128x48xf32, #tpu.memory_space<vmem>>)
      %dma_start3A_277 = arith.constant 1 : i32
      %dma_start3A_278 = arith.constant 0 : i32
      %dma_start3A_279 = tpu.memref_slice %arg9[%dma_start3A_277, %dma_start3A_278] : memref<2x128xi32, #tpu.memory_space<vmem>> -> memref<1x128xi32, #tpu.memory_space<vmem>>
      %dma_start3A_280 = tpu.memref_squeeze %dma_start3A_279 : memref<1x128xi32, #tpu.memory_space<vmem>> -> memref<128xi32, #tpu.memory_space<vmem>>
      %dma_start3A_281 = arith.constant 0 : i32
      %dma_start3A_282 = arith.constant 0 : i32
      %dma_start3A_283 = tpu.memref_slice %arg7[%dma_start3A_281, %dma_start3A_282] : memref<10016x48xf32, #tpu.memory_space<vmem_shared>> -> memref<10016x48xf32, #tpu.memory_space<vmem_shared>>
      tpu.enqueue_indirect_dma source(%arg17 : memref<128x48xf32, #tpu.memory_space<vmem>>) target(%dma_start3A_283 : memref<10016x48xf32, #tpu.memory_space<vmem_shared>>) offsets(%dma_start3A_280 : memref<128xi32, #tpu.memory_space<vmem>>) semaphore(%arg33 : memref<!tpu.dma_semaphore, #tpu.memory_space<semaphore_mem>>) {add = true}
      %dma_wait3A_284 = arith.constant 0 : i32
      %dma_wait3A_285 = arith.constant 0 : i32
      %dma_wait3A_286 = tpu.memref_slice %arg8[%dma_wait3A_284, %dma_wait3A_285] : memref<10000x48xf32, #tpu.memory_space<vmem_shared>> -> memref<128x48xf32, #tpu.memory_space<vmem_shared>>
      %dma_wait3A_287 = arith.constant 0 : i32
      %dma_wait3A_288 = arith.constant 0 : i32
      %dma_wait3A_289 = tpu.memref_slice %arg8[%dma_wait3A_287, %dma_wait3A_288] : memref<10000x48xf32, #tpu.memory_space<vmem_shared>> -> memref<128x48xf32, #tpu.memory_space<vmem_shared>>
      tpu.wait_dma2 semaphore(%arg26 : memref<!tpu.dma_semaphore, #tpu.memory_space<semaphore_mem>>) src(%dma_wait3A_289 : memref<128x48xf32, #tpu.memory_space<vmem_shared>>) dst(%arg18 : memref<128x48xf32, #tpu.memory_space<vmem>>)
      %dma_start3A_290 = arith.constant 1 : i32
      %dma_start3A_291 = arith.constant 0 : i32
      %dma_start3A_292 = tpu.memref_slice %arg10[%dma_start3A_290, %dma_start3A_291] : memref<2x128xi32, #tpu.memory_space<vmem>> -> memref<1x128xi32, #tpu.memory_space<vmem>>
      %dma_start3A_293 = tpu.memref_squeeze %dma_start3A_292 : memref<1x128xi32, #tpu.memory_space<vmem>> -> memref<128xi32, #tpu.memory_space<vmem>>
      %dma_start3A_294 = arith.constant 0 : i32
      %dma_start3A_295 = arith.constant 0 : i32
      %dma_start3A_296 = tpu.memref_slice %arg7[%dma_start3A_294, %dma_start3A_295] : memref<10016x48xf32, #tpu.memory_space<vmem_shared>> -> memref<10016x48xf32, #tpu.memory_space<vmem_shared>>
      tpu.enqueue_indirect_dma source(%arg18 : memref<128x48xf32, #tpu.memory_space<vmem>>) target(%dma_start3A_296 : memref<10016x48xf32, #tpu.memory_space<vmem_shared>>) offsets(%dma_start3A_293 : memref<128xi32, #tpu.memory_space<vmem>>) semaphore(%arg34 : memref<!tpu.dma_semaphore, #tpu.memory_space<semaphore_mem>>) {add = true}
      %dma_wait3A_297 = arith.constant 0 : i32
      %dma_wait3A_298 = arith.constant 0 : i32
      %dma_wait3A_299 = tpu.memref_slice %arg8[%dma_wait3A_297, %dma_wait3A_298] : memref<10000x48xf32, #tpu.memory_space<vmem_shared>> -> memref<128x48xf32, #tpu.memory_space<vmem_shared>>
      %dma_wait3A_300 = arith.constant 0 : i32
      %dma_wait3A_301 = arith.constant 0 : i32
      %dma_wait3A_302 = tpu.memref_slice %arg8[%dma_wait3A_300, %dma_wait3A_301] : memref<10000x48xf32, #tpu.memory_space<vmem_shared>> -> memref<128x48xf32, #tpu.memory_space<vmem_shared>>
      tpu.wait_dma2 semaphore(%arg27 : memref<!tpu.dma_semaphore, #tpu.memory_space<semaphore_mem>>) src(%dma_wait3A_302 : memref<128x48xf32, #tpu.memory_space<vmem_shared>>) dst(%arg19 : memref<128x48xf32, #tpu.memory_space<vmem>>)
      %dma_start3A_303 = arith.constant 1 : i32
      %dma_start3A_304 = arith.constant 0 : i32
      %dma_start3A_305 = tpu.memref_slice %arg11[%dma_start3A_303, %dma_start3A_304] : memref<2x128xi32, #tpu.memory_space<vmem>> -> memref<1x128xi32, #tpu.memory_space<vmem>>
      %dma_start3A_306 = tpu.memref_squeeze %dma_start3A_305 : memref<1x128xi32, #tpu.memory_space<vmem>> -> memref<128xi32, #tpu.memory_space<vmem>>
      %dma_start3A_307 = arith.constant 0 : i32
      %dma_start3A_308 = arith.constant 0 : i32
      %dma_start3A_309 = tpu.memref_slice %arg7[%dma_start3A_307, %dma_start3A_308] : memref<10016x48xf32, #tpu.memory_space<vmem_shared>> -> memref<10016x48xf32, #tpu.memory_space<vmem_shared>>
      tpu.enqueue_indirect_dma source(%arg19 : memref<128x48xf32, #tpu.memory_space<vmem>>) target(%dma_start3A_309 : memref<10016x48xf32, #tpu.memory_space<vmem_shared>>) offsets(%dma_start3A_306 : memref<128xi32, #tpu.memory_space<vmem>>) semaphore(%arg35 : memref<!tpu.dma_semaphore, #tpu.memory_space<semaphore_mem>>) {add = true}
      %dma_wait3A_310 = arith.constant 0 : i32
      %dma_wait3A_311 = arith.constant 0 : i32
      %dma_wait3A_312 = tpu.memref_slice %arg8[%dma_wait3A_310, %dma_wait3A_311] : memref<10000x48xf32, #tpu.memory_space<vmem_shared>> -> memref<128x48xf32, #tpu.memory_space<vmem_shared>>
      %dma_wait3A_313 = arith.constant 0 : i32
      %dma_wait3A_314 = arith.constant 0 : i32
      %dma_wait3A_315 = tpu.memref_slice %arg8[%dma_wait3A_313, %dma_wait3A_314] : memref<10000x48xf32, #tpu.memory_space<vmem_shared>> -> memref<128x48xf32, #tpu.memory_space<vmem_shared>>
      tpu.wait_dma2 semaphore(%arg28 : memref<!tpu.dma_semaphore, #tpu.memory_space<semaphore_mem>>) src(%dma_wait3A_315 : memref<128x48xf32, #tpu.memory_space<vmem_shared>>) dst(%arg20 : memref<128x48xf32, #tpu.memory_space<vmem>>)
      %dma_start3A_316 = arith.constant 1 : i32
      %dma_start3A_317 = arith.constant 0 : i32
      %dma_start3A_318 = tpu.memref_slice %arg12[%dma_start3A_316, %dma_start3A_317] : memref<2x128xi32, #tpu.memory_space<vmem>> -> memref<1x128xi32, #tpu.memory_space<vmem>>
      %dma_start3A_319 = tpu.memref_squeeze %dma_start3A_318 : memref<1x128xi32, #tpu.memory_space<vmem>> -> memref<128xi32, #tpu.memory_space<vmem>>
      %dma_start3A_320 = arith.constant 0 : i32
      %dma_start3A_321 = arith.constant 0 : i32
      %dma_start3A_322 = tpu.memref_slice %arg7[%dma_start3A_320, %dma_start3A_321] : memref<10016x48xf32, #tpu.memory_space<vmem_shared>> -> memref<10016x48xf32, #tpu.memory_space<vmem_shared>>
      tpu.enqueue_indirect_dma source(%arg20 : memref<128x48xf32, #tpu.memory_space<vmem>>) target(%dma_start3A_322 : memref<10016x48xf32, #tpu.memory_space<vmem_shared>>) offsets(%dma_start3A_319 : memref<128xi32, #tpu.memory_space<vmem>>) semaphore(%arg36 : memref<!tpu.dma_semaphore, #tpu.memory_space<semaphore_mem>>) {add = true}
      %dma_wait3A_323 = arith.constant 0 : i32
      %dma_wait3A_324 = arith.constant 0 : i32
      %dma_wait3A_325 = tpu.memref_slice %arg8[%dma_wait3A_323, %dma_wait3A_324] : memref<10000x48xf32, #tpu.memory_space<vmem_shared>> -> memref<128x48xf32, #tpu.memory_space<vmem_shared>>
      %dma_wait3A_326 = arith.constant 0 : i32
      %dma_wait3A_327 = arith.constant 0 : i32
      %dma_wait3A_328 = tpu.memref_slice %arg8[%dma_wait3A_326, %dma_wait3A_327] : memref<10000x48xf32, #tpu.memory_space<vmem_shared>> -> memref<128x48xf32, #tpu.memory_space<vmem_shared>>
      tpu.wait_dma2 semaphore(%arg29 : memref<!tpu.dma_semaphore, #tpu.memory_space<semaphore_mem>>) src(%dma_wait3A_328 : memref<128x48xf32, #tpu.memory_space<vmem_shared>>) dst(%arg21 : memref<128x48xf32, #tpu.memory_space<vmem>>)
      %dma_start3A_329 = arith.constant 1 : i32
      %dma_start3A_330 = arith.constant 0 : i32
      %dma_start3A_331 = tpu.memref_slice %arg13[%dma_start3A_329, %dma_start3A_330] : memref<2x128xi32, #tpu.memory_space<vmem>> -> memref<1x128xi32, #tpu.memory_space<vmem>>
      %dma_start3A_332 = tpu.memref_squeeze %dma_start3A_331 : memref<1x128xi32, #tpu.memory_space<vmem>> -> memref<128xi32, #tpu.memory_space<vmem>>
      %dma_start3A_333 = arith.constant 0 : i32
      %dma_start3A_334 = arith.constant 0 : i32
      %dma_start3A_335 = tpu.memref_slice %arg7[%dma_start3A_333, %dma_start3A_334] : memref<10016x48xf32, #tpu.memory_space<vmem_shared>> -> memref<10016x48xf32, #tpu.memory_space<vmem_shared>>
      tpu.enqueue_indirect_dma source(%arg21 : memref<128x48xf32, #tpu.memory_space<vmem>>) target(%dma_start3A_335 : memref<10016x48xf32, #tpu.memory_space<vmem_shared>>) offsets(%dma_start3A_332 : memref<128xi32, #tpu.memory_space<vmem>>) semaphore(%arg37 : memref<!tpu.dma_semaphore, #tpu.memory_space<semaphore_mem>>) {add = true}
      %dma_wait3A_336 = arith.constant 0 : i32
      %dma_wait3A_337 = arith.constant 0 : i32
      %dma_wait3A_338 = tpu.memref_slice %arg8[%dma_wait3A_336, %dma_wait3A_337] : memref<10000x48xf32, #tpu.memory_space<vmem_shared>> -> memref<128x48xf32, #tpu.memory_space<vmem_shared>>
      %dma_wait3A_339 = arith.constant 0 : i32
      %dma_wait3A_340 = arith.constant 0 : i32
      %dma_wait3A_341 = tpu.memref_slice %arg8[%dma_wait3A_339, %dma_wait3A_340] : memref<10000x48xf32, #tpu.memory_space<vmem_shared>> -> memref<128x48xf32, #tpu.memory_space<vmem_shared>>
      tpu.wait_dma2 semaphore(%arg30 : memref<!tpu.dma_semaphore, #tpu.memory_space<semaphore_mem>>) src(%dma_wait3A_341 : memref<128x48xf32, #tpu.memory_space<vmem_shared>>) dst(%arg22 : memref<128x48xf32, #tpu.memory_space<vmem>>)
      %dma_start3A_342 = arith.constant 1 : i32
      %dma_start3A_343 = arith.constant 0 : i32
      %dma_start3A_344 = tpu.memref_slice %arg14[%dma_start3A_342, %dma_start3A_343] : memref<2x128xi32, #tpu.memory_space<vmem>> -> memref<1x128xi32, #tpu.memory_space<vmem>>
      %dma_start3A_345 = tpu.memref_squeeze %dma_start3A_344 : memref<1x128xi32, #tpu.memory_space<vmem>> -> memref<128xi32, #tpu.memory_space<vmem>>
      %dma_start3A_346 = arith.constant 0 : i32
      %dma_start3A_347 = arith.constant 0 : i32
      %dma_start3A_348 = tpu.memref_slice %arg7[%dma_start3A_346, %dma_start3A_347] : memref<10016x48xf32, #tpu.memory_space<vmem_shared>> -> memref<10016x48xf32, #tpu.memory_space<vmem_shared>>
      tpu.enqueue_indirect_dma source(%arg22 : memref<128x48xf32, #tpu.memory_space<vmem>>) target(%dma_start3A_348 : memref<10016x48xf32, #tpu.memory_space<vmem_shared>>) offsets(%dma_start3A_345 : memref<128xi32, #tpu.memory_space<vmem>>) semaphore(%arg38 : memref<!tpu.dma_semaphore, #tpu.memory_space<semaphore_mem>>) {add = true}
      %dma_wait3A_349 = arith.constant 0 : i32
      %dma_wait3A_350 = arith.constant 0 : i32
      %dma_wait3A_351 = tpu.memref_slice %arg8[%dma_wait3A_349, %dma_wait3A_350] : memref<10000x48xf32, #tpu.memory_space<vmem_shared>> -> memref<128x48xf32, #tpu.memory_space<vmem_shared>>
      %dma_wait3A_352 = arith.constant 0 : i32
      %dma_wait3A_353 = arith.constant 0 : i32
      %dma_wait3A_354 = tpu.memref_slice %arg8[%dma_wait3A_352, %dma_wait3A_353] : memref<10000x48xf32, #tpu.memory_space<vmem_shared>> -> memref<128x48xf32, #tpu.memory_space<vmem_shared>>
      tpu.wait_dma2 semaphore(%arg31 : memref<!tpu.dma_semaphore, #tpu.memory_space<semaphore_mem>>) src(%dma_wait3A_354 : memref<128x48xf32, #tpu.memory_space<vmem_shared>>) dst(%arg23 : memref<128x48xf32, #tpu.memory_space<vmem>>)
      %dma_start3A_355 = arith.constant 1 : i32
      %dma_start3A_356 = arith.constant 0 : i32
      %dma_start3A_357 = tpu.memref_slice %arg15[%dma_start3A_355, %dma_start3A_356] : memref<2x128xi32, #tpu.memory_space<vmem>> -> memref<1x128xi32, #tpu.memory_space<vmem>>
      %dma_start3A_358 = tpu.memref_squeeze %dma_start3A_357 : memref<1x128xi32, #tpu.memory_space<vmem>> -> memref<128xi32, #tpu.memory_space<vmem>>
      %dma_start3A_359 = arith.constant 0 : i32
      %dma_start3A_360 = arith.constant 0 : i32
      %dma_start3A_361 = tpu.memref_slice %arg7[%dma_start3A_359, %dma_start3A_360] : memref<10016x48xf32, #tpu.memory_space<vmem_shared>> -> memref<10016x48xf32, #tpu.memory_space<vmem_shared>>
      tpu.enqueue_indirect_dma source(%arg23 : memref<128x48xf32, #tpu.memory_space<vmem>>) target(%dma_start3A_361 : memref<10016x48xf32, #tpu.memory_space<vmem_shared>>) offsets(%dma_start3A_358 : memref<128xi32, #tpu.memory_space<vmem>>) semaphore(%arg39 : memref<!tpu.dma_semaphore, #tpu.memory_space<semaphore_mem>>) {add = true}
      %dma_wait3A_362 = arith.constant 0 : i32
      %dma_wait3A_363 = arith.constant 0 : i32
      %dma_wait3A_364 = tpu.memref_slice %arg8[%dma_wait3A_362, %dma_wait3A_363] : memref<10000x48xf32, #tpu.memory_space<vmem_shared>> -> memref<128x48xf32, #tpu.memory_space<vmem_shared>>
      %dma_wait3A_365 = arith.constant 0 : i32
      %dma_wait3A_366 = arith.constant 0 : i32
      %dma_wait3A_367 = tpu.memref_slice %arg8[%dma_wait3A_365, %dma_wait3A_366] : memref<10000x48xf32, #tpu.memory_space<vmem_shared>> -> memref<128x48xf32, #tpu.memory_space<vmem_shared>>
      tpu.wait_dma2 semaphore(%arg32 : memref<!tpu.dma_semaphore, #tpu.memory_space<semaphore_mem>>) src(%dma_wait3A_367 : memref<128x48xf32, #tpu.memory_space<vmem_shared>>) dst(%arg24 : memref<128x48xf32, #tpu.memory_space<vmem>>)
      %dma_start3A_368 = arith.constant 1 : i32
      %dma_start3A_369 = arith.constant 0 : i32
      %dma_start3A_370 = tpu.memref_slice %arg16[%dma_start3A_368, %dma_start3A_369] : memref<2x128xi32, #tpu.memory_space<vmem>> -> memref<1x128xi32, #tpu.memory_space<vmem>>
      %dma_start3A_371 = tpu.memref_squeeze %dma_start3A_370 : memref<1x128xi32, #tpu.memory_space<vmem>> -> memref<128xi32, #tpu.memory_space<vmem>>
      %dma_start3A_372 = arith.constant 0 : i32
      %dma_start3A_373 = arith.constant 0 : i32
      %dma_start3A_374 = tpu.memref_slice %arg7[%dma_start3A_372, %dma_start3A_373] : memref<10016x48xf32, #tpu.memory_space<vmem_shared>> -> memref<10016x48xf32, #tpu.memory_space<vmem_shared>>
      tpu.enqueue_indirect_dma source(%arg24 : memref<128x48xf32, #tpu.memory_space<vmem>>) target(%dma_start3A_374 : memref<10016x48xf32, #tpu.memory_space<vmem_shared>>) offsets(%dma_start3A_371 : memref<128xi32, #tpu.memory_space<vmem>>) semaphore(%arg40 : memref<!tpu.dma_semaphore, #tpu.memory_space<semaphore_mem>>) {add = true}
      %dma_wait3A_375 = arith.constant 0 : i32
      %dma_wait3A_376 = arith.constant 0 : i32
      %dma_wait3A_377 = tpu.memref_slice %arg7[%dma_wait3A_375, %dma_wait3A_376] : memref<10016x48xf32, #tpu.memory_space<vmem_shared>> -> memref<128x48xf32, #tpu.memory_space<vmem_shared>>
      %dma_wait3A_378 = arith.constant 0 : i32
      %dma_wait3A_379 = arith.constant 0 : i32
      %dma_wait3A_380 = tpu.memref_slice %arg7[%dma_wait3A_378, %dma_wait3A_379] : memref<10016x48xf32, #tpu.memory_space<vmem_shared>> -> memref<128x48xf32, #tpu.memory_space<vmem_shared>>
      tpu.wait_dma2 semaphore(%arg33 : memref<!tpu.dma_semaphore, #tpu.memory_space<semaphore_mem>>) src(%arg17 : memref<128x48xf32, #tpu.memory_space<vmem>>) dst(%dma_wait3A_380 : memref<128x48xf32, #tpu.memory_space<vmem_shared>>)
      %mul3A_381 = arith.constant 8 : i32
      %mul3A_382 = arith.muli %mul3A_381, %scan3A_269 : i32
      %add3A_383 = arith.constant 8 : i32
      %add3A_384 = arith.addi %mul3A_382, %add3A_383 : i32
      %add3A_385 = arith.constant 0 : i32
      %add3A_386 = arith.addi %add3A_384, %add3A_385 : i32
      %mul3A_387 = arith.constant 32 : i32
      %mul3A_388 = arith.muli %add3A_386, %mul3A_387 : i32
      %add3A_389 = arith.addi %mul3A_388, %add3A : i32
      %mul3A_390 = arith.constant 128 : i32
      %mul3A_391 = arith.muli %add3A_389, %mul3A_390 : i32
      %multiple_of3A_392 = tpu.assume_multiple %mul3A_391, 8 : i32
      "tpu.region"() ({
        %run_scoped3A = tpu.sem_alloc : memref<!tpu.dma_semaphore, #tpu.memory_space<semaphore_mem>>
        %dma_start3A_576 = arith.constant 0 : i32
        %dma_start3A_577 = tpu.memref_slice %arg3[%dma_start3A_576, %multiple_of3A_392] : memref<2x163840xi32, #tpu.memory_space<hbm>> -> memref<2x128xi32, #tpu.memory_space<hbm>>
        %dma_start3A_578 = arith.constant 0 : i32
        %dma_start3A_579 = tpu.memref_slice %arg3[%dma_start3A_578, %multiple_of3A_392] : memref<2x163840xi32, #tpu.memory_space<hbm>> -> memref<2x128xi32, #tpu.memory_space<hbm>>
        tpu.enqueue_dma source(%dma_start3A_579 : memref<2x128xi32, #tpu.memory_space<hbm>>) target(%arg9 : memref<2x128xi32, #tpu.memory_space<vmem>>) target_semaphore(%run_scoped3A : memref<!tpu.dma_semaphore, #tpu.memory_space<semaphore_mem>>)
        %dma_wait3A_580 = arith.constant 0 : i32
        %dma_wait3A_581 = tpu.memref_slice %arg3[%dma_wait3A_580, %multiple_of3A_392] : memref<2x163840xi32, #tpu.memory_space<hbm>> -> memref<2x128xi32, #tpu.memory_space<hbm>>
        %dma_wait3A_582 = arith.constant 0 : i32
        %dma_wait3A_583 = tpu.memref_slice %arg3[%dma_wait3A_582, %multiple_of3A_392] : memref<2x163840xi32, #tpu.memory_space<hbm>> -> memref<2x128xi32, #tpu.memory_space<hbm>>
        tpu.wait_dma2 semaphore(%run_scoped3A : memref<!tpu.dma_semaphore, #tpu.memory_space<semaphore_mem>>) src(%dma_wait3A_583 : memref<2x128xi32, #tpu.memory_space<hbm>>) dst(%arg9 : memref<2x128xi32, #tpu.memory_space<vmem>>)
        tpu.yield
      }) : () -> ()
      %dma_start3A_393 = arith.constant 0 : i32
      %dma_start3A_394 = arith.constant 0 : i32
      %dma_start3A_395 = tpu.memref_slice %arg9[%dma_start3A_393, %dma_start3A_394] : memref<2x128xi32, #tpu.memory_space<vmem>> -> memref<1x128xi32, #tpu.memory_space<vmem>>
      %dma_start3A_396 = tpu.memref_squeeze %dma_start3A_395 : memref<1x128xi32, #tpu.memory_space<vmem>> -> memref<128xi32, #tpu.memory_space<vmem>>
      %dma_start3A_397 = arith.constant 0 : i32
      %dma_start3A_398 = arith.constant 0 : i32
      %dma_start3A_399 = tpu.memref_slice %arg8[%dma_start3A_397, %dma_start3A_398] : memref<10000x48xf32, #tpu.memory_space<vmem_shared>> -> memref<10000x48xf32, #tpu.memory_space<vmem_shared>>
      tpu.enqueue_indirect_dma source(%dma_start3A_399 : memref<10000x48xf32, #tpu.memory_space<vmem_shared>>) target(%arg17 : memref<128x48xf32, #tpu.memory_space<vmem>>) offsets(%dma_start3A_396 : memref<128xi32, #tpu.memory_space<vmem>>) semaphore(%arg25 : memref<!tpu.dma_semaphore, #tpu.memory_space<semaphore_mem>>)
      %dma_wait3A_400 = arith.constant 0 : i32
      %dma_wait3A_401 = arith.constant 0 : i32
      %dma_wait3A_402 = tpu.memref_slice %arg7[%dma_wait3A_400, %dma_wait3A_401] : memref<10016x48xf32, #tpu.memory_space<vmem_shared>> -> memref<128x48xf32, #tpu.memory_space<vmem_shared>>
      %dma_wait3A_403 = arith.constant 0 : i32
      %dma_wait3A_404 = arith.constant 0 : i32
      %dma_wait3A_405 = tpu.memref_slice %arg7[%dma_wait3A_403, %dma_wait3A_404] : memref<10016x48xf32, #tpu.memory_space<vmem_shared>> -> memref<128x48xf32, #tpu.memory_space<vmem_shared>>
      tpu.wait_dma2 semaphore(%arg34 : memref<!tpu.dma_semaphore, #tpu.memory_space<semaphore_mem>>) src(%arg18 : memref<128x48xf32, #tpu.memory_space<vmem>>) dst(%dma_wait3A_405 : memref<128x48xf32, #tpu.memory_space<vmem_shared>>)
      %mul3A_406 = arith.constant 8 : i32
      %mul3A_407 = arith.muli %mul3A_406, %scan3A_269 : i32
      %add3A_408 = arith.constant 8 : i32
      %add3A_409 = arith.addi %mul3A_407, %add3A_408 : i32
      %add3A_410 = arith.constant 1 : i32
      %add3A_411 = arith.addi %add3A_409, %add3A_410 : i32
      %mul3A_412 = arith.constant 32 : i32
      %mul3A_413 = arith.muli %add3A_411, %mul3A_412 : i32
      %add3A_414 = arith.addi %mul3A_413, %add3A : i32
      %mul3A_415 = arith.constant 128 : i32
      %mul3A_416 = arith.muli %add3A_414, %mul3A_415 : i32
      %multiple_of3A_417 = tpu.assume_multiple %mul3A_416, 8 : i32
      "tpu.region"() ({
        %run_scoped3A = tpu.sem_alloc : memref<!tpu.dma_semaphore, #tpu.memory_space<semaphore_mem>>
        %dma_start3A_576 = arith.constant 0 : i32
        %dma_start3A_577 = tpu.memref_slice %arg3[%dma_start3A_576, %multiple_of3A_417] : memref<2x163840xi32, #tpu.memory_space<hbm>> -> memref<2x128xi32, #tpu.memory_space<hbm>>
        %dma_start3A_578 = arith.constant 0 : i32
        %dma_start3A_579 = tpu.memref_slice %arg3[%dma_start3A_578, %multiple_of3A_417] : memref<2x163840xi32, #tpu.memory_space<hbm>> -> memref<2x128xi32, #tpu.memory_space<hbm>>
        tpu.enqueue_dma source(%dma_start3A_579 : memref<2x128xi32, #tpu.memory_space<hbm>>) target(%arg10 : memref<2x128xi32, #tpu.memory_space<vmem>>) target_semaphore(%run_scoped3A : memref<!tpu.dma_semaphore, #tpu.memory_space<semaphore_mem>>)
        %dma_wait3A_580 = arith.constant 0 : i32
        %dma_wait3A_581 = tpu.memref_slice %arg3[%dma_wait3A_580, %multiple_of3A_417] : memref<2x163840xi32, #tpu.memory_space<hbm>> -> memref<2x128xi32, #tpu.memory_space<hbm>>
        %dma_wait3A_582 = arith.constant 0 : i32
        %dma_wait3A_583 = tpu.memref_slice %arg3[%dma_wait3A_582, %multiple_of3A_417] : memref<2x163840xi32, #tpu.memory_space<hbm>> -> memref<2x128xi32, #tpu.memory_space<hbm>>
        tpu.wait_dma2 semaphore(%run_scoped3A : memref<!tpu.dma_semaphore, #tpu.memory_space<semaphore_mem>>) src(%dma_wait3A_583 : memref<2x128xi32, #tpu.memory_space<hbm>>) dst(%arg10 : memref<2x128xi32, #tpu.memory_space<vmem>>)
        tpu.yield
      }) : () -> ()
      %dma_start3A_418 = arith.constant 0 : i32
      %dma_start3A_419 = arith.constant 0 : i32
      %dma_start3A_420 = tpu.memref_slice %arg10[%dma_start3A_418, %dma_start3A_419] : memref<2x128xi32, #tpu.memory_space<vmem>> -> memref<1x128xi32, #tpu.memory_space<vmem>>
      %dma_start3A_421 = tpu.memref_squeeze %dma_start3A_420 : memref<1x128xi32, #tpu.memory_space<vmem>> -> memref<128xi32, #tpu.memory_space<vmem>>
      %dma_start3A_422 = arith.constant 0 : i32
      %dma_start3A_423 = arith.constant 0 : i32
      %dma_start3A_424 = tpu.memref_slice %arg8[%dma_start3A_422, %dma_start3A_423] : memref<10000x48xf32, #tpu.memory_space<vmem_shared>> -> memref<10000x48xf32, #tpu.memory_space<vmem_shared>>
      tpu.enqueue_indirect_dma source(%dma_start3A_424 : memref<10000x48xf32, #tpu.memory_space<vmem_shared>>) target(%arg18 : memref<128x48xf32, #tpu.memory_space<vmem>>) offsets(%dma_start3A_421 : memref<128xi32, #tpu.memory_space<vmem>>) semaphore(%arg26 : memref<!tpu.dma_semaphore, #tpu.memory_space<semaphore_mem>>)
      %dma_wait3A_425 = arith.constant 0 : i32
      %dma_wait3A_426 = arith.constant 0 : i32
      %dma_wait3A_427 = tpu.memref_slice %arg7[%dma_wait3A_425, %dma_wait3A_426] : memref<10016x48xf32, #tpu.memory_space<vmem_shared>> -> memref<128x48xf32, #tpu.memory_space<vmem_shared>>
      %dma_wait3A_428 = arith.constant 0 : i32
      %dma_wait3A_429 = arith.constant 0 : i32
      %dma_wait3A_430 = tpu.memref_slice %arg7[%dma_wait3A_428, %dma_wait3A_429] : memref<10016x48xf32, #tpu.memory_space<vmem_shared>> -> memref<128x48xf32, #tpu.memory_space<vmem_shared>>
      tpu.wait_dma2 semaphore(%arg35 : memref<!tpu.dma_semaphore, #tpu.memory_space<semaphore_mem>>) src(%arg19 : memref<128x48xf32, #tpu.memory_space<vmem>>) dst(%dma_wait3A_430 : memref<128x48xf32, #tpu.memory_space<vmem_shared>>)
      %mul3A_431 = arith.constant 8 : i32
      %mul3A_432 = arith.muli %mul3A_431, %scan3A_269 : i32
      %add3A_433 = arith.constant 8 : i32
      %add3A_434 = arith.addi %mul3A_432, %add3A_433 : i32
      %add3A_435 = arith.constant 2 : i32
      %add3A_436 = arith.addi %add3A_434, %add3A_435 : i32
      %mul3A_437 = arith.constant 32 : i32
      %mul3A_438 = arith.muli %add3A_436, %mul3A_437 : i32
      %add3A_439 = arith.addi %mul3A_438, %add3A : i32
      %mul3A_440 = arith.constant 128 : i32
      %mul3A_441 = arith.muli %add3A_439, %mul3A_440 : i32
      %multiple_of3A_442 = tpu.assume_multiple %mul3A_441, 8 : i32
      "tpu.region"() ({
        %run_scoped3A = tpu.sem_alloc : memref<!tpu.dma_semaphore, #tpu.memory_space<semaphore_mem>>
        %dma_start3A_576 = arith.constant 0 : i32
        %dma_start3A_577 = tpu.memref_slice %arg3[%dma_start3A_576, %multiple_of3A_442] : memref<2x163840xi32, #tpu.memory_space<hbm>> -> memref<2x128xi32, #tpu.memory_space<hbm>>
        %dma_start3A_578 = arith.constant 0 : i32
        %dma_start3A_579 = tpu.memref_slice %arg3[%dma_start3A_578, %multiple_of3A_442] : memref<2x163840xi32, #tpu.memory_space<hbm>> -> memref<2x128xi32, #tpu.memory_space<hbm>>
        tpu.enqueue_dma source(%dma_start3A_579 : memref<2x128xi32, #tpu.memory_space<hbm>>) target(%arg11 : memref<2x128xi32, #tpu.memory_space<vmem>>) target_semaphore(%run_scoped3A : memref<!tpu.dma_semaphore, #tpu.memory_space<semaphore_mem>>)
        %dma_wait3A_580 = arith.constant 0 : i32
        %dma_wait3A_581 = tpu.memref_slice %arg3[%dma_wait3A_580, %multiple_of3A_442] : memref<2x163840xi32, #tpu.memory_space<hbm>> -> memref<2x128xi32, #tpu.memory_space<hbm>>
        %dma_wait3A_582 = arith.constant 0 : i32
        %dma_wait3A_583 = tpu.memref_slice %arg3[%dma_wait3A_582, %multiple_of3A_442] : memref<2x163840xi32, #tpu.memory_space<hbm>> -> memref<2x128xi32, #tpu.memory_space<hbm>>
        tpu.wait_dma2 semaphore(%run_scoped3A : memref<!tpu.dma_semaphore, #tpu.memory_space<semaphore_mem>>) src(%dma_wait3A_583 : memref<2x128xi32, #tpu.memory_space<hbm>>) dst(%arg11 : memref<2x128xi32, #tpu.memory_space<vmem>>)
        tpu.yield
      }) : () -> ()
      %dma_start3A_443 = arith.constant 0 : i32
      %dma_start3A_444 = arith.constant 0 : i32
      %dma_start3A_445 = tpu.memref_slice %arg11[%dma_start3A_443, %dma_start3A_444] : memref<2x128xi32, #tpu.memory_space<vmem>> -> memref<1x128xi32, #tpu.memory_space<vmem>>
      %dma_start3A_446 = tpu.memref_squeeze %dma_start3A_445 : memref<1x128xi32, #tpu.memory_space<vmem>> -> memref<128xi32, #tpu.memory_space<vmem>>
      %dma_start3A_447 = arith.constant 0 : i32
      %dma_start3A_448 = arith.constant 0 : i32
      %dma_start3A_449 = tpu.memref_slice %arg8[%dma_start3A_447, %dma_start3A_448] : memref<10000x48xf32, #tpu.memory_space<vmem_shared>> -> memref<10000x48xf32, #tpu.memory_space<vmem_shared>>
      tpu.enqueue_indirect_dma source(%dma_start3A_449 : memref<10000x48xf32, #tpu.memory_space<vmem_shared>>) target(%arg19 : memref<128x48xf32, #tpu.memory_space<vmem>>) offsets(%dma_start3A_446 : memref<128xi32, #tpu.memory_space<vmem>>) semaphore(%arg27 : memref<!tpu.dma_semaphore, #tpu.memory_space<semaphore_mem>>)
      %dma_wait3A_450 = arith.constant 0 : i32
      %dma_wait3A_451 = arith.constant 0 : i32
      %dma_wait3A_452 = tpu.memref_slice %arg7[%dma_wait3A_450, %dma_wait3A_451] : memref<10016x48xf32, #tpu.memory_space<vmem_shared>> -> memref<128x48xf32, #tpu.memory_space<vmem_shared>>
      %dma_wait3A_453 = arith.constant 0 : i32
      %dma_wait3A_454 = arith.constant 0 : i32
      %dma_wait3A_455 = tpu.memref_slice %arg7[%dma_wait3A_453, %dma_wait3A_454] : memref<10016x48xf32, #tpu.memory_space<vmem_shared>> -> memref<128x48xf32, #tpu.memory_space<vmem_shared>>
      tpu.wait_dma2 semaphore(%arg36 : memref<!tpu.dma_semaphore, #tpu.memory_space<semaphore_mem>>) src(%arg20 : memref<128x48xf32, #tpu.memory_space<vmem>>) dst(%dma_wait3A_455 : memref<128x48xf32, #tpu.memory_space<vmem_shared>>)
      %mul3A_456 = arith.constant 8 : i32
      %mul3A_457 = arith.muli %mul3A_456, %scan3A_269 : i32
      %add3A_458 = arith.constant 8 : i32
      %add3A_459 = arith.addi %mul3A_457, %add3A_458 : i32
      %add3A_460 = arith.constant 3 : i32
      %add3A_461 = arith.addi %add3A_459, %add3A_460 : i32
      %mul3A_462 = arith.constant 32 : i32
      %mul3A_463 = arith.muli %add3A_461, %mul3A_462 : i32
      %add3A_464 = arith.addi %mul3A_463, %add3A : i32
      %mul3A_465 = arith.constant 128 : i32
      %mul3A_466 = arith.muli %add3A_464, %mul3A_465 : i32
      %multiple_of3A_467 = tpu.assume_multiple %mul3A_466, 8 : i32
      "tpu.region"() ({
        %run_scoped3A = tpu.sem_alloc : memref<!tpu.dma_semaphore, #tpu.memory_space<semaphore_mem>>
        %dma_start3A_576 = arith.constant 0 : i32
        %dma_start3A_577 = tpu.memref_slice %arg3[%dma_start3A_576, %multiple_of3A_467] : memref<2x163840xi32, #tpu.memory_space<hbm>> -> memref<2x128xi32, #tpu.memory_space<hbm>>
        %dma_start3A_578 = arith.constant 0 : i32
        %dma_start3A_579 = tpu.memref_slice %arg3[%dma_start3A_578, %multiple_of3A_467] : memref<2x163840xi32, #tpu.memory_space<hbm>> -> memref<2x128xi32, #tpu.memory_space<hbm>>
        tpu.enqueue_dma source(%dma_start3A_579 : memref<2x128xi32, #tpu.memory_space<hbm>>) target(%arg12 : memref<2x128xi32, #tpu.memory_space<vmem>>) target_semaphore(%run_scoped3A : memref<!tpu.dma_semaphore, #tpu.memory_space<semaphore_mem>>)
        %dma_wait3A_580 = arith.constant 0 : i32
        %dma_wait3A_581 = tpu.memref_slice %arg3[%dma_wait3A_580, %multiple_of3A_467] : memref<2x163840xi32, #tpu.memory_space<hbm>> -> memref<2x128xi32, #tpu.memory_space<hbm>>
        %dma_wait3A_582 = arith.constant 0 : i32
        %dma_wait3A_583 = tpu.memref_slice %arg3[%dma_wait3A_582, %multiple_of3A_467] : memref<2x163840xi32, #tpu.memory_space<hbm>> -> memref<2x128xi32, #tpu.memory_space<hbm>>
        tpu.wait_dma2 semaphore(%run_scoped3A : memref<!tpu.dma_semaphore, #tpu.memory_space<semaphore_mem>>) src(%dma_wait3A_583 : memref<2x128xi32, #tpu.memory_space<hbm>>) dst(%arg12 : memref<2x128xi32, #tpu.memory_space<vmem>>)
        tpu.yield
      }) : () -> ()
      %dma_start3A_468 = arith.constant 0 : i32
      %dma_start3A_469 = arith.constant 0 : i32
      %dma_start3A_470 = tpu.memref_slice %arg12[%dma_start3A_468, %dma_start3A_469] : memref<2x128xi32, #tpu.memory_space<vmem>> -> memref<1x128xi32, #tpu.memory_space<vmem>>
      %dma_start3A_471 = tpu.memref_squeeze %dma_start3A_470 : memref<1x128xi32, #tpu.memory_space<vmem>> -> memref<128xi32, #tpu.memory_space<vmem>>
      %dma_start3A_472 = arith.constant 0 : i32
      %dma_start3A_473 = arith.constant 0 : i32
      %dma_start3A_474 = tpu.memref_slice %arg8[%dma_start3A_472, %dma_start3A_473] : memref<10000x48xf32, #tpu.memory_space<vmem_shared>> -> memref<10000x48xf32, #tpu.memory_space<vmem_shared>>
      tpu.enqueue_indirect_dma source(%dma_start3A_474 : memref<10000x48xf32, #tpu.memory_space<vmem_shared>>) target(%arg20 : memref<128x48xf32, #tpu.memory_space<vmem>>) offsets(%dma_start3A_471 : memref<128xi32, #tpu.memory_space<vmem>>) semaphore(%arg28 : memref<!tpu.dma_semaphore, #tpu.memory_space<semaphore_mem>>)
      %dma_wait3A_475 = arith.constant 0 : i32
      %dma_wait3A_476 = arith.constant 0 : i32
      %dma_wait3A_477 = tpu.memref_slice %arg7[%dma_wait3A_475, %dma_wait3A_476] : memref<10016x48xf32, #tpu.memory_space<vmem_shared>> -> memref<128x48xf32, #tpu.memory_space<vmem_shared>>
      %dma_wait3A_478 = arith.constant 0 : i32
      %dma_wait3A_479 = arith.constant 0 : i32
      %dma_wait3A_480 = tpu.memref_slice %arg7[%dma_wait3A_478, %dma_wait3A_479] : memref<10016x48xf32, #tpu.memory_space<vmem_shared>> -> memref<128x48xf32, #tpu.memory_space<vmem_shared>>
      tpu.wait_dma2 semaphore(%arg37 : memref<!tpu.dma_semaphore, #tpu.memory_space<semaphore_mem>>) src(%arg21 : memref<128x48xf32, #tpu.memory_space<vmem>>) dst(%dma_wait3A_480 : memref<128x48xf32, #tpu.memory_space<vmem_shared>>)
      %mul3A_481 = arith.constant 8 : i32
      %mul3A_482 = arith.muli %mul3A_481, %scan3A_269 : i32
      %add3A_483 = arith.constant 8 : i32
      %add3A_484 = arith.addi %mul3A_482, %add3A_483 : i32
      %add3A_485 = arith.constant 4 : i32
      %add3A_486 = arith.addi %add3A_484, %add3A_485 : i32
      %mul3A_487 = arith.constant 32 : i32
      %mul3A_488 = arith.muli %add3A_486, %mul3A_487 : i32
      %add3A_489 = arith.addi %mul3A_488, %add3A : i32
      %mul3A_490 = arith.constant 128 : i32
      %mul3A_491 = arith.muli %add3A_489, %mul3A_490 : i32
      %multiple_of3A_492 = tpu.assume_multiple %mul3A_491, 8 : i32
      "tpu.region"() ({
        %run_scoped3A = tpu.sem_alloc : memref<!tpu.dma_semaphore, #tpu.memory_space<semaphore_mem>>
        %dma_start3A_576 = arith.constant 0 : i32
        %dma_start3A_577 = tpu.memref_slice %arg3[%dma_start3A_576, %multiple_of3A_492] : memref<2x163840xi32, #tpu.memory_space<hbm>> -> memref<2x128xi32, #tpu.memory_space<hbm>>
        %dma_start3A_578 = arith.constant 0 : i32
        %dma_start3A_579 = tpu.memref_slice %arg3[%dma_start3A_578, %multiple_of3A_492] : memref<2x163840xi32, #tpu.memory_space<hbm>> -> memref<2x128xi32, #tpu.memory_space<hbm>>
        tpu.enqueue_dma source(%dma_start3A_579 : memref<2x128xi32, #tpu.memory_space<hbm>>) target(%arg13 : memref<2x128xi32, #tpu.memory_space<vmem>>) target_semaphore(%run_scoped3A : memref<!tpu.dma_semaphore, #tpu.memory_space<semaphore_mem>>)
        %dma_wait3A_580 = arith.constant 0 : i32
        %dma_wait3A_581 = tpu.memref_slice %arg3[%dma_wait3A_580, %multiple_of3A_492] : memref<2x163840xi32, #tpu.memory_space<hbm>> -> memref<2x128xi32, #tpu.memory_space<hbm>>
        %dma_wait3A_582 = arith.constant 0 : i32
        %dma_wait3A_583 = tpu.memref_slice %arg3[%dma_wait3A_582, %multiple_of3A_492] : memref<2x163840xi32, #tpu.memory_space<hbm>> -> memref<2x128xi32, #tpu.memory_space<hbm>>
        tpu.wait_dma2 semaphore(%run_scoped3A : memref<!tpu.dma_semaphore, #tpu.memory_space<semaphore_mem>>) src(%dma_wait3A_583 : memref<2x128xi32, #tpu.memory_space<hbm>>) dst(%arg13 : memref<2x128xi32, #tpu.memory_space<vmem>>)
        tpu.yield
      }) : () -> ()
      %dma_start3A_493 = arith.constant 0 : i32
      %dma_start3A_494 = arith.constant 0 : i32
      %dma_start3A_495 = tpu.memref_slice %arg13[%dma_start3A_493, %dma_start3A_494] : memref<2x128xi32, #tpu.memory_space<vmem>> -> memref<1x128xi32, #tpu.memory_space<vmem>>
      %dma_start3A_496 = tpu.memref_squeeze %dma_start3A_495 : memref<1x128xi32, #tpu.memory_space<vmem>> -> memref<128xi32, #tpu.memory_space<vmem>>
      %dma_start3A_497 = arith.constant 0 : i32
      %dma_start3A_498 = arith.constant 0 : i32
      %dma_start3A_499 = tpu.memref_slice %arg8[%dma_start3A_497, %dma_start3A_498] : memref<10000x48xf32, #tpu.memory_space<vmem_shared>> -> memref<10000x48xf32, #tpu.memory_space<vmem_shared>>
      tpu.enqueue_indirect_dma source(%dma_start3A_499 : memref<10000x48xf32, #tpu.memory_space<vmem_shared>>) target(%arg21 : memref<128x48xf32, #tpu.memory_space<vmem>>) offsets(%dma_start3A_496 : memref<128xi32, #tpu.memory_space<vmem>>) semaphore(%arg29 : memref<!tpu.dma_semaphore, #tpu.memory_space<semaphore_mem>>)
      %dma_wait3A_500 = arith.constant 0 : i32
      %dma_wait3A_501 = arith.constant 0 : i32
      %dma_wait3A_502 = tpu.memref_slice %arg7[%dma_wait3A_500, %dma_wait3A_501] : memref<10016x48xf32, #tpu.memory_space<vmem_shared>> -> memref<128x48xf32, #tpu.memory_space<vmem_shared>>
      %dma_wait3A_503 = arith.constant 0 : i32
      %dma_wait3A_504 = arith.constant 0 : i32
      %dma_wait3A_505 = tpu.memref_slice %arg7[%dma_wait3A_503, %dma_wait3A_504] : memref<10016x48xf32, #tpu.memory_space<vmem_shared>> -> memref<128x48xf32, #tpu.memory_space<vmem_shared>>
      tpu.wait_dma2 semaphore(%arg38 : memref<!tpu.dma_semaphore, #tpu.memory_space<semaphore_mem>>) src(%arg22 : memref<128x48xf32, #tpu.memory_space<vmem>>) dst(%dma_wait3A_505 : memref<128x48xf32, #tpu.memory_space<vmem_shared>>)
      %mul3A_506 = arith.constant 8 : i32
      %mul3A_507 = arith.muli %mul3A_506, %scan3A_269 : i32
      %add3A_508 = arith.constant 8 : i32
      %add3A_509 = arith.addi %mul3A_507, %add3A_508 : i32
      %add3A_510 = arith.constant 5 : i32
      %add3A_511 = arith.addi %add3A_509, %add3A_510 : i32
      %mul3A_512 = arith.constant 32 : i32
      %mul3A_513 = arith.muli %add3A_511, %mul3A_512 : i32
      %add3A_514 = arith.addi %mul3A_513, %add3A : i32
      %mul3A_515 = arith.constant 128 : i32
      %mul3A_516 = arith.muli %add3A_514, %mul3A_515 : i32
      %multiple_of3A_517 = tpu.assume_multiple %mul3A_516, 8 : i32
      "tpu.region"() ({
        %run_scoped3A = tpu.sem_alloc : memref<!tpu.dma_semaphore, #tpu.memory_space<semaphore_mem>>
        %dma_start3A_576 = arith.constant 0 : i32
        %dma_start3A_577 = tpu.memref_slice %arg3[%dma_start3A_576, %multiple_of3A_517] : memref<2x163840xi32, #tpu.memory_space<hbm>> -> memref<2x128xi32, #tpu.memory_space<hbm>>
        %dma_start3A_578 = arith.constant 0 : i32
        %dma_start3A_579 = tpu.memref_slice %arg3[%dma_start3A_578, %multiple_of3A_517] : memref<2x163840xi32, #tpu.memory_space<hbm>> -> memref<2x128xi32, #tpu.memory_space<hbm>>
        tpu.enqueue_dma source(%dma_start3A_579 : memref<2x128xi32, #tpu.memory_space<hbm>>) target(%arg14 : memref<2x128xi32, #tpu.memory_space<vmem>>) target_semaphore(%run_scoped3A : memref<!tpu.dma_semaphore, #tpu.memory_space<semaphore_mem>>)
        %dma_wait3A_580 = arith.constant 0 : i32
        %dma_wait3A_581 = tpu.memref_slice %arg3[%dma_wait3A_580, %multiple_of3A_517] : memref<2x163840xi32, #tpu.memory_space<hbm>> -> memref<2x128xi32, #tpu.memory_space<hbm>>
        %dma_wait3A_582 = arith.constant 0 : i32
        %dma_wait3A_583 = tpu.memref_slice %arg3[%dma_wait3A_582, %multiple_of3A_517] : memref<2x163840xi32, #tpu.memory_space<hbm>> -> memref<2x128xi32, #tpu.memory_space<hbm>>
        tpu.wait_dma2 semaphore(%run_scoped3A : memref<!tpu.dma_semaphore, #tpu.memory_space<semaphore_mem>>) src(%dma_wait3A_583 : memref<2x128xi32, #tpu.memory_space<hbm>>) dst(%arg14 : memref<2x128xi32, #tpu.memory_space<vmem>>)
        tpu.yield
      }) : () -> ()
      %dma_start3A_518 = arith.constant 0 : i32
      %dma_start3A_519 = arith.constant 0 : i32
      %dma_start3A_520 = tpu.memref_slice %arg14[%dma_start3A_518, %dma_start3A_519] : memref<2x128xi32, #tpu.memory_space<vmem>> -> memref<1x128xi32, #tpu.memory_space<vmem>>
      %dma_start3A_521 = tpu.memref_squeeze %dma_start3A_520 : memref<1x128xi32, #tpu.memory_space<vmem>> -> memref<128xi32, #tpu.memory_space<vmem>>
      %dma_start3A_522 = arith.constant 0 : i32
      %dma_start3A_523 = arith.constant 0 : i32
      %dma_start3A_524 = tpu.memref_slice %arg8[%dma_start3A_522, %dma_start3A_523] : memref<10000x48xf32, #tpu.memory_space<vmem_shared>> -> memref<10000x48xf32, #tpu.memory_space<vmem_shared>>
      tpu.enqueue_indirect_dma source(%dma_start3A_524 : memref<10000x48xf32, #tpu.memory_space<vmem_shared>>) target(%arg22 : memref<128x48xf32, #tpu.memory_space<vmem>>) offsets(%dma_start3A_521 : memref<128xi32, #tpu.memory_space<vmem>>) semaphore(%arg30 : memref<!tpu.dma_semaphore, #tpu.memory_space<semaphore_mem>>)
      %dma_wait3A_525 = arith.constant 0 : i32
      %dma_wait3A_526 = arith.constant 0 : i32
      %dma_wait3A_527 = tpu.memref_slice %arg7[%dma_wait3A_525, %dma_wait3A_526] : memref<10016x48xf32, #tpu.memory_space<vmem_shared>> -> memref<128x48xf32, #tpu.memory_space<vmem_shared>>
      %dma_wait3A_528 = arith.constant 0 : i32
      %dma_wait3A_529 = arith.constant 0 : i32
      %dma_wait3A_530 = tpu.memref_slice %arg7[%dma_wait3A_528, %dma_wait3A_529] : memref<10016x48xf32, #tpu.memory_space<vmem_shared>> -> memref<128x48xf32, #tpu.memory_space<vmem_shared>>
      tpu.wait_dma2 semaphore(%arg39 : memref<!tpu.dma_semaphore, #tpu.memory_space<semaphore_mem>>) src(%arg23 : memref<128x48xf32, #tpu.memory_space<vmem>>) dst(%dma_wait3A_530 : memref<128x48xf32, #tpu.memory_space<vmem_shared>>)
      %mul3A_531 = arith.constant 8 : i32
      %mul3A_532 = arith.muli %mul3A_531, %scan3A_269 : i32
      %add3A_533 = arith.constant 8 : i32
      %add3A_534 = arith.addi %mul3A_532, %add3A_533 : i32
      %add3A_535 = arith.constant 6 : i32
      %add3A_536 = arith.addi %add3A_534, %add3A_535 : i32
      %mul3A_537 = arith.constant 32 : i32
      %mul3A_538 = arith.muli %add3A_536, %mul3A_537 : i32
      %add3A_539 = arith.addi %mul3A_538, %add3A : i32
      %mul3A_540 = arith.constant 128 : i32
      %mul3A_541 = arith.muli %add3A_539, %mul3A_540 : i32
      %multiple_of3A_542 = tpu.assume_multiple %mul3A_541, 8 : i32
      "tpu.region"() ({
        %run_scoped3A = tpu.sem_alloc : memref<!tpu.dma_semaphore, #tpu.memory_space<semaphore_mem>>
        %dma_start3A_576 = arith.constant 0 : i32
        %dma_start3A_577 = tpu.memref_slice %arg3[%dma_start3A_576, %multiple_of3A_542] : memref<2x163840xi32, #tpu.memory_space<hbm>> -> memref<2x128xi32, #tpu.memory_space<hbm>>
        %dma_start3A_578 = arith.constant 0 : i32
        %dma_start3A_579 = tpu.memref_slice %arg3[%dma_start3A_578, %multiple_of3A_542] : memref<2x163840xi32, #tpu.memory_space<hbm>> -> memref<2x128xi32, #tpu.memory_space<hbm>>
        tpu.enqueue_dma source(%dma_start3A_579 : memref<2x128xi32, #tpu.memory_space<hbm>>) target(%arg15 : memref<2x128xi32, #tpu.memory_space<vmem>>) target_semaphore(%run_scoped3A : memref<!tpu.dma_semaphore, #tpu.memory_space<semaphore_mem>>)
        %dma_wait3A_580 = arith.constant 0 : i32
        %dma_wait3A_581 = tpu.memref_slice %arg3[%dma_wait3A_580, %multiple_of3A_542] : memref<2x163840xi32, #tpu.memory_space<hbm>> -> memref<2x128xi32, #tpu.memory_space<hbm>>
        %dma_wait3A_582 = arith.constant 0 : i32
        %dma_wait3A_583 = tpu.memref_slice %arg3[%dma_wait3A_582, %multiple_of3A_542] : memref<2x163840xi32, #tpu.memory_space<hbm>> -> memref<2x128xi32, #tpu.memory_space<hbm>>
        tpu.wait_dma2 semaphore(%run_scoped3A : memref<!tpu.dma_semaphore, #tpu.memory_space<semaphore_mem>>) src(%dma_wait3A_583 : memref<2x128xi32, #tpu.memory_space<hbm>>) dst(%arg15 : memref<2x128xi32, #tpu.memory_space<vmem>>)
        tpu.yield
      }) : () -> ()
      %dma_start3A_543 = arith.constant 0 : i32
      %dma_start3A_544 = arith.constant 0 : i32
      %dma_start3A_545 = tpu.memref_slice %arg15[%dma_start3A_543, %dma_start3A_544] : memref<2x128xi32, #tpu.memory_space<vmem>> -> memref<1x128xi32, #tpu.memory_space<vmem>>
      %dma_start3A_546 = tpu.memref_squeeze %dma_start3A_545 : memref<1x128xi32, #tpu.memory_space<vmem>> -> memref<128xi32, #tpu.memory_space<vmem>>
      %dma_start3A_547 = arith.constant 0 : i32
      %dma_start3A_548 = arith.constant 0 : i32
      %dma_start3A_549 = tpu.memref_slice %arg8[%dma_start3A_547, %dma_start3A_548] : memref<10000x48xf32, #tpu.memory_space<vmem_shared>> -> memref<10000x48xf32, #tpu.memory_space<vmem_shared>>
      tpu.enqueue_indirect_dma source(%dma_start3A_549 : memref<10000x48xf32, #tpu.memory_space<vmem_shared>>) target(%arg23 : memref<128x48xf32, #tpu.memory_space<vmem>>) offsets(%dma_start3A_546 : memref<128xi32, #tpu.memory_space<vmem>>) semaphore(%arg31 : memref<!tpu.dma_semaphore, #tpu.memory_space<semaphore_mem>>)
      %dma_wait3A_550 = arith.constant 0 : i32
      %dma_wait3A_551 = arith.constant 0 : i32
      %dma_wait3A_552 = tpu.memref_slice %arg7[%dma_wait3A_550, %dma_wait3A_551] : memref<10016x48xf32, #tpu.memory_space<vmem_shared>> -> memref<128x48xf32, #tpu.memory_space<vmem_shared>>
      %dma_wait3A_553 = arith.constant 0 : i32
      %dma_wait3A_554 = arith.constant 0 : i32
      %dma_wait3A_555 = tpu.memref_slice %arg7[%dma_wait3A_553, %dma_wait3A_554] : memref<10016x48xf32, #tpu.memory_space<vmem_shared>> -> memref<128x48xf32, #tpu.memory_space<vmem_shared>>
      tpu.wait_dma2 semaphore(%arg40 : memref<!tpu.dma_semaphore, #tpu.memory_space<semaphore_mem>>) src(%arg24 : memref<128x48xf32, #tpu.memory_space<vmem>>) dst(%dma_wait3A_555 : memref<128x48xf32, #tpu.memory_space<vmem_shared>>)
      %mul3A_556 = arith.constant 8 : i32
      %mul3A_557 = arith.muli %mul3A_556, %scan3A_269 : i32
      %add3A_558 = arith.constant 8 : i32
      %add3A_559 = arith.addi %mul3A_557, %add3A_558 : i32
      %add3A_560 = arith.constant 7 : i32
      %add3A_561 = arith.addi %add3A_559, %add3A_560 : i32
      %mul3A_562 = arith.constant 32 : i32
      %mul3A_563 = arith.muli %add3A_561, %mul3A_562 : i32
      %add3A_564 = arith.addi %mul3A_563, %add3A : i32
      %mul3A_565 = arith.constant 128 : i32
      %mul3A_566 = arith.muli %add3A_564, %mul3A_565 : i32
      %multiple_of3A_567 = tpu.assume_multiple %mul3A_566, 8 : i32
      "tpu.region"() ({
        %run_scoped3A = tpu.sem_alloc : memref<!tpu.dma_semaphore, #tpu.memory_space<semaphore_mem>>
        %dma_start3A_576 = arith.constant 0 : i32
        %dma_start3A_577 = tpu.memref_slice %arg3[%dma_start3A_576, %multiple_of3A_567] : memref<2x163840xi32, #tpu.memory_space<hbm>> -> memref<2x128xi32, #tpu.memory_space<hbm>>
        %dma_start3A_578 = arith.constant 0 : i32
        %dma_start3A_579 = tpu.memref_slice %arg3[%dma_start3A_578, %multiple_of3A_567] : memref<2x163840xi32, #tpu.memory_space<hbm>> -> memref<2x128xi32, #tpu.memory_space<hbm>>
        tpu.enqueue_dma source(%dma_start3A_579 : memref<2x128xi32, #tpu.memory_space<hbm>>) target(%arg16 : memref<2x128xi32, #tpu.memory_space<vmem>>) target_semaphore(%run_scoped3A : memref<!tpu.dma_semaphore, #tpu.memory_space<semaphore_mem>>)
        %dma_wait3A_580 = arith.constant 0 : i32
        %dma_wait3A_581 = tpu.memref_slice %arg3[%dma_wait3A_580, %multiple_of3A_567] : memref<2x163840xi32, #tpu.memory_space<hbm>> -> memref<2x128xi32, #tpu.memory_space<hbm>>
        %dma_wait3A_582 = arith.constant 0 : i32
        %dma_wait3A_583 = tpu.memref_slice %arg3[%dma_wait3A_582, %multiple_of3A_567] : memref<2x163840xi32, #tpu.memory_space<hbm>> -> memref<2x128xi32, #tpu.memory_space<hbm>>
        tpu.wait_dma2 semaphore(%run_scoped3A : memref<!tpu.dma_semaphore, #tpu.memory_space<semaphore_mem>>) src(%dma_wait3A_583 : memref<2x128xi32, #tpu.memory_space<hbm>>) dst(%arg16 : memref<2x128xi32, #tpu.memory_space<vmem>>)
        tpu.yield
      }) : () -> ()
      %dma_start3A_568 = arith.constant 0 : i32
      %dma_start3A_569 = arith.constant 0 : i32
      %dma_start3A_570 = tpu.memref_slice %arg16[%dma_start3A_568, %dma_start3A_569] : memref<2x128xi32, #tpu.memory_space<vmem>> -> memref<1x128xi32, #tpu.memory_space<vmem>>
      %dma_start3A_571 = tpu.memref_squeeze %dma_start3A_570 : memref<1x128xi32, #tpu.memory_space<vmem>> -> memref<128xi32, #tpu.memory_space<vmem>>
      %dma_start3A_572 = arith.constant 0 : i32
      %dma_start3A_573 = arith.constant 0 : i32
      %dma_start3A_574 = tpu.memref_slice %arg8[%dma_start3A_572, %dma_start3A_573] : memref<10000x48xf32, #tpu.memory_space<vmem_shared>> -> memref<10000x48xf32, #tpu.memory_space<vmem_shared>>
      tpu.enqueue_indirect_dma source(%dma_start3A_574 : memref<10000x48xf32, #tpu.memory_space<vmem_shared>>) target(%arg24 : memref<128x48xf32, #tpu.memory_space<vmem>>) offsets(%dma_start3A_571 : memref<128xi32, #tpu.memory_space<vmem>>) semaphore(%arg32 : memref<!tpu.dma_semaphore, #tpu.memory_space<semaphore_mem>>)
      %scan3A_575 = arith.constant 0 : i32
      scf.yield %scan3A_575 : i32
    }
    %scan3A_106 = arith.constant 4 : i32
    %dma_wait3A = arith.constant 0 : i32
    %dma_wait3A_107 = arith.constant 0 : i32
    %dma_wait3A_108 = tpu.memref_slice %arg8[%dma_wait3A, %dma_wait3A_107] : memref<10000x48xf32, #tpu.memory_space<vmem_shared>> -> memref<128x48xf32, #tpu.memory_space<vmem_shared>>
    %dma_wait3A_109 = arith.constant 0 : i32
    %dma_wait3A_110 = arith.constant 0 : i32
    %dma_wait3A_111 = tpu.memref_slice %arg8[%dma_wait3A_109, %dma_wait3A_110] : memref<10000x48xf32, #tpu.memory_space<vmem_shared>> -> memref<128x48xf32, #tpu.memory_space<vmem_shared>>
    tpu.wait_dma2 semaphore(%arg25 : memref<!tpu.dma_semaphore, #tpu.memory_space<semaphore_mem>>) src(%dma_wait3A_111 : memref<128x48xf32, #tpu.memory_space<vmem_shared>>) dst(%arg17 : memref<128x48xf32, #tpu.memory_space<vmem>>)
    %dma_start3A_112 = arith.constant 1 : i32
    %dma_start3A_113 = arith.constant 0 : i32
    %dma_start3A_114 = tpu.memref_slice %arg9[%dma_start3A_112, %dma_start3A_113] : memref<2x128xi32, #tpu.memory_space<vmem>> -> memref<1x128xi32, #tpu.memory_space<vmem>>
    %dma_start3A_115 = tpu.memref_squeeze %dma_start3A_114 : memref<1x128xi32, #tpu.memory_space<vmem>> -> memref<128xi32, #tpu.memory_space<vmem>>
    %dma_start3A_116 = arith.constant 0 : i32
    %dma_start3A_117 = arith.constant 0 : i32
    %dma_start3A_118 = tpu.memref_slice %arg7[%dma_start3A_116, %dma_start3A_117] : memref<10016x48xf32, #tpu.memory_space<vmem_shared>> -> memref<10016x48xf32, #tpu.memory_space<vmem_shared>>
    tpu.enqueue_indirect_dma source(%arg17 : memref<128x48xf32, #tpu.memory_space<vmem>>) target(%dma_start3A_118 : memref<10016x48xf32, #tpu.memory_space<vmem_shared>>) offsets(%dma_start3A_115 : memref<128xi32, #tpu.memory_space<vmem>>) semaphore(%arg33 : memref<!tpu.dma_semaphore, #tpu.memory_space<semaphore_mem>>) {add = true}
    %dma_wait3A_119 = arith.constant 0 : i32
    %dma_wait3A_120 = arith.constant 0 : i32
    %dma_wait3A_121 = tpu.memref_slice %arg8[%dma_wait3A_119, %dma_wait3A_120] : memref<10000x48xf32, #tpu.memory_space<vmem_shared>> -> memref<128x48xf32, #tpu.memory_space<vmem_shared>>
    %dma_wait3A_122 = arith.constant 0 : i32
    %dma_wait3A_123 = arith.constant 0 : i32
    %dma_wait3A_124 = tpu.memref_slice %arg8[%dma_wait3A_122, %dma_wait3A_123] : memref<10000x48xf32, #tpu.memory_space<vmem_shared>> -> memref<128x48xf32, #tpu.memory_space<vmem_shared>>
    tpu.wait_dma2 semaphore(%arg26 : memref<!tpu.dma_semaphore, #tpu.memory_space<semaphore_mem>>) src(%dma_wait3A_124 : memref<128x48xf32, #tpu.memory_space<vmem_shared>>) dst(%arg18 : memref<128x48xf32, #tpu.memory_space<vmem>>)
    %dma_start3A_125 = arith.constant 1 : i32
    %dma_start3A_126 = arith.constant 0 : i32
    %dma_start3A_127 = tpu.memref_slice %arg10[%dma_start3A_125, %dma_start3A_126] : memref<2x128xi32, #tpu.memory_space<vmem>> -> memref<1x128xi32, #tpu.memory_space<vmem>>
    %dma_start3A_128 = tpu.memref_squeeze %dma_start3A_127 : memref<1x128xi32, #tpu.memory_space<vmem>> -> memref<128xi32, #tpu.memory_space<vmem>>
    %dma_start3A_129 = arith.constant 0 : i32
    %dma_start3A_130 = arith.constant 0 : i32
    %dma_start3A_131 = tpu.memref_slice %arg7[%dma_start3A_129, %dma_start3A_130] : memref<10016x48xf32, #tpu.memory_space<vmem_shared>> -> memref<10016x48xf32, #tpu.memory_space<vmem_shared>>
    tpu.enqueue_indirect_dma source(%arg18 : memref<128x48xf32, #tpu.memory_space<vmem>>) target(%dma_start3A_131 : memref<10016x48xf32, #tpu.memory_space<vmem_shared>>) offsets(%dma_start3A_128 : memref<128xi32, #tpu.memory_space<vmem>>) semaphore(%arg34 : memref<!tpu.dma_semaphore, #tpu.memory_space<semaphore_mem>>) {add = true}
    %dma_wait3A_132 = arith.constant 0 : i32
    %dma_wait3A_133 = arith.constant 0 : i32
    %dma_wait3A_134 = tpu.memref_slice %arg8[%dma_wait3A_132, %dma_wait3A_133] : memref<10000x48xf32, #tpu.memory_space<vmem_shared>> -> memref<128x48xf32, #tpu.memory_space<vmem_shared>>
    %dma_wait3A_135 = arith.constant 0 : i32
    %dma_wait3A_136 = arith.constant 0 : i32
    %dma_wait3A_137 = tpu.memref_slice %arg8[%dma_wait3A_135, %dma_wait3A_136] : memref<10000x48xf32, #tpu.memory_space<vmem_shared>> -> memref<128x48xf32, #tpu.memory_space<vmem_shared>>
    tpu.wait_dma2 semaphore(%arg27 : memref<!tpu.dma_semaphore, #tpu.memory_space<semaphore_mem>>) src(%dma_wait3A_137 : memref<128x48xf32, #tpu.memory_space<vmem_shared>>) dst(%arg19 : memref<128x48xf32, #tpu.memory_space<vmem>>)
    %dma_start3A_138 = arith.constant 1 : i32
    %dma_start3A_139 = arith.constant 0 : i32
    %dma_start3A_140 = tpu.memref_slice %arg11[%dma_start3A_138, %dma_start3A_139] : memref<2x128xi32, #tpu.memory_space<vmem>> -> memref<1x128xi32, #tpu.memory_space<vmem>>
    %dma_start3A_141 = tpu.memref_squeeze %dma_start3A_140 : memref<1x128xi32, #tpu.memory_space<vmem>> -> memref<128xi32, #tpu.memory_space<vmem>>
    %dma_start3A_142 = arith.constant 0 : i32
    %dma_start3A_143 = arith.constant 0 : i32
    %dma_start3A_144 = tpu.memref_slice %arg7[%dma_start3A_142, %dma_start3A_143] : memref<10016x48xf32, #tpu.memory_space<vmem_shared>> -> memref<10016x48xf32, #tpu.memory_space<vmem_shared>>
    tpu.enqueue_indirect_dma source(%arg19 : memref<128x48xf32, #tpu.memory_space<vmem>>) target(%dma_start3A_144 : memref<10016x48xf32, #tpu.memory_space<vmem_shared>>) offsets(%dma_start3A_141 : memref<128xi32, #tpu.memory_space<vmem>>) semaphore(%arg35 : memref<!tpu.dma_semaphore, #tpu.memory_space<semaphore_mem>>) {add = true}
    %dma_wait3A_145 = arith.constant 0 : i32
    %dma_wait3A_146 = arith.constant 0 : i32
    %dma_wait3A_147 = tpu.memref_slice %arg8[%dma_wait3A_145, %dma_wait3A_146] : memref<10000x48xf32, #tpu.memory_space<vmem_shared>> -> memref<128x48xf32, #tpu.memory_space<vmem_shared>>
    %dma_wait3A_148 = arith.constant 0 : i32
    %dma_wait3A_149 = arith.constant 0 : i32
    %dma_wait3A_150 = tpu.memref_slice %arg8[%dma_wait3A_148, %dma_wait3A_149] : memref<10000x48xf32, #tpu.memory_space<vmem_shared>> -> memref<128x48xf32, #tpu.memory_space<vmem_shared>>
    tpu.wait_dma2 semaphore(%arg28 : memref<!tpu.dma_semaphore, #tpu.memory_space<semaphore_mem>>) src(%dma_wait3A_150 : memref<128x48xf32, #tpu.memory_space<vmem_shared>>) dst(%arg20 : memref<128x48xf32, #tpu.memory_space<vmem>>)
    %dma_start3A_151 = arith.constant 1 : i32
    %dma_start3A_152 = arith.constant 0 : i32
    %dma_start3A_153 = tpu.memref_slice %arg12[%dma_start3A_151, %dma_start3A_152] : memref<2x128xi32, #tpu.memory_space<vmem>> -> memref<1x128xi32, #tpu.memory_space<vmem>>
    %dma_start3A_154 = tpu.memref_squeeze %dma_start3A_153 : memref<1x128xi32, #tpu.memory_space<vmem>> -> memref<128xi32, #tpu.memory_space<vmem>>
    %dma_start3A_155 = arith.constant 0 : i32
    %dma_start3A_156 = arith.constant 0 : i32
    %dma_start3A_157 = tpu.memref_slice %arg7[%dma_start3A_155, %dma_start3A_156] : memref<10016x48xf32, #tpu.memory_space<vmem_shared>> -> memref<10016x48xf32, #tpu.memory_space<vmem_shared>>
    tpu.enqueue_indirect_dma source(%arg20 : memref<128x48xf32, #tpu.memory_space<vmem>>) target(%dma_start3A_157 : memref<10016x48xf32, #tpu.memory_space<vmem_shared>>) offsets(%dma_start3A_154 : memref<128xi32, #tpu.memory_space<vmem>>) semaphore(%arg36 : memref<!tpu.dma_semaphore, #tpu.memory_space<semaphore_mem>>) {add = true}
    %dma_wait3A_158 = arith.constant 0 : i32
    %dma_wait3A_159 = arith.constant 0 : i32
    %dma_wait3A_160 = tpu.memref_slice %arg8[%dma_wait3A_158, %dma_wait3A_159] : memref<10000x48xf32, #tpu.memory_space<vmem_shared>> -> memref<128x48xf32, #tpu.memory_space<vmem_shared>>
    %dma_wait3A_161 = arith.constant 0 : i32
    %dma_wait3A_162 = arith.constant 0 : i32
    %dma_wait3A_163 = tpu.memref_slice %arg8[%dma_wait3A_161, %dma_wait3A_162] : memref<10000x48xf32, #tpu.memory_space<vmem_shared>> -> memref<128x48xf32, #tpu.memory_space<vmem_shared>>
    tpu.wait_dma2 semaphore(%arg29 : memref<!tpu.dma_semaphore, #tpu.memory_space<semaphore_mem>>) src(%dma_wait3A_163 : memref<128x48xf32, #tpu.memory_space<vmem_shared>>) dst(%arg21 : memref<128x48xf32, #tpu.memory_space<vmem>>)
    %dma_start3A_164 = arith.constant 1 : i32
    %dma_start3A_165 = arith.constant 0 : i32
    %dma_start3A_166 = tpu.memref_slice %arg13[%dma_start3A_164, %dma_start3A_165] : memref<2x128xi32, #tpu.memory_space<vmem>> -> memref<1x128xi32, #tpu.memory_space<vmem>>
    %dma_start3A_167 = tpu.memref_squeeze %dma_start3A_166 : memref<1x128xi32, #tpu.memory_space<vmem>> -> memref<128xi32, #tpu.memory_space<vmem>>
    %dma_start3A_168 = arith.constant 0 : i32
    %dma_start3A_169 = arith.constant 0 : i32
    %dma_start3A_170 = tpu.memref_slice %arg7[%dma_start3A_168, %dma_start3A_169] : memref<10016x48xf32, #tpu.memory_space<vmem_shared>> -> memref<10016x48xf32, #tpu.memory_space<vmem_shared>>
    tpu.enqueue_indirect_dma source(%arg21 : memref<128x48xf32, #tpu.memory_space<vmem>>) target(%dma_start3A_170 : memref<10016x48xf32, #tpu.memory_space<vmem_shared>>) offsets(%dma_start3A_167 : memref<128xi32, #tpu.memory_space<vmem>>) semaphore(%arg37 : memref<!tpu.dma_semaphore, #tpu.memory_space<semaphore_mem>>) {add = true}
    %dma_wait3A_171 = arith.constant 0 : i32
    %dma_wait3A_172 = arith.constant 0 : i32
    %dma_wait3A_173 = tpu.memref_slice %arg8[%dma_wait3A_171, %dma_wait3A_172] : memref<10000x48xf32, #tpu.memory_space<vmem_shared>> -> memref<128x48xf32, #tpu.memory_space<vmem_shared>>
    %dma_wait3A_174 = arith.constant 0 : i32
    %dma_wait3A_175 = arith.constant 0 : i32
    %dma_wait3A_176 = tpu.memref_slice %arg8[%dma_wait3A_174, %dma_wait3A_175] : memref<10000x48xf32, #tpu.memory_space<vmem_shared>> -> memref<128x48xf32, #tpu.memory_space<vmem_shared>>
    tpu.wait_dma2 semaphore(%arg30 : memref<!tpu.dma_semaphore, #tpu.memory_space<semaphore_mem>>) src(%dma_wait3A_176 : memref<128x48xf32, #tpu.memory_space<vmem_shared>>) dst(%arg22 : memref<128x48xf32, #tpu.memory_space<vmem>>)
    %dma_start3A_177 = arith.constant 1 : i32
    %dma_start3A_178 = arith.constant 0 : i32
    %dma_start3A_179 = tpu.memref_slice %arg14[%dma_start3A_177, %dma_start3A_178] : memref<2x128xi32, #tpu.memory_space<vmem>> -> memref<1x128xi32, #tpu.memory_space<vmem>>
    %dma_start3A_180 = tpu.memref_squeeze %dma_start3A_179 : memref<1x128xi32, #tpu.memory_space<vmem>> -> memref<128xi32, #tpu.memory_space<vmem>>
    %dma_start3A_181 = arith.constant 0 : i32
    %dma_start3A_182 = arith.constant 0 : i32
    %dma_start3A_183 = tpu.memref_slice %arg7[%dma_start3A_181, %dma_start3A_182] : memref<10016x48xf32, #tpu.memory_space<vmem_shared>> -> memref<10016x48xf32, #tpu.memory_space<vmem_shared>>
    tpu.enqueue_indirect_dma source(%arg22 : memref<128x48xf32, #tpu.memory_space<vmem>>) target(%dma_start3A_183 : memref<10016x48xf32, #tpu.memory_space<vmem_shared>>) offsets(%dma_start3A_180 : memref<128xi32, #tpu.memory_space<vmem>>) semaphore(%arg38 : memref<!tpu.dma_semaphore, #tpu.memory_space<semaphore_mem>>) {add = true}
    %dma_wait3A_184 = arith.constant 0 : i32
    %dma_wait3A_185 = arith.constant 0 : i32
    %dma_wait3A_186 = tpu.memref_slice %arg8[%dma_wait3A_184, %dma_wait3A_185] : memref<10000x48xf32, #tpu.memory_space<vmem_shared>> -> memref<128x48xf32, #tpu.memory_space<vmem_shared>>
    %dma_wait3A_187 = arith.constant 0 : i32
    %dma_wait3A_188 = arith.constant 0 : i32
    %dma_wait3A_189 = tpu.memref_slice %arg8[%dma_wait3A_187, %dma_wait3A_188] : memref<10000x48xf32, #tpu.memory_space<vmem_shared>> -> memref<128x48xf32, #tpu.memory_space<vmem_shared>>
    tpu.wait_dma2 semaphore(%arg31 : memref<!tpu.dma_semaphore, #tpu.memory_space<semaphore_mem>>) src(%dma_wait3A_189 : memref<128x48xf32, #tpu.memory_space<vmem_shared>>) dst(%arg23 : memref<128x48xf32, #tpu.memory_space<vmem>>)
    %dma_start3A_190 = arith.constant 1 : i32
    %dma_start3A_191 = arith.constant 0 : i32
    %dma_start3A_192 = tpu.memref_slice %arg15[%dma_start3A_190, %dma_start3A_191] : memref<2x128xi32, #tpu.memory_space<vmem>> -> memref<1x128xi32, #tpu.memory_space<vmem>>
    %dma_start3A_193 = tpu.memref_squeeze %dma_start3A_192 : memref<1x128xi32, #tpu.memory_space<vmem>> -> memref<128xi32, #tpu.memory_space<vmem>>
    %dma_start3A_194 = arith.constant 0 : i32
    %dma_start3A_195 = arith.constant 0 : i32
    %dma_start3A_196 = tpu.memref_slice %arg7[%dma_start3A_194, %dma_start3A_195] : memref<10016x48xf32, #tpu.memory_space<vmem_shared>> -> memref<10016x48xf32, #tpu.memory_space<vmem_shared>>
    tpu.enqueue_indirect_dma source(%arg23 : memref<128x48xf32, #tpu.memory_space<vmem>>) target(%dma_start3A_196 : memref<10016x48xf32, #tpu.memory_space<vmem_shared>>) offsets(%dma_start3A_193 : memref<128xi32, #tpu.memory_space<vmem>>) semaphore(%arg39 : memref<!tpu.dma_semaphore, #tpu.memory_space<semaphore_mem>>) {add = true}
    %dma_wait3A_197 = arith.constant 0 : i32
    %dma_wait3A_198 = arith.constant 0 : i32
    %dma_wait3A_199 = tpu.memref_slice %arg8[%dma_wait3A_197, %dma_wait3A_198] : memref<10000x48xf32, #tpu.memory_space<vmem_shared>> -> memref<128x48xf32, #tpu.memory_space<vmem_shared>>
    %dma_wait3A_200 = arith.constant 0 : i32
    %dma_wait3A_201 = arith.constant 0 : i32
    %dma_wait3A_202 = tpu.memref_slice %arg8[%dma_wait3A_200, %dma_wait3A_201] : memref<10000x48xf32, #tpu.memory_space<vmem_shared>> -> memref<128x48xf32, #tpu.memory_space<vmem_shared>>
    tpu.wait_dma2 semaphore(%arg32 : memref<!tpu.dma_semaphore, #tpu.memory_space<semaphore_mem>>) src(%dma_wait3A_202 : memref<128x48xf32, #tpu.memory_space<vmem_shared>>) dst(%arg24 : memref<128x48xf32, #tpu.memory_space<vmem>>)
    %dma_start3A_203 = arith.constant 1 : i32
    %dma_start3A_204 = arith.constant 0 : i32
    %dma_start3A_205 = tpu.memref_slice %arg16[%dma_start3A_203, %dma_start3A_204] : memref<2x128xi32, #tpu.memory_space<vmem>> -> memref<1x128xi32, #tpu.memory_space<vmem>>
    %dma_start3A_206 = tpu.memref_squeeze %dma_start3A_205 : memref<1x128xi32, #tpu.memory_space<vmem>> -> memref<128xi32, #tpu.memory_space<vmem>>
    %dma_start3A_207 = arith.constant 0 : i32
    %dma_start3A_208 = arith.constant 0 : i32
    %dma_start3A_209 = tpu.memref_slice %arg7[%dma_start3A_207, %dma_start3A_208] : memref<10016x48xf32, #tpu.memory_space<vmem_shared>> -> memref<10016x48xf32, #tpu.memory_space<vmem_shared>>
    tpu.enqueue_indirect_dma source(%arg24 : memref<128x48xf32, #tpu.memory_space<vmem>>) target(%dma_start3A_209 : memref<10016x48xf32, #tpu.memory_space<vmem_shared>>) offsets(%dma_start3A_206 : memref<128xi32, #tpu.memory_space<vmem>>) semaphore(%arg40 : memref<!tpu.dma_semaphore, #tpu.memory_space<semaphore_mem>>) {add = true}
    %dma_wait3A_210 = arith.constant 0 : i32
    %dma_wait3A_211 = arith.constant 0 : i32
    %dma_wait3A_212 = tpu.memref_slice %arg7[%dma_wait3A_210, %dma_wait3A_211] : memref<10016x48xf32, #tpu.memory_space<vmem_shared>> -> memref<128x48xf32, #tpu.memory_space<vmem_shared>>
    %dma_wait3A_213 = arith.constant 0 : i32
    %dma_wait3A_214 = arith.constant 0 : i32
    %dma_wait3A_215 = tpu.memref_slice %arg7[%dma_wait3A_213, %dma_wait3A_214] : memref<10016x48xf32, #tpu.memory_space<vmem_shared>> -> memref<128x48xf32, #tpu.memory_space<vmem_shared>>
    tpu.wait_dma2 semaphore(%arg33 : memref<!tpu.dma_semaphore, #tpu.memory_space<semaphore_mem>>) src(%arg17 : memref<128x48xf32, #tpu.memory_space<vmem>>) dst(%dma_wait3A_215 : memref<128x48xf32, #tpu.memory_space<vmem_shared>>)
    %dma_wait3A_216 = arith.constant 0 : i32
    %dma_wait3A_217 = arith.constant 0 : i32
    %dma_wait3A_218 = tpu.memref_slice %arg7[%dma_wait3A_216, %dma_wait3A_217] : memref<10016x48xf32, #tpu.memory_space<vmem_shared>> -> memref<128x48xf32, #tpu.memory_space<vmem_shared>>
    %dma_wait3A_219 = arith.constant 0 : i32
    %dma_wait3A_220 = arith.constant 0 : i32
    %dma_wait3A_221 = tpu.memref_slice %arg7[%dma_wait3A_219, %dma_wait3A_220] : memref<10016x48xf32, #tpu.memory_space<vmem_shared>> -> memref<128x48xf32, #tpu.memory_space<vmem_shared>>
    tpu.wait_dma2 semaphore(%arg34 : memref<!tpu.dma_semaphore, #tpu.memory_space<semaphore_mem>>) src(%arg18 : memref<128x48xf32, #tpu.memory_space<vmem>>) dst(%dma_wait3A_221 : memref<128x48xf32, #tpu.memory_space<vmem_shared>>)
    %dma_wait3A_222 = arith.constant 0 : i32
    %dma_wait3A_223 = arith.constant 0 : i32
    %dma_wait3A_224 = tpu.memref_slice %arg7[%dma_wait3A_222, %dma_wait3A_223] : memref<10016x48xf32, #tpu.memory_space<vmem_shared>> -> memref<128x48xf32, #tpu.memory_space<vmem_shared>>
    %dma_wait3A_225 = arith.constant 0 : i32
    %dma_wait3A_226 = arith.constant 0 : i32
    %dma_wait3A_227 = tpu.memref_slice %arg7[%dma_wait3A_225, %dma_wait3A_226] : memref<10016x48xf32, #tpu.memory_space<vmem_shared>> -> memref<128x48xf32, #tpu.memory_space<vmem_shared>>
    tpu.wait_dma2 semaphore(%arg35 : memref<!tpu.dma_semaphore, #tpu.memory_space<semaphore_mem>>) src(%arg19 : memref<128x48xf32, #tpu.memory_space<vmem>>) dst(%dma_wait3A_227 : memref<128x48xf32, #tpu.memory_space<vmem_shared>>)
    %dma_wait3A_228 = arith.constant 0 : i32
    %dma_wait3A_229 = arith.constant 0 : i32
    %dma_wait3A_230 = tpu.memref_slice %arg7[%dma_wait3A_228, %dma_wait3A_229] : memref<10016x48xf32, #tpu.memory_space<vmem_shared>> -> memref<128x48xf32, #tpu.memory_space<vmem_shared>>
    %dma_wait3A_231 = arith.constant 0 : i32
    %dma_wait3A_232 = arith.constant 0 : i32
    %dma_wait3A_233 = tpu.memref_slice %arg7[%dma_wait3A_231, %dma_wait3A_232] : memref<10016x48xf32, #tpu.memory_space<vmem_shared>> -> memref<128x48xf32, #tpu.memory_space<vmem_shared>>
    tpu.wait_dma2 semaphore(%arg36 : memref<!tpu.dma_semaphore, #tpu.memory_space<semaphore_mem>>) src(%arg20 : memref<128x48xf32, #tpu.memory_space<vmem>>) dst(%dma_wait3A_233 : memref<128x48xf32, #tpu.memory_space<vmem_shared>>)
    %dma_wait3A_234 = arith.constant 0 : i32
    %dma_wait3A_235 = arith.constant 0 : i32
    %dma_wait3A_236 = tpu.memref_slice %arg7[%dma_wait3A_234, %dma_wait3A_235] : memref<10016x48xf32, #tpu.memory_space<vmem_shared>> -> memref<128x48xf32, #tpu.memory_space<vmem_shared>>
    %dma_wait3A_237 = arith.constant 0 : i32
    %dma_wait3A_238 = arith.constant 0 : i32
    %dma_wait3A_239 = tpu.memref_slice %arg7[%dma_wait3A_237, %dma_wait3A_238] : memref<10016x48xf32, #tpu.memory_space<vmem_shared>> -> memref<128x48xf32, #tpu.memory_space<vmem_shared>>
    tpu.wait_dma2 semaphore(%arg37 : memref<!tpu.dma_semaphore, #tpu.memory_space<semaphore_mem>>) src(%arg21 : memref<128x48xf32, #tpu.memory_space<vmem>>) dst(%dma_wait3A_239 : memref<128x48xf32, #tpu.memory_space<vmem_shared>>)
    %dma_wait3A_240 = arith.constant 0 : i32
    %dma_wait3A_241 = arith.constant 0 : i32
    %dma_wait3A_242 = tpu.memref_slice %arg7[%dma_wait3A_240, %dma_wait3A_241] : memref<10016x48xf32, #tpu.memory_space<vmem_shared>> -> memref<128x48xf32, #tpu.memory_space<vmem_shared>>
    %dma_wait3A_243 = arith.constant 0 : i32
    %dma_wait3A_244 = arith.constant 0 : i32
    %dma_wait3A_245 = tpu.memref_slice %arg7[%dma_wait3A_243, %dma_wait3A_244] : memref<10016x48xf32, #tpu.memory_space<vmem_shared>> -> memref<128x48xf32, #tpu.memory_space<vmem_shared>>
    tpu.wait_dma2 semaphore(%arg38 : memref<!tpu.dma_semaphore, #tpu.memory_space<semaphore_mem>>) src(%arg22 : memref<128x48xf32, #tpu.memory_space<vmem>>) dst(%dma_wait3A_245 : memref<128x48xf32, #tpu.memory_space<vmem_shared>>)
    %dma_wait3A_246 = arith.constant 0 : i32
    %dma_wait3A_247 = arith.constant 0 : i32
    %dma_wait3A_248 = tpu.memref_slice %arg7[%dma_wait3A_246, %dma_wait3A_247] : memref<10016x48xf32, #tpu.memory_space<vmem_shared>> -> memref<128x48xf32, #tpu.memory_space<vmem_shared>>
    %dma_wait3A_249 = arith.constant 0 : i32
    %dma_wait3A_250 = arith.constant 0 : i32
    %dma_wait3A_251 = tpu.memref_slice %arg7[%dma_wait3A_249, %dma_wait3A_250] : memref<10016x48xf32, #tpu.memory_space<vmem_shared>> -> memref<128x48xf32, #tpu.memory_space<vmem_shared>>
    tpu.wait_dma2 semaphore(%arg39 : memref<!tpu.dma_semaphore, #tpu.memory_space<semaphore_mem>>) src(%arg23 : memref<128x48xf32, #tpu.memory_space<vmem>>) dst(%dma_wait3A_251 : memref<128x48xf32, #tpu.memory_space<vmem_shared>>)
    %dma_wait3A_252 = arith.constant 0 : i32
    %dma_wait3A_253 = arith.constant 0 : i32
    %dma_wait3A_254 = tpu.memref_slice %arg7[%dma_wait3A_252, %dma_wait3A_253] : memref<10016x48xf32, #tpu.memory_space<vmem_shared>> -> memref<128x48xf32, #tpu.memory_space<vmem_shared>>
    %dma_wait3A_255 = arith.constant 0 : i32
    %dma_wait3A_256 = arith.constant 0 : i32
    %dma_wait3A_257 = tpu.memref_slice %arg7[%dma_wait3A_255, %dma_wait3A_256] : memref<10016x48xf32, #tpu.memory_space<vmem_shared>> -> memref<128x48xf32, #tpu.memory_space<vmem_shared>>
    tpu.wait_dma2 semaphore(%arg40 : memref<!tpu.dma_semaphore, #tpu.memory_space<semaphore_mem>>) src(%arg24 : memref<128x48xf32, #tpu.memory_space<vmem>>) dst(%dma_wait3A_257 : memref<128x48xf32, #tpu.memory_space<vmem_shared>>)
    %barrier3A_258 = arith.constant 0 : index
    tpu.barrier barrier_id(%barrier3A_258)
    %lt3A_259 = arith.constant 15 : i32
    %lt3A_260 = arith.cmpi slt, %arg1, %lt3A_259 : i32
    %convert_element_type3A_261 = arith.extui %lt3A_260 : i1 to i32
    %cond3A_262 = arith.constant 0 : i32
    %cond3A_263 = arith.cmpi ne, %convert_element_type3A_261, %cond3A_262 : i32
    scf.if %cond3A_263 {
      %mul3A_269 = arith.constant 632 : i32
      %mul3A_270 = arith.muli %arg1, %mul3A_269 : i32
      %multiple_of3A_271 = tpu.assume_multiple %mul3A_270, 8 : i32
      %eq3A_272 = arith.constant 0 : i32
      %eq3A_273 = arith.cmpi eq, %arg0, %eq3A_272 : i32
      %convert_element_type3A_274 = arith.extui %eq3A_273 : i1 to i32
      %cond3A_275 = arith.constant 0 : i32
      %cond3A_276 = arith.cmpi ne, %convert_element_type3A_274, %cond3A_275 : i32
      scf.if %cond3A_276 {
        "tpu.region"() ({
          %run_scoped3A = tpu.sem_alloc : memref<!tpu.dma_semaphore, #tpu.memory_space<semaphore_mem>>
          %dma_start3A_281 = arith.constant 0 : i32
          %dma_start3A_282 = tpu.memref_slice %arg5[%multiple_of3A_271, %dma_start3A_281] : memref<10000x48xf32, #tpu.memory_space<hbm>> -> memref<632x48xf32, #tpu.memory_space<hbm>>
          %dma_start3A_283 = arith.constant 0 : i32
          %dma_start3A_284 = tpu.memref_slice %arg7[%multiple_of3A_271, %dma_start3A_283] : memref<10016x48xf32, #tpu.memory_space<vmem_shared>> -> memref<632x48xf32, #tpu.memory_space<vmem_shared>>
          tpu.enqueue_dma source(%dma_start3A_284 : memref<632x48xf32, #tpu.memory_space<vmem_shared>>) target(%dma_start3A_282 : memref<632x48xf32, #tpu.memory_space<hbm>>) target_semaphore(%run_scoped3A : memref<!tpu.dma_semaphore, #tpu.memory_space<semaphore_mem>>)
          %dma_wait3A_285 = arith.constant 0 : i32
          %dma_wait3A_286 = tpu.memref_slice %arg5[%multiple_of3A_271, %dma_wait3A_285] : memref<10000x48xf32, #tpu.memory_space<hbm>> -> memref<632x48xf32, #tpu.memory_space<hbm>>
          %dma_wait3A_287 = arith.constant 0 : i32
          %dma_wait3A_288 = tpu.memref_slice %arg7[%multiple_of3A_271, %dma_wait3A_287] : memref<10016x48xf32, #tpu.memory_space<vmem_shared>> -> memref<632x48xf32, #tpu.memory_space<vmem_shared>>
          tpu.wait_dma2 semaphore(%run_scoped3A : memref<!tpu.dma_semaphore, #tpu.memory_space<semaphore_mem>>) src(%dma_wait3A_288 : memref<632x48xf32, #tpu.memory_space<vmem_shared>>) dst(%dma_wait3A_286 : memref<632x48xf32, #tpu.memory_space<hbm>>)
          tpu.yield
        }) : () -> ()
      } else {
      }
      %ne3A = arith.constant 0 : i32
      %ne3A_277 = arith.cmpi ne, %arg0, %ne3A : i32
      %convert_element_type3A_278 = arith.extui %ne3A_277 : i1 to i32
      %cond3A_279 = arith.constant 0 : i32
      %cond3A_280 = arith.cmpi ne, %convert_element_type3A_278, %cond3A_279 : i32
      scf.if %cond3A_280 {
        "tpu.region"() ({
          %run_scoped3A = tpu.sem_alloc : memref<!tpu.dma_semaphore, #tpu.memory_space<semaphore_mem>>
          %dma_start3A_281 = arith.constant 0 : i32
          %dma_start3A_282 = tpu.memref_slice %arg6[%multiple_of3A_271, %dma_start3A_281] : memref<10000x48xf32, #tpu.memory_space<hbm>> -> memref<632x48xf32, #tpu.memory_space<hbm>>
          %dma_start3A_283 = arith.constant 0 : i32
          %dma_start3A_284 = tpu.memref_slice %arg7[%multiple_of3A_271, %dma_start3A_283] : memref<10016x48xf32, #tpu.memory_space<vmem_shared>> -> memref<632x48xf32, #tpu.memory_space<vmem_shared>>
          tpu.enqueue_dma source(%dma_start3A_284 : memref<632x48xf32, #tpu.memory_space<vmem_shared>>) target(%dma_start3A_282 : memref<632x48xf32, #tpu.memory_space<hbm>>) target_semaphore(%run_scoped3A : memref<!tpu.dma_semaphore, #tpu.memory_space<semaphore_mem>>)
          %dma_wait3A_285 = arith.constant 0 : i32
          %dma_wait3A_286 = tpu.memref_slice %arg6[%multiple_of3A_271, %dma_wait3A_285] : memref<10000x48xf32, #tpu.memory_space<hbm>> -> memref<632x48xf32, #tpu.memory_space<hbm>>
          %dma_wait3A_287 = arith.constant 0 : i32
          %dma_wait3A_288 = tpu.memref_slice %arg7[%multiple_of3A_271, %dma_wait3A_287] : memref<10016x48xf32, #tpu.memory_space<vmem_shared>> -> memref<632x48xf32, #tpu.memory_space<vmem_shared>>
          tpu.wait_dma2 semaphore(%run_scoped3A : memref<!tpu.dma_semaphore, #tpu.memory_space<semaphore_mem>>) src(%dma_wait3A_288 : memref<632x48xf32, #tpu.memory_space<vmem_shared>>) dst(%dma_wait3A_286 : memref<632x48xf32, #tpu.memory_space<hbm>>)
          tpu.yield
        }) : () -> ()
      } else {
      }
    } else {
    }
    %eq3A_264 = arith.constant 15 : i32
    %eq3A_265 = arith.cmpi eq, %arg1, %eq3A_264 : i32
    %convert_element_type3A_266 = arith.extui %eq3A_265 : i1 to i32
    %cond3A_267 = arith.constant 0 : i32
    %cond3A_268 = arith.cmpi ne, %convert_element_type3A_266, %cond3A_267 : i32
    scf.if %cond3A_268 {
      %eq3A_269 = arith.constant 0 : i32
      %eq3A_270 = arith.cmpi eq, %arg0, %eq3A_269 : i32
      %convert_element_type3A_271 = arith.extui %eq3A_270 : i1 to i32
      %cond3A_272 = arith.constant 0 : i32
      %cond3A_273 = arith.cmpi ne, %convert_element_type3A_271, %cond3A_272 : i32
      scf.if %cond3A_273 {
        "tpu.region"() ({
          %run_scoped3A = tpu.sem_alloc : memref<!tpu.dma_semaphore, #tpu.memory_space<semaphore_mem>>
          %dma_start3A_278 = arith.constant 9480 : i32
          %dma_start3A_279 = arith.constant 0 : i32
          %dma_start3A_280 = tpu.memref_slice %arg5[%dma_start3A_278, %dma_start3A_279] : memref<10000x48xf32, #tpu.memory_space<hbm>> -> memref<520x48xf32, #tpu.memory_space<hbm>>
          %dma_start3A_281 = arith.constant 9480 : i32
          %dma_start3A_282 = arith.constant 0 : i32
          %dma_start3A_283 = tpu.memref_slice %arg7[%dma_start3A_281, %dma_start3A_282] : memref<10016x48xf32, #tpu.memory_space<vmem_shared>> -> memref<520x48xf32, #tpu.memory_space<vmem_shared>>
          tpu.enqueue_dma source(%dma_start3A_283 : memref<520x48xf32, #tpu.memory_space<vmem_shared>>) target(%dma_start3A_280 : memref<520x48xf32, #tpu.memory_space<hbm>>) target_semaphore(%run_scoped3A : memref<!tpu.dma_semaphore, #tpu.memory_space<semaphore_mem>>)
          %dma_wait3A_284 = arith.constant 9480 : i32
          %dma_wait3A_285 = arith.constant 0 : i32
          %dma_wait3A_286 = tpu.memref_slice %arg5[%dma_wait3A_284, %dma_wait3A_285] : memref<10000x48xf32, #tpu.memory_space<hbm>> -> memref<520x48xf32, #tpu.memory_space<hbm>>
          %dma_wait3A_287 = arith.constant 9480 : i32
          %dma_wait3A_288 = arith.constant 0 : i32
          %dma_wait3A_289 = tpu.memref_slice %arg7[%dma_wait3A_287, %dma_wait3A_288] : memref<10016x48xf32, #tpu.memory_space<vmem_shared>> -> memref<520x48xf32, #tpu.memory_space<vmem_shared>>
          tpu.wait_dma2 semaphore(%run_scoped3A : memref<!tpu.dma_semaphore, #tpu.memory_space<semaphore_mem>>) src(%dma_wait3A_289 : memref<520x48xf32, #tpu.memory_space<vmem_shared>>) dst(%dma_wait3A_286 : memref<520x48xf32, #tpu.memory_space<hbm>>)
          tpu.yield
        }) : () -> ()
      } else {
      }
      %ne3A = arith.constant 0 : i32
      %ne3A_274 = arith.cmpi ne, %arg0, %ne3A : i32
      %convert_element_type3A_275 = arith.extui %ne3A_274 : i1 to i32
      %cond3A_276 = arith.constant 0 : i32
      %cond3A_277 = arith.cmpi ne, %convert_element_type3A_275, %cond3A_276 : i32
      scf.if %cond3A_277 {
        "tpu.region"() ({
          %run_scoped3A = tpu.sem_alloc : memref<!tpu.dma_semaphore, #tpu.memory_space<semaphore_mem>>
          %dma_start3A_278 = arith.constant 9480 : i32
          %dma_start3A_279 = arith.constant 0 : i32
          %dma_start3A_280 = tpu.memref_slice %arg6[%dma_start3A_278, %dma_start3A_279] : memref<10000x48xf32, #tpu.memory_space<hbm>> -> memref<520x48xf32, #tpu.memory_space<hbm>>
          %dma_start3A_281 = arith.constant 9480 : i32
          %dma_start3A_282 = arith.constant 0 : i32
          %dma_start3A_283 = tpu.memref_slice %arg7[%dma_start3A_281, %dma_start3A_282] : memref<10016x48xf32, #tpu.memory_space<vmem_shared>> -> memref<520x48xf32, #tpu.memory_space<vmem_shared>>
          tpu.enqueue_dma source(%dma_start3A_283 : memref<520x48xf32, #tpu.memory_space<vmem_shared>>) target(%dma_start3A_280 : memref<520x48xf32, #tpu.memory_space<hbm>>) target_semaphore(%run_scoped3A : memref<!tpu.dma_semaphore, #tpu.memory_space<semaphore_mem>>)
          %dma_wait3A_284 = arith.constant 9480 : i32
          %dma_wait3A_285 = arith.constant 0 : i32
          %dma_wait3A_286 = tpu.memref_slice %arg6[%dma_wait3A_284, %dma_wait3A_285] : memref<10000x48xf32, #tpu.memory_space<hbm>> -> memref<520x48xf32, #tpu.memory_space<hbm>>
          %dma_wait3A_287 = arith.constant 9480 : i32
          %dma_wait3A_288 = arith.constant 0 : i32
          %dma_wait3A_289 = tpu.memref_slice %arg7[%dma_wait3A_287, %dma_wait3A_288] : memref<10016x48xf32, #tpu.memory_space<vmem_shared>> -> memref<520x48xf32, #tpu.memory_space<vmem_shared>>
          tpu.wait_dma2 semaphore(%run_scoped3A : memref<!tpu.dma_semaphore, #tpu.memory_space<semaphore_mem>>) src(%dma_wait3A_289 : memref<520x48xf32, #tpu.memory_space<vmem_shared>>) dst(%dma_wait3A_286 : memref<520x48xf32, #tpu.memory_space<hbm>>)
          tpu.yield
        }) : () -> ()
      } else {
      }
    } else {
    }
    return
  }
}

#map = affine_map<(d0, d1) -> (0, 0)>
module attributes {stable_mosaic.version = 14 : i64} {
  func.func @_degree_kernel(%arg0: i32, %arg1: i32, %arg2: memref<2x163840xi32, #tpu.memory_space<hbm>>, %arg3: memref<32x10000xf32, #tpu.memory_space<hbm>>, %arg4: memref<10016xf32, #tpu.memory_space<vmem>>, %arg5: memref<5120xi32, #tpu.memory_space<vmem>>) attributes {dimension_semantics = [#tpu.dimension_semantics<core_parallel>, #tpu.dimension_semantics<subcore_parallel>], iteration_bounds = array<i64: 2, 16>, scalar_prefetch = 0 : i64, scratch_operands = 2 : i64, tpu.core_type = #tpu.core_type<sc_vector_subcore>, window_params = [{transform_indices = #map}, {transform_indices = #map}]} {
    %mul3A = arith.constant 2 : i32
    %mul3A_0 = arith.muli %arg1, %mul3A : i32
    %add3A = arith.addi %mul3A_0, %arg0 : i32
    %broadcast_in_dim3A = arith.constant 0.000000e+00 : f32
    %broadcast_in_dim3A_1 = vector.broadcast %broadcast_in_dim3A : f32 to vector<16xf32>
    %scan3A = arith.constant 0 : i32
    %scan3A_2 = arith.constant 0 : i32
    %scan3A_3 = arith.constant 626 : i32
    %scan3A_4 = arith.addi %scan3A_2, %scan3A_3 : i32
    %scan3A_5 = arith.constant 1 : i32
    %scan3A_6 = scf.for %scan3A_19 = %scan3A_2 to %scan3A_4 step %scan3A_5 iter_args(%scan3A_20 = %scan3A) -> (i32)  : i32 {
      %mul3A_21 = arith.constant 16 : i32
      %mul3A_22 = arith.muli %scan3A_19, %mul3A_21 : i32
      %swap3A = arith.index_cast %mul3A_22 : i32 to index
      %swap3A_23 = tpu.vector_load %arg4[%swap3A] {strides = array<i32>} : memref<10016xf32, #tpu.memory_space<vmem>>, vector<16xf32>,
      tpu.vector_store %arg4[%swap3A], %broadcast_in_dim3A_1 {strides = array<i32>} : memref<10016xf32, #tpu.memory_space<vmem>>, vector<16xf32>,
      %scan3A_24 = arith.constant 0 : i32
      scf.yield %scan3A_24 : i32
    }
    %scan3A_7 = arith.constant 626 : i32
    %mul3A_8 = arith.constant 5120 : i32
    %mul3A_9 = arith.muli %add3A, %mul3A_8 : i32
    %run_scoped3A = arith.constant 1 : i32
    "tpu.region"() ({
      %run_scoped3A_19 = tpu.sem_alloc : memref<!tpu.dma_semaphore, #tpu.memory_space<semaphore_mem>>
      %dma_start3A = tpu.memref_slice %arg2[%run_scoped3A, %mul3A_9] : memref<2x163840xi32, #tpu.memory_space<hbm>> -> memref<1x5120xi32, #tpu.memory_space<hbm>>
      %dma_start3A_20 = tpu.memref_squeeze %dma_start3A : memref<1x5120xi32, #tpu.memory_space<hbm>> -> memref<5120xi32, #tpu.memory_space<hbm>>
      %dma_start3A_21 = tpu.memref_slice %arg2[%run_scoped3A, %mul3A_9] : memref<2x163840xi32, #tpu.memory_space<hbm>> -> memref<1x5120xi32, #tpu.memory_space<hbm>>
      %dma_start3A_22 = tpu.memref_squeeze %dma_start3A_21 : memref<1x5120xi32, #tpu.memory_space<hbm>> -> memref<5120xi32, #tpu.memory_space<hbm>>
      tpu.enqueue_dma source(%dma_start3A_22 : memref<5120xi32, #tpu.memory_space<hbm>>) target(%arg5 : memref<5120xi32, #tpu.memory_space<vmem>>) target_semaphore(%run_scoped3A_19 : memref<!tpu.dma_semaphore, #tpu.memory_space<semaphore_mem>>)
      %dma_wait3A = tpu.memref_slice %arg2[%run_scoped3A, %mul3A_9] : memref<2x163840xi32, #tpu.memory_space<hbm>> -> memref<1x5120xi32, #tpu.memory_space<hbm>>
      %dma_wait3A_23 = tpu.memref_squeeze %dma_wait3A : memref<1x5120xi32, #tpu.memory_space<hbm>> -> memref<5120xi32, #tpu.memory_space<hbm>>
      %dma_wait3A_24 = tpu.memref_slice %arg2[%run_scoped3A, %mul3A_9] : memref<2x163840xi32, #tpu.memory_space<hbm>> -> memref<1x5120xi32, #tpu.memory_space<hbm>>
      %dma_wait3A_25 = tpu.memref_squeeze %dma_wait3A_24 : memref<1x5120xi32, #tpu.memory_space<hbm>> -> memref<5120xi32, #tpu.memory_space<hbm>>
      tpu.wait_dma2 semaphore(%run_scoped3A_19 : memref<!tpu.dma_semaphore, #tpu.memory_space<semaphore_mem>>) src(%dma_wait3A_25 : memref<5120xi32, #tpu.memory_space<hbm>>) dst(%arg5 : memref<5120xi32, #tpu.memory_space<vmem>>)
      tpu.yield
    }) : () -> ()
    %broadcast_in_dim3A_10 = arith.constant 1.000000e+00 : f32
    %broadcast_in_dim3A_11 = vector.broadcast %broadcast_in_dim3A_10 : f32 to vector<16xf32>
    %scan3A_12 = arith.constant 0 : i32
    %scan3A_13 = arith.constant 0 : i32
    %scan3A_14 = arith.constant 320 : i32
    %scan3A_15 = arith.addi %scan3A_13, %scan3A_14 : i32
    %scan3A_16 = arith.constant 1 : i32
    %scan3A_17 = scf.for %scan3A_19 = %scan3A_13 to %scan3A_15 step %scan3A_16 iter_args(%scan3A_20 = %scan3A_12) -> (i32)  : i32 {
      %mul3A_21 = arith.constant 16 : i32
      %mul3A_22 = arith.muli %scan3A_19, %mul3A_21 : i32
      %get3A = arith.index_cast %mul3A_22 : i32 to index
      %get3A_23 = tpu.vector_load %arg5[%get3A] {strides = array<i32>} : memref<5120xi32, #tpu.memory_space<vmem>>, vector<16xi32>,
      tpu.vector_store_idx %arg4[%get3A_23], %broadcast_in_dim3A_11 {add = true} : memref<10016xf32, #tpu.memory_space<vmem>>[vector<16xi32>], vector<16xf32>,
      %scan3A_24 = arith.constant 0 : i32
      scf.yield %scan3A_24 : i32
    }
    %scan3A_18 = arith.constant 320 : i32
    "tpu.region"() ({
      %run_scoped3A_19 = tpu.sem_alloc : memref<!tpu.dma_semaphore, #tpu.memory_space<semaphore_mem>>
      %dma_start3A = arith.constant 0 : i32
      %dma_start3A_20 = tpu.memref_slice %arg4[%dma_start3A] : memref<10016xf32, #tpu.memory_space<vmem>> -> memref<10000xf32, #tpu.memory_space<vmem>>
      %dma_start3A_21 = arith.constant 0 : i32
      %dma_start3A_22 = tpu.memref_slice %arg3[%add3A, %dma_start3A_21] : memref<32x10000xf32, #tpu.memory_space<hbm>> -> memref<1x10000xf32, #tpu.memory_space<hbm>>
      %dma_start3A_23 = tpu.memref_squeeze %dma_start3A_22 : memref<1x10000xf32, #tpu.memory_space<hbm>> -> memref<10000xf32, #tpu.memory_space<hbm>>
      %dma_start3A_24 = arith.constant 0 : i32
      %dma_start3A_25 = tpu.memref_slice %arg3[%add3A, %dma_start3A_24] : memref<32x10000xf32, #tpu.memory_space<hbm>> -> memref<1x10000xf32, #tpu.memory_space<hbm>>
      %dma_start3A_26 = tpu.memref_squeeze %dma_start3A_25 : memref<1x10000xf32, #tpu.memory_space<hbm>> -> memref<10000xf32, #tpu.memory_space<hbm>>
      %dma_start3A_27 = arith.constant 0 : i32
      %dma_start3A_28 = tpu.memref_slice %arg4[%dma_start3A_27] : memref<10016xf32, #tpu.memory_space<vmem>> -> memref<10000xf32, #tpu.memory_space<vmem>>
      tpu.enqueue_dma source(%dma_start3A_28 : memref<10000xf32, #tpu.memory_space<vmem>>) target(%dma_start3A_26 : memref<10000xf32, #tpu.memory_space<hbm>>) target_semaphore(%run_scoped3A_19 : memref<!tpu.dma_semaphore, #tpu.memory_space<semaphore_mem>>)
      %dma_wait3A = arith.constant 0 : i32
      %dma_wait3A_29 = tpu.memref_slice %arg4[%dma_wait3A] : memref<10016xf32, #tpu.memory_space<vmem>> -> memref<10000xf32, #tpu.memory_space<vmem>>
      %dma_wait3A_30 = arith.constant 0 : i32
      %dma_wait3A_31 = tpu.memref_slice %arg3[%add3A, %dma_wait3A_30] : memref<32x10000xf32, #tpu.memory_space<hbm>> -> memref<1x10000xf32, #tpu.memory_space<hbm>>
      %dma_wait3A_32 = tpu.memref_squeeze %dma_wait3A_31 : memref<1x10000xf32, #tpu.memory_space<hbm>> -> memref<10000xf32, #tpu.memory_space<hbm>>
      %dma_wait3A_33 = arith.constant 0 : i32
      %dma_wait3A_34 = tpu.memref_slice %arg3[%add3A, %dma_wait3A_33] : memref<32x10000xf32, #tpu.memory_space<hbm>> -> memref<1x10000xf32, #tpu.memory_space<hbm>>
      %dma_wait3A_35 = tpu.memref_squeeze %dma_wait3A_34 : memref<1x10000xf32, #tpu.memory_space<hbm>> -> memref<10000xf32, #tpu.memory_space<hbm>>
      %dma_wait3A_36 = arith.constant 0 : i32
      %dma_wait3A_37 = tpu.memref_slice %arg4[%dma_wait3A_36] : memref<10016xf32, #tpu.memory_space<vmem>> -> memref<10000xf32, #tpu.memory_space<vmem>>
      tpu.wait_dma2 semaphore(%run_scoped3A_19 : memref<!tpu.dma_semaphore, #tpu.memory_space<semaphore_mem>>) src(%dma_wait3A_37 : memref<10000xf32, #tpu.memory_space<vmem>>) dst(%dma_wait3A_35 : memref<10000xf32, #tpu.memory_space<hbm>>)
      tpu.yield
    }) : () -> ()
    return
  }
}

#map = affine_map<(d0, d1) -> (0, 0)>
module attributes {stable_mosaic.version = 14 : i64} {
  func.func @_prop_kernel(%arg0: i32, %arg1: i32, %arg2: memref<10000x48xf32, #tpu.memory_space<hbm>>, %arg3: memref<2x163840xi32, #tpu.memory_space<hbm>>, %arg4: memref<10000x48xf32, #tpu.memory_space<hbm>>, %arg5: memref<10000x48xf32, #tpu.memory_space<hbm>>, %arg6: memref<10000x48xf32, #tpu.memory_space<hbm>>, %arg7: memref<10016x48xf32, #tpu.memory_space<vmem_shared>>, %arg8: memref<10000x48xf32, #tpu.memory_space<vmem_shared>>, %arg9: memref<2x128xi32, #tpu.memory_space<vmem>>, %arg10: memref<2x128xi32, #tpu.memory_space<vmem>>, %arg11: memref<2x128xi32, #tpu.memory_space<vmem>>, %arg12: memref<2x128xi32, #tpu.memory_space<vmem>>, %arg13: memref<2x128xi32, #tpu.memory_space<vmem>>, %arg14: memref<2x128xi32, #tpu.memory_space<vmem>>, %arg15: memref<2x128xi32, #tpu.memory_space<vmem>>, %arg16: memref<2x128xi32, #tpu.memory_space<vmem>>, %arg17: memref<128x48xf32, #tpu.memory_space<vmem>>, %arg18: memref<128x48xf32, #tpu.memory_space<vmem>>, %arg19: memref<128x48xf32, #tpu.memory_space<vmem>>, %arg20: memref<128x48xf32, #tpu.memory_space<vmem>>, %arg21: memref<128x48xf32, #tpu.memory_space<vmem>>, %arg22: memref<128x48xf32, #tpu.memory_space<vmem>>, %arg23: memref<128x48xf32, #tpu.memory_space<vmem>>, %arg24: memref<128x48xf32, #tpu.memory_space<vmem>>, %arg25: memref<!tpu.dma_semaphore, #tpu.memory_space<semaphore_mem>>, %arg26: memref<!tpu.dma_semaphore, #tpu.memory_space<semaphore_mem>>, %arg27: memref<!tpu.dma_semaphore, #tpu.memory_space<semaphore_mem>>, %arg28: memref<!tpu.dma_semaphore, #tpu.memory_space<semaphore_mem>>, %arg29: memref<!tpu.dma_semaphore, #tpu.memory_space<semaphore_mem>>, %arg30: memref<!tpu.dma_semaphore, #tpu.memory_space<semaphore_mem>>, %arg31: memref<!tpu.dma_semaphore, #tpu.memory_space<semaphore_mem>>, %arg32: memref<!tpu.dma_semaphore, #tpu.memory_space<semaphore_mem>>, %arg33: memref<!tpu.dma_semaphore, #tpu.memory_space<semaphore_mem>>, %arg34: memref<!tpu.dma_semaphore, #tpu.memory_space<semaphore_mem>>, %arg35: memref<!tpu.dma_semaphore, #tpu.memory_space<semaphore_mem>>, %arg36: memref<!tpu.dma_semaphore, #tpu.memory_space<semaphore_mem>>, %arg37: memref<!tpu.dma_semaphore, #tpu.memory_space<semaphore_mem>>, %arg38: memref<!tpu.dma_semaphore, #tpu.memory_space<semaphore_mem>>, %arg39: memref<!tpu.dma_semaphore, #tpu.memory_space<semaphore_mem>>, %arg40: memref<!tpu.dma_semaphore, #tpu.memory_space<semaphore_mem>>) attributes {dimension_semantics = [#tpu.dimension_semantics<core_parallel>, #tpu.dimension_semantics<subcore_parallel>], iteration_bounds = array<i64: 2, 16>, scalar_prefetch = 0 : i64, scratch_operands = 34 : i64, tpu.core_type = #tpu.core_type<sc_vector_subcore>, window_params = [{transform_indices = #map}, {transform_indices = #map}, {transform_indices = #map}, {transform_indices = #map}, {transform_indices = #map}]} {
    %mul3A = arith.constant 2 : i32
    %mul3A_0 = arith.muli %arg1, %mul3A : i32
    %add3A = arith.addi %mul3A_0, %arg0 : i32
    %lt3A = arith.constant 15 : i32
    %lt3A_1 = arith.cmpi slt, %arg1, %lt3A : i32
    %convert_element_type3A = arith.extui %lt3A_1 : i1 to i32
    %cond3A = arith.constant 0 : i32
    %cond3A_2 = arith.cmpi ne, %convert_element_type3A, %cond3A : i32
    scf.if %cond3A_2 {
      %mul3A_269 = arith.constant 632 : i32
      %mul3A_270 = arith.muli %arg1, %mul3A_269 : i32
      %multiple_of3A_271 = tpu.assume_multiple %mul3A_270, 8 : i32
      "tpu.region"() ({
        %run_scoped3A = tpu.sem_alloc : memref<!tpu.dma_semaphore, #tpu.memory_space<semaphore_mem>>
        %dma_start3A_281 = arith.constant 0 : i32
        %dma_start3A_282 = tpu.memref_slice %arg8[%multiple_of3A_271, %dma_start3A_281] : memref<10000x48xf32, #tpu.memory_space<vmem_shared>> -> memref<632x48xf32, #tpu.memory_space<vmem_shared>>
        %dma_start3A_283 = arith.constant 0 : i32
        %dma_start3A_284 = tpu.memref_slice %arg2[%multiple_of3A_271, %dma_start3A_283] : memref<10000x48xf32, #tpu.memory_space<hbm>> -> memref<632x48xf32, #tpu.memory_space<hbm>>
        tpu.enqueue_dma source(%dma_start3A_284 : memref<632x48xf32, #tpu.memory_space<hbm>>) target(%dma_start3A_282 : memref<632x48xf32, #tpu.memory_space<vmem_shared>>) target_semaphore(%run_scoped3A : memref<!tpu.dma_semaphore, #tpu.memory_space<semaphore_mem>>)
        %dma_wait3A_285 = arith.constant 0 : i32
        %dma_wait3A_286 = tpu.memref_slice %arg8[%multiple_of3A_271, %dma_wait3A_285] : memref<10000x48xf32, #tpu.memory_space<vmem_shared>> -> memref<632x48xf32, #tpu.memory_space<vmem_shared>>
        %dma_wait3A_287 = arith.constant 0 : i32
        %dma_wait3A_288 = tpu.memref_slice %arg2[%multiple_of3A_271, %dma_wait3A_287] : memref<10000x48xf32, #tpu.memory_space<hbm>> -> memref<632x48xf32, #tpu.memory_space<hbm>>
        tpu.wait_dma2 semaphore(%run_scoped3A : memref<!tpu.dma_semaphore, #tpu.memory_space<semaphore_mem>>) src(%dma_wait3A_288 : memref<632x48xf32, #tpu.memory_space<hbm>>) dst(%dma_wait3A_286 : memref<632x48xf32, #tpu.memory_space<vmem_shared>>)
        tpu.yield
      }) : () -> ()
      %eq3A_272 = arith.constant 0 : i32
      %eq3A_273 = arith.cmpi eq, %arg0, %eq3A_272 : i32
      %convert_element_type3A_274 = arith.extui %eq3A_273 : i1 to i32
      %cond3A_275 = arith.constant 0 : i32
      %cond3A_276 = arith.cmpi ne, %convert_element_type3A_274, %cond3A_275 : i32
      scf.if %cond3A_276 {
        "tpu.region"() ({
          %run_scoped3A = tpu.sem_alloc : memref<!tpu.dma_semaphore, #tpu.memory_space<semaphore_mem>>
          %dma_start3A_281 = arith.constant 0 : i32
          %dma_start3A_282 = tpu.memref_slice %arg7[%multiple_of3A_271, %dma_start3A_281] : memref<10016x48xf32, #tpu.memory_space<vmem_shared>> -> memref<632x48xf32, #tpu.memory_space<vmem_shared>>
          %dma_start3A_283 = arith.constant 0 : i32
          %dma_start3A_284 = tpu.memref_slice %arg2[%multiple_of3A_271, %dma_start3A_283] : memref<10000x48xf32, #tpu.memory_space<hbm>> -> memref<632x48xf32, #tpu.memory_space<hbm>>
          tpu.enqueue_dma source(%dma_start3A_284 : memref<632x48xf32, #tpu.memory_space<hbm>>) target(%dma_start3A_282 : memref<632x48xf32, #tpu.memory_space<vmem_shared>>) target_semaphore(%run_scoped3A : memref<!tpu.dma_semaphore, #tpu.memory_space<semaphore_mem>>)
          %dma_wait3A_285 = arith.constant 0 : i32
          %dma_wait3A_286 = tpu.memref_slice %arg7[%multiple_of3A_271, %dma_wait3A_285] : memref<10016x48xf32, #tpu.memory_space<vmem_shared>> -> memref<632x48xf32, #tpu.memory_space<vmem_shared>>
          %dma_wait3A_287 = arith.constant 0 : i32
          %dma_wait3A_288 = tpu.memref_slice %arg2[%multiple_of3A_271, %dma_wait3A_287] : memref<10000x48xf32, #tpu.memory_space<hbm>> -> memref<632x48xf32, #tpu.memory_space<hbm>>
          tpu.wait_dma2 semaphore(%run_scoped3A : memref<!tpu.dma_semaphore, #tpu.memory_space<semaphore_mem>>) src(%dma_wait3A_288 : memref<632x48xf32, #tpu.memory_space<hbm>>) dst(%dma_wait3A_286 : memref<632x48xf32, #tpu.memory_space<vmem_shared>>)
          tpu.yield
        }) : () -> ()
      } else {
      }
      %ne3A = arith.constant 0 : i32
      %ne3A_277 = arith.cmpi ne, %arg0, %ne3A : i32
      %convert_element_type3A_278 = arith.extui %ne3A_277 : i1 to i32
      %cond3A_279 = arith.constant 0 : i32
      %cond3A_280 = arith.cmpi ne, %convert_element_type3A_278, %cond3A_279 : i32
      scf.if %cond3A_280 {
        "tpu.region"() ({
          %run_scoped3A = tpu.sem_alloc : memref<!tpu.dma_semaphore, #tpu.memory_space<semaphore_mem>>
          %dma_start3A_281 = arith.constant 0 : i32
          %dma_start3A_282 = tpu.memref_slice %arg7[%multiple_of3A_271, %dma_start3A_281] : memref<10016x48xf32, #tpu.memory_space<vmem_shared>> -> memref<632x48xf32, #tpu.memory_space<vmem_shared>>
          %dma_start3A_283 = arith.constant 0 : i32
          %dma_start3A_284 = tpu.memref_slice %arg4[%multiple_of3A_271, %dma_start3A_283] : memref<10000x48xf32, #tpu.memory_space<hbm>> -> memref<632x48xf32, #tpu.memory_space<hbm>>
          tpu.enqueue_dma source(%dma_start3A_284 : memref<632x48xf32, #tpu.memory_space<hbm>>) target(%dma_start3A_282 : memref<632x48xf32, #tpu.memory_space<vmem_shared>>) target_semaphore(%run_scoped3A : memref<!tpu.dma_semaphore, #tpu.memory_space<semaphore_mem>>)
          %dma_wait3A_285 = arith.constant 0 : i32
          %dma_wait3A_286 = tpu.memref_slice %arg7[%multiple_of3A_271, %dma_wait3A_285] : memref<10016x48xf32, #tpu.memory_space<vmem_shared>> -> memref<632x48xf32, #tpu.memory_space<vmem_shared>>
          %dma_wait3A_287 = arith.constant 0 : i32
          %dma_wait3A_288 = tpu.memref_slice %arg4[%multiple_of3A_271, %dma_wait3A_287] : memref<10000x48xf32, #tpu.memory_space<hbm>> -> memref<632x48xf32, #tpu.memory_space<hbm>>
          tpu.wait_dma2 semaphore(%run_scoped3A : memref<!tpu.dma_semaphore, #tpu.memory_space<semaphore_mem>>) src(%dma_wait3A_288 : memref<632x48xf32, #tpu.memory_space<hbm>>) dst(%dma_wait3A_286 : memref<632x48xf32, #tpu.memory_space<vmem_shared>>)
          tpu.yield
        }) : () -> ()
      } else {
      }
    } else {
    }
    %eq3A = arith.constant 15 : i32
    %eq3A_3 = arith.cmpi eq, %arg1, %eq3A : i32
    %convert_element_type3A_4 = arith.extui %eq3A_3 : i1 to i32
    %cond3A_5 = arith.constant 0 : i32
    %cond3A_6 = arith.cmpi ne, %convert_element_type3A_4, %cond3A_5 : i32
    scf.if %cond3A_6 {
      "tpu.region"() ({
        %run_scoped3A = tpu.sem_alloc : memref<!tpu.dma_semaphore, #tpu.memory_space<semaphore_mem>>
        %dma_start3A_278 = arith.constant 9480 : i32
        %dma_start3A_279 = arith.constant 0 : i32
        %dma_start3A_280 = tpu.memref_slice %arg8[%dma_start3A_278, %dma_start3A_279] : memref<10000x48xf32, #tpu.memory_space<vmem_shared>> -> memref<520x48xf32, #tpu.memory_space<vmem_shared>>
        %dma_start3A_281 = arith.constant 9480 : i32
        %dma_start3A_282 = arith.constant 0 : i32
        %dma_start3A_283 = tpu.memref_slice %arg2[%dma_start3A_281, %dma_start3A_282] : memref<10000x48xf32, #tpu.memory_space<hbm>> -> memref<520x48xf32, #tpu.memory_space<hbm>>
        tpu.enqueue_dma source(%dma_start3A_283 : memref<520x48xf32, #tpu.memory_space<hbm>>) target(%dma_start3A_280 : memref<520x48xf32, #tpu.memory_space<vmem_shared>>) target_semaphore(%run_scoped3A : memref<!tpu.dma_semaphore, #tpu.memory_space<semaphore_mem>>)
        %dma_wait3A_284 = arith.constant 9480 : i32
        %dma_wait3A_285 = arith.constant 0 : i32
        %dma_wait3A_286 = tpu.memref_slice %arg8[%dma_wait3A_284, %dma_wait3A_285] : memref<10000x48xf32, #tpu.memory_space<vmem_shared>> -> memref<520x48xf32, #tpu.memory_space<vmem_shared>>
        %dma_wait3A_287 = arith.constant 9480 : i32
        %dma_wait3A_288 = arith.constant 0 : i32
        %dma_wait3A_289 = tpu.memref_slice %arg2[%dma_wait3A_287, %dma_wait3A_288] : memref<10000x48xf32, #tpu.memory_space<hbm>> -> memref<520x48xf32, #tpu.memory_space<hbm>>
        tpu.wait_dma2 semaphore(%run_scoped3A : memref<!tpu.dma_semaphore, #tpu.memory_space<semaphore_mem>>) src(%dma_wait3A_289 : memref<520x48xf32, #tpu.memory_space<hbm>>) dst(%dma_wait3A_286 : memref<520x48xf32, #tpu.memory_space<vmem_shared>>)
        tpu.yield
      }) : () -> ()
      %eq3A_269 = arith.constant 0 : i32
      %eq3A_270 = arith.cmpi eq, %arg0, %eq3A_269 : i32
      %convert_element_type3A_271 = arith.extui %eq3A_270 : i1 to i32
      %cond3A_272 = arith.constant 0 : i32
      %cond3A_273 = arith.cmpi ne, %convert_element_type3A_271, %cond3A_272 : i32
      scf.if %cond3A_273 {
        "tpu.region"() ({
          %run_scoped3A = tpu.sem_alloc : memref<!tpu.dma_semaphore, #tpu.memory_space<semaphore_mem>>
          %dma_start3A_278 = arith.constant 9480 : i32
          %dma_start3A_279 = arith.constant 0 : i32
          %dma_start3A_280 = tpu.memref_slice %arg7[%dma_start3A_278, %dma_start3A_279] : memref<10016x48xf32, #tpu.memory_space<vmem_shared>> -> memref<520x48xf32, #tpu.memory_space<vmem_shared>>
          %dma_start3A_281 = arith.constant 9480 : i32
          %dma_start3A_282 = arith.constant 0 : i32
          %dma_start3A_283 = tpu.memref_slice %arg2[%dma_start3A_281, %dma_start3A_282] : memref<10000x48xf32, #tpu.memory_space<hbm>> -> memref<520x48xf32, #tpu.memory_space<hbm>>
          tpu.enqueue_dma source(%dma_start3A_283 : memref<520x48xf32, #tpu.memory_space<hbm>>) target(%dma_start3A_280 : memref<520x48xf32, #tpu.memory_space<vmem_shared>>) target_semaphore(%run_scoped3A : memref<!tpu.dma_semaphore, #tpu.memory_space<semaphore_mem>>)
          %dma_wait3A_284 = arith.constant 9480 : i32
          %dma_wait3A_285 = arith.constant 0 : i32
          %dma_wait3A_286 = tpu.memref_slice %arg7[%dma_wait3A_284, %dma_wait3A_285] : memref<10016x48xf32, #tpu.memory_space<vmem_shared>> -> memref<520x48xf32, #tpu.memory_space<vmem_shared>>
          %dma_wait3A_287 = arith.constant 9480 : i32
          %dma_wait3A_288 = arith.constant 0 : i32
          %dma_wait3A_289 = tpu.memref_slice %arg2[%dma_wait3A_287, %dma_wait3A_288] : memref<10000x48xf32, #tpu.memory_space<hbm>> -> memref<520x48xf32, #tpu.memory_space<hbm>>
          tpu.wait_dma2 semaphore(%run_scoped3A : memref<!tpu.dma_semaphore, #tpu.memory_space<semaphore_mem>>) src(%dma_wait3A_289 : memref<520x48xf32, #tpu.memory_space<hbm>>) dst(%dma_wait3A_286 : memref<520x48xf32, #tpu.memory_space<vmem_shared>>)
          tpu.yield
        }) : () -> ()
      } else {
      }
      %ne3A = arith.constant 0 : i32
      %ne3A_274 = arith.cmpi ne, %arg0, %ne3A : i32
      %convert_element_type3A_275 = arith.extui %ne3A_274 : i1 to i32
      %cond3A_276 = arith.constant 0 : i32
      %cond3A_277 = arith.cmpi ne, %convert_element_type3A_275, %cond3A_276 : i32
      scf.if %cond3A_277 {
        "tpu.region"() ({
          %run_scoped3A = tpu.sem_alloc : memref<!tpu.dma_semaphore, #tpu.memory_space<semaphore_mem>>
          %dma_start3A_278 = arith.constant 9480 : i32
          %dma_start3A_279 = arith.constant 0 : i32
          %dma_start3A_280 = tpu.memref_slice %arg7[%dma_start3A_278, %dma_start3A_279] : memref<10016x48xf32, #tpu.memory_space<vmem_shared>> -> memref<520x48xf32, #tpu.memory_space<vmem_shared>>
          %dma_start3A_281 = arith.constant 9480 : i32
          %dma_start3A_282 = arith.constant 0 : i32
          %dma_start3A_283 = tpu.memref_slice %arg4[%dma_start3A_281, %dma_start3A_282] : memref<10000x48xf32, #tpu.memory_space<hbm>> -> memref<520x48xf32, #tpu.memory_space<hbm>>
          tpu.enqueue_dma source(%dma_start3A_283 : memref<520x48xf32, #tpu.memory_space<hbm>>) target(%dma_start3A_280 : memref<520x48xf32, #tpu.memory_space<vmem_shared>>) target_semaphore(%run_scoped3A : memref<!tpu.dma_semaphore, #tpu.memory_space<semaphore_mem>>)
          %dma_wait3A_284 = arith.constant 9480 : i32
          %dma_wait3A_285 = arith.constant 0 : i32
          %dma_wait3A_286 = tpu.memref_slice %arg7[%dma_wait3A_284, %dma_wait3A_285] : memref<10016x48xf32, #tpu.memory_space<vmem_shared>> -> memref<520x48xf32, #tpu.memory_space<vmem_shared>>
          %dma_wait3A_287 = arith.constant 9480 : i32
          %dma_wait3A_288 = arith.constant 0 : i32
          %dma_wait3A_289 = tpu.memref_slice %arg4[%dma_wait3A_287, %dma_wait3A_288] : memref<10000x48xf32, #tpu.memory_space<hbm>> -> memref<520x48xf32, #tpu.memory_space<hbm>>
          tpu.wait_dma2 semaphore(%run_scoped3A : memref<!tpu.dma_semaphore, #tpu.memory_space<semaphore_mem>>) src(%dma_wait3A_289 : memref<520x48xf32, #tpu.memory_space<hbm>>) dst(%dma_wait3A_286 : memref<520x48xf32, #tpu.memory_space<vmem_shared>>)
          tpu.yield
        }) : () -> ()
      } else {
      }
    } else {
    }
    %barrier3A = arith.constant 0 : index
    tpu.barrier barrier_id(%barrier3A)
    %add3A_7 = arith.constant 0 : i32
    %add3A_8 = arith.addi %add3A_7, %add3A : i32
    %mul3A_9 = arith.constant 128 : i32
    %mul3A_10 = arith.muli %add3A_8, %mul3A_9 : i32
    %multiple_of3A = tpu.assume_multiple %mul3A_10, 8 : i32
    "tpu.region"() ({
      %run_scoped3A = tpu.sem_alloc : memref<!tpu.dma_semaphore, #tpu.memory_space<semaphore_mem>>
      %dma_start3A_269 = arith.constant 0 : i32
      %dma_start3A_270 = tpu.memref_slice %arg3[%dma_start3A_269, %multiple_of3A] : memref<2x163840xi32, #tpu.memory_space<hbm>> -> memref<2x128xi32, #tpu.memory_space<hbm>>
      %dma_start3A_271 = arith.constant 0 : i32
      %dma_start3A_272 = tpu.memref_slice %arg3[%dma_start3A_271, %multiple_of3A] : memref<2x163840xi32, #tpu.memory_space<hbm>> -> memref<2x128xi32, #tpu.memory_space<hbm>>
      tpu.enqueue_dma source(%dma_start3A_272 : memref<2x128xi32, #tpu.memory_space<hbm>>) target(%arg9 : memref<2x128xi32, #tpu.memory_space<vmem>>) target_semaphore(%run_scoped3A : memref<!tpu.dma_semaphore, #tpu.memory_space<semaphore_mem>>)
      %dma_wait3A_273 = arith.constant 0 : i32
      %dma_wait3A_274 = tpu.memref_slice %arg3[%dma_wait3A_273, %multiple_of3A] : memref<2x163840xi32, #tpu.memory_space<hbm>> -> memref<2x128xi32, #tpu.memory_space<hbm>>
      %dma_wait3A_275 = arith.constant 0 : i32
      %dma_wait3A_276 = tpu.memref_slice %arg3[%dma_wait3A_275, %multiple_of3A] : memref<2x163840xi32, #tpu.memory_space<hbm>> -> memref<2x128xi32, #tpu.memory_space<hbm>>
      tpu.wait_dma2 semaphore(%run_scoped3A : memref<!tpu.dma_semaphore, #tpu.memory_space<semaphore_mem>>) src(%dma_wait3A_276 : memref<2x128xi32, #tpu.memory_space<hbm>>) dst(%arg9 : memref<2x128xi32, #tpu.memory_space<vmem>>)
      tpu.yield
    }) : () -> ()
    %dma_start3A = arith.constant 0 : i32
    %dma_start3A_11 = arith.constant 0 : i32
    %dma_start3A_12 = tpu.memref_slice %arg9[%dma_start3A, %dma_start3A_11] : memref<2x128xi32, #tpu.memory_space<vmem>> -> memref<1x128xi32, #tpu.memory_space<vmem>>
    %dma_start3A_13 = tpu.memref_squeeze %dma_start3A_12 : memref<1x128xi32, #tpu.memory_space<vmem>> -> memref<128xi32, #tpu.memory_space<vmem>>
    %dma_start3A_14 = arith.constant 0 : i32
    %dma_start3A_15 = arith.constant 0 : i32
    %dma_start3A_16 = tpu.memref_slice %arg8[%dma_start3A_14, %dma_start3A_15] : memref<10000x48xf32, #tpu.memory_space<vmem_shared>> -> memref<10000x48xf32, #tpu.memory_space<vmem_shared>>
    tpu.enqueue_indirect_dma source(%dma_start3A_16 : memref<10000x48xf32, #tpu.memory_space<vmem_shared>>) target(%arg17 : memref<128x48xf32, #tpu.memory_space<vmem>>) offsets(%dma_start3A_13 : memref<128xi32, #tpu.memory_space<vmem>>) semaphore(%arg25 : memref<!tpu.dma_semaphore, #tpu.memory_space<semaphore_mem>>)
    %add3A_17 = arith.constant 32 : i32
    %add3A_18 = arith.addi %add3A_17, %add3A : i32
    %mul3A_19 = arith.constant 128 : i32
    %mul3A_20 = arith.muli %add3A_18, %mul3A_19 : i32
    %multiple_of3A_21 = tpu.assume_multiple %mul3A_20, 8 : i32
    "tpu.region"() ({
      %run_scoped3A = tpu.sem_alloc : memref<!tpu.dma_semaphore, #tpu.memory_space<semaphore_mem>>
      %dma_start3A_269 = arith.constant 0 : i32
      %dma_start3A_270 = tpu.memref_slice %arg3[%dma_start3A_269, %multiple_of3A_21] : memref<2x163840xi32, #tpu.memory_space<hbm>> -> memref<2x128xi32, #tpu.memory_space<hbm>>
      %dma_start3A_271 = arith.constant 0 : i32
      %dma_start3A_272 = tpu.memref_slice %arg3[%dma_start3A_271, %multiple_of3A_21] : memref<2x163840xi32, #tpu.memory_space<hbm>> -> memref<2x128xi32, #tpu.memory_space<hbm>>
      tpu.enqueue_dma source(%dma_start3A_272 : memref<2x128xi32, #tpu.memory_space<hbm>>) target(%arg10 : memref<2x128xi32, #tpu.memory_space<vmem>>) target_semaphore(%run_scoped3A : memref<!tpu.dma_semaphore, #tpu.memory_space<semaphore_mem>>)
      %dma_wait3A_273 = arith.constant 0 : i32
      %dma_wait3A_274 = tpu.memref_slice %arg3[%dma_wait3A_273, %multiple_of3A_21] : memref<2x163840xi32, #tpu.memory_space<hbm>> -> memref<2x128xi32, #tpu.memory_space<hbm>>
      %dma_wait3A_275 = arith.constant 0 : i32
      %dma_wait3A_276 = tpu.memref_slice %arg3[%dma_wait3A_275, %multiple_of3A_21] : memref<2x163840xi32, #tpu.memory_space<hbm>> -> memref<2x128xi32, #tpu.memory_space<hbm>>
      tpu.wait_dma2 semaphore(%run_scoped3A : memref<!tpu.dma_semaphore, #tpu.memory_space<semaphore_mem>>) src(%dma_wait3A_276 : memref<2x128xi32, #tpu.memory_space<hbm>>) dst(%arg10 : memref<2x128xi32, #tpu.memory_space<vmem>>)
      tpu.yield
    }) : () -> ()
    %dma_start3A_22 = arith.constant 0 : i32
    %dma_start3A_23 = arith.constant 0 : i32
    %dma_start3A_24 = tpu.memref_slice %arg10[%dma_start3A_22, %dma_start3A_23] : memref<2x128xi32, #tpu.memory_space<vmem>> -> memref<1x128xi32, #tpu.memory_space<vmem>>
    %dma_start3A_25 = tpu.memref_squeeze %dma_start3A_24 : memref<1x128xi32, #tpu.memory_space<vmem>> -> memref<128xi32, #tpu.memory_space<vmem>>
    %dma_start3A_26 = arith.constant 0 : i32
    %dma_start3A_27 = arith.constant 0 : i32
    %dma_start3A_28 = tpu.memref_slice %arg8[%dma_start3A_26, %dma_start3A_27] : memref<10000x48xf32, #tpu.memory_space<vmem_shared>> -> memref<10000x48xf32, #tpu.memory_space<vmem_shared>>
    tpu.enqueue_indirect_dma source(%dma_start3A_28 : memref<10000x48xf32, #tpu.memory_space<vmem_shared>>) target(%arg18 : memref<128x48xf32, #tpu.memory_space<vmem>>) offsets(%dma_start3A_25 : memref<128xi32, #tpu.memory_space<vmem>>) semaphore(%arg26 : memref<!tpu.dma_semaphore, #tpu.memory_space<semaphore_mem>>)
    %add3A_29 = arith.constant 64 : i32
    %add3A_30 = arith.addi %add3A_29, %add3A : i32
    %mul3A_31 = arith.constant 128 : i32
    %mul3A_32 = arith.muli %add3A_30, %mul3A_31 : i32
    %multiple_of3A_33 = tpu.assume_multiple %mul3A_32, 8 : i32
    "tpu.region"() ({
      %run_scoped3A = tpu.sem_alloc : memref<!tpu.dma_semaphore, #tpu.memory_space<semaphore_mem>>
      %dma_start3A_269 = arith.constant 0 : i32
      %dma_start3A_270 = tpu.memref_slice %arg3[%dma_start3A_269, %multiple_of3A_33] : memref<2x163840xi32, #tpu.memory_space<hbm>> -> memref<2x128xi32, #tpu.memory_space<hbm>>
      %dma_start3A_271 = arith.constant 0 : i32
      %dma_start3A_272 = tpu.memref_slice %arg3[%dma_start3A_271, %multiple_of3A_33] : memref<2x163840xi32, #tpu.memory_space<hbm>> -> memref<2x128xi32, #tpu.memory_space<hbm>>
      tpu.enqueue_dma source(%dma_start3A_272 : memref<2x128xi32, #tpu.memory_space<hbm>>) target(%arg11 : memref<2x128xi32, #tpu.memory_space<vmem>>) target_semaphore(%run_scoped3A : memref<!tpu.dma_semaphore, #tpu.memory_space<semaphore_mem>>)
      %dma_wait3A_273 = arith.constant 0 : i32
      %dma_wait3A_274 = tpu.memref_slice %arg3[%dma_wait3A_273, %multiple_of3A_33] : memref<2x163840xi32, #tpu.memory_space<hbm>> -> memref<2x128xi32, #tpu.memory_space<hbm>>
      %dma_wait3A_275 = arith.constant 0 : i32
      %dma_wait3A_276 = tpu.memref_slice %arg3[%dma_wait3A_275, %multiple_of3A_33] : memref<2x163840xi32, #tpu.memory_space<hbm>> -> memref<2x128xi32, #tpu.memory_space<hbm>>
      tpu.wait_dma2 semaphore(%run_scoped3A : memref<!tpu.dma_semaphore, #tpu.memory_space<semaphore_mem>>) src(%dma_wait3A_276 : memref<2x128xi32, #tpu.memory_space<hbm>>) dst(%arg11 : memref<2x128xi32, #tpu.memory_space<vmem>>)
      tpu.yield
    }) : () -> ()
    %dma_start3A_34 = arith.constant 0 : i32
    %dma_start3A_35 = arith.constant 0 : i32
    %dma_start3A_36 = tpu.memref_slice %arg11[%dma_start3A_34, %dma_start3A_35] : memref<2x128xi32, #tpu.memory_space<vmem>> -> memref<1x128xi32, #tpu.memory_space<vmem>>
    %dma_start3A_37 = tpu.memref_squeeze %dma_start3A_36 : memref<1x128xi32, #tpu.memory_space<vmem>> -> memref<128xi32, #tpu.memory_space<vmem>>
    %dma_start3A_38 = arith.constant 0 : i32
    %dma_start3A_39 = arith.constant 0 : i32
    %dma_start3A_40 = tpu.memref_slice %arg8[%dma_start3A_38, %dma_start3A_39] : memref<10000x48xf32, #tpu.memory_space<vmem_shared>> -> memref<10000x48xf32, #tpu.memory_space<vmem_shared>>
    tpu.enqueue_indirect_dma source(%dma_start3A_40 : memref<10000x48xf32, #tpu.memory_space<vmem_shared>>) target(%arg19 : memref<128x48xf32, #tpu.memory_space<vmem>>) offsets(%dma_start3A_37 : memref<128xi32, #tpu.memory_space<vmem>>) semaphore(%arg27 : memref<!tpu.dma_semaphore, #tpu.memory_space<semaphore_mem>>)
    %add3A_41 = arith.constant 96 : i32
    %add3A_42 = arith.addi %add3A_41, %add3A : i32
    %mul3A_43 = arith.constant 128 : i32
    %mul3A_44 = arith.muli %add3A_42, %mul3A_43 : i32
    %multiple_of3A_45 = tpu.assume_multiple %mul3A_44, 8 : i32
    "tpu.region"() ({
      %run_scoped3A = tpu.sem_alloc : memref<!tpu.dma_semaphore, #tpu.memory_space<semaphore_mem>>
      %dma_start3A_269 = arith.constant 0 : i32
      %dma_start3A_270 = tpu.memref_slice %arg3[%dma_start3A_269, %multiple_of3A_45] : memref<2x163840xi32, #tpu.memory_space<hbm>> -> memref<2x128xi32, #tpu.memory_space<hbm>>
      %dma_start3A_271 = arith.constant 0 : i32
      %dma_start3A_272 = tpu.memref_slice %arg3[%dma_start3A_271, %multiple_of3A_45] : memref<2x163840xi32, #tpu.memory_space<hbm>> -> memref<2x128xi32, #tpu.memory_space<hbm>>
      tpu.enqueue_dma source(%dma_start3A_272 : memref<2x128xi32, #tpu.memory_space<hbm>>) target(%arg12 : memref<2x128xi32, #tpu.memory_space<vmem>>) target_semaphore(%run_scoped3A : memref<!tpu.dma_semaphore, #tpu.memory_space<semaphore_mem>>)
      %dma_wait3A_273 = arith.constant 0 : i32
      %dma_wait3A_274 = tpu.memref_slice %arg3[%dma_wait3A_273, %multiple_of3A_45] : memref<2x163840xi32, #tpu.memory_space<hbm>> -> memref<2x128xi32, #tpu.memory_space<hbm>>
      %dma_wait3A_275 = arith.constant 0 : i32
      %dma_wait3A_276 = tpu.memref_slice %arg3[%dma_wait3A_275, %multiple_of3A_45] : memref<2x163840xi32, #tpu.memory_space<hbm>> -> memref<2x128xi32, #tpu.memory_space<hbm>>
      tpu.wait_dma2 semaphore(%run_scoped3A : memref<!tpu.dma_semaphore, #tpu.memory_space<semaphore_mem>>) src(%dma_wait3A_276 : memref<2x128xi32, #tpu.memory_space<hbm>>) dst(%arg12 : memref<2x128xi32, #tpu.memory_space<vmem>>)
      tpu.yield
    }) : () -> ()
    %dma_start3A_46 = arith.constant 0 : i32
    %dma_start3A_47 = arith.constant 0 : i32
    %dma_start3A_48 = tpu.memref_slice %arg12[%dma_start3A_46, %dma_start3A_47] : memref<2x128xi32, #tpu.memory_space<vmem>> -> memref<1x128xi32, #tpu.memory_space<vmem>>
    %dma_start3A_49 = tpu.memref_squeeze %dma_start3A_48 : memref<1x128xi32, #tpu.memory_space<vmem>> -> memref<128xi32, #tpu.memory_space<vmem>>
    %dma_start3A_50 = arith.constant 0 : i32
    %dma_start3A_51 = arith.constant 0 : i32
    %dma_start3A_52 = tpu.memref_slice %arg8[%dma_start3A_50, %dma_start3A_51] : memref<10000x48xf32, #tpu.memory_space<vmem_shared>> -> memref<10000x48xf32, #tpu.memory_space<vmem_shared>>
    tpu.enqueue_indirect_dma source(%dma_start3A_52 : memref<10000x48xf32, #tpu.memory_space<vmem_shared>>) target(%arg20 : memref<128x48xf32, #tpu.memory_space<vmem>>) offsets(%dma_start3A_49 : memref<128xi32, #tpu.memory_space<vmem>>) semaphore(%arg28 : memref<!tpu.dma_semaphore, #tpu.memory_space<semaphore_mem>>)
    %add3A_53 = arith.constant 128 : i32
    %add3A_54 = arith.addi %add3A_53, %add3A : i32
    %mul3A_55 = arith.constant 128 : i32
    %mul3A_56 = arith.muli %add3A_54, %mul3A_55 : i32
    %multiple_of3A_57 = tpu.assume_multiple %mul3A_56, 8 : i32
    "tpu.region"() ({
      %run_scoped3A = tpu.sem_alloc : memref<!tpu.dma_semaphore, #tpu.memory_space<semaphore_mem>>
      %dma_start3A_269 = arith.constant 0 : i32
      %dma_start3A_270 = tpu.memref_slice %arg3[%dma_start3A_269, %multiple_of3A_57] : memref<2x163840xi32, #tpu.memory_space<hbm>> -> memref<2x128xi32, #tpu.memory_space<hbm>>
      %dma_start3A_271 = arith.constant 0 : i32
      %dma_start3A_272 = tpu.memref_slice %arg3[%dma_start3A_271, %multiple_of3A_57] : memref<2x163840xi32, #tpu.memory_space<hbm>> -> memref<2x128xi32, #tpu.memory_space<hbm>>
      tpu.enqueue_dma source(%dma_start3A_272 : memref<2x128xi32, #tpu.memory_space<hbm>>) target(%arg13 : memref<2x128xi32, #tpu.memory_space<vmem>>) target_semaphore(%run_scoped3A : memref<!tpu.dma_semaphore, #tpu.memory_space<semaphore_mem>>)
      %dma_wait3A_273 = arith.constant 0 : i32
      %dma_wait3A_274 = tpu.memref_slice %arg3[%dma_wait3A_273, %multiple_of3A_57] : memref<2x163840xi32, #tpu.memory_space<hbm>> -> memref<2x128xi32, #tpu.memory_space<hbm>>
      %dma_wait3A_275 = arith.constant 0 : i32
      %dma_wait3A_276 = tpu.memref_slice %arg3[%dma_wait3A_275, %multiple_of3A_57] : memref<2x163840xi32, #tpu.memory_space<hbm>> -> memref<2x128xi32, #tpu.memory_space<hbm>>
      tpu.wait_dma2 semaphore(%run_scoped3A : memref<!tpu.dma_semaphore, #tpu.memory_space<semaphore_mem>>) src(%dma_wait3A_276 : memref<2x128xi32, #tpu.memory_space<hbm>>) dst(%arg13 : memref<2x128xi32, #tpu.memory_space<vmem>>)
      tpu.yield
    }) : () -> ()
    %dma_start3A_58 = arith.constant 0 : i32
    %dma_start3A_59 = arith.constant 0 : i32
    %dma_start3A_60 = tpu.memref_slice %arg13[%dma_start3A_58, %dma_start3A_59] : memref<2x128xi32, #tpu.memory_space<vmem>> -> memref<1x128xi32, #tpu.memory_space<vmem>>
    %dma_start3A_61 = tpu.memref_squeeze %dma_start3A_60 : memref<1x128xi32, #tpu.memory_space<vmem>> -> memref<128xi32, #tpu.memory_space<vmem>>
    %dma_start3A_62 = arith.constant 0 : i32
    %dma_start3A_63 = arith.constant 0 : i32
    %dma_start3A_64 = tpu.memref_slice %arg8[%dma_start3A_62, %dma_start3A_63] : memref<10000x48xf32, #tpu.memory_space<vmem_shared>> -> memref<10000x48xf32, #tpu.memory_space<vmem_shared>>
    tpu.enqueue_indirect_dma source(%dma_start3A_64 : memref<10000x48xf32, #tpu.memory_space<vmem_shared>>) target(%arg21 : memref<128x48xf32, #tpu.memory_space<vmem>>) offsets(%dma_start3A_61 : memref<128xi32, #tpu.memory_space<vmem>>) semaphore(%arg29 : memref<!tpu.dma_semaphore, #tpu.memory_space<semaphore_mem>>)
    %add3A_65 = arith.constant 160 : i32
    %add3A_66 = arith.addi %add3A_65, %add3A : i32
    %mul3A_67 = arith.constant 128 : i32
    %mul3A_68 = arith.muli %add3A_66, %mul3A_67 : i32
    %multiple_of3A_69 = tpu.assume_multiple %mul3A_68, 8 : i32
    "tpu.region"() ({
      %run_scoped3A = tpu.sem_alloc : memref<!tpu.dma_semaphore, #tpu.memory_space<semaphore_mem>>
      %dma_start3A_269 = arith.constant 0 : i32
      %dma_start3A_270 = tpu.memref_slice %arg3[%dma_start3A_269, %multiple_of3A_69] : memref<2x163840xi32, #tpu.memory_space<hbm>> -> memref<2x128xi32, #tpu.memory_space<hbm>>
      %dma_start3A_271 = arith.constant 0 : i32
      %dma_start3A_272 = tpu.memref_slice %arg3[%dma_start3A_271, %multiple_of3A_69] : memref<2x163840xi32, #tpu.memory_space<hbm>> -> memref<2x128xi32, #tpu.memory_space<hbm>>
      tpu.enqueue_dma source(%dma_start3A_272 : memref<2x128xi32, #tpu.memory_space<hbm>>) target(%arg14 : memref<2x128xi32, #tpu.memory_space<vmem>>) target_semaphore(%run_scoped3A : memref<!tpu.dma_semaphore, #tpu.memory_space<semaphore_mem>>)
      %dma_wait3A_273 = arith.constant 0 : i32
      %dma_wait3A_274 = tpu.memref_slice %arg3[%dma_wait3A_273, %multiple_of3A_69] : memref<2x163840xi32, #tpu.memory_space<hbm>> -> memref<2x128xi32, #tpu.memory_space<hbm>>
      %dma_wait3A_275 = arith.constant 0 : i32
      %dma_wait3A_276 = tpu.memref_slice %arg3[%dma_wait3A_275, %multiple_of3A_69] : memref<2x163840xi32, #tpu.memory_space<hbm>> -> memref<2x128xi32, #tpu.memory_space<hbm>>
      tpu.wait_dma2 semaphore(%run_scoped3A : memref<!tpu.dma_semaphore, #tpu.memory_space<semaphore_mem>>) src(%dma_wait3A_276 : memref<2x128xi32, #tpu.memory_space<hbm>>) dst(%arg14 : memref<2x128xi32, #tpu.memory_space<vmem>>)
      tpu.yield
    }) : () -> ()
    %dma_start3A_70 = arith.constant 0 : i32
    %dma_start3A_71 = arith.constant 0 : i32
    %dma_start3A_72 = tpu.memref_slice %arg14[%dma_start3A_70, %dma_start3A_71] : memref<2x128xi32, #tpu.memory_space<vmem>> -> memref<1x128xi32, #tpu.memory_space<vmem>>
    %dma_start3A_73 = tpu.memref_squeeze %dma_start3A_72 : memref<1x128xi32, #tpu.memory_space<vmem>> -> memref<128xi32, #tpu.memory_space<vmem>>
    %dma_start3A_74 = arith.constant 0 : i32
    %dma_start3A_75 = arith.constant 0 : i32
    %dma_start3A_76 = tpu.memref_slice %arg8[%dma_start3A_74, %dma_start3A_75] : memref<10000x48xf32, #tpu.memory_space<vmem_shared>> -> memref<10000x48xf32, #tpu.memory_space<vmem_shared>>
    tpu.enqueue_indirect_dma source(%dma_start3A_76 : memref<10000x48xf32, #tpu.memory_space<vmem_shared>>) target(%arg22 : memref<128x48xf32, #tpu.memory_space<vmem>>) offsets(%dma_start3A_73 : memref<128xi32, #tpu.memory_space<vmem>>) semaphore(%arg30 : memref<!tpu.dma_semaphore, #tpu.memory_space<semaphore_mem>>)
    %add3A_77 = arith.constant 192 : i32
    %add3A_78 = arith.addi %add3A_77, %add3A : i32
    %mul3A_79 = arith.constant 128 : i32
    %mul3A_80 = arith.muli %add3A_78, %mul3A_79 : i32
    %multiple_of3A_81 = tpu.assume_multiple %mul3A_80, 8 : i32
    "tpu.region"() ({
      %run_scoped3A = tpu.sem_alloc : memref<!tpu.dma_semaphore, #tpu.memory_space<semaphore_mem>>
      %dma_start3A_269 = arith.constant 0 : i32
      %dma_start3A_270 = tpu.memref_slice %arg3[%dma_start3A_269, %multiple_of3A_81] : memref<2x163840xi32, #tpu.memory_space<hbm>> -> memref<2x128xi32, #tpu.memory_space<hbm>>
      %dma_start3A_271 = arith.constant 0 : i32
      %dma_start3A_272 = tpu.memref_slice %arg3[%dma_start3A_271, %multiple_of3A_81] : memref<2x163840xi32, #tpu.memory_space<hbm>> -> memref<2x128xi32, #tpu.memory_space<hbm>>
      tpu.enqueue_dma source(%dma_start3A_272 : memref<2x128xi32, #tpu.memory_space<hbm>>) target(%arg15 : memref<2x128xi32, #tpu.memory_space<vmem>>) target_semaphore(%run_scoped3A : memref<!tpu.dma_semaphore, #tpu.memory_space<semaphore_mem>>)
      %dma_wait3A_273 = arith.constant 0 : i32
      %dma_wait3A_274 = tpu.memref_slice %arg3[%dma_wait3A_273, %multiple_of3A_81] : memref<2x163840xi32, #tpu.memory_space<hbm>> -> memref<2x128xi32, #tpu.memory_space<hbm>>
      %dma_wait3A_275 = arith.constant 0 : i32
      %dma_wait3A_276 = tpu.memref_slice %arg3[%dma_wait3A_275, %multiple_of3A_81] : memref<2x163840xi32, #tpu.memory_space<hbm>> -> memref<2x128xi32, #tpu.memory_space<hbm>>
      tpu.wait_dma2 semaphore(%run_scoped3A : memref<!tpu.dma_semaphore, #tpu.memory_space<semaphore_mem>>) src(%dma_wait3A_276 : memref<2x128xi32, #tpu.memory_space<hbm>>) dst(%arg15 : memref<2x128xi32, #tpu.memory_space<vmem>>)
      tpu.yield
    }) : () -> ()
    %dma_start3A_82 = arith.constant 0 : i32
    %dma_start3A_83 = arith.constant 0 : i32
    %dma_start3A_84 = tpu.memref_slice %arg15[%dma_start3A_82, %dma_start3A_83] : memref<2x128xi32, #tpu.memory_space<vmem>> -> memref<1x128xi32, #tpu.memory_space<vmem>>
    %dma_start3A_85 = tpu.memref_squeeze %dma_start3A_84 : memref<1x128xi32, #tpu.memory_space<vmem>> -> memref<128xi32, #tpu.memory_space<vmem>>
    %dma_start3A_86 = arith.constant 0 : i32
    %dma_start3A_87 = arith.constant 0 : i32
    %dma_start3A_88 = tpu.memref_slice %arg8[%dma_start3A_86, %dma_start3A_87] : memref<10000x48xf32, #tpu.memory_space<vmem_shared>> -> memref<10000x48xf32, #tpu.memory_space<vmem_shared>>
    tpu.enqueue_indirect_dma source(%dma_start3A_88 : memref<10000x48xf32, #tpu.memory_space<vmem_shared>>) target(%arg23 : memref<128x48xf32, #tpu.memory_space<vmem>>) offsets(%dma_start3A_85 : memref<128xi32, #tpu.memory_space<vmem>>) semaphore(%arg31 : memref<!tpu.dma_semaphore, #tpu.memory_space<semaphore_mem>>)
    %add3A_89 = arith.constant 224 : i32
    %add3A_90 = arith.addi %add3A_89, %add3A : i32
    %mul3A_91 = arith.constant 128 : i32
    %mul3A_92 = arith.muli %add3A_90, %mul3A_91 : i32
    %multiple_of3A_93 = tpu.assume_multiple %mul3A_92, 8 : i32
    "tpu.region"() ({
      %run_scoped3A = tpu.sem_alloc : memref<!tpu.dma_semaphore, #tpu.memory_space<semaphore_mem>>
      %dma_start3A_269 = arith.constant 0 : i32
      %dma_start3A_270 = tpu.memref_slice %arg3[%dma_start3A_269, %multiple_of3A_93] : memref<2x163840xi32, #tpu.memory_space<hbm>> -> memref<2x128xi32, #tpu.memory_space<hbm>>
      %dma_start3A_271 = arith.constant 0 : i32
      %dma_start3A_272 = tpu.memref_slice %arg3[%dma_start3A_271, %multiple_of3A_93] : memref<2x163840xi32, #tpu.memory_space<hbm>> -> memref<2x128xi32, #tpu.memory_space<hbm>>
      tpu.enqueue_dma source(%dma_start3A_272 : memref<2x128xi32, #tpu.memory_space<hbm>>) target(%arg16 : memref<2x128xi32, #tpu.memory_space<vmem>>) target_semaphore(%run_scoped3A : memref<!tpu.dma_semaphore, #tpu.memory_space<semaphore_mem>>)
      %dma_wait3A_273 = arith.constant 0 : i32
      %dma_wait3A_274 = tpu.memref_slice %arg3[%dma_wait3A_273, %multiple_of3A_93] : memref<2x163840xi32, #tpu.memory_space<hbm>> -> memref<2x128xi32, #tpu.memory_space<hbm>>
      %dma_wait3A_275 = arith.constant 0 : i32
      %dma_wait3A_276 = tpu.memref_slice %arg3[%dma_wait3A_275, %multiple_of3A_93] : memref<2x163840xi32, #tpu.memory_space<hbm>> -> memref<2x128xi32, #tpu.memory_space<hbm>>
      tpu.wait_dma2 semaphore(%run_scoped3A : memref<!tpu.dma_semaphore, #tpu.memory_space<semaphore_mem>>) src(%dma_wait3A_276 : memref<2x128xi32, #tpu.memory_space<hbm>>) dst(%arg16 : memref<2x128xi32, #tpu.memory_space<vmem>>)
      tpu.yield
    }) : () -> ()
    %dma_start3A_94 = arith.constant 0 : i32
    %dma_start3A_95 = arith.constant 0 : i32
    %dma_start3A_96 = tpu.memref_slice %arg16[%dma_start3A_94, %dma_start3A_95] : memref<2x128xi32, #tpu.memory_space<vmem>> -> memref<1x128xi32, #tpu.memory_space<vmem>>
    %dma_start3A_97 = tpu.memref_squeeze %dma_start3A_96 : memref<1x128xi32, #tpu.memory_space<vmem>> -> memref<128xi32, #tpu.memory_space<vmem>>
    %dma_start3A_98 = arith.constant 0 : i32
    %dma_start3A_99 = arith.constant 0 : i32
    %dma_start3A_100 = tpu.memref_slice %arg8[%dma_start3A_98, %dma_start3A_99] : memref<10000x48xf32, #tpu.memory_space<vmem_shared>> -> memref<10000x48xf32, #tpu.memory_space<vmem_shared>>
    tpu.enqueue_indirect_dma source(%dma_start3A_100 : memref<10000x48xf32, #tpu.memory_space<vmem_shared>>) target(%arg24 : memref<128x48xf32, #tpu.memory_space<vmem>>) offsets(%dma_start3A_97 : memref<128xi32, #tpu.memory_space<vmem>>) semaphore(%arg32 : memref<!tpu.dma_semaphore, #tpu.memory_space<semaphore_mem>>)
    %scan3A = arith.constant 0 : i32
    %scan3A_101 = arith.constant 0 : i32
    %scan3A_102 = arith.constant 4 : i32
    %scan3A_103 = arith.addi %scan3A_101, %scan3A_102 : i32
    %scan3A_104 = arith.constant 1 : i32
    %scan3A_105 = scf.for %scan3A_269 = %scan3A_101 to %scan3A_103 step %scan3A_104 iter_args(%scan3A_270 = %scan3A) -> (i32)  : i32 {
      %dma_wait3A_271 = arith.constant 0 : i32
      %dma_wait3A_272 = arith.constant 0 : i32
      %dma_wait3A_273 = tpu.memref_slice %arg8[%dma_wait3A_271, %dma_wait3A_272] : memref<10000x48xf32, #tpu.memory_space<vmem_shared>> -> memref<128x48xf32, #tpu.memory_space<vmem_shared>>
      %dma_wait3A_274 = arith.constant 0 : i32
      %dma_wait3A_275 = arith.constant 0 : i32
      %dma_wait3A_276 = tpu.memref_slice %arg8[%dma_wait3A_274, %dma_wait3A_275] : memref<10000x48xf32, #tpu.memory_space<vmem_shared>> -> memref<128x48xf32, #tpu.memory_space<vmem_shared>>
      tpu.wait_dma2 semaphore(%arg25 : memref<!tpu.dma_semaphore, #tpu.memory_space<semaphore_mem>>) src(%dma_wait3A_276 : memref<128x48xf32, #tpu.memory_space<vmem_shared>>) dst(%arg17 : memref<128x48xf32, #tpu.memory_space<vmem>>)
      %dma_start3A_277 = arith.constant 1 : i32
      %dma_start3A_278 = arith.constant 0 : i32
      %dma_start3A_279 = tpu.memref_slice %arg9[%dma_start3A_277, %dma_start3A_278] : memref<2x128xi32, #tpu.memory_space<vmem>> -> memref<1x128xi32, #tpu.memory_space<vmem>>
      %dma_start3A_280 = tpu.memref_squeeze %dma_start3A_279 : memref<1x128xi32, #tpu.memory_space<vmem>> -> memref<128xi32, #tpu.memory_space<vmem>>
      %dma_start3A_281 = arith.constant 0 : i32
      %dma_start3A_282 = arith.constant 0 : i32
      %dma_start3A_283 = tpu.memref_slice %arg7[%dma_start3A_281, %dma_start3A_282] : memref<10016x48xf32, #tpu.memory_space<vmem_shared>> -> memref<10016x48xf32, #tpu.memory_space<vmem_shared>>
      tpu.enqueue_indirect_dma source(%arg17 : memref<128x48xf32, #tpu.memory_space<vmem>>) target(%dma_start3A_283 : memref<10016x48xf32, #tpu.memory_space<vmem_shared>>) offsets(%dma_start3A_280 : memref<128xi32, #tpu.memory_space<vmem>>) semaphore(%arg33 : memref<!tpu.dma_semaphore, #tpu.memory_space<semaphore_mem>>) {add = true}
      %dma_wait3A_284 = arith.constant 0 : i32
      %dma_wait3A_285 = arith.constant 0 : i32
      %dma_wait3A_286 = tpu.memref_slice %arg8[%dma_wait3A_284, %dma_wait3A_285] : memref<10000x48xf32, #tpu.memory_space<vmem_shared>> -> memref<128x48xf32, #tpu.memory_space<vmem_shared>>
      %dma_wait3A_287 = arith.constant 0 : i32
      %dma_wait3A_288 = arith.constant 0 : i32
      %dma_wait3A_289 = tpu.memref_slice %arg8[%dma_wait3A_287, %dma_wait3A_288] : memref<10000x48xf32, #tpu.memory_space<vmem_shared>> -> memref<128x48xf32, #tpu.memory_space<vmem_shared>>
      tpu.wait_dma2 semaphore(%arg26 : memref<!tpu.dma_semaphore, #tpu.memory_space<semaphore_mem>>) src(%dma_wait3A_289 : memref<128x48xf32, #tpu.memory_space<vmem_shared>>) dst(%arg18 : memref<128x48xf32, #tpu.memory_space<vmem>>)
      %dma_start3A_290 = arith.constant 1 : i32
      %dma_start3A_291 = arith.constant 0 : i32
      %dma_start3A_292 = tpu.memref_slice %arg10[%dma_start3A_290, %dma_start3A_291] : memref<2x128xi32, #tpu.memory_space<vmem>> -> memref<1x128xi32, #tpu.memory_space<vmem>>
      %dma_start3A_293 = tpu.memref_squeeze %dma_start3A_292 : memref<1x128xi32, #tpu.memory_space<vmem>> -> memref<128xi32, #tpu.memory_space<vmem>>
      %dma_start3A_294 = arith.constant 0 : i32
      %dma_start3A_295 = arith.constant 0 : i32
      %dma_start3A_296 = tpu.memref_slice %arg7[%dma_start3A_294, %dma_start3A_295] : memref<10016x48xf32, #tpu.memory_space<vmem_shared>> -> memref<10016x48xf32, #tpu.memory_space<vmem_shared>>
      tpu.enqueue_indirect_dma source(%arg18 : memref<128x48xf32, #tpu.memory_space<vmem>>) target(%dma_start3A_296 : memref<10016x48xf32, #tpu.memory_space<vmem_shared>>) offsets(%dma_start3A_293 : memref<128xi32, #tpu.memory_space<vmem>>) semaphore(%arg34 : memref<!tpu.dma_semaphore, #tpu.memory_space<semaphore_mem>>) {add = true}
      %dma_wait3A_297 = arith.constant 0 : i32
      %dma_wait3A_298 = arith.constant 0 : i32
      %dma_wait3A_299 = tpu.memref_slice %arg8[%dma_wait3A_297, %dma_wait3A_298] : memref<10000x48xf32, #tpu.memory_space<vmem_shared>> -> memref<128x48xf32, #tpu.memory_space<vmem_shared>>
      %dma_wait3A_300 = arith.constant 0 : i32
      %dma_wait3A_301 = arith.constant 0 : i32
      %dma_wait3A_302 = tpu.memref_slice %arg8[%dma_wait3A_300, %dma_wait3A_301] : memref<10000x48xf32, #tpu.memory_space<vmem_shared>> -> memref<128x48xf32, #tpu.memory_space<vmem_shared>>
      tpu.wait_dma2 semaphore(%arg27 : memref<!tpu.dma_semaphore, #tpu.memory_space<semaphore_mem>>) src(%dma_wait3A_302 : memref<128x48xf32, #tpu.memory_space<vmem_shared>>) dst(%arg19 : memref<128x48xf32, #tpu.memory_space<vmem>>)
      %dma_start3A_303 = arith.constant 1 : i32
      %dma_start3A_304 = arith.constant 0 : i32
      %dma_start3A_305 = tpu.memref_slice %arg11[%dma_start3A_303, %dma_start3A_304] : memref<2x128xi32, #tpu.memory_space<vmem>> -> memref<1x128xi32, #tpu.memory_space<vmem>>
      %dma_start3A_306 = tpu.memref_squeeze %dma_start3A_305 : memref<1x128xi32, #tpu.memory_space<vmem>> -> memref<128xi32, #tpu.memory_space<vmem>>
      %dma_start3A_307 = arith.constant 0 : i32
      %dma_start3A_308 = arith.constant 0 : i32
      %dma_start3A_309 = tpu.memref_slice %arg7[%dma_start3A_307, %dma_start3A_308] : memref<10016x48xf32, #tpu.memory_space<vmem_shared>> -> memref<10016x48xf32, #tpu.memory_space<vmem_shared>>
      tpu.enqueue_indirect_dma source(%arg19 : memref<128x48xf32, #tpu.memory_space<vmem>>) target(%dma_start3A_309 : memref<10016x48xf32, #tpu.memory_space<vmem_shared>>) offsets(%dma_start3A_306 : memref<128xi32, #tpu.memory_space<vmem>>) semaphore(%arg35 : memref<!tpu.dma_semaphore, #tpu.memory_space<semaphore_mem>>) {add = true}
      %dma_wait3A_310 = arith.constant 0 : i32
      %dma_wait3A_311 = arith.constant 0 : i32
      %dma_wait3A_312 = tpu.memref_slice %arg8[%dma_wait3A_310, %dma_wait3A_311] : memref<10000x48xf32, #tpu.memory_space<vmem_shared>> -> memref<128x48xf32, #tpu.memory_space<vmem_shared>>
      %dma_wait3A_313 = arith.constant 0 : i32
      %dma_wait3A_314 = arith.constant 0 : i32
      %dma_wait3A_315 = tpu.memref_slice %arg8[%dma_wait3A_313, %dma_wait3A_314] : memref<10000x48xf32, #tpu.memory_space<vmem_shared>> -> memref<128x48xf32, #tpu.memory_space<vmem_shared>>
      tpu.wait_dma2 semaphore(%arg28 : memref<!tpu.dma_semaphore, #tpu.memory_space<semaphore_mem>>) src(%dma_wait3A_315 : memref<128x48xf32, #tpu.memory_space<vmem_shared>>) dst(%arg20 : memref<128x48xf32, #tpu.memory_space<vmem>>)
      %dma_start3A_316 = arith.constant 1 : i32
      %dma_start3A_317 = arith.constant 0 : i32
      %dma_start3A_318 = tpu.memref_slice %arg12[%dma_start3A_316, %dma_start3A_317] : memref<2x128xi32, #tpu.memory_space<vmem>> -> memref<1x128xi32, #tpu.memory_space<vmem>>
      %dma_start3A_319 = tpu.memref_squeeze %dma_start3A_318 : memref<1x128xi32, #tpu.memory_space<vmem>> -> memref<128xi32, #tpu.memory_space<vmem>>
      %dma_start3A_320 = arith.constant 0 : i32
      %dma_start3A_321 = arith.constant 0 : i32
      %dma_start3A_322 = tpu.memref_slice %arg7[%dma_start3A_320, %dma_start3A_321] : memref<10016x48xf32, #tpu.memory_space<vmem_shared>> -> memref<10016x48xf32, #tpu.memory_space<vmem_shared>>
      tpu.enqueue_indirect_dma source(%arg20 : memref<128x48xf32, #tpu.memory_space<vmem>>) target(%dma_start3A_322 : memref<10016x48xf32, #tpu.memory_space<vmem_shared>>) offsets(%dma_start3A_319 : memref<128xi32, #tpu.memory_space<vmem>>) semaphore(%arg36 : memref<!tpu.dma_semaphore, #tpu.memory_space<semaphore_mem>>) {add = true}
      %dma_wait3A_323 = arith.constant 0 : i32
      %dma_wait3A_324 = arith.constant 0 : i32
      %dma_wait3A_325 = tpu.memref_slice %arg8[%dma_wait3A_323, %dma_wait3A_324] : memref<10000x48xf32, #tpu.memory_space<vmem_shared>> -> memref<128x48xf32, #tpu.memory_space<vmem_shared>>
      %dma_wait3A_326 = arith.constant 0 : i32
      %dma_wait3A_327 = arith.constant 0 : i32
      %dma_wait3A_328 = tpu.memref_slice %arg8[%dma_wait3A_326, %dma_wait3A_327] : memref<10000x48xf32, #tpu.memory_space<vmem_shared>> -> memref<128x48xf32, #tpu.memory_space<vmem_shared>>
      tpu.wait_dma2 semaphore(%arg29 : memref<!tpu.dma_semaphore, #tpu.memory_space<semaphore_mem>>) src(%dma_wait3A_328 : memref<128x48xf32, #tpu.memory_space<vmem_shared>>) dst(%arg21 : memref<128x48xf32, #tpu.memory_space<vmem>>)
      %dma_start3A_329 = arith.constant 1 : i32
      %dma_start3A_330 = arith.constant 0 : i32
      %dma_start3A_331 = tpu.memref_slice %arg13[%dma_start3A_329, %dma_start3A_330] : memref<2x128xi32, #tpu.memory_space<vmem>> -> memref<1x128xi32, #tpu.memory_space<vmem>>
      %dma_start3A_332 = tpu.memref_squeeze %dma_start3A_331 : memref<1x128xi32, #tpu.memory_space<vmem>> -> memref<128xi32, #tpu.memory_space<vmem>>
      %dma_start3A_333 = arith.constant 0 : i32
      %dma_start3A_334 = arith.constant 0 : i32
      %dma_start3A_335 = tpu.memref_slice %arg7[%dma_start3A_333, %dma_start3A_334] : memref<10016x48xf32, #tpu.memory_space<vmem_shared>> -> memref<10016x48xf32, #tpu.memory_space<vmem_shared>>
      tpu.enqueue_indirect_dma source(%arg21 : memref<128x48xf32, #tpu.memory_space<vmem>>) target(%dma_start3A_335 : memref<10016x48xf32, #tpu.memory_space<vmem_shared>>) offsets(%dma_start3A_332 : memref<128xi32, #tpu.memory_space<vmem>>) semaphore(%arg37 : memref<!tpu.dma_semaphore, #tpu.memory_space<semaphore_mem>>) {add = true}
      %dma_wait3A_336 = arith.constant 0 : i32
      %dma_wait3A_337 = arith.constant 0 : i32
      %dma_wait3A_338 = tpu.memref_slice %arg8[%dma_wait3A_336, %dma_wait3A_337] : memref<10000x48xf32, #tpu.memory_space<vmem_shared>> -> memref<128x48xf32, #tpu.memory_space<vmem_shared>>
      %dma_wait3A_339 = arith.constant 0 : i32
      %dma_wait3A_340 = arith.constant 0 : i32
      %dma_wait3A_341 = tpu.memref_slice %arg8[%dma_wait3A_339, %dma_wait3A_340] : memref<10000x48xf32, #tpu.memory_space<vmem_shared>> -> memref<128x48xf32, #tpu.memory_space<vmem_shared>>
      tpu.wait_dma2 semaphore(%arg30 : memref<!tpu.dma_semaphore, #tpu.memory_space<semaphore_mem>>) src(%dma_wait3A_341 : memref<128x48xf32, #tpu.memory_space<vmem_shared>>) dst(%arg22 : memref<128x48xf32, #tpu.memory_space<vmem>>)
      %dma_start3A_342 = arith.constant 1 : i32
      %dma_start3A_343 = arith.constant 0 : i32
      %dma_start3A_344 = tpu.memref_slice %arg14[%dma_start3A_342, %dma_start3A_343] : memref<2x128xi32, #tpu.memory_space<vmem>> -> memref<1x128xi32, #tpu.memory_space<vmem>>
      %dma_start3A_345 = tpu.memref_squeeze %dma_start3A_344 : memref<1x128xi32, #tpu.memory_space<vmem>> -> memref<128xi32, #tpu.memory_space<vmem>>
      %dma_start3A_346 = arith.constant 0 : i32
      %dma_start3A_347 = arith.constant 0 : i32
      %dma_start3A_348 = tpu.memref_slice %arg7[%dma_start3A_346, %dma_start3A_347] : memref<10016x48xf32, #tpu.memory_space<vmem_shared>> -> memref<10016x48xf32, #tpu.memory_space<vmem_shared>>
      tpu.enqueue_indirect_dma source(%arg22 : memref<128x48xf32, #tpu.memory_space<vmem>>) target(%dma_start3A_348 : memref<10016x48xf32, #tpu.memory_space<vmem_shared>>) offsets(%dma_start3A_345 : memref<128xi32, #tpu.memory_space<vmem>>) semaphore(%arg38 : memref<!tpu.dma_semaphore, #tpu.memory_space<semaphore_mem>>) {add = true}
      %dma_wait3A_349 = arith.constant 0 : i32
      %dma_wait3A_350 = arith.constant 0 : i32
      %dma_wait3A_351 = tpu.memref_slice %arg8[%dma_wait3A_349, %dma_wait3A_350] : memref<10000x48xf32, #tpu.memory_space<vmem_shared>> -> memref<128x48xf32, #tpu.memory_space<vmem_shared>>
      %dma_wait3A_352 = arith.constant 0 : i32
      %dma_wait3A_353 = arith.constant 0 : i32
      %dma_wait3A_354 = tpu.memref_slice %arg8[%dma_wait3A_352, %dma_wait3A_353] : memref<10000x48xf32, #tpu.memory_space<vmem_shared>> -> memref<128x48xf32, #tpu.memory_space<vmem_shared>>
      tpu.wait_dma2 semaphore(%arg31 : memref<!tpu.dma_semaphore, #tpu.memory_space<semaphore_mem>>) src(%dma_wait3A_354 : memref<128x48xf32, #tpu.memory_space<vmem_shared>>) dst(%arg23 : memref<128x48xf32, #tpu.memory_space<vmem>>)
      %dma_start3A_355 = arith.constant 1 : i32
      %dma_start3A_356 = arith.constant 0 : i32
      %dma_start3A_357 = tpu.memref_slice %arg15[%dma_start3A_355, %dma_start3A_356] : memref<2x128xi32, #tpu.memory_space<vmem>> -> memref<1x128xi32, #tpu.memory_space<vmem>>
      %dma_start3A_358 = tpu.memref_squeeze %dma_start3A_357 : memref<1x128xi32, #tpu.memory_space<vmem>> -> memref<128xi32, #tpu.memory_space<vmem>>
      %dma_start3A_359 = arith.constant 0 : i32
      %dma_start3A_360 = arith.constant 0 : i32
      %dma_start3A_361 = tpu.memref_slice %arg7[%dma_start3A_359, %dma_start3A_360] : memref<10016x48xf32, #tpu.memory_space<vmem_shared>> -> memref<10016x48xf32, #tpu.memory_space<vmem_shared>>
      tpu.enqueue_indirect_dma source(%arg23 : memref<128x48xf32, #tpu.memory_space<vmem>>) target(%dma_start3A_361 : memref<10016x48xf32, #tpu.memory_space<vmem_shared>>) offsets(%dma_start3A_358 : memref<128xi32, #tpu.memory_space<vmem>>) semaphore(%arg39 : memref<!tpu.dma_semaphore, #tpu.memory_space<semaphore_mem>>) {add = true}
      %dma_wait3A_362 = arith.constant 0 : i32
      %dma_wait3A_363 = arith.constant 0 : i32
      %dma_wait3A_364 = tpu.memref_slice %arg8[%dma_wait3A_362, %dma_wait3A_363] : memref<10000x48xf32, #tpu.memory_space<vmem_shared>> -> memref<128x48xf32, #tpu.memory_space<vmem_shared>>
      %dma_wait3A_365 = arith.constant 0 : i32
      %dma_wait3A_366 = arith.constant 0 : i32
      %dma_wait3A_367 = tpu.memref_slice %arg8[%dma_wait3A_365, %dma_wait3A_366] : memref<10000x48xf32, #tpu.memory_space<vmem_shared>> -> memref<128x48xf32, #tpu.memory_space<vmem_shared>>
      tpu.wait_dma2 semaphore(%arg32 : memref<!tpu.dma_semaphore, #tpu.memory_space<semaphore_mem>>) src(%dma_wait3A_367 : memref<128x48xf32, #tpu.memory_space<vmem_shared>>) dst(%arg24 : memref<128x48xf32, #tpu.memory_space<vmem>>)
      %dma_start3A_368 = arith.constant 1 : i32
      %dma_start3A_369 = arith.constant 0 : i32
      %dma_start3A_370 = tpu.memref_slice %arg16[%dma_start3A_368, %dma_start3A_369] : memref<2x128xi32, #tpu.memory_space<vmem>> -> memref<1x128xi32, #tpu.memory_space<vmem>>
      %dma_start3A_371 = tpu.memref_squeeze %dma_start3A_370 : memref<1x128xi32, #tpu.memory_space<vmem>> -> memref<128xi32, #tpu.memory_space<vmem>>
      %dma_start3A_372 = arith.constant 0 : i32
      %dma_start3A_373 = arith.constant 0 : i32
      %dma_start3A_374 = tpu.memref_slice %arg7[%dma_start3A_372, %dma_start3A_373] : memref<10016x48xf32, #tpu.memory_space<vmem_shared>> -> memref<10016x48xf32, #tpu.memory_space<vmem_shared>>
      tpu.enqueue_indirect_dma source(%arg24 : memref<128x48xf32, #tpu.memory_space<vmem>>) target(%dma_start3A_374 : memref<10016x48xf32, #tpu.memory_space<vmem_shared>>) offsets(%dma_start3A_371 : memref<128xi32, #tpu.memory_space<vmem>>) semaphore(%arg40 : memref<!tpu.dma_semaphore, #tpu.memory_space<semaphore_mem>>) {add = true}
      %dma_wait3A_375 = arith.constant 0 : i32
      %dma_wait3A_376 = arith.constant 0 : i32
      %dma_wait3A_377 = tpu.memref_slice %arg7[%dma_wait3A_375, %dma_wait3A_376] : memref<10016x48xf32, #tpu.memory_space<vmem_shared>> -> memref<128x48xf32, #tpu.memory_space<vmem_shared>>
      %dma_wait3A_378 = arith.constant 0 : i32
      %dma_wait3A_379 = arith.constant 0 : i32
      %dma_wait3A_380 = tpu.memref_slice %arg7[%dma_wait3A_378, %dma_wait3A_379] : memref<10016x48xf32, #tpu.memory_space<vmem_shared>> -> memref<128x48xf32, #tpu.memory_space<vmem_shared>>
      tpu.wait_dma2 semaphore(%arg33 : memref<!tpu.dma_semaphore, #tpu.memory_space<semaphore_mem>>) src(%arg17 : memref<128x48xf32, #tpu.memory_space<vmem>>) dst(%dma_wait3A_380 : memref<128x48xf32, #tpu.memory_space<vmem_shared>>)
      %mul3A_381 = arith.constant 8 : i32
      %mul3A_382 = arith.muli %mul3A_381, %scan3A_269 : i32
      %add3A_383 = arith.constant 8 : i32
      %add3A_384 = arith.addi %mul3A_382, %add3A_383 : i32
      %add3A_385 = arith.constant 0 : i32
      %add3A_386 = arith.addi %add3A_384, %add3A_385 : i32
      %mul3A_387 = arith.constant 32 : i32
      %mul3A_388 = arith.muli %add3A_386, %mul3A_387 : i32
      %add3A_389 = arith.addi %mul3A_388, %add3A : i32
      %mul3A_390 = arith.constant 128 : i32
      %mul3A_391 = arith.muli %add3A_389, %mul3A_390 : i32
      %multiple_of3A_392 = tpu.assume_multiple %mul3A_391, 8 : i32
      "tpu.region"() ({
        %run_scoped3A = tpu.sem_alloc : memref<!tpu.dma_semaphore, #tpu.memory_space<semaphore_mem>>
        %dma_start3A_576 = arith.constant 0 : i32
        %dma_start3A_577 = tpu.memref_slice %arg3[%dma_start3A_576, %multiple_of3A_392] : memref<2x163840xi32, #tpu.memory_space<hbm>> -> memref<2x128xi32, #tpu.memory_space<hbm>>
        %dma_start3A_578 = arith.constant 0 : i32
        %dma_start3A_579 = tpu.memref_slice %arg3[%dma_start3A_578, %multiple_of3A_392] : memref<2x163840xi32, #tpu.memory_space<hbm>> -> memref<2x128xi32, #tpu.memory_space<hbm>>
        tpu.enqueue_dma source(%dma_start3A_579 : memref<2x128xi32, #tpu.memory_space<hbm>>) target(%arg9 : memref<2x128xi32, #tpu.memory_space<vmem>>) target_semaphore(%run_scoped3A : memref<!tpu.dma_semaphore, #tpu.memory_space<semaphore_mem>>)
        %dma_wait3A_580 = arith.constant 0 : i32
        %dma_wait3A_581 = tpu.memref_slice %arg3[%dma_wait3A_580, %multiple_of3A_392] : memref<2x163840xi32, #tpu.memory_space<hbm>> -> memref<2x128xi32, #tpu.memory_space<hbm>>
        %dma_wait3A_582 = arith.constant 0 : i32
        %dma_wait3A_583 = tpu.memref_slice %arg3[%dma_wait3A_582, %multiple_of3A_392] : memref<2x163840xi32, #tpu.memory_space<hbm>> -> memref<2x128xi32, #tpu.memory_space<hbm>>
        tpu.wait_dma2 semaphore(%run_scoped3A : memref<!tpu.dma_semaphore, #tpu.memory_space<semaphore_mem>>) src(%dma_wait3A_583 : memref<2x128xi32, #tpu.memory_space<hbm>>) dst(%arg9 : memref<2x128xi32, #tpu.memory_space<vmem>>)
        tpu.yield
      }) : () -> ()
      %dma_start3A_393 = arith.constant 0 : i32
      %dma_start3A_394 = arith.constant 0 : i32
      %dma_start3A_395 = tpu.memref_slice %arg9[%dma_start3A_393, %dma_start3A_394] : memref<2x128xi32, #tpu.memory_space<vmem>> -> memref<1x128xi32, #tpu.memory_space<vmem>>
      %dma_start3A_396 = tpu.memref_squeeze %dma_start3A_395 : memref<1x128xi32, #tpu.memory_space<vmem>> -> memref<128xi32, #tpu.memory_space<vmem>>
      %dma_start3A_397 = arith.constant 0 : i32
      %dma_start3A_398 = arith.constant 0 : i32
      %dma_start3A_399 = tpu.memref_slice %arg8[%dma_start3A_397, %dma_start3A_398] : memref<10000x48xf32, #tpu.memory_space<vmem_shared>> -> memref<10000x48xf32, #tpu.memory_space<vmem_shared>>
      tpu.enqueue_indirect_dma source(%dma_start3A_399 : memref<10000x48xf32, #tpu.memory_space<vmem_shared>>) target(%arg17 : memref<128x48xf32, #tpu.memory_space<vmem>>) offsets(%dma_start3A_396 : memref<128xi32, #tpu.memory_space<vmem>>) semaphore(%arg25 : memref<!tpu.dma_semaphore, #tpu.memory_space<semaphore_mem>>)
      %dma_wait3A_400 = arith.constant 0 : i32
      %dma_wait3A_401 = arith.constant 0 : i32
      %dma_wait3A_402 = tpu.memref_slice %arg7[%dma_wait3A_400, %dma_wait3A_401] : memref<10016x48xf32, #tpu.memory_space<vmem_shared>> -> memref<128x48xf32, #tpu.memory_space<vmem_shared>>
      %dma_wait3A_403 = arith.constant 0 : i32
      %dma_wait3A_404 = arith.constant 0 : i32
      %dma_wait3A_405 = tpu.memref_slice %arg7[%dma_wait3A_403, %dma_wait3A_404] : memref<10016x48xf32, #tpu.memory_space<vmem_shared>> -> memref<128x48xf32, #tpu.memory_space<vmem_shared>>
      tpu.wait_dma2 semaphore(%arg34 : memref<!tpu.dma_semaphore, #tpu.memory_space<semaphore_mem>>) src(%arg18 : memref<128x48xf32, #tpu.memory_space<vmem>>) dst(%dma_wait3A_405 : memref<128x48xf32, #tpu.memory_space<vmem_shared>>)
      %mul3A_406 = arith.constant 8 : i32
      %mul3A_407 = arith.muli %mul3A_406, %scan3A_269 : i32
      %add3A_408 = arith.constant 8 : i32
      %add3A_409 = arith.addi %mul3A_407, %add3A_408 : i32
      %add3A_410 = arith.constant 1 : i32
      %add3A_411 = arith.addi %add3A_409, %add3A_410 : i32
      %mul3A_412 = arith.constant 32 : i32
      %mul3A_413 = arith.muli %add3A_411, %mul3A_412 : i32
      %add3A_414 = arith.addi %mul3A_413, %add3A : i32
      %mul3A_415 = arith.constant 128 : i32
      %mul3A_416 = arith.muli %add3A_414, %mul3A_415 : i32
      %multiple_of3A_417 = tpu.assume_multiple %mul3A_416, 8 : i32
      "tpu.region"() ({
        %run_scoped3A = tpu.sem_alloc : memref<!tpu.dma_semaphore, #tpu.memory_space<semaphore_mem>>
        %dma_start3A_576 = arith.constant 0 : i32
        %dma_start3A_577 = tpu.memref_slice %arg3[%dma_start3A_576, %multiple_of3A_417] : memref<2x163840xi32, #tpu.memory_space<hbm>> -> memref<2x128xi32, #tpu.memory_space<hbm>>
        %dma_start3A_578 = arith.constant 0 : i32
        %dma_start3A_579 = tpu.memref_slice %arg3[%dma_start3A_578, %multiple_of3A_417] : memref<2x163840xi32, #tpu.memory_space<hbm>> -> memref<2x128xi32, #tpu.memory_space<hbm>>
        tpu.enqueue_dma source(%dma_start3A_579 : memref<2x128xi32, #tpu.memory_space<hbm>>) target(%arg10 : memref<2x128xi32, #tpu.memory_space<vmem>>) target_semaphore(%run_scoped3A : memref<!tpu.dma_semaphore, #tpu.memory_space<semaphore_mem>>)
        %dma_wait3A_580 = arith.constant 0 : i32
        %dma_wait3A_581 = tpu.memref_slice %arg3[%dma_wait3A_580, %multiple_of3A_417] : memref<2x163840xi32, #tpu.memory_space<hbm>> -> memref<2x128xi32, #tpu.memory_space<hbm>>
        %dma_wait3A_582 = arith.constant 0 : i32
        %dma_wait3A_583 = tpu.memref_slice %arg3[%dma_wait3A_582, %multiple_of3A_417] : memref<2x163840xi32, #tpu.memory_space<hbm>> -> memref<2x128xi32, #tpu.memory_space<hbm>>
        tpu.wait_dma2 semaphore(%run_scoped3A : memref<!tpu.dma_semaphore, #tpu.memory_space<semaphore_mem>>) src(%dma_wait3A_583 : memref<2x128xi32, #tpu.memory_space<hbm>>) dst(%arg10 : memref<2x128xi32, #tpu.memory_space<vmem>>)
        tpu.yield
      }) : () -> ()
      %dma_start3A_418 = arith.constant 0 : i32
      %dma_start3A_419 = arith.constant 0 : i32
      %dma_start3A_420 = tpu.memref_slice %arg10[%dma_start3A_418, %dma_start3A_419] : memref<2x128xi32, #tpu.memory_space<vmem>> -> memref<1x128xi32, #tpu.memory_space<vmem>>
      %dma_start3A_421 = tpu.memref_squeeze %dma_start3A_420 : memref<1x128xi32, #tpu.memory_space<vmem>> -> memref<128xi32, #tpu.memory_space<vmem>>
      %dma_start3A_422 = arith.constant 0 : i32
      %dma_start3A_423 = arith.constant 0 : i32
      %dma_start3A_424 = tpu.memref_slice %arg8[%dma_start3A_422, %dma_start3A_423] : memref<10000x48xf32, #tpu.memory_space<vmem_shared>> -> memref<10000x48xf32, #tpu.memory_space<vmem_shared>>
      tpu.enqueue_indirect_dma source(%dma_start3A_424 : memref<10000x48xf32, #tpu.memory_space<vmem_shared>>) target(%arg18 : memref<128x48xf32, #tpu.memory_space<vmem>>) offsets(%dma_start3A_421 : memref<128xi32, #tpu.memory_space<vmem>>) semaphore(%arg26 : memref<!tpu.dma_semaphore, #tpu.memory_space<semaphore_mem>>)
      %dma_wait3A_425 = arith.constant 0 : i32
      %dma_wait3A_426 = arith.constant 0 : i32
      %dma_wait3A_427 = tpu.memref_slice %arg7[%dma_wait3A_425, %dma_wait3A_426] : memref<10016x48xf32, #tpu.memory_space<vmem_shared>> -> memref<128x48xf32, #tpu.memory_space<vmem_shared>>
      %dma_wait3A_428 = arith.constant 0 : i32
      %dma_wait3A_429 = arith.constant 0 : i32
      %dma_wait3A_430 = tpu.memref_slice %arg7[%dma_wait3A_428, %dma_wait3A_429] : memref<10016x48xf32, #tpu.memory_space<vmem_shared>> -> memref<128x48xf32, #tpu.memory_space<vmem_shared>>
      tpu.wait_dma2 semaphore(%arg35 : memref<!tpu.dma_semaphore, #tpu.memory_space<semaphore_mem>>) src(%arg19 : memref<128x48xf32, #tpu.memory_space<vmem>>) dst(%dma_wait3A_430 : memref<128x48xf32, #tpu.memory_space<vmem_shared>>)
      %mul3A_431 = arith.constant 8 : i32
      %mul3A_432 = arith.muli %mul3A_431, %scan3A_269 : i32
      %add3A_433 = arith.constant 8 : i32
      %add3A_434 = arith.addi %mul3A_432, %add3A_433 : i32
      %add3A_435 = arith.constant 2 : i32
      %add3A_436 = arith.addi %add3A_434, %add3A_435 : i32
      %mul3A_437 = arith.constant 32 : i32
      %mul3A_438 = arith.muli %add3A_436, %mul3A_437 : i32
      %add3A_439 = arith.addi %mul3A_438, %add3A : i32
      %mul3A_440 = arith.constant 128 : i32
      %mul3A_441 = arith.muli %add3A_439, %mul3A_440 : i32
      %multiple_of3A_442 = tpu.assume_multiple %mul3A_441, 8 : i32
      "tpu.region"() ({
        %run_scoped3A = tpu.sem_alloc : memref<!tpu.dma_semaphore, #tpu.memory_space<semaphore_mem>>
        %dma_start3A_576 = arith.constant 0 : i32
        %dma_start3A_577 = tpu.memref_slice %arg3[%dma_start3A_576, %multiple_of3A_442] : memref<2x163840xi32, #tpu.memory_space<hbm>> -> memref<2x128xi32, #tpu.memory_space<hbm>>
        %dma_start3A_578 = arith.constant 0 : i32
        %dma_start3A_579 = tpu.memref_slice %arg3[%dma_start3A_578, %multiple_of3A_442] : memref<2x163840xi32, #tpu.memory_space<hbm>> -> memref<2x128xi32, #tpu.memory_space<hbm>>
        tpu.enqueue_dma source(%dma_start3A_579 : memref<2x128xi32, #tpu.memory_space<hbm>>) target(%arg11 : memref<2x128xi32, #tpu.memory_space<vmem>>) target_semaphore(%run_scoped3A : memref<!tpu.dma_semaphore, #tpu.memory_space<semaphore_mem>>)
        %dma_wait3A_580 = arith.constant 0 : i32
        %dma_wait3A_581 = tpu.memref_slice %arg3[%dma_wait3A_580, %multiple_of3A_442] : memref<2x163840xi32, #tpu.memory_space<hbm>> -> memref<2x128xi32, #tpu.memory_space<hbm>>
        %dma_wait3A_582 = arith.constant 0 : i32
        %dma_wait3A_583 = tpu.memref_slice %arg3[%dma_wait3A_582, %multiple_of3A_442] : memref<2x163840xi32, #tpu.memory_space<hbm>> -> memref<2x128xi32, #tpu.memory_space<hbm>>
        tpu.wait_dma2 semaphore(%run_scoped3A : memref<!tpu.dma_semaphore, #tpu.memory_space<semaphore_mem>>) src(%dma_wait3A_583 : memref<2x128xi32, #tpu.memory_space<hbm>>) dst(%arg11 : memref<2x128xi32, #tpu.memory_space<vmem>>)
        tpu.yield
      }) : () -> ()
      %dma_start3A_443 = arith.constant 0 : i32
      %dma_start3A_444 = arith.constant 0 : i32
      %dma_start3A_445 = tpu.memref_slice %arg11[%dma_start3A_443, %dma_start3A_444] : memref<2x128xi32, #tpu.memory_space<vmem>> -> memref<1x128xi32, #tpu.memory_space<vmem>>
      %dma_start3A_446 = tpu.memref_squeeze %dma_start3A_445 : memref<1x128xi32, #tpu.memory_space<vmem>> -> memref<128xi32, #tpu.memory_space<vmem>>
      %dma_start3A_447 = arith.constant 0 : i32
      %dma_start3A_448 = arith.constant 0 : i32
      %dma_start3A_449 = tpu.memref_slice %arg8[%dma_start3A_447, %dma_start3A_448] : memref<10000x48xf32, #tpu.memory_space<vmem_shared>> -> memref<10000x48xf32, #tpu.memory_space<vmem_shared>>
      tpu.enqueue_indirect_dma source(%dma_start3A_449 : memref<10000x48xf32, #tpu.memory_space<vmem_shared>>) target(%arg19 : memref<128x48xf32, #tpu.memory_space<vmem>>) offsets(%dma_start3A_446 : memref<128xi32, #tpu.memory_space<vmem>>) semaphore(%arg27 : memref<!tpu.dma_semaphore, #tpu.memory_space<semaphore_mem>>)
      %dma_wait3A_450 = arith.constant 0 : i32
      %dma_wait3A_451 = arith.constant 0 : i32
      %dma_wait3A_452 = tpu.memref_slice %arg7[%dma_wait3A_450, %dma_wait3A_451] : memref<10016x48xf32, #tpu.memory_space<vmem_shared>> -> memref<128x48xf32, #tpu.memory_space<vmem_shared>>
      %dma_wait3A_453 = arith.constant 0 : i32
      %dma_wait3A_454 = arith.constant 0 : i32
      %dma_wait3A_455 = tpu.memref_slice %arg7[%dma_wait3A_453, %dma_wait3A_454] : memref<10016x48xf32, #tpu.memory_space<vmem_shared>> -> memref<128x48xf32, #tpu.memory_space<vmem_shared>>
      tpu.wait_dma2 semaphore(%arg36 : memref<!tpu.dma_semaphore, #tpu.memory_space<semaphore_mem>>) src(%arg20 : memref<128x48xf32, #tpu.memory_space<vmem>>) dst(%dma_wait3A_455 : memref<128x48xf32, #tpu.memory_space<vmem_shared>>)
      %mul3A_456 = arith.constant 8 : i32
      %mul3A_457 = arith.muli %mul3A_456, %scan3A_269 : i32
      %add3A_458 = arith.constant 8 : i32
      %add3A_459 = arith.addi %mul3A_457, %add3A_458 : i32
      %add3A_460 = arith.constant 3 : i32
      %add3A_461 = arith.addi %add3A_459, %add3A_460 : i32
      %mul3A_462 = arith.constant 32 : i32
      %mul3A_463 = arith.muli %add3A_461, %mul3A_462 : i32
      %add3A_464 = arith.addi %mul3A_463, %add3A : i32
      %mul3A_465 = arith.constant 128 : i32
      %mul3A_466 = arith.muli %add3A_464, %mul3A_465 : i32
      %multiple_of3A_467 = tpu.assume_multiple %mul3A_466, 8 : i32
      "tpu.region"() ({
        %run_scoped3A = tpu.sem_alloc : memref<!tpu.dma_semaphore, #tpu.memory_space<semaphore_mem>>
        %dma_start3A_576 = arith.constant 0 : i32
        %dma_start3A_577 = tpu.memref_slice %arg3[%dma_start3A_576, %multiple_of3A_467] : memref<2x163840xi32, #tpu.memory_space<hbm>> -> memref<2x128xi32, #tpu.memory_space<hbm>>
        %dma_start3A_578 = arith.constant 0 : i32
        %dma_start3A_579 = tpu.memref_slice %arg3[%dma_start3A_578, %multiple_of3A_467] : memref<2x163840xi32, #tpu.memory_space<hbm>> -> memref<2x128xi32, #tpu.memory_space<hbm>>
        tpu.enqueue_dma source(%dma_start3A_579 : memref<2x128xi32, #tpu.memory_space<hbm>>) target(%arg12 : memref<2x128xi32, #tpu.memory_space<vmem>>) target_semaphore(%run_scoped3A : memref<!tpu.dma_semaphore, #tpu.memory_space<semaphore_mem>>)
        %dma_wait3A_580 = arith.constant 0 : i32
        %dma_wait3A_581 = tpu.memref_slice %arg3[%dma_wait3A_580, %multiple_of3A_467] : memref<2x163840xi32, #tpu.memory_space<hbm>> -> memref<2x128xi32, #tpu.memory_space<hbm>>
        %dma_wait3A_582 = arith.constant 0 : i32
        %dma_wait3A_583 = tpu.memref_slice %arg3[%dma_wait3A_582, %multiple_of3A_467] : memref<2x163840xi32, #tpu.memory_space<hbm>> -> memref<2x128xi32, #tpu.memory_space<hbm>>
        tpu.wait_dma2 semaphore(%run_scoped3A : memref<!tpu.dma_semaphore, #tpu.memory_space<semaphore_mem>>) src(%dma_wait3A_583 : memref<2x128xi32, #tpu.memory_space<hbm>>) dst(%arg12 : memref<2x128xi32, #tpu.memory_space<vmem>>)
        tpu.yield
      }) : () -> ()
      %dma_start3A_468 = arith.constant 0 : i32
      %dma_start3A_469 = arith.constant 0 : i32
      %dma_start3A_470 = tpu.memref_slice %arg12[%dma_start3A_468, %dma_start3A_469] : memref<2x128xi32, #tpu.memory_space<vmem>> -> memref<1x128xi32, #tpu.memory_space<vmem>>
      %dma_start3A_471 = tpu.memref_squeeze %dma_start3A_470 : memref<1x128xi32, #tpu.memory_space<vmem>> -> memref<128xi32, #tpu.memory_space<vmem>>
      %dma_start3A_472 = arith.constant 0 : i32
      %dma_start3A_473 = arith.constant 0 : i32
      %dma_start3A_474 = tpu.memref_slice %arg8[%dma_start3A_472, %dma_start3A_473] : memref<10000x48xf32, #tpu.memory_space<vmem_shared>> -> memref<10000x48xf32, #tpu.memory_space<vmem_shared>>
      tpu.enqueue_indirect_dma source(%dma_start3A_474 : memref<10000x48xf32, #tpu.memory_space<vmem_shared>>) target(%arg20 : memref<128x48xf32, #tpu.memory_space<vmem>>) offsets(%dma_start3A_471 : memref<128xi32, #tpu.memory_space<vmem>>) semaphore(%arg28 : memref<!tpu.dma_semaphore, #tpu.memory_space<semaphore_mem>>)
      %dma_wait3A_475 = arith.constant 0 : i32
      %dma_wait3A_476 = arith.constant 0 : i32
      %dma_wait3A_477 = tpu.memref_slice %arg7[%dma_wait3A_475, %dma_wait3A_476] : memref<10016x48xf32, #tpu.memory_space<vmem_shared>> -> memref<128x48xf32, #tpu.memory_space<vmem_shared>>
      %dma_wait3A_478 = arith.constant 0 : i32
      %dma_wait3A_479 = arith.constant 0 : i32
      %dma_wait3A_480 = tpu.memref_slice %arg7[%dma_wait3A_478, %dma_wait3A_479] : memref<10016x48xf32, #tpu.memory_space<vmem_shared>> -> memref<128x48xf32, #tpu.memory_space<vmem_shared>>
      tpu.wait_dma2 semaphore(%arg37 : memref<!tpu.dma_semaphore, #tpu.memory_space<semaphore_mem>>) src(%arg21 : memref<128x48xf32, #tpu.memory_space<vmem>>) dst(%dma_wait3A_480 : memref<128x48xf32, #tpu.memory_space<vmem_shared>>)
      %mul3A_481 = arith.constant 8 : i32
      %mul3A_482 = arith.muli %mul3A_481, %scan3A_269 : i32
      %add3A_483 = arith.constant 8 : i32
      %add3A_484 = arith.addi %mul3A_482, %add3A_483 : i32
      %add3A_485 = arith.constant 4 : i32
      %add3A_486 = arith.addi %add3A_484, %add3A_485 : i32
      %mul3A_487 = arith.constant 32 : i32
      %mul3A_488 = arith.muli %add3A_486, %mul3A_487 : i32
      %add3A_489 = arith.addi %mul3A_488, %add3A : i32
      %mul3A_490 = arith.constant 128 : i32
      %mul3A_491 = arith.muli %add3A_489, %mul3A_490 : i32
      %multiple_of3A_492 = tpu.assume_multiple %mul3A_491, 8 : i32
      "tpu.region"() ({
        %run_scoped3A = tpu.sem_alloc : memref<!tpu.dma_semaphore, #tpu.memory_space<semaphore_mem>>
        %dma_start3A_576 = arith.constant 0 : i32
        %dma_start3A_577 = tpu.memref_slice %arg3[%dma_start3A_576, %multiple_of3A_492] : memref<2x163840xi32, #tpu.memory_space<hbm>> -> memref<2x128xi32, #tpu.memory_space<hbm>>
        %dma_start3A_578 = arith.constant 0 : i32
        %dma_start3A_579 = tpu.memref_slice %arg3[%dma_start3A_578, %multiple_of3A_492] : memref<2x163840xi32, #tpu.memory_space<hbm>> -> memref<2x128xi32, #tpu.memory_space<hbm>>
        tpu.enqueue_dma source(%dma_start3A_579 : memref<2x128xi32, #tpu.memory_space<hbm>>) target(%arg13 : memref<2x128xi32, #tpu.memory_space<vmem>>) target_semaphore(%run_scoped3A : memref<!tpu.dma_semaphore, #tpu.memory_space<semaphore_mem>>)
        %dma_wait3A_580 = arith.constant 0 : i32
        %dma_wait3A_581 = tpu.memref_slice %arg3[%dma_wait3A_580, %multiple_of3A_492] : memref<2x163840xi32, #tpu.memory_space<hbm>> -> memref<2x128xi32, #tpu.memory_space<hbm>>
        %dma_wait3A_582 = arith.constant 0 : i32
        %dma_wait3A_583 = tpu.memref_slice %arg3[%dma_wait3A_582, %multiple_of3A_492] : memref<2x163840xi32, #tpu.memory_space<hbm>> -> memref<2x128xi32, #tpu.memory_space<hbm>>
        tpu.wait_dma2 semaphore(%run_scoped3A : memref<!tpu.dma_semaphore, #tpu.memory_space<semaphore_mem>>) src(%dma_wait3A_583 : memref<2x128xi32, #tpu.memory_space<hbm>>) dst(%arg13 : memref<2x128xi32, #tpu.memory_space<vmem>>)
        tpu.yield
      }) : () -> ()
      %dma_start3A_493 = arith.constant 0 : i32
      %dma_start3A_494 = arith.constant 0 : i32
      %dma_start3A_495 = tpu.memref_slice %arg13[%dma_start3A_493, %dma_start3A_494] : memref<2x128xi32, #tpu.memory_space<vmem>> -> memref<1x128xi32, #tpu.memory_space<vmem>>
      %dma_start3A_496 = tpu.memref_squeeze %dma_start3A_495 : memref<1x128xi32, #tpu.memory_space<vmem>> -> memref<128xi32, #tpu.memory_space<vmem>>
      %dma_start3A_497 = arith.constant 0 : i32
      %dma_start3A_498 = arith.constant 0 : i32
      %dma_start3A_499 = tpu.memref_slice %arg8[%dma_start3A_497, %dma_start3A_498] : memref<10000x48xf32, #tpu.memory_space<vmem_shared>> -> memref<10000x48xf32, #tpu.memory_space<vmem_shared>>
      tpu.enqueue_indirect_dma source(%dma_start3A_499 : memref<10000x48xf32, #tpu.memory_space<vmem_shared>>) target(%arg21 : memref<128x48xf32, #tpu.memory_space<vmem>>) offsets(%dma_start3A_496 : memref<128xi32, #tpu.memory_space<vmem>>) semaphore(%arg29 : memref<!tpu.dma_semaphore, #tpu.memory_space<semaphore_mem>>)
      %dma_wait3A_500 = arith.constant 0 : i32
      %dma_wait3A_501 = arith.constant 0 : i32
      %dma_wait3A_502 = tpu.memref_slice %arg7[%dma_wait3A_500, %dma_wait3A_501] : memref<10016x48xf32, #tpu.memory_space<vmem_shared>> -> memref<128x48xf32, #tpu.memory_space<vmem_shared>>
      %dma_wait3A_503 = arith.constant 0 : i32
      %dma_wait3A_504 = arith.constant 0 : i32
      %dma_wait3A_505 = tpu.memref_slice %arg7[%dma_wait3A_503, %dma_wait3A_504] : memref<10016x48xf32, #tpu.memory_space<vmem_shared>> -> memref<128x48xf32, #tpu.memory_space<vmem_shared>>
      tpu.wait_dma2 semaphore(%arg38 : memref<!tpu.dma_semaphore, #tpu.memory_space<semaphore_mem>>) src(%arg22 : memref<128x48xf32, #tpu.memory_space<vmem>>) dst(%dma_wait3A_505 : memref<128x48xf32, #tpu.memory_space<vmem_shared>>)
      %mul3A_506 = arith.constant 8 : i32
      %mul3A_507 = arith.muli %mul3A_506, %scan3A_269 : i32
      %add3A_508 = arith.constant 8 : i32
      %add3A_509 = arith.addi %mul3A_507, %add3A_508 : i32
      %add3A_510 = arith.constant 5 : i32
      %add3A_511 = arith.addi %add3A_509, %add3A_510 : i32
      %mul3A_512 = arith.constant 32 : i32
      %mul3A_513 = arith.muli %add3A_511, %mul3A_512 : i32
      %add3A_514 = arith.addi %mul3A_513, %add3A : i32
      %mul3A_515 = arith.constant 128 : i32
      %mul3A_516 = arith.muli %add3A_514, %mul3A_515 : i32
      %multiple_of3A_517 = tpu.assume_multiple %mul3A_516, 8 : i32
      "tpu.region"() ({
        %run_scoped3A = tpu.sem_alloc : memref<!tpu.dma_semaphore, #tpu.memory_space<semaphore_mem>>
        %dma_start3A_576 = arith.constant 0 : i32
        %dma_start3A_577 = tpu.memref_slice %arg3[%dma_start3A_576, %multiple_of3A_517] : memref<2x163840xi32, #tpu.memory_space<hbm>> -> memref<2x128xi32, #tpu.memory_space<hbm>>
        %dma_start3A_578 = arith.constant 0 : i32
        %dma_start3A_579 = tpu.memref_slice %arg3[%dma_start3A_578, %multiple_of3A_517] : memref<2x163840xi32, #tpu.memory_space<hbm>> -> memref<2x128xi32, #tpu.memory_space<hbm>>
        tpu.enqueue_dma source(%dma_start3A_579 : memref<2x128xi32, #tpu.memory_space<hbm>>) target(%arg14 : memref<2x128xi32, #tpu.memory_space<vmem>>) target_semaphore(%run_scoped3A : memref<!tpu.dma_semaphore, #tpu.memory_space<semaphore_mem>>)
        %dma_wait3A_580 = arith.constant 0 : i32
        %dma_wait3A_581 = tpu.memref_slice %arg3[%dma_wait3A_580, %multiple_of3A_517] : memref<2x163840xi32, #tpu.memory_space<hbm>> -> memref<2x128xi32, #tpu.memory_space<hbm>>
        %dma_wait3A_582 = arith.constant 0 : i32
        %dma_wait3A_583 = tpu.memref_slice %arg3[%dma_wait3A_582, %multiple_of3A_517] : memref<2x163840xi32, #tpu.memory_space<hbm>> -> memref<2x128xi32, #tpu.memory_space<hbm>>
        tpu.wait_dma2 semaphore(%run_scoped3A : memref<!tpu.dma_semaphore, #tpu.memory_space<semaphore_mem>>) src(%dma_wait3A_583 : memref<2x128xi32, #tpu.memory_space<hbm>>) dst(%arg14 : memref<2x128xi32, #tpu.memory_space<vmem>>)
        tpu.yield
      }) : () -> ()
      %dma_start3A_518 = arith.constant 0 : i32
      %dma_start3A_519 = arith.constant 0 : i32
      %dma_start3A_520 = tpu.memref_slice %arg14[%dma_start3A_518, %dma_start3A_519] : memref<2x128xi32, #tpu.memory_space<vmem>> -> memref<1x128xi32, #tpu.memory_space<vmem>>
      %dma_start3A_521 = tpu.memref_squeeze %dma_start3A_520 : memref<1x128xi32, #tpu.memory_space<vmem>> -> memref<128xi32, #tpu.memory_space<vmem>>
      %dma_start3A_522 = arith.constant 0 : i32
      %dma_start3A_523 = arith.constant 0 : i32
      %dma_start3A_524 = tpu.memref_slice %arg8[%dma_start3A_522, %dma_start3A_523] : memref<10000x48xf32, #tpu.memory_space<vmem_shared>> -> memref<10000x48xf32, #tpu.memory_space<vmem_shared>>
      tpu.enqueue_indirect_dma source(%dma_start3A_524 : memref<10000x48xf32, #tpu.memory_space<vmem_shared>>) target(%arg22 : memref<128x48xf32, #tpu.memory_space<vmem>>) offsets(%dma_start3A_521 : memref<128xi32, #tpu.memory_space<vmem>>) semaphore(%arg30 : memref<!tpu.dma_semaphore, #tpu.memory_space<semaphore_mem>>)
      %dma_wait3A_525 = arith.constant 0 : i32
      %dma_wait3A_526 = arith.constant 0 : i32
      %dma_wait3A_527 = tpu.memref_slice %arg7[%dma_wait3A_525, %dma_wait3A_526] : memref<10016x48xf32, #tpu.memory_space<vmem_shared>> -> memref<128x48xf32, #tpu.memory_space<vmem_shared>>
      %dma_wait3A_528 = arith.constant 0 : i32
      %dma_wait3A_529 = arith.constant 0 : i32
      %dma_wait3A_530 = tpu.memref_slice %arg7[%dma_wait3A_528, %dma_wait3A_529] : memref<10016x48xf32, #tpu.memory_space<vmem_shared>> -> memref<128x48xf32, #tpu.memory_space<vmem_shared>>
      tpu.wait_dma2 semaphore(%arg39 : memref<!tpu.dma_semaphore, #tpu.memory_space<semaphore_mem>>) src(%arg23 : memref<128x48xf32, #tpu.memory_space<vmem>>) dst(%dma_wait3A_530 : memref<128x48xf32, #tpu.memory_space<vmem_shared>>)
      %mul3A_531 = arith.constant 8 : i32
      %mul3A_532 = arith.muli %mul3A_531, %scan3A_269 : i32
      %add3A_533 = arith.constant 8 : i32
      %add3A_534 = arith.addi %mul3A_532, %add3A_533 : i32
      %add3A_535 = arith.constant 6 : i32
      %add3A_536 = arith.addi %add3A_534, %add3A_535 : i32
      %mul3A_537 = arith.constant 32 : i32
      %mul3A_538 = arith.muli %add3A_536, %mul3A_537 : i32
      %add3A_539 = arith.addi %mul3A_538, %add3A : i32
      %mul3A_540 = arith.constant 128 : i32
      %mul3A_541 = arith.muli %add3A_539, %mul3A_540 : i32
      %multiple_of3A_542 = tpu.assume_multiple %mul3A_541, 8 : i32
      "tpu.region"() ({
        %run_scoped3A = tpu.sem_alloc : memref<!tpu.dma_semaphore, #tpu.memory_space<semaphore_mem>>
        %dma_start3A_576 = arith.constant 0 : i32
        %dma_start3A_577 = tpu.memref_slice %arg3[%dma_start3A_576, %multiple_of3A_542] : memref<2x163840xi32, #tpu.memory_space<hbm>> -> memref<2x128xi32, #tpu.memory_space<hbm>>
        %dma_start3A_578 = arith.constant 0 : i32
        %dma_start3A_579 = tpu.memref_slice %arg3[%dma_start3A_578, %multiple_of3A_542] : memref<2x163840xi32, #tpu.memory_space<hbm>> -> memref<2x128xi32, #tpu.memory_space<hbm>>
        tpu.enqueue_dma source(%dma_start3A_579 : memref<2x128xi32, #tpu.memory_space<hbm>>) target(%arg15 : memref<2x128xi32, #tpu.memory_space<vmem>>) target_semaphore(%run_scoped3A : memref<!tpu.dma_semaphore, #tpu.memory_space<semaphore_mem>>)
        %dma_wait3A_580 = arith.constant 0 : i32
        %dma_wait3A_581 = tpu.memref_slice %arg3[%dma_wait3A_580, %multiple_of3A_542] : memref<2x163840xi32, #tpu.memory_space<hbm>> -> memref<2x128xi32, #tpu.memory_space<hbm>>
        %dma_wait3A_582 = arith.constant 0 : i32
        %dma_wait3A_583 = tpu.memref_slice %arg3[%dma_wait3A_582, %multiple_of3A_542] : memref<2x163840xi32, #tpu.memory_space<hbm>> -> memref<2x128xi32, #tpu.memory_space<hbm>>
        tpu.wait_dma2 semaphore(%run_scoped3A : memref<!tpu.dma_semaphore, #tpu.memory_space<semaphore_mem>>) src(%dma_wait3A_583 : memref<2x128xi32, #tpu.memory_space<hbm>>) dst(%arg15 : memref<2x128xi32, #tpu.memory_space<vmem>>)
        tpu.yield
      }) : () -> ()
      %dma_start3A_543 = arith.constant 0 : i32
      %dma_start3A_544 = arith.constant 0 : i32
      %dma_start3A_545 = tpu.memref_slice %arg15[%dma_start3A_543, %dma_start3A_544] : memref<2x128xi32, #tpu.memory_space<vmem>> -> memref<1x128xi32, #tpu.memory_space<vmem>>
      %dma_start3A_546 = tpu.memref_squeeze %dma_start3A_545 : memref<1x128xi32, #tpu.memory_space<vmem>> -> memref<128xi32, #tpu.memory_space<vmem>>
      %dma_start3A_547 = arith.constant 0 : i32
      %dma_start3A_548 = arith.constant 0 : i32
      %dma_start3A_549 = tpu.memref_slice %arg8[%dma_start3A_547, %dma_start3A_548] : memref<10000x48xf32, #tpu.memory_space<vmem_shared>> -> memref<10000x48xf32, #tpu.memory_space<vmem_shared>>
      tpu.enqueue_indirect_dma source(%dma_start3A_549 : memref<10000x48xf32, #tpu.memory_space<vmem_shared>>) target(%arg23 : memref<128x48xf32, #tpu.memory_space<vmem>>) offsets(%dma_start3A_546 : memref<128xi32, #tpu.memory_space<vmem>>) semaphore(%arg31 : memref<!tpu.dma_semaphore, #tpu.memory_space<semaphore_mem>>)
      %dma_wait3A_550 = arith.constant 0 : i32
      %dma_wait3A_551 = arith.constant 0 : i32
      %dma_wait3A_552 = tpu.memref_slice %arg7[%dma_wait3A_550, %dma_wait3A_551] : memref<10016x48xf32, #tpu.memory_space<vmem_shared>> -> memref<128x48xf32, #tpu.memory_space<vmem_shared>>
      %dma_wait3A_553 = arith.constant 0 : i32
      %dma_wait3A_554 = arith.constant 0 : i32
      %dma_wait3A_555 = tpu.memref_slice %arg7[%dma_wait3A_553, %dma_wait3A_554] : memref<10016x48xf32, #tpu.memory_space<vmem_shared>> -> memref<128x48xf32, #tpu.memory_space<vmem_shared>>
      tpu.wait_dma2 semaphore(%arg40 : memref<!tpu.dma_semaphore, #tpu.memory_space<semaphore_mem>>) src(%arg24 : memref<128x48xf32, #tpu.memory_space<vmem>>) dst(%dma_wait3A_555 : memref<128x48xf32, #tpu.memory_space<vmem_shared>>)
      %mul3A_556 = arith.constant 8 : i32
      %mul3A_557 = arith.muli %mul3A_556, %scan3A_269 : i32
      %add3A_558 = arith.constant 8 : i32
      %add3A_559 = arith.addi %mul3A_557, %add3A_558 : i32
      %add3A_560 = arith.constant 7 : i32
      %add3A_561 = arith.addi %add3A_559, %add3A_560 : i32
      %mul3A_562 = arith.constant 32 : i32
      %mul3A_563 = arith.muli %add3A_561, %mul3A_562 : i32
      %add3A_564 = arith.addi %mul3A_563, %add3A : i32
      %mul3A_565 = arith.constant 128 : i32
      %mul3A_566 = arith.muli %add3A_564, %mul3A_565 : i32
      %multiple_of3A_567 = tpu.assume_multiple %mul3A_566, 8 : i32
      "tpu.region"() ({
        %run_scoped3A = tpu.sem_alloc : memref<!tpu.dma_semaphore, #tpu.memory_space<semaphore_mem>>
        %dma_start3A_576 = arith.constant 0 : i32
        %dma_start3A_577 = tpu.memref_slice %arg3[%dma_start3A_576, %multiple_of3A_567] : memref<2x163840xi32, #tpu.memory_space<hbm>> -> memref<2x128xi32, #tpu.memory_space<hbm>>
        %dma_start3A_578 = arith.constant 0 : i32
        %dma_start3A_579 = tpu.memref_slice %arg3[%dma_start3A_578, %multiple_of3A_567] : memref<2x163840xi32, #tpu.memory_space<hbm>> -> memref<2x128xi32, #tpu.memory_space<hbm>>
        tpu.enqueue_dma source(%dma_start3A_579 : memref<2x128xi32, #tpu.memory_space<hbm>>) target(%arg16 : memref<2x128xi32, #tpu.memory_space<vmem>>) target_semaphore(%run_scoped3A : memref<!tpu.dma_semaphore, #tpu.memory_space<semaphore_mem>>)
        %dma_wait3A_580 = arith.constant 0 : i32
        %dma_wait3A_581 = tpu.memref_slice %arg3[%dma_wait3A_580, %multiple_of3A_567] : memref<2x163840xi32, #tpu.memory_space<hbm>> -> memref<2x128xi32, #tpu.memory_space<hbm>>
        %dma_wait3A_582 = arith.constant 0 : i32
        %dma_wait3A_583 = tpu.memref_slice %arg3[%dma_wait3A_582, %multiple_of3A_567] : memref<2x163840xi32, #tpu.memory_space<hbm>> -> memref<2x128xi32, #tpu.memory_space<hbm>>
        tpu.wait_dma2 semaphore(%run_scoped3A : memref<!tpu.dma_semaphore, #tpu.memory_space<semaphore_mem>>) src(%dma_wait3A_583 : memref<2x128xi32, #tpu.memory_space<hbm>>) dst(%arg16 : memref<2x128xi32, #tpu.memory_space<vmem>>)
        tpu.yield
      }) : () -> ()
      %dma_start3A_568 = arith.constant 0 : i32
      %dma_start3A_569 = arith.constant 0 : i32
      %dma_start3A_570 = tpu.memref_slice %arg16[%dma_start3A_568, %dma_start3A_569] : memref<2x128xi32, #tpu.memory_space<vmem>> -> memref<1x128xi32, #tpu.memory_space<vmem>>
      %dma_start3A_571 = tpu.memref_squeeze %dma_start3A_570 : memref<1x128xi32, #tpu.memory_space<vmem>> -> memref<128xi32, #tpu.memory_space<vmem>>
      %dma_start3A_572 = arith.constant 0 : i32
      %dma_start3A_573 = arith.constant 0 : i32
      %dma_start3A_574 = tpu.memref_slice %arg8[%dma_start3A_572, %dma_start3A_573] : memref<10000x48xf32, #tpu.memory_space<vmem_shared>> -> memref<10000x48xf32, #tpu.memory_space<vmem_shared>>
      tpu.enqueue_indirect_dma source(%dma_start3A_574 : memref<10000x48xf32, #tpu.memory_space<vmem_shared>>) target(%arg24 : memref<128x48xf32, #tpu.memory_space<vmem>>) offsets(%dma_start3A_571 : memref<128xi32, #tpu.memory_space<vmem>>) semaphore(%arg32 : memref<!tpu.dma_semaphore, #tpu.memory_space<semaphore_mem>>)
      %scan3A_575 = arith.constant 0 : i32
      scf.yield %scan3A_575 : i32
    }
    %scan3A_106 = arith.constant 4 : i32
    %dma_wait3A = arith.constant 0 : i32
    %dma_wait3A_107 = arith.constant 0 : i32
    %dma_wait3A_108 = tpu.memref_slice %arg8[%dma_wait3A, %dma_wait3A_107] : memref<10000x48xf32, #tpu.memory_space<vmem_shared>> -> memref<128x48xf32, #tpu.memory_space<vmem_shared>>
    %dma_wait3A_109 = arith.constant 0 : i32
    %dma_wait3A_110 = arith.constant 0 : i32
    %dma_wait3A_111 = tpu.memref_slice %arg8[%dma_wait3A_109, %dma_wait3A_110] : memref<10000x48xf32, #tpu.memory_space<vmem_shared>> -> memref<128x48xf32, #tpu.memory_space<vmem_shared>>
    tpu.wait_dma2 semaphore(%arg25 : memref<!tpu.dma_semaphore, #tpu.memory_space<semaphore_mem>>) src(%dma_wait3A_111 : memref<128x48xf32, #tpu.memory_space<vmem_shared>>) dst(%arg17 : memref<128x48xf32, #tpu.memory_space<vmem>>)
    %dma_start3A_112 = arith.constant 1 : i32
    %dma_start3A_113 = arith.constant 0 : i32
    %dma_start3A_114 = tpu.memref_slice %arg9[%dma_start3A_112, %dma_start3A_113] : memref<2x128xi32, #tpu.memory_space<vmem>> -> memref<1x128xi32, #tpu.memory_space<vmem>>
    %dma_start3A_115 = tpu.memref_squeeze %dma_start3A_114 : memref<1x128xi32, #tpu.memory_space<vmem>> -> memref<128xi32, #tpu.memory_space<vmem>>
    %dma_start3A_116 = arith.constant 0 : i32
    %dma_start3A_117 = arith.constant 0 : i32
    %dma_start3A_118 = tpu.memref_slice %arg7[%dma_start3A_116, %dma_start3A_117] : memref<10016x48xf32, #tpu.memory_space<vmem_shared>> -> memref<10016x48xf32, #tpu.memory_space<vmem_shared>>
    tpu.enqueue_indirect_dma source(%arg17 : memref<128x48xf32, #tpu.memory_space<vmem>>) target(%dma_start3A_118 : memref<10016x48xf32, #tpu.memory_space<vmem_shared>>) offsets(%dma_start3A_115 : memref<128xi32, #tpu.memory_space<vmem>>) semaphore(%arg33 : memref<!tpu.dma_semaphore, #tpu.memory_space<semaphore_mem>>) {add = true}
    %dma_wait3A_119 = arith.constant 0 : i32
    %dma_wait3A_120 = arith.constant 0 : i32
    %dma_wait3A_121 = tpu.memref_slice %arg8[%dma_wait3A_119, %dma_wait3A_120] : memref<10000x48xf32, #tpu.memory_space<vmem_shared>> -> memref<128x48xf32, #tpu.memory_space<vmem_shared>>
    %dma_wait3A_122 = arith.constant 0 : i32
    %dma_wait3A_123 = arith.constant 0 : i32
    %dma_wait3A_124 = tpu.memref_slice %arg8[%dma_wait3A_122, %dma_wait3A_123] : memref<10000x48xf32, #tpu.memory_space<vmem_shared>> -> memref<128x48xf32, #tpu.memory_space<vmem_shared>>
    tpu.wait_dma2 semaphore(%arg26 : memref<!tpu.dma_semaphore, #tpu.memory_space<semaphore_mem>>) src(%dma_wait3A_124 : memref<128x48xf32, #tpu.memory_space<vmem_shared>>) dst(%arg18 : memref<128x48xf32, #tpu.memory_space<vmem>>)
    %dma_start3A_125 = arith.constant 1 : i32
    %dma_start3A_126 = arith.constant 0 : i32
    %dma_start3A_127 = tpu.memref_slice %arg10[%dma_start3A_125, %dma_start3A_126] : memref<2x128xi32, #tpu.memory_space<vmem>> -> memref<1x128xi32, #tpu.memory_space<vmem>>
    %dma_start3A_128 = tpu.memref_squeeze %dma_start3A_127 : memref<1x128xi32, #tpu.memory_space<vmem>> -> memref<128xi32, #tpu.memory_space<vmem>>
    %dma_start3A_129 = arith.constant 0 : i32
    %dma_start3A_130 = arith.constant 0 : i32
    %dma_start3A_131 = tpu.memref_slice %arg7[%dma_start3A_129, %dma_start3A_130] : memref<10016x48xf32, #tpu.memory_space<vmem_shared>> -> memref<10016x48xf32, #tpu.memory_space<vmem_shared>>
    tpu.enqueue_indirect_dma source(%arg18 : memref<128x48xf32, #tpu.memory_space<vmem>>) target(%dma_start3A_131 : memref<10016x48xf32, #tpu.memory_space<vmem_shared>>) offsets(%dma_start3A_128 : memref<128xi32, #tpu.memory_space<vmem>>) semaphore(%arg34 : memref<!tpu.dma_semaphore, #tpu.memory_space<semaphore_mem>>) {add = true}
    %dma_wait3A_132 = arith.constant 0 : i32
    %dma_wait3A_133 = arith.constant 0 : i32
    %dma_wait3A_134 = tpu.memref_slice %arg8[%dma_wait3A_132, %dma_wait3A_133] : memref<10000x48xf32, #tpu.memory_space<vmem_shared>> -> memref<128x48xf32, #tpu.memory_space<vmem_shared>>
    %dma_wait3A_135 = arith.constant 0 : i32
    %dma_wait3A_136 = arith.constant 0 : i32
    %dma_wait3A_137 = tpu.memref_slice %arg8[%dma_wait3A_135, %dma_wait3A_136] : memref<10000x48xf32, #tpu.memory_space<vmem_shared>> -> memref<128x48xf32, #tpu.memory_space<vmem_shared>>
    tpu.wait_dma2 semaphore(%arg27 : memref<!tpu.dma_semaphore, #tpu.memory_space<semaphore_mem>>) src(%dma_wait3A_137 : memref<128x48xf32, #tpu.memory_space<vmem_shared>>) dst(%arg19 : memref<128x48xf32, #tpu.memory_space<vmem>>)
    %dma_start3A_138 = arith.constant 1 : i32
    %dma_start3A_139 = arith.constant 0 : i32
    %dma_start3A_140 = tpu.memref_slice %arg11[%dma_start3A_138, %dma_start3A_139] : memref<2x128xi32, #tpu.memory_space<vmem>> -> memref<1x128xi32, #tpu.memory_space<vmem>>
    %dma_start3A_141 = tpu.memref_squeeze %dma_start3A_140 : memref<1x128xi32, #tpu.memory_space<vmem>> -> memref<128xi32, #tpu.memory_space<vmem>>
    %dma_start3A_142 = arith.constant 0 : i32
    %dma_start3A_143 = arith.constant 0 : i32
    %dma_start3A_144 = tpu.memref_slice %arg7[%dma_start3A_142, %dma_start3A_143] : memref<10016x48xf32, #tpu.memory_space<vmem_shared>> -> memref<10016x48xf32, #tpu.memory_space<vmem_shared>>
    tpu.enqueue_indirect_dma source(%arg19 : memref<128x48xf32, #tpu.memory_space<vmem>>) target(%dma_start3A_144 : memref<10016x48xf32, #tpu.memory_space<vmem_shared>>) offsets(%dma_start3A_141 : memref<128xi32, #tpu.memory_space<vmem>>) semaphore(%arg35 : memref<!tpu.dma_semaphore, #tpu.memory_space<semaphore_mem>>) {add = true}
    %dma_wait3A_145 = arith.constant 0 : i32
    %dma_wait3A_146 = arith.constant 0 : i32
    %dma_wait3A_147 = tpu.memref_slice %arg8[%dma_wait3A_145, %dma_wait3A_146] : memref<10000x48xf32, #tpu.memory_space<vmem_shared>> -> memref<128x48xf32, #tpu.memory_space<vmem_shared>>
    %dma_wait3A_148 = arith.constant 0 : i32
    %dma_wait3A_149 = arith.constant 0 : i32
    %dma_wait3A_150 = tpu.memref_slice %arg8[%dma_wait3A_148, %dma_wait3A_149] : memref<10000x48xf32, #tpu.memory_space<vmem_shared>> -> memref<128x48xf32, #tpu.memory_space<vmem_shared>>
    tpu.wait_dma2 semaphore(%arg28 : memref<!tpu.dma_semaphore, #tpu.memory_space<semaphore_mem>>) src(%dma_wait3A_150 : memref<128x48xf32, #tpu.memory_space<vmem_shared>>) dst(%arg20 : memref<128x48xf32, #tpu.memory_space<vmem>>)
    %dma_start3A_151 = arith.constant 1 : i32
    %dma_start3A_152 = arith.constant 0 : i32
    %dma_start3A_153 = tpu.memref_slice %arg12[%dma_start3A_151, %dma_start3A_152] : memref<2x128xi32, #tpu.memory_space<vmem>> -> memref<1x128xi32, #tpu.memory_space<vmem>>
    %dma_start3A_154 = tpu.memref_squeeze %dma_start3A_153 : memref<1x128xi32, #tpu.memory_space<vmem>> -> memref<128xi32, #tpu.memory_space<vmem>>
    %dma_start3A_155 = arith.constant 0 : i32
    %dma_start3A_156 = arith.constant 0 : i32
    %dma_start3A_157 = tpu.memref_slice %arg7[%dma_start3A_155, %dma_start3A_156] : memref<10016x48xf32, #tpu.memory_space<vmem_shared>> -> memref<10016x48xf32, #tpu.memory_space<vmem_shared>>
    tpu.enqueue_indirect_dma source(%arg20 : memref<128x48xf32, #tpu.memory_space<vmem>>) target(%dma_start3A_157 : memref<10016x48xf32, #tpu.memory_space<vmem_shared>>) offsets(%dma_start3A_154 : memref<128xi32, #tpu.memory_space<vmem>>) semaphore(%arg36 : memref<!tpu.dma_semaphore, #tpu.memory_space<semaphore_mem>>) {add = true}
    %dma_wait3A_158 = arith.constant 0 : i32
    %dma_wait3A_159 = arith.constant 0 : i32
    %dma_wait3A_160 = tpu.memref_slice %arg8[%dma_wait3A_158, %dma_wait3A_159] : memref<10000x48xf32, #tpu.memory_space<vmem_shared>> -> memref<128x48xf32, #tpu.memory_space<vmem_shared>>
    %dma_wait3A_161 = arith.constant 0 : i32
    %dma_wait3A_162 = arith.constant 0 : i32
    %dma_wait3A_163 = tpu.memref_slice %arg8[%dma_wait3A_161, %dma_wait3A_162] : memref<10000x48xf32, #tpu.memory_space<vmem_shared>> -> memref<128x48xf32, #tpu.memory_space<vmem_shared>>
    tpu.wait_dma2 semaphore(%arg29 : memref<!tpu.dma_semaphore, #tpu.memory_space<semaphore_mem>>) src(%dma_wait3A_163 : memref<128x48xf32, #tpu.memory_space<vmem_shared>>) dst(%arg21 : memref<128x48xf32, #tpu.memory_space<vmem>>)
    %dma_start3A_164 = arith.constant 1 : i32
    %dma_start3A_165 = arith.constant 0 : i32
    %dma_start3A_166 = tpu.memref_slice %arg13[%dma_start3A_164, %dma_start3A_165] : memref<2x128xi32, #tpu.memory_space<vmem>> -> memref<1x128xi32, #tpu.memory_space<vmem>>
    %dma_start3A_167 = tpu.memref_squeeze %dma_start3A_166 : memref<1x128xi32, #tpu.memory_space<vmem>> -> memref<128xi32, #tpu.memory_space<vmem>>
    %dma_start3A_168 = arith.constant 0 : i32
    %dma_start3A_169 = arith.constant 0 : i32
    %dma_start3A_170 = tpu.memref_slice %arg7[%dma_start3A_168, %dma_start3A_169] : memref<10016x48xf32, #tpu.memory_space<vmem_shared>> -> memref<10016x48xf32, #tpu.memory_space<vmem_shared>>
    tpu.enqueue_indirect_dma source(%arg21 : memref<128x48xf32, #tpu.memory_space<vmem>>) target(%dma_start3A_170 : memref<10016x48xf32, #tpu.memory_space<vmem_shared>>) offsets(%dma_start3A_167 : memref<128xi32, #tpu.memory_space<vmem>>) semaphore(%arg37 : memref<!tpu.dma_semaphore, #tpu.memory_space<semaphore_mem>>) {add = true}
    %dma_wait3A_171 = arith.constant 0 : i32
    %dma_wait3A_172 = arith.constant 0 : i32
    %dma_wait3A_173 = tpu.memref_slice %arg8[%dma_wait3A_171, %dma_wait3A_172] : memref<10000x48xf32, #tpu.memory_space<vmem_shared>> -> memref<128x48xf32, #tpu.memory_space<vmem_shared>>
    %dma_wait3A_174 = arith.constant 0 : i32
    %dma_wait3A_175 = arith.constant 0 : i32
    %dma_wait3A_176 = tpu.memref_slice %arg8[%dma_wait3A_174, %dma_wait3A_175] : memref<10000x48xf32, #tpu.memory_space<vmem_shared>> -> memref<128x48xf32, #tpu.memory_space<vmem_shared>>
    tpu.wait_dma2 semaphore(%arg30 : memref<!tpu.dma_semaphore, #tpu.memory_space<semaphore_mem>>) src(%dma_wait3A_176 : memref<128x48xf32, #tpu.memory_space<vmem_shared>>) dst(%arg22 : memref<128x48xf32, #tpu.memory_space<vmem>>)
    %dma_start3A_177 = arith.constant 1 : i32
    %dma_start3A_178 = arith.constant 0 : i32
    %dma_start3A_179 = tpu.memref_slice %arg14[%dma_start3A_177, %dma_start3A_178] : memref<2x128xi32, #tpu.memory_space<vmem>> -> memref<1x128xi32, #tpu.memory_space<vmem>>
    %dma_start3A_180 = tpu.memref_squeeze %dma_start3A_179 : memref<1x128xi32, #tpu.memory_space<vmem>> -> memref<128xi32, #tpu.memory_space<vmem>>
    %dma_start3A_181 = arith.constant 0 : i32
    %dma_start3A_182 = arith.constant 0 : i32
    %dma_start3A_183 = tpu.memref_slice %arg7[%dma_start3A_181, %dma_start3A_182] : memref<10016x48xf32, #tpu.memory_space<vmem_shared>> -> memref<10016x48xf32, #tpu.memory_space<vmem_shared>>
    tpu.enqueue_indirect_dma source(%arg22 : memref<128x48xf32, #tpu.memory_space<vmem>>) target(%dma_start3A_183 : memref<10016x48xf32, #tpu.memory_space<vmem_shared>>) offsets(%dma_start3A_180 : memref<128xi32, #tpu.memory_space<vmem>>) semaphore(%arg38 : memref<!tpu.dma_semaphore, #tpu.memory_space<semaphore_mem>>) {add = true}
    %dma_wait3A_184 = arith.constant 0 : i32
    %dma_wait3A_185 = arith.constant 0 : i32
    %dma_wait3A_186 = tpu.memref_slice %arg8[%dma_wait3A_184, %dma_wait3A_185] : memref<10000x48xf32, #tpu.memory_space<vmem_shared>> -> memref<128x48xf32, #tpu.memory_space<vmem_shared>>
    %dma_wait3A_187 = arith.constant 0 : i32
    %dma_wait3A_188 = arith.constant 0 : i32
    %dma_wait3A_189 = tpu.memref_slice %arg8[%dma_wait3A_187, %dma_wait3A_188] : memref<10000x48xf32, #tpu.memory_space<vmem_shared>> -> memref<128x48xf32, #tpu.memory_space<vmem_shared>>
    tpu.wait_dma2 semaphore(%arg31 : memref<!tpu.dma_semaphore, #tpu.memory_space<semaphore_mem>>) src(%dma_wait3A_189 : memref<128x48xf32, #tpu.memory_space<vmem_shared>>) dst(%arg23 : memref<128x48xf32, #tpu.memory_space<vmem>>)
    %dma_start3A_190 = arith.constant 1 : i32
    %dma_start3A_191 = arith.constant 0 : i32
    %dma_start3A_192 = tpu.memref_slice %arg15[%dma_start3A_190, %dma_start3A_191] : memref<2x128xi32, #tpu.memory_space<vmem>> -> memref<1x128xi32, #tpu.memory_space<vmem>>
    %dma_start3A_193 = tpu.memref_squeeze %dma_start3A_192 : memref<1x128xi32, #tpu.memory_space<vmem>> -> memref<128xi32, #tpu.memory_space<vmem>>
    %dma_start3A_194 = arith.constant 0 : i32
    %dma_start3A_195 = arith.constant 0 : i32
    %dma_start3A_196 = tpu.memref_slice %arg7[%dma_start3A_194, %dma_start3A_195] : memref<10016x48xf32, #tpu.memory_space<vmem_shared>> -> memref<10016x48xf32, #tpu.memory_space<vmem_shared>>
    tpu.enqueue_indirect_dma source(%arg23 : memref<128x48xf32, #tpu.memory_space<vmem>>) target(%dma_start3A_196 : memref<10016x48xf32, #tpu.memory_space<vmem_shared>>) offsets(%dma_start3A_193 : memref<128xi32, #tpu.memory_space<vmem>>) semaphore(%arg39 : memref<!tpu.dma_semaphore, #tpu.memory_space<semaphore_mem>>) {add = true}
    %dma_wait3A_197 = arith.constant 0 : i32
    %dma_wait3A_198 = arith.constant 0 : i32
    %dma_wait3A_199 = tpu.memref_slice %arg8[%dma_wait3A_197, %dma_wait3A_198] : memref<10000x48xf32, #tpu.memory_space<vmem_shared>> -> memref<128x48xf32, #tpu.memory_space<vmem_shared>>
    %dma_wait3A_200 = arith.constant 0 : i32
    %dma_wait3A_201 = arith.constant 0 : i32
    %dma_wait3A_202 = tpu.memref_slice %arg8[%dma_wait3A_200, %dma_wait3A_201] : memref<10000x48xf32, #tpu.memory_space<vmem_shared>> -> memref<128x48xf32, #tpu.memory_space<vmem_shared>>
    tpu.wait_dma2 semaphore(%arg32 : memref<!tpu.dma_semaphore, #tpu.memory_space<semaphore_mem>>) src(%dma_wait3A_202 : memref<128x48xf32, #tpu.memory_space<vmem_shared>>) dst(%arg24 : memref<128x48xf32, #tpu.memory_space<vmem>>)
    %dma_start3A_203 = arith.constant 1 : i32
    %dma_start3A_204 = arith.constant 0 : i32
    %dma_start3A_205 = tpu.memref_slice %arg16[%dma_start3A_203, %dma_start3A_204] : memref<2x128xi32, #tpu.memory_space<vmem>> -> memref<1x128xi32, #tpu.memory_space<vmem>>
    %dma_start3A_206 = tpu.memref_squeeze %dma_start3A_205 : memref<1x128xi32, #tpu.memory_space<vmem>> -> memref<128xi32, #tpu.memory_space<vmem>>
    %dma_start3A_207 = arith.constant 0 : i32
    %dma_start3A_208 = arith.constant 0 : i32
    %dma_start3A_209 = tpu.memref_slice %arg7[%dma_start3A_207, %dma_start3A_208] : memref<10016x48xf32, #tpu.memory_space<vmem_shared>> -> memref<10016x48xf32, #tpu.memory_space<vmem_shared>>
    tpu.enqueue_indirect_dma source(%arg24 : memref<128x48xf32, #tpu.memory_space<vmem>>) target(%dma_start3A_209 : memref<10016x48xf32, #tpu.memory_space<vmem_shared>>) offsets(%dma_start3A_206 : memref<128xi32, #tpu.memory_space<vmem>>) semaphore(%arg40 : memref<!tpu.dma_semaphore, #tpu.memory_space<semaphore_mem>>) {add = true}
    %dma_wait3A_210 = arith.constant 0 : i32
    %dma_wait3A_211 = arith.constant 0 : i32
    %dma_wait3A_212 = tpu.memref_slice %arg7[%dma_wait3A_210, %dma_wait3A_211] : memref<10016x48xf32, #tpu.memory_space<vmem_shared>> -> memref<128x48xf32, #tpu.memory_space<vmem_shared>>
    %dma_wait3A_213 = arith.constant 0 : i32
    %dma_wait3A_214 = arith.constant 0 : i32
    %dma_wait3A_215 = tpu.memref_slice %arg7[%dma_wait3A_213, %dma_wait3A_214] : memref<10016x48xf32, #tpu.memory_space<vmem_shared>> -> memref<128x48xf32, #tpu.memory_space<vmem_shared>>
    tpu.wait_dma2 semaphore(%arg33 : memref<!tpu.dma_semaphore, #tpu.memory_space<semaphore_mem>>) src(%arg17 : memref<128x48xf32, #tpu.memory_space<vmem>>) dst(%dma_wait3A_215 : memref<128x48xf32, #tpu.memory_space<vmem_shared>>)
    %dma_wait3A_216 = arith.constant 0 : i32
    %dma_wait3A_217 = arith.constant 0 : i32
    %dma_wait3A_218 = tpu.memref_slice %arg7[%dma_wait3A_216, %dma_wait3A_217] : memref<10016x48xf32, #tpu.memory_space<vmem_shared>> -> memref<128x48xf32, #tpu.memory_space<vmem_shared>>
    %dma_wait3A_219 = arith.constant 0 : i32
    %dma_wait3A_220 = arith.constant 0 : i32
    %dma_wait3A_221 = tpu.memref_slice %arg7[%dma_wait3A_219, %dma_wait3A_220] : memref<10016x48xf32, #tpu.memory_space<vmem_shared>> -> memref<128x48xf32, #tpu.memory_space<vmem_shared>>
    tpu.wait_dma2 semaphore(%arg34 : memref<!tpu.dma_semaphore, #tpu.memory_space<semaphore_mem>>) src(%arg18 : memref<128x48xf32, #tpu.memory_space<vmem>>) dst(%dma_wait3A_221 : memref<128x48xf32, #tpu.memory_space<vmem_shared>>)
    %dma_wait3A_222 = arith.constant 0 : i32
    %dma_wait3A_223 = arith.constant 0 : i32
    %dma_wait3A_224 = tpu.memref_slice %arg7[%dma_wait3A_222, %dma_wait3A_223] : memref<10016x48xf32, #tpu.memory_space<vmem_shared>> -> memref<128x48xf32, #tpu.memory_space<vmem_shared>>
    %dma_wait3A_225 = arith.constant 0 : i32
    %dma_wait3A_226 = arith.constant 0 : i32
    %dma_wait3A_227 = tpu.memref_slice %arg7[%dma_wait3A_225, %dma_wait3A_226] : memref<10016x48xf32, #tpu.memory_space<vmem_shared>> -> memref<128x48xf32, #tpu.memory_space<vmem_shared>>
    tpu.wait_dma2 semaphore(%arg35 : memref<!tpu.dma_semaphore, #tpu.memory_space<semaphore_mem>>) src(%arg19 : memref<128x48xf32, #tpu.memory_space<vmem>>) dst(%dma_wait3A_227 : memref<128x48xf32, #tpu.memory_space<vmem_shared>>)
    %dma_wait3A_228 = arith.constant 0 : i32
    %dma_wait3A_229 = arith.constant 0 : i32
    %dma_wait3A_230 = tpu.memref_slice %arg7[%dma_wait3A_228, %dma_wait3A_229] : memref<10016x48xf32, #tpu.memory_space<vmem_shared>> -> memref<128x48xf32, #tpu.memory_space<vmem_shared>>
    %dma_wait3A_231 = arith.constant 0 : i32
    %dma_wait3A_232 = arith.constant 0 : i32
    %dma_wait3A_233 = tpu.memref_slice %arg7[%dma_wait3A_231, %dma_wait3A_232] : memref<10016x48xf32, #tpu.memory_space<vmem_shared>> -> memref<128x48xf32, #tpu.memory_space<vmem_shared>>
    tpu.wait_dma2 semaphore(%arg36 : memref<!tpu.dma_semaphore, #tpu.memory_space<semaphore_mem>>) src(%arg20 : memref<128x48xf32, #tpu.memory_space<vmem>>) dst(%dma_wait3A_233 : memref<128x48xf32, #tpu.memory_space<vmem_shared>>)
    %dma_wait3A_234 = arith.constant 0 : i32
    %dma_wait3A_235 = arith.constant 0 : i32
    %dma_wait3A_236 = tpu.memref_slice %arg7[%dma_wait3A_234, %dma_wait3A_235] : memref<10016x48xf32, #tpu.memory_space<vmem_shared>> -> memref<128x48xf32, #tpu.memory_space<vmem_shared>>
    %dma_wait3A_237 = arith.constant 0 : i32
    %dma_wait3A_238 = arith.constant 0 : i32
    %dma_wait3A_239 = tpu.memref_slice %arg7[%dma_wait3A_237, %dma_wait3A_238] : memref<10016x48xf32, #tpu.memory_space<vmem_shared>> -> memref<128x48xf32, #tpu.memory_space<vmem_shared>>
    tpu.wait_dma2 semaphore(%arg37 : memref<!tpu.dma_semaphore, #tpu.memory_space<semaphore_mem>>) src(%arg21 : memref<128x48xf32, #tpu.memory_space<vmem>>) dst(%dma_wait3A_239 : memref<128x48xf32, #tpu.memory_space<vmem_shared>>)
    %dma_wait3A_240 = arith.constant 0 : i32
    %dma_wait3A_241 = arith.constant 0 : i32
    %dma_wait3A_242 = tpu.memref_slice %arg7[%dma_wait3A_240, %dma_wait3A_241] : memref<10016x48xf32, #tpu.memory_space<vmem_shared>> -> memref<128x48xf32, #tpu.memory_space<vmem_shared>>
    %dma_wait3A_243 = arith.constant 0 : i32
    %dma_wait3A_244 = arith.constant 0 : i32
    %dma_wait3A_245 = tpu.memref_slice %arg7[%dma_wait3A_243, %dma_wait3A_244] : memref<10016x48xf32, #tpu.memory_space<vmem_shared>> -> memref<128x48xf32, #tpu.memory_space<vmem_shared>>
    tpu.wait_dma2 semaphore(%arg38 : memref<!tpu.dma_semaphore, #tpu.memory_space<semaphore_mem>>) src(%arg22 : memref<128x48xf32, #tpu.memory_space<vmem>>) dst(%dma_wait3A_245 : memref<128x48xf32, #tpu.memory_space<vmem_shared>>)
    %dma_wait3A_246 = arith.constant 0 : i32
    %dma_wait3A_247 = arith.constant 0 : i32
    %dma_wait3A_248 = tpu.memref_slice %arg7[%dma_wait3A_246, %dma_wait3A_247] : memref<10016x48xf32, #tpu.memory_space<vmem_shared>> -> memref<128x48xf32, #tpu.memory_space<vmem_shared>>
    %dma_wait3A_249 = arith.constant 0 : i32
    %dma_wait3A_250 = arith.constant 0 : i32
    %dma_wait3A_251 = tpu.memref_slice %arg7[%dma_wait3A_249, %dma_wait3A_250] : memref<10016x48xf32, #tpu.memory_space<vmem_shared>> -> memref<128x48xf32, #tpu.memory_space<vmem_shared>>
    tpu.wait_dma2 semaphore(%arg39 : memref<!tpu.dma_semaphore, #tpu.memory_space<semaphore_mem>>) src(%arg23 : memref<128x48xf32, #tpu.memory_space<vmem>>) dst(%dma_wait3A_251 : memref<128x48xf32, #tpu.memory_space<vmem_shared>>)
    %dma_wait3A_252 = arith.constant 0 : i32
    %dma_wait3A_253 = arith.constant 0 : i32
    %dma_wait3A_254 = tpu.memref_slice %arg7[%dma_wait3A_252, %dma_wait3A_253] : memref<10016x48xf32, #tpu.memory_space<vmem_shared>> -> memref<128x48xf32, #tpu.memory_space<vmem_shared>>
    %dma_wait3A_255 = arith.constant 0 : i32
    %dma_wait3A_256 = arith.constant 0 : i32
    %dma_wait3A_257 = tpu.memref_slice %arg7[%dma_wait3A_255, %dma_wait3A_256] : memref<10016x48xf32, #tpu.memory_space<vmem_shared>> -> memref<128x48xf32, #tpu.memory_space<vmem_shared>>
    tpu.wait_dma2 semaphore(%arg40 : memref<!tpu.dma_semaphore, #tpu.memory_space<semaphore_mem>>) src(%arg24 : memref<128x48xf32, #tpu.memory_space<vmem>>) dst(%dma_wait3A_257 : memref<128x48xf32, #tpu.memory_space<vmem_shared>>)
    %barrier3A_258 = arith.constant 0 : index
    tpu.barrier barrier_id(%barrier3A_258)
    %lt3A_259 = arith.constant 15 : i32
    %lt3A_260 = arith.cmpi slt, %arg1, %lt3A_259 : i32
    %convert_element_type3A_261 = arith.extui %lt3A_260 : i1 to i32
    %cond3A_262 = arith.constant 0 : i32
    %cond3A_263 = arith.cmpi ne, %convert_element_type3A_261, %cond3A_262 : i32
    scf.if %cond3A_263 {
      %mul3A_269 = arith.constant 632 : i32
      %mul3A_270 = arith.muli %arg1, %mul3A_269 : i32
      %multiple_of3A_271 = tpu.assume_multiple %mul3A_270, 8 : i32
      %eq3A_272 = arith.constant 0 : i32
      %eq3A_273 = arith.cmpi eq, %arg0, %eq3A_272 : i32
      %convert_element_type3A_274 = arith.extui %eq3A_273 : i1 to i32
      %cond3A_275 = arith.constant 0 : i32
      %cond3A_276 = arith.cmpi ne, %convert_element_type3A_274, %cond3A_275 : i32
      scf.if %cond3A_276 {
        "tpu.region"() ({
          %run_scoped3A = tpu.sem_alloc : memref<!tpu.dma_semaphore, #tpu.memory_space<semaphore_mem>>
          %dma_start3A_281 = arith.constant 0 : i32
          %dma_start3A_282 = tpu.memref_slice %arg5[%multiple_of3A_271, %dma_start3A_281] : memref<10000x48xf32, #tpu.memory_space<hbm>> -> memref<632x48xf32, #tpu.memory_space<hbm>>
          %dma_start3A_283 = arith.constant 0 : i32
          %dma_start3A_284 = tpu.memref_slice %arg7[%multiple_of3A_271, %dma_start3A_283] : memref<10016x48xf32, #tpu.memory_space<vmem_shared>> -> memref<632x48xf32, #tpu.memory_space<vmem_shared>>
          tpu.enqueue_dma source(%dma_start3A_284 : memref<632x48xf32, #tpu.memory_space<vmem_shared>>) target(%dma_start3A_282 : memref<632x48xf32, #tpu.memory_space<hbm>>) target_semaphore(%run_scoped3A : memref<!tpu.dma_semaphore, #tpu.memory_space<semaphore_mem>>)
          %dma_wait3A_285 = arith.constant 0 : i32
          %dma_wait3A_286 = tpu.memref_slice %arg5[%multiple_of3A_271, %dma_wait3A_285] : memref<10000x48xf32, #tpu.memory_space<hbm>> -> memref<632x48xf32, #tpu.memory_space<hbm>>
          %dma_wait3A_287 = arith.constant 0 : i32
          %dma_wait3A_288 = tpu.memref_slice %arg7[%multiple_of3A_271, %dma_wait3A_287] : memref<10016x48xf32, #tpu.memory_space<vmem_shared>> -> memref<632x48xf32, #tpu.memory_space<vmem_shared>>
          tpu.wait_dma2 semaphore(%run_scoped3A : memref<!tpu.dma_semaphore, #tpu.memory_space<semaphore_mem>>) src(%dma_wait3A_288 : memref<632x48xf32, #tpu.memory_space<vmem_shared>>) dst(%dma_wait3A_286 : memref<632x48xf32, #tpu.memory_space<hbm>>)
          tpu.yield
        }) : () -> ()
      } else {
      }
      %ne3A = arith.constant 0 : i32
      %ne3A_277 = arith.cmpi ne, %arg0, %ne3A : i32
      %convert_element_type3A_278 = arith.extui %ne3A_277 : i1 to i32
      %cond3A_279 = arith.constant 0 : i32
      %cond3A_280 = arith.cmpi ne, %convert_element_type3A_278, %cond3A_279 : i32
      scf.if %cond3A_280 {
        "tpu.region"() ({
          %run_scoped3A = tpu.sem_alloc : memref<!tpu.dma_semaphore, #tpu.memory_space<semaphore_mem>>
          %dma_start3A_281 = arith.constant 0 : i32
          %dma_start3A_282 = tpu.memref_slice %arg6[%multiple_of3A_271, %dma_start3A_281] : memref<10000x48xf32, #tpu.memory_space<hbm>> -> memref<632x48xf32, #tpu.memory_space<hbm>>
          %dma_start3A_283 = arith.constant 0 : i32
          %dma_start3A_284 = tpu.memref_slice %arg7[%multiple_of3A_271, %dma_start3A_283] : memref<10016x48xf32, #tpu.memory_space<vmem_shared>> -> memref<632x48xf32, #tpu.memory_space<vmem_shared>>
          tpu.enqueue_dma source(%dma_start3A_284 : memref<632x48xf32, #tpu.memory_space<vmem_shared>>) target(%dma_start3A_282 : memref<632x48xf32, #tpu.memory_space<hbm>>) target_semaphore(%run_scoped3A : memref<!tpu.dma_semaphore, #tpu.memory_space<semaphore_mem>>)
          %dma_wait3A_285 = arith.constant 0 : i32
          %dma_wait3A_286 = tpu.memref_slice %arg6[%multiple_of3A_271, %dma_wait3A_285] : memref<10000x48xf32, #tpu.memory_space<hbm>> -> memref<632x48xf32, #tpu.memory_space<hbm>>
          %dma_wait3A_287 = arith.constant 0 : i32
          %dma_wait3A_288 = tpu.memref_slice %arg7[%multiple_of3A_271, %dma_wait3A_287] : memref<10016x48xf32, #tpu.memory_space<vmem_shared>> -> memref<632x48xf32, #tpu.memory_space<vmem_shared>>
          tpu.wait_dma2 semaphore(%run_scoped3A : memref<!tpu.dma_semaphore, #tpu.memory_space<semaphore_mem>>) src(%dma_wait3A_288 : memref<632x48xf32, #tpu.memory_space<vmem_shared>>) dst(%dma_wait3A_286 : memref<632x48xf32, #tpu.memory_space<hbm>>)
          tpu.yield
        }) : () -> ()
      } else {
      }
    } else {
    }
    %eq3A_264 = arith.constant 15 : i32
    %eq3A_265 = arith.cmpi eq, %arg1, %eq3A_264 : i32
    %convert_element_type3A_266 = arith.extui %eq3A_265 : i1 to i32
    %cond3A_267 = arith.constant 0 : i32
    %cond3A_268 = arith.cmpi ne, %convert_element_type3A_266, %cond3A_267 : i32
    scf.if %cond3A_268 {
      %eq3A_269 = arith.constant 0 : i32
      %eq3A_270 = arith.cmpi eq, %arg0, %eq3A_269 : i32
      %convert_element_type3A_271 = arith.extui %eq3A_270 : i1 to i32
      %cond3A_272 = arith.constant 0 : i32
      %cond3A_273 = arith.cmpi ne, %convert_element_type3A_271, %cond3A_272 : i32
      scf.if %cond3A_273 {
        "tpu.region"() ({
          %run_scoped3A = tpu.sem_alloc : memref<!tpu.dma_semaphore, #tpu.memory_space<semaphore_mem>>
          %dma_start3A_278 = arith.constant 9480 : i32
          %dma_start3A_279 = arith.constant 0 : i32
          %dma_start3A_280 = tpu.memref_slice %arg5[%dma_start3A_278, %dma_start3A_279] : memref<10000x48xf32, #tpu.memory_space<hbm>> -> memref<520x48xf32, #tpu.memory_space<hbm>>
          %dma_start3A_281 = arith.constant 9480 : i32
          %dma_start3A_282 = arith.constant 0 : i32
          %dma_start3A_283 = tpu.memref_slice %arg7[%dma_start3A_281, %dma_start3A_282] : memref<10016x48xf32, #tpu.memory_space<vmem_shared>> -> memref<520x48xf32, #tpu.memory_space<vmem_shared>>
          tpu.enqueue_dma source(%dma_start3A_283 : memref<520x48xf32, #tpu.memory_space<vmem_shared>>) target(%dma_start3A_280 : memref<520x48xf32, #tpu.memory_space<hbm>>) target_semaphore(%run_scoped3A : memref<!tpu.dma_semaphore, #tpu.memory_space<semaphore_mem>>)
          %dma_wait3A_284 = arith.constant 9480 : i32
          %dma_wait3A_285 = arith.constant 0 : i32
          %dma_wait3A_286 = tpu.memref_slice %arg5[%dma_wait3A_284, %dma_wait3A_285] : memref<10000x48xf32, #tpu.memory_space<hbm>> -> memref<520x48xf32, #tpu.memory_space<hbm>>
          %dma_wait3A_287 = arith.constant 9480 : i32
          %dma_wait3A_288 = arith.constant 0 : i32
          %dma_wait3A_289 = tpu.memref_slice %arg7[%dma_wait3A_287, %dma_wait3A_288] : memref<10016x48xf32, #tpu.memory_space<vmem_shared>> -> memref<520x48xf32, #tpu.memory_space<vmem_shared>>
          tpu.wait_dma2 semaphore(%run_scoped3A : memref<!tpu.dma_semaphore, #tpu.memory_space<semaphore_mem>>) src(%dma_wait3A_289 : memref<520x48xf32, #tpu.memory_space<vmem_shared>>) dst(%dma_wait3A_286 : memref<520x48xf32, #tpu.memory_space<hbm>>)
          tpu.yield
        }) : () -> ()
      } else {
      }
      %ne3A = arith.constant 0 : i32
      %ne3A_274 = arith.cmpi ne, %arg0, %ne3A : i32
      %convert_element_type3A_275 = arith.extui %ne3A_274 : i1 to i32
      %cond3A_276 = arith.constant 0 : i32
      %cond3A_277 = arith.cmpi ne, %convert_element_type3A_275, %cond3A_276 : i32
      scf.if %cond3A_277 {
        "tpu.region"() ({
          %run_scoped3A = tpu.sem_alloc : memref<!tpu.dma_semaphore, #tpu.memory_space<semaphore_mem>>
          %dma_start3A_278 = arith.constant 9480 : i32
          %dma_start3A_279 = arith.constant 0 : i32
          %dma_start3A_280 = tpu.memref_slice %arg6[%dma_start3A_278, %dma_start3A_279] : memref<10000x48xf32, #tpu.memory_space<hbm>> -> memref<520x48xf32, #tpu.memory_space<hbm>>
          %dma_start3A_281 = arith.constant 9480 : i32
          %dma_start3A_282 = arith.constant 0 : i32
          %dma_start3A_283 = tpu.memref_slice %arg7[%dma_start3A_281, %dma_start3A_282] : memref<10016x48xf32, #tpu.memory_space<vmem_shared>> -> memref<520x48xf32, #tpu.memory_space<vmem_shared>>
          tpu.enqueue_dma source(%dma_start3A_283 : memref<520x48xf32, #tpu.memory_space<vmem_shared>>) target(%dma_start3A_280 : memref<520x48xf32, #tpu.memory_space<hbm>>) target_semaphore(%run_scoped3A : memref<!tpu.dma_semaphore, #tpu.memory_space<semaphore_mem>>)
          %dma_wait3A_284 = arith.constant 9480 : i32
          %dma_wait3A_285 = arith.constant 0 : i32
          %dma_wait3A_286 = tpu.memref_slice %arg6[%dma_wait3A_284, %dma_wait3A_285] : memref<10000x48xf32, #tpu.memory_space<hbm>> -> memref<520x48xf32, #tpu.memory_space<hbm>>
          %dma_wait3A_287 = arith.constant 9480 : i32
          %dma_wait3A_288 = arith.constant 0 : i32
          %dma_wait3A_289 = tpu.memref_slice %arg7[%dma_wait3A_287, %dma_wait3A_288] : memref<10016x48xf32, #tpu.memory_space<vmem_shared>> -> memref<520x48xf32, #tpu.memory_space<vmem_shared>>
          tpu.wait_dma2 semaphore(%run_scoped3A : memref<!tpu.dma_semaphore, #tpu.memory_space<semaphore_mem>>) src(%dma_wait3A_289 : memref<520x48xf32, #tpu.memory_space<vmem_shared>>) dst(%dma_wait3A_286 : memref<520x48xf32, #tpu.memory_space<hbm>>)
          tpu.yield
        }) : () -> ()
      } else {
      }
    } else {
    }
    return
  }
}

module attributes {stable_mosaic.version = 14 : i64} {
  func.func @_tc1_body(%arg0: i32, %arg1: memref<2000x384xf32, #tpu.memory_space<vmem>>, %arg2: memref<384x48xf32, #tpu.memory_space<vmem>>, %arg3: memref<2000x32xf32, #tpu.memory_space<vmem>>, %arg4: memref<2000x48xf32, #tpu.memory_space<vmem>>, %arg5: memref<2000x1xf32, #tpu.memory_space<vmem>>) attributes {dimension_semantics = [#tpu.dimension_semantics<arbitrary>], iteration_bounds = array<i64: 5>, scalar_prefetch = 0 : i64, scratch_operands = 0 : i64, tpu.core_type = #tpu.core_type<tc>, window_params = [{transform_indices = @transform_0, window_bounds = array<i64: 2000, 384>}, {pipeline_mode = #tpu.pipeline_mode<synchronous>, transform_indices = @transform_1, window_bounds = array<i64: 384, 48>}, {transform_indices = @transform_2, window_bounds = array<i64: 2000, 32>}, {transform_indices = @transform_3, window_bounds = array<i64: 2000, 48>}, {transform_indices = @transform_4, window_bounds = array<i64: 2000, 1>}]} {
    %get3A = arith.constant 0 : index
    %get3A_0 = arith.constant 0 : index
    %get3A_1 = vector.load %arg3[%get3A, %get3A_0] : memref<2000x32xf32, #tpu.memory_space<vmem>>, vector<2000x32xf32>
    %reduce_sum3A = arith.constant dense<0.000000e+00> : vector<2000xf32>
    %reduce_sum3A_2 = vector.multi_reduction <add>, %get3A_1, %reduce_sum3A [1] : vector<2000x32xf32> to vector<2000xf32>
    %add3A = arith.constant 1.000000e+00 : f32
    %add3A_3 = vector.broadcast %add3A : f32 to vector<2000xf32>
    %add3A_4 = arith.addf %reduce_sum3A_2, %add3A_3 : vector<2000xf32>
    %rsqrt3A = math.rsqrt %add3A_4 : vector<2000xf32>
    %broadcast_in_dim3A = vector.shape_cast %rsqrt3A : vector<2000xf32> to vector<2000x1xf32>
    %get3A_5 = arith.constant 0 : index
    %get3A_6 = arith.constant 0 : index
    %get3A_7 = vector.load %arg1[%get3A_5, %get3A_6] : memref<2000x384xf32, #tpu.memory_space<vmem>>, vector<2000x384xf32>
    %convert_element_type3A = arith.truncf %get3A_7 : vector<2000x384xf32> to vector<2000x384xbf16>
    %get3A_8 = arith.constant 0 : index
    %get3A_9 = arith.constant 0 : index
    %get3A_10 = vector.load %arg2[%get3A_8, %get3A_9] : memref<384x48xf32, #tpu.memory_space<vmem>>, vector<384x48xf32>
    %convert_element_type3A_11 = arith.truncf %get3A_10 : vector<384x48xf32> to vector<384x48xbf16>
    %dot_general3A = arith.constant dense<0.000000e+00> : vector<2000x48xf32>
    %dot_general3A_12 = tpu.matmul %convert_element_type3A, %convert_element_type3A_11, %dot_general3A {dimension_numbers = #tpu.dot_dimension_numbers<[1], [0], [0], [1], [0, 0, 1, 1], [], []>, transpose_lhs_hint = false} : vector<2000x384xbf16>, vector<384x48xbf16>, vector<2000x48xf32> -> vector<2000x48xf32>
    %mul3A = vector.broadcast %broadcast_in_dim3A : vector<2000x1xf32> to vector<2000x48xf32>
    %mul3A_13 = arith.mulf %dot_general3A_12, %mul3A : vector<2000x48xf32>
    %swap3A = arith.constant 0 : index
    %swap3A_14 = arith.constant 0 : index
    %swap3A_15 = vector.load %arg4[%swap3A, %swap3A_14] : memref<2000x48xf32, #tpu.memory_space<vmem>>, vector<2000x48xf32>
    tpu.vector_store %arg4[%swap3A, %swap3A_14], %mul3A_13 {strides = array<i32>} : memref<2000x48xf32, #tpu.memory_space<vmem>>, vector<2000x48xf32>,
    %swap3A_16 = arith.constant 0 : index
    %swap3A_17 = arith.constant 0 : index
    %swap3A_18 = vector.load %arg5[%swap3A_16, %swap3A_17] : memref<2000x1xf32, #tpu.memory_space<vmem>>, vector<2000x1xf32>
    tpu.vector_store %arg5[%swap3A_16, %swap3A_17], %broadcast_in_dim3A {strides = array<i32>} : memref<2000x1xf32, #tpu.memory_space<vmem>>, vector<2000x1xf32>,
    return
  }
  func.func @transform_0(%arg0: i32) -> (i32, i32) {
    %c0_i32 = arith.constant 0 : i32
    %c0_i32_0 = arith.constant 0 : i32
    return %arg0, %c0_i32 : i32, i32
  }
  func.func @transform_1(%arg0: i32) -> (i32, i32) {
    %c0_i32 = arith.constant 0 : i32
    %c0_i32_0 = arith.constant 0 : i32
    %c0_i32_1 = arith.constant 0 : i32
    return %c0_i32, %c0_i32_0 : i32, i32
  }
  func.func @transform_2(%arg0: i32) -> (i32, i32) {
    %c0_i32 = arith.constant 0 : i32
    %c0_i32_0 = arith.constant 0 : i32
    return %arg0, %c0_i32 : i32, i32
  }
  func.func @transform_3(%arg0: i32) -> (i32, i32) {
    %c0_i32 = arith.constant 0 : i32
    %c0_i32_0 = arith.constant 0 : i32
    return %arg0, %c0_i32 : i32, i32
  }
  func.func @transform_4(%arg0: i32) -> (i32, i32) {
    %c0_i32 = arith.constant 0 : i32
    %c0_i32_0 = arith.constant 0 : i32
    return %arg0, %c0_i32 : i32, i32
  }
}

module attributes {stable_mosaic.version = 14 : i64} {
  func.func @_tc2_body(%arg0: i32, %arg1: memref<2000x48xf32, #tpu.memory_space<vmem>>, %arg2: memref<2000x48xf32, #tpu.memory_space<vmem>>, %arg3: memref<2000x1xf32, #tpu.memory_space<vmem>>, %arg4: memref<1x48xf32, #tpu.memory_space<vmem>>, %arg5: memref<2000x48xf32, #tpu.memory_space<vmem>>) attributes {dimension_semantics = [#tpu.dimension_semantics<arbitrary>], iteration_bounds = array<i64: 5>, scalar_prefetch = 0 : i64, scratch_operands = 0 : i64, tpu.core_type = #tpu.core_type<tc>, window_params = [{transform_indices = @transform_0, window_bounds = array<i64: 2000, 48>}, {transform_indices = @transform_1, window_bounds = array<i64: 2000, 48>}, {transform_indices = @transform_2, window_bounds = array<i64: 2000, 1>}, {pipeline_mode = #tpu.pipeline_mode<synchronous>, transform_indices = @transform_3, window_bounds = array<i64: 1, 48>}, {transform_indices = @transform_4, window_bounds = array<i64: 2000, 48>}]} {
    %get3A = arith.constant 0 : index
    %get3A_0 = arith.constant 0 : index
    %get3A_1 = vector.load %arg3[%get3A, %get3A_0] : memref<2000x1xf32, #tpu.memory_space<vmem>>, vector<2000x1xf32>
    %get3A_2 = arith.constant 0 : index
    %get3A_3 = arith.constant 0 : index
    %get3A_4 = vector.load %arg1[%get3A_2, %get3A_3] : memref<2000x48xf32, #tpu.memory_space<vmem>>, vector<2000x48xf32>
    %get3A_5 = arith.constant 0 : index
    %get3A_6 = arith.constant 0 : index
    %get3A_7 = vector.load %arg2[%get3A_5, %get3A_6] : memref<2000x48xf32, #tpu.memory_space<vmem>>, vector<2000x48xf32>
    %add3A = arith.addf %get3A_4, %get3A_7 : vector<2000x48xf32>
    %mul3A = vector.broadcast %get3A_1 : vector<2000x1xf32> to vector<2000x48xf32>
    %mul3A_8 = arith.mulf %mul3A, %add3A : vector<2000x48xf32>
    %get3A_9 = arith.constant 0 : index
    %get3A_10 = arith.constant 0 : index
    %get3A_11 = vector.load %arg4[%get3A_9, %get3A_10] : memref<1x48xf32, #tpu.memory_space<vmem>>, vector<1x48xf32>
    %add3A_12 = vector.broadcast %get3A_11 : vector<1x48xf32> to vector<2000x48xf32>
    %add3A_13 = arith.addf %mul3A_8, %add3A_12 : vector<2000x48xf32>
    %max3A = arith.constant 0.000000e+00 : f32
    %max3A_14 = vector.broadcast %max3A : f32 to vector<2000x48xf32>
    %max3A_15 = arith.maximumf %add3A_13, %max3A_14 : vector<2000x48xf32>
    %mul3A_16 = vector.broadcast %get3A_1 : vector<2000x1xf32> to vector<2000x48xf32>
    %mul3A_17 = arith.mulf %mul3A_16, %max3A_15 : vector<2000x48xf32>
    %swap3A = arith.constant 0 : index
    %swap3A_18 = arith.constant 0 : index
    %swap3A_19 = vector.load %arg5[%swap3A, %swap3A_18] : memref<2000x48xf32, #tpu.memory_space<vmem>>, vector<2000x48xf32>
    tpu.vector_store %arg5[%swap3A, %swap3A_18], %mul3A_17 {strides = array<i32>} : memref<2000x48xf32, #tpu.memory_space<vmem>>, vector<2000x48xf32>,
    return
  }
  func.func @transform_0(%arg0: i32) -> (i32, i32) {
    %c0_i32 = arith.constant 0 : i32
    %c0_i32_0 = arith.constant 0 : i32
    return %arg0, %c0_i32 : i32, i32
  }
  func.func @transform_1(%arg0: i32) -> (i32, i32) {
    %c0_i32 = arith.constant 0 : i32
    %c0_i32_0 = arith.constant 0 : i32
    return %arg0, %c0_i32 : i32, i32
  }
  func.func @transform_2(%arg0: i32) -> (i32, i32) {
    %c0_i32 = arith.constant 0 : i32
    %c0_i32_0 = arith.constant 0 : i32
    return %arg0, %c0_i32 : i32, i32
  }
  func.func @transform_3(%arg0: i32) -> (i32, i32) {
    %c0_i32 = arith.constant 0 : i32
    %c0_i32_0 = arith.constant 0 : i32
    %c0_i32_1 = arith.constant 0 : i32
    return %c0_i32, %c0_i32_0 : i32, i32
  }
  func.func @transform_4(%arg0: i32) -> (i32, i32) {
    %c0_i32 = arith.constant 0 : i32
    %c0_i32_0 = arith.constant 0 : i32
    return %arg0, %c0_i32 : i32, i32
  }
}

module attributes {stable_mosaic.version = 14 : i64} {
  func.func @_tc3_body(%arg0: i32, %arg1: memref<2000x48xf32, #tpu.memory_space<vmem>>, %arg2: memref<2000x48xf32, #tpu.memory_space<vmem>>, %arg3: memref<2000x1xf32, #tpu.memory_space<vmem>>, %arg4: memref<48x384xf32, #tpu.memory_space<vmem>>, %arg5: memref<1x384xf32, #tpu.memory_space<vmem>>, %arg6: memref<2000x384xf32, #tpu.memory_space<vmem>>) attributes {dimension_semantics = [#tpu.dimension_semantics<arbitrary>], iteration_bounds = array<i64: 5>, scalar_prefetch = 0 : i64, scratch_operands = 0 : i64, tpu.core_type = #tpu.core_type<tc>, window_params = [{transform_indices = @transform_0, window_bounds = array<i64: 2000, 48>}, {transform_indices = @transform_1, window_bounds = array<i64: 2000, 48>}, {transform_indices = @transform_2, window_bounds = array<i64: 2000, 1>}, {pipeline_mode = #tpu.pipeline_mode<synchronous>, transform_indices = @transform_3, window_bounds = array<i64: 48, 384>}, {pipeline_mode = #tpu.pipeline_mode<synchronous>, transform_indices = @transform_4, window_bounds = array<i64: 1, 384>}, {transform_indices = @transform_5, window_bounds = array<i64: 2000, 384>}]} {
    %get3A = arith.constant 0 : index
    %get3A_0 = arith.constant 0 : index
    %get3A_1 = vector.load %arg3[%get3A, %get3A_0] : memref<2000x1xf32, #tpu.memory_space<vmem>>, vector<2000x1xf32>
    %get3A_2 = arith.constant 0 : index
    %get3A_3 = arith.constant 0 : index
    %get3A_4 = vector.load %arg1[%get3A_2, %get3A_3] : memref<2000x48xf32, #tpu.memory_space<vmem>>, vector<2000x48xf32>
    %get3A_5 = arith.constant 0 : index
    %get3A_6 = arith.constant 0 : index
    %get3A_7 = vector.load %arg2[%get3A_5, %get3A_6] : memref<2000x48xf32, #tpu.memory_space<vmem>>, vector<2000x48xf32>
    %add3A = arith.addf %get3A_4, %get3A_7 : vector<2000x48xf32>
    %mul3A = vector.broadcast %get3A_1 : vector<2000x1xf32> to vector<2000x48xf32>
    %mul3A_8 = arith.mulf %mul3A, %add3A : vector<2000x48xf32>
    %convert_element_type3A = arith.truncf %mul3A_8 : vector<2000x48xf32> to vector<2000x48xbf16>
    %get3A_9 = arith.constant 0 : index
    %get3A_10 = arith.constant 0 : index
    %get3A_11 = vector.load %arg4[%get3A_9, %get3A_10] : memref<48x384xf32, #tpu.memory_space<vmem>>, vector<48x384xf32>
    %convert_element_type3A_12 = arith.truncf %get3A_11 : vector<48x384xf32> to vector<48x384xbf16>
    %dot_general3A = arith.constant dense<0.000000e+00> : vector<2000x384xf32>
    %dot_general3A_13 = tpu.matmul %convert_element_type3A, %convert_element_type3A_12, %dot_general3A {dimension_numbers = #tpu.dot_dimension_numbers<[1], [0], [0], [1], [0, 0, 1, 1], [], []>, transpose_lhs_hint = false} : vector<2000x48xbf16>, vector<48x384xbf16>, vector<2000x384xf32> -> vector<2000x384xf32>
    %get3A_14 = arith.constant 0 : index
    %get3A_15 = arith.constant 0 : index
    %get3A_16 = vector.load %arg5[%get3A_14, %get3A_15] : memref<1x384xf32, #tpu.memory_space<vmem>>, vector<1x384xf32>
    %add3A_17 = vector.broadcast %get3A_16 : vector<1x384xf32> to vector<2000x384xf32>
    %add3A_18 = arith.addf %dot_general3A_13, %add3A_17 : vector<2000x384xf32>
    %swap3A = arith.constant 0 : index
    %swap3A_19 = arith.constant 0 : index
    %swap3A_20 = vector.load %arg6[%swap3A, %swap3A_19] : memref<2000x384xf32, #tpu.memory_space<vmem>>, vector<2000x384xf32>
    tpu.vector_store %arg6[%swap3A, %swap3A_19], %add3A_18 {strides = array<i32>} : memref<2000x384xf32, #tpu.memory_space<vmem>>, vector<2000x384xf32>,
    return
  }
  func.func @transform_0(%arg0: i32) -> (i32, i32) {
    %c0_i32 = arith.constant 0 : i32
    %c0_i32_0 = arith.constant 0 : i32
    return %arg0, %c0_i32 : i32, i32
  }
  func.func @transform_1(%arg0: i32) -> (i32, i32) {
    %c0_i32 = arith.constant 0 : i32
    %c0_i32_0 = arith.constant 0 : i32
    return %arg0, %c0_i32 : i32, i32
  }
  func.func @transform_2(%arg0: i32) -> (i32, i32) {
    %c0_i32 = arith.constant 0 : i32
    %c0_i32_0 = arith.constant 0 : i32
    return %arg0, %c0_i32 : i32, i32
  }
  func.func @transform_3(%arg0: i32) -> (i32, i32) {
    %c0_i32 = arith.constant 0 : i32
    %c0_i32_0 = arith.constant 0 : i32
    %c0_i32_1 = arith.constant 0 : i32
    return %c0_i32, %c0_i32_0 : i32, i32
  }
  func.func @transform_4(%arg0: i32) -> (i32, i32) {
    %c0_i32 = arith.constant 0 : i32
    %c0_i32_0 = arith.constant 0 : i32
    %c0_i32_1 = arith.constant 0 : i32
    return %c0_i32, %c0_i32_0 : i32, i32
  }
  func.func @transform_5(%arg0: i32) -> (i32, i32) {
    %c0_i32 = arith.constant 0 : i32
    %c0_i32_0 = arith.constant 0 : i32
    return %arg0, %c0_i32 : i32, i32
  }
}

</mosaic_0001>

<sc_bundles>
// kernel: kernel.11.cloned.1.call-start
scs
__scs_entry_jumppad:
0x0: {  	(pc) =	sbr.rel $0x88, $3  }
0x1: {  	(tag) =	ssettag $0x0;
	lr =	simm.s32 $0x1  }
0x2: {  	[smem:$0x3F9B] =	sst lr;
	_ =	strace $0xD0000000  }
0x3: {  	_ = 	snop  }
0x4: {  	_ = 	snop  }
0x5: {  	_ = 	snop  }
0x6: {  	_ = 	snop  }
0x7: {  	_ = 	snop  }
__scs_overlays_trampoline_lowered:
0x8: {  	[smem:$0x3FAA] =	sst s0  }
0x9: {  	[smem:$0x3FAB] =	sst s1  }
0xa: {  	[smem:$0x3FAC] =	sst s2  }
0xb: {  	[smem:$0x3FAD] =	sst s3  }
0xc: {  	[smem:$0x3FAE] =	sst s4  }
0xd: {  	[smem:$0x3FAF] =	sst s5  }
0xe: {  	[smem:$0x3FB0] =	sst s6  }
0xf: {  	[smem:$0x3FB1] =	sst s7  }
0x10: {  	[smem:$0x3FB2] =	sst s8  }
0x11: {  	[smem:$0x3FB3] =	sst s9;
	s0 =	simm.s32 @!p0 $0x0  }
0x12: {  	s1 =	sld [smem:$0x3F99];
	s0 =	simm.s32 @p0 $0x1  }
0x13: {  	[smem:$0x3FB4] =	sst s0;
	s0 =	simm.s32 @!p1 $0x0  }
0x14: {  	s2 =	sld [smem:$0x3F98];
	s0 =	simm.s32 @p1 $0x1  }
0x15: {  	[smem:$0x3FB5] =	sst s0;
	s0 =	simm.s32 @!p2 $0x0  }
0x16: {  	s3 =	sld [smem:$0x3FDB];
	s0 =	simm.s32 @p2 $0x1  }
0x17: {  	s4 =	simm.s32 $0x1BF5;
	[smem:$0x3FB7] =	sst s0  }
0x18: {  	s0 =	sld [smem:$0x3F9A];
	_ =	swait.ge [sflag:s4], $0x0  }
0x19: {  	s7 =	sld [smem:$0x3F9B]  }
0x1a: {  	s8 =	sadd.s32 $0xFFFFE003, lr  }
0x1b: {  	s9 =	sadd.s32 $0xFFFFFEF7, lr;
	s5 =	simm.s32 $0xFFFFFFFF;
	p2 =	slt.u32 s8, $0xFFFFF086  }
0x1c: {  	p1 =	slt.u32 s9, $0xF7A;
	s5 =	simm.s32 @!p2 $0x0  }
0x1d: {  	s5 =	simm.s32 @p1 $0x1;
	p0 =	seq.s32 s7, s2  }
0x1e: {  	s7 =	smul.u32 @!p0 $0xF7A, s2;
	p2 =	seq.s32 @!p0 s5, $0x0  }
0x1f: {  	s9 =	smul.u32 $0xF7A, s1;
	s8 =	simm.s32 @!p0 $0x1BF5;
	p2 =	por !p2, p0  }
0x20: {  	[sflag:s8] =	ssyncset.s32 @!p0 $0xFFFFF086;
	s6 =	sadd.s32 @!p0 s3, s7;
	s7 =	simm.s32 @!p0 $0x108  }
0x21: {  	s3 =	sadd.s32 s3, s9;
	s6 =	sadd.s32 @!p0 $0x88, s6;
	s7 =	simm.s32 @p2 $0x1082  }
0x22: {  	[simem:s7], [sflag:s8] =	dma.local @!p0 [hbm:s6], $0xF7A  }
0x23: {  	s9 =	sor.u32 $0xD0000000, s2;
	s6 =	simm.s32 $0x108;
	_ =	swait.ge @!p0 [sflag:s8], $0x0  }
0x24: {  	s3 =	sadd.s32 $0x88, s3;
	s6 =	simm.s32 @!p1 $0x1082;
	[sflag:s4] =	ssyncset.s32 $0xFFFFF086  }
0x25: {  	[simem:s6], [sflag:s4] =	dma.local [hbm:s3], $0xF7A  }
0x26: {  	[smem:$0x3F9B] =	sst s1;
	(tag) =	ssettag s2;
	_ =	strace s9  }
0x27: {  	s1 =	sld [smem:$0x3FAB]  }
0x28: {  	s2 =	sld [smem:$0x3FAC]  }
0x29: {  	s4 =	sld [smem:$0x3FAE]  }
0x2a: {  	p0 =	seq.s32 s5, $0x0;
	s5 =	sld [smem:$0x3FAF]  }
0x2b: {  	s6 =	sld [smem:$0x3FB0]  }
0x2c: {  	s7 =	sld [smem:$0x3FB1]  }
0x2d: {  	s3 =	simm.s32 $0x108;
	s8 =	sld [smem:$0x3FB2]  }
0x2e: {  	s3 =	simm.s32 @!p0 $0x1082;
	s9 =	sld [smem:$0x3FB3]  }
0x2f: {  	lr =	sadd.s32 s0, s3;
	s0 =	sld [smem:$0x3FAA]  }
0x30: {  	s3 =	sld [smem:$0x3FAD]  }
0x31: {  	[smem:$0x3FB6] =	sst s10  }
0x32: {  	s10 =	sld [smem:$0x3FB4];
	_ =	sdelay $0x3  }
0x33: {  	p0 =	seq.s32 s10, $0x1;
	s10 =	sld [smem:$0x3FB6];
	_ =	sdelay $0x3  }
0x34: {  	[smem:$0x3FB6] =	sst s10  }
0x35: {  	s10 =	sld [smem:$0x3FB5];
	_ =	sdelay $0x3  }
0x36: {  	p1 =	seq.s32 s10, $0x1;
	s10 =	sld [smem:$0x3FB6];
	_ =	sdelay $0x3  }
0x37: {  	[smem:$0x3FB6] =	sst s10  }
0x38: {  	s10 =	sld [smem:$0x3FB7]  }
0x39: {  	_ = 	snop;
	(pc) =	sbr.ind lr, $3  }
0x3a: {  	_ = 	snop  }
0x3b: {  	_ = 	snop  }
0x3c: {  	p2 =	seq.s32 s10, $0x1;
	s10 =	sld [smem:$0x3FB6]  }
0x3d: {  	_ =	shalt  }
0x3e: {  	_ =	shalt  }
0x3f: {  	_ =	shalt  }
0x40: {  	_ =	shalt  }
0x41: {  	_ =	shalt  }
0x42: {  	_ =	shalt  }
0x43: {  	_ =	shalt  }
0x44: {  	_ =	shalt  }
0x45: {  	_ =	shalt  }
0x46: {  	_ =	shalt  }
0x47: {  	_ =	shalt  }
0x48: {  	_ =	shalt  }
0x49: {  	_ =	shalt  }
0x4a: {  	_ =	shalt  }
0x4b: {  	_ =	shalt  }
0x4c: {  	_ =	shalt  }
0x4d: {  	_ =	shalt  }
0x4e: {  	_ =	shalt  }
0x4f: {  	_ =	shalt  }
0x50: {  	_ =	shalt  }
0x51: {  	_ =	shalt  }
0x52: {  	_ =	shalt  }
0x53: {  	_ =	shalt  }
0x54: {  	_ =	shalt  }
0x55: {  	_ =	shalt  }
0x56: {  	_ =	shalt  }
0x57: {  	_ =	shalt  }
0x58: {  	_ =	shalt  }
0x59: {  	_ =	shalt  }
0x5a: {  	_ =	shalt  }
0x5b: {  	_ =	shalt  }
0x5c: {  	_ =	shalt  }
0x5d: {  	_ =	shalt  }
0x5e: {  	_ =	shalt  }
0x5f: {  	_ =	shalt  }
0x60: {  	_ =	shalt  }
0x61: {  	_ =	shalt  }
0x62: {  	_ =	shalt  }
0x63: {  	_ =	shalt  }
0x64: {  	_ =	shalt  }
0x65: {  	_ =	shalt  }
0x66: {  	_ =	shalt  }
0x67: {  	_ =	shalt  }
0x68: {  	_ =	shalt  }
0x69: {  	_ =	shalt  }
0x6a: {  	_ =	shalt  }
0x6b: {  	_ =	shalt  }
0x6c: {  	_ =	shalt  }
0x6d: {  	_ =	shalt  }
0x6e: {  	_ =	shalt  }
0x6f: {  	_ =	shalt  }
0x70: {  	_ =	shalt  }
0x71: {  	_ =	shalt  }
0x72: {  	_ =	shalt  }
0x73: {  	_ =	shalt  }
0x74: {  	_ =	shalt  }
0x75: {  	_ =	shalt  }
0x76: {  	_ =	shalt  }
0x77: {  	_ =	shalt  }
0x78: {  	_ =	shalt  }
0x79: {  	_ =	shalt  }
0x7a: {  	_ =	shalt  }
0x7b: {  	_ =	shalt  }
0x7c: {  	_ =	shalt  }
0x7d: {  	_ =	shalt  }
0x7e: {  	_ =	shalt  }
0x7f: {  	_ =	shalt  }
0x80: {  	_ =	shalt  }
0x81: {  	_ =	shalt  }
0x82: {  	_ =	shalt  }
0x83: {  	_ =	shalt  }
0x84: {  	_ =	shalt  }
0x85: {  	_ =	shalt  }
0x86: {  	_ =	shalt  }
0x87: {  	_ =	shalt  }
.Lfunc_end0:
.L_simem_size_0:
called_computation.1_lowered:
.L_overlay_start_0:
0x88: {  	s2 =	sld [smem:$0x3FD9]  }
0x89: {  	s3 =	sld [smem:$0x3FFE];
	_ =	sdelay $0x1  }
0x8a: {  	s1 =	srdreg.scid  }
0x8b: {  	s0 =	sand.u32 $0x1, s1  }
0x8c: {  	s17 =	sshll.u32 s0, $0xA;
	s2 =	sadd.s32 s3, s2  }
0x8d: {  	s2 =	sadd.s32 s2, s17  }
0x8e: {  	[smem:$0x3FC2] =	sst s2  }
0x8f: {  	_ = 	snop  }
0x90: {  	s2 =	sld [smem:$0x3FD0];
	(tm) =	ssettm $0x1  }
0x91: {  	s18 =	sld [smem:$0x3FFB];
	_ =	sdelay $0x3  }
0x92: {  	_ =	strace s18  }
0x93: {  	s3 =	sld [smem:$0x3FFC];
	_ =	sdelay $0x3  }
0x94: {  	_ =	strace s3  }
0x95: {  	s3 =	sld [smem:$0x3FFD];
	_ =	sdelay $0x3  }
0x96: {  	_ =	strace s3  }
0x97: {  	_ =	strace $0x8FFFFFFF  }
0x98: {  	s19 =	sld [smem:$0x3FDB];
	_ =	sdelay $0x1  }
0x99: {  	s4 =	simm.s32 $_scs_section_size  }
0x9a: {  	s5 =	simm.s32 $_size__tile_overlayer_lowered;
	s6 =	simm.s32 $_tile_overlayer_lowered  }
0x9b: {  	s22 =	simm.s32 $0x1BFF;
	s21 =	sshll.u32 s6, $0x1;
	s3 =	sadd.s32 s4, s19  }
0x9c: {  	s7 =	simm.s32 $0x0;
	s20 =	sshll.u32 s5, $0x1;
	s5 =	sadd.s32 s21, s3  }
0x9d: {  	[timem:s7], [sflag:s22] =	dma.local [hbm:s5], s20  }
0x9e: {  	_ =	swait.ge [sflag:s22], s20  }
0x9f: {  	s4 =	ssub.s32 $0x0, s20;
	[sflag:s22] =	ssyncset.done $0x0  }
0xa0: {  	[sflag:s22] =	ssyncadd.s32 s4;
	_ =	sdelay $0x1  }
0xa1: {  	s23 =	simm.s32 $0x1B8B  }
0xa2: {  	_ =	swait.ge [sflag:s23], $0x1  }
0xa3: {  	[sflag:s23] =	ssyncset.done $0x0  }
0xa4: {  	s25 =	simm.s32 $0x1B8E;
	s24 =	sld [smem:$0x3FFE];
	[sflag:s23] =	ssyncadd.s32 $0xFFFFFFFF  }
0xa5: {  	s26 =	simm.s32 $execute0_lowered;
	[smem:$0x3FD2] =	sst s25  }
0xa6: {  	s5 =	sshll.u32 s26, $0x1;
	_ =	strace $0x80000049;
	[dreg:$0x1] =	wrdreg $0xFFFFFFFF  }
0xa7: {  	s28 =	simm.s32 $_size_execute0_lowered;
	s3 =	sadd.s32 s3, s5;
	[dreg:$0x0] =	wrdreg $0x0  }
0xa8: {  	s5 =	sshll.u32 s28, $0x1;
	[dreg:$0x2] =	wrdreg s3  }
0xa9: {  	[dreg:$0x3] =	wrdreg s5  }
0xaa: {  	[dreg:$0x4] =	wrdreg $0xC0  }
0xab: {  	_ =	task [dreg:s7], $0x5FFFF  }
0xac: {  	[dreg:$0x1] =	wrdreg $0xFFFFFFFF  }
0xad: {  	[dreg:$0x0] =	wrdreg $0x60  }
0xae: {  	[dreg:$0x2] =	wrdreg s2  }
0xaf: {  	[dreg:$0x3] =	wrdreg s24  }
0xb0: {  	[dreg:$0x4] =	wrdreg $0x75600  }
0xb1: {  	[dreg:$0x5] =	wrdreg $0x0  }
0xb2: {  	[dreg:$0x6] =	wrdreg $0x9  }
0xb3: {  	_ =	task.clear_ibuf [dreg:s7], $0x7FFFF;
	_ =	strace $0x90000049  }
0xb4: {  	s29 =	simm.s32 $0x9;
	_ =	strace $0x8000004B  }
0xb5: {  	_ =	swait.ge [sflag:s29], $0x1  }
0xb6: {  	[sflag:s29] =	ssyncadd.s32 $0xFFFFFFFF  }
0xb7: {  	_ =	strace $0x9000004B  }
0xb8: {  	_ =	sfence  }
0xb9: {  	s30 =	sld [smem:$0x0];
	_ =	sdelay $0x2  }
0xba: {  	s31 =	sshll.u32 s1, $0xD;
	s1 =	sshrl.u32 s1, $0x2  }
0xbb: {  	s3 =	sand.u32 $0x4000, s31;
	s1 =	sadd.s32 s1, s30  }
0xbc: {  	s0 =	sor.u32 s3, s0;
	s1 =	sshll.u32 s1, $0x11  }
0xbd: {  	s0 =	sor.u32 s1, s0  }
0xbe: {  	s0 =	sadd.s32 $0x8F2B, s0  }
0xbf: {  	[sflag:s0] =	ssyncadd.remote.s32 $0x1  }
0xc0: {  	_ =	sfence.sel $0xFFFF  }
0xc1: {  	[dreg:$0x0] =	wrdreg $0xFFFFFFFF;
	(pc) =	sbr.abs _section_cstart, $3  }
0xc2: {  	[dreg:$0x1] =	wrdreg $0xFFFFFFFF  }
0xc3: {  	_ =	task.clear_ibuf [dreg:s7], $0x2FFFF;
	_ =	strace $0x9FFFFFFF  }
0xc4: {  	(tm) =	ssettm $0x7FFFFFFF  }
0xc5: {  	_ =	shalt  }
tec
execute0_lowered:
.L_overlay_start_1:
0x0: {  	(tag) =	ssettag $0x1  }
0x1: {  	s0 =	rddreg [dreg:$0x0]  }
0x2: {  	s1 =	rddreg [dreg:$0x1]  }
0x3: {  	s2 =	rddreg [dreg:$0x2]  }
0x4: {  	s3 =	rddreg [dreg:$0x3];
	s14 =	simm.s32 $0x0  }
0x5: {  	s16 =	stileid.u32;
	s4 =	srdreg.scid;
	s28 =	simm.s32 $0x28000  }
0x6: {  	s30 =	simm.s32 $0x11;
	s29 =	simm.s32 $0xB;
	s31 =	simm.s32 $0xC  }
0x7: {  	[smem:$0x7FF] =	sst s14;
	s5 =	smul.u32 $0x7680, s16;
	s4 =	sand.u32 $0x1, s4  }
0x8: {  	s7 =	sadd.s32 $0x2200, s1;
	s22 =	sshll.u32 s16, $0x5;
	s12 =	sadd.s32 $0x6F180, s2  }
0x9: {  	s25 =	sadd.s32 $0x6F180, s3;
	s26 =	sadd.s32 $0x1A030, s1;
	p0 =	seq.s32 s16, $0xF  }
0xa: {  	_ =	strace $0x8000004A;
	s6 =	ssub.s32 $0x2, s4;
	[dreg:$0xc] =	wrdreg s25  }
0xb: {  	s11 =	sshll.u32 s4, $0x4;
	[dreg:$0xd] =	wrdreg s26;
	s25 =	sadd.s32 $0x37830, s1  }
0xc: {  	s8 =	sshrl.u32 s5, $0x3;
	s9 =	sshrl.u32 s6, $0x1;
	[dreg:$0x18] =	wrdreg s25  }
0xd: {  	s10 =	sadd.s32 s8, s1;
	s6 =	ssub.s32 s6, s9;
	s8 =	sadd.s32 s0, s8  }
0xe: {  	s9 =	sadd.s32 s5, s2;
	s5 =	sadd.s32 s5, s3;
	[dreg:$0x7] =	wrdreg s8  }
0xf: {  	s18 =	sadd.s32 s22, s7;
	s0 =	sadd.s32 $0xDE30, s0;
	[dreg:$0x8] =	wrdreg s5  }
0x10: {  	s24 =	sor.u32 s11, s22;
	s23 =	sadd.s32 $0xC200, s10;
	[dreg:$0xa] =	wrdreg s0  }
0x11: {  	p2 =	sne.s32 @p0 s4, $0x0;
	s5 =	sadd.s32 s7, s24;
	[dreg:$0x9] =	wrdreg s23  }
0x12: {  	p4 =	sne.s32 @!p0 s4, $0x0;
	s0 =	sadd.s32 s11, s18;
	[dreg:$0xb] =	wrdreg s5  }
0x13: {  	p1 =	por !p2, !p0;
	s22 =	sadd.s32 $0x1AE00, s10;
	[dreg:$0x5] =	wrdreg s0  }
0x14: {  	p2 =	por p2, !p0;
	s24 =	sadd.s32 $0x28C30, s1;
	[dreg:$0x15] =	wrdreg s22  }
0x15: {  	p3 =	por !p4, p0;
	s26 =	smax.u32 s6, $0x1;
	[dreg:$0x17] =	wrdreg s24  }
0x16: {  	p4 =	por p4, p0;
	s13 =	sadd.s32 $0x200, s5;
	[dreg:$0x19] =	wrdreg s26  }
0x17: {  	s25 =	simm.s32 $0xEE90;
	s15 =	sadd.s32 $0x400, s5;
	[dreg:$0xe] =	wrdreg s13  }
0x18: {  	s18 =	simm.s32 $0xEB90;
	s17 =	sadd.s32 $0x600, s5;
	[dreg:$0xf] =	wrdreg s15  }
0x19: {  	s6 =	simm.s32 $0xEF90;
	s19 =	sadd.s32 $0x800, s5;
	[dreg:$0x10] =	wrdreg s17  }
0x1a: {  	s8 =	simm.s32 $0x9;
	s20 =	sadd.s32 $0xA00, s5;
	[dreg:$0x11] =	wrdreg s19  }
0x1b: {  	s7 =	simm.s32 $0xE;
	s21 =	sadd.s32 $0xC00, s5;
	[dreg:$0x12] =	wrdreg s20  }
0x1c: {  	s11 =	simm.s32 $0xF;
	s5 =	sadd.s32 $0xE00, s5;
	[dreg:$0x13] =	wrdreg s21  }
0x1d: {  	s23 =	sadd.s32 $0x29A00, s10;
	s0 =	sshrl.u32 @p0 s12, $0x3;
	[dreg:$0x14] =	wrdreg s5  }
0x1e: {  	s26 =	simm.s32 $0x80;
	s22 =	simm.s32 $0xED90;
	[dreg:$0x16] =	wrdreg s23  }
0x1f: {  	s12 =	simm.s32 $0x10;
	[dreg:$0x1a] =	wrdreg s0;
	s0 =	sshrl.u32 @!p0 s9, $0x3  }
0x20: {  	s20 =	simm.s32 $0xEC90;
	s21 =	simm.s32 $0xEE90;
	s23 =	simm.s32 $0xF090  }
0x21: {  	s9 =	simm.s32 $0xA;
	[dreg:$0x1b] =	wrdreg s0;
	s0 =	simm.s32 $0xD  }
.LBB2_1:
0x22: {  	[dreg:$0x6] =	wrdreg s14  }
0x23: {  	s15 =	rddreg [dreg:$0xa]  }
0x24: {  	s4 =	simm.s32 @p0 $0x1FD1;
	s13 =	rddreg [dreg:$0x1a];
	s14 =	simm.s32 @p0 $0x11  }
0x25: {  	[spmem:s13], [sflag:s4] =	dma.local @p0 [hbm:s15], $0xC30  }
0x26: {  	_ =	swait.ge @p0 [sflag:s14], $0xC30  }
0x27: {  	[sflag:s14] =	ssyncset.done @p0 $0x0;
	s13 =	rddreg [dreg:$0xc]  }
0x28: {  	[sflag:s14] =	ssyncadd.s32 @p0 $0xFFFFF3D0;
	s1 =	sshrl.u32 @!p1 s13, $0x3;
	s14 =	rddreg [dreg:$0xd]  }
0x29: {  	[dreg:$0x1c] =	wrdreg s1  }
0x2a: {  	[spmem:s1], [sflag:s4] =	dma.local @!p1 [hbm:s14], $0xC30  }
0x2b: {  	s14 =	simm.s32 @!p1 $0x11  }
0x2c: {  	_ =	swait.ge @!p1 [sflag:s14], $0xC30  }
0x2d: {  	s1 =	sshrl.u32 @!p2 s13, $0x3;
	[sflag:s14] =	ssyncset.done @!p1 $0x0  }
0x2e: {  	s13 =	simm.s32 @!p2 $0x11;
	[dreg:$0x1d] =	wrdreg s1;
	[sflag:s14] =	ssyncadd.s32 @!p1 $0xFFFFF3D0  }
0x2f: {  	[spmem:s1], [sflag:s4] =	dma.local @!p2 [hbm:s15], $0xC30  }
0x30: {  	_ =	swait.ge @!p2 [sflag:s13], $0xC30  }
0x31: {  	s14 =	sshll.u32 @!p0 s16, $0x6;
	[sflag:s13] =	ssyncset.done @!p2 $0x0;
	s4 =	rddreg [dreg:$0x7]  }
0x32: {  	[sflag:s13] =	ssyncadd.s32 @!p2 $0xFFFFF3D0;
	s13 =	sor.u32 @!p0 $0x1C11, s14;
	s14 =	rddreg [dreg:$0x1b]  }
0x33: {  	[spmem:s14], [sflag:s13] =	dma.local @!p0 [hbm:s4], $0xED0  }
0x34: {  	s14 =	simm.s32 @!p0 $0x11  }
0x35: {  	_ =	swait.ge @!p0 [sflag:s14], $0xED0  }
0x36: {  	[sflag:s14] =	ssyncset.done @!p0 $0x0  }
0x37: {  	[sflag:s14] =	ssyncadd.s32 @!p0 $0xFFFFF130;
	s14 =	rddreg [dreg:$0x8]  }
0x38: {  	s15 =	rddreg [dreg:$0x9];
	s1 =	sshrl.u32 @!p3 s14, $0x3  }
0x39: {  	[dreg:$0x1f] =	wrdreg s1  }
0x3a: {  	[spmem:s1], [sflag:s13] =	dma.local @!p3 [hbm:s15], $0xED0  }
0x3b: {  	s1 =	simm.s32 @!p3 $0x11  }
0x3c: {  	_ =	swait.ge @!p3 [sflag:s1], $0xED0  }
0x3d: {  	[sflag:s1] =	ssyncset.done @!p3 $0x0  }
0x3e: {  	[sflag:s1] =	ssyncadd.s32 @!p3 $0xFFFFF130;
	s1 =	sshrl.u32 @!p4 s14, $0x3  }
0x3f: {  	[dreg:$0x1e] =	wrdreg s1  }
0x40: {  	[spmem:s1], [sflag:s13] =	dma.local @!p4 [hbm:s4], $0xED0  }
0x41: {  	s13 =	simm.s32 @!p4 $0x11  }
0x42: {  	_ =	swait.ge @!p4 [sflag:s13], $0xED0  }
0x43: {  	[sflag:s13] =	ssyncset.done @!p4 $0x0  }
0x44: {  	[sflag:s13] =	ssyncadd.s32 @!p4 $0xFFFFF130  }
0x45: {  	[bflag:$0x0] =	sbarrier.arrive $0xFFFF  }
0x46: {  	s24 =	simm.s32 $0xEA90;
	s5 =	rddreg [dreg:$0xb]  }
0x47: {  	[tilespmem:s24], [sflag:$0x11] =	stream.strided.gather [hbm4b:s5+s26], $0x100, s28, s26, $0x38;
	[tilespmem:$0x1B290] =	vst v63  }
0x48: {  	_ =	swait.ge [sflag:s30], $0x100  }
0x49: {  	[sflag:s30] =	ssyncset.done $0x0  }
0x4a: {  	s15 =	simm.s32 $0xF290;
	[sflag:s30] =	ssyncadd.s32 $0xFFFFFF00  }
0x4b: {  	[tilespmem:s15], [sflag:$0x1] =	stream.indirect.gather [spmem:s2], $0x30, s24, s26, $0xb8;
	[tilespmem:$0x1B290] =	vst v63  }
0x4c: {  	s10 =	rddreg [dreg:$0xe]  }
0x4d: {  	[tilespmem:s18], [sflag:$0x11] =	stream.strided.gather [hbm4b:s10+s26], $0x100, s28, s26, $0x38;
	[tilespmem:$0x1B290] =	vst v63  }
0x4e: {  	_ =	swait.ge [sflag:s30], $0x100  }
0x4f: {  	[sflag:s30] =	ssyncset.done $0x0  }
0x50: {  	s17 =	simm.s32 $0x10A90;
	[sflag:s30] =	ssyncadd.s32 $0xFFFFFF00  }
0x51: {  	[tilespmem:s17], [sflag:$0x2] =	stream.indirect.gather [spmem:s2], $0x30, s18, s26, $0xb8;
	[tilespmem:$0x1B290] =	vst v63  }
0x52: {  	s14 =	rddreg [dreg:$0xf]  }
0x53: {  	[tilespmem:s20], [sflag:$0x11] =	stream.strided.gather [hbm4b:s14+s26], $0x100, s28, s26, $0x38;
	[tilespmem:$0x1B290] =	vst v63  }
0x54: {  	_ =	swait.ge [sflag:s30], $0x100  }
0x55: {  	[sflag:s30] =	ssyncset.done $0x0  }
0x56: {  	s19 =	simm.s32 $0x12290;
	[sflag:s30] =	ssyncadd.s32 $0xFFFFFF00  }
0x57: {  	[tilespmem:s19], [sflag:$0x3] =	stream.indirect.gather [spmem:s2], $0x30, s20, s26, $0xb8;
	[tilespmem:$0x1B290] =	vst v63  }
0x58: {  	s16 =	rddreg [dreg:$0x10]  }
0x59: {  	[tilespmem:s22], [sflag:$0x11] =	stream.strided.gather [hbm4b:s16+s26], $0x100, s28, s26, $0x38;
	[tilespmem:$0x1B290] =	vst v63  }
0x5a: {  	_ =	swait.ge [sflag:s30], $0x100  }
0x5b: {  	[sflag:s30] =	ssyncset.done $0x0  }
0x5c: {  	s16 =	simm.s32 $0x13A90;
	[sflag:s30] =	ssyncadd.s32 $0xFFFFFF00  }
0x5d: {  	[tilespmem:s16], [sflag:$0x4] =	stream.indirect.gather [spmem:s2], $0x30, s22, s26, $0xb8;
	[tilespmem:$0x1B290] =	vst v63  }
0x5e: {  	s1 =	rddreg [dreg:$0x11]  }
0x5f: {  	[tilespmem:s21], [sflag:$0x11] =	stream.strided.gather [hbm4b:s1+s26], $0x100, s28, s26, $0x38;
	[tilespmem:$0x1B290] =	vst v63  }
0x60: {  	_ =	swait.ge [sflag:s30], $0x100  }
0x61: {  	[sflag:s30] =	ssyncset.done $0x0  }
0x62: {  	s1 =	simm.s32 $0x15290;
	[sflag:s30] =	ssyncadd.s32 $0xFFFFFF00  }
0x63: {  	[tilespmem:s1], [sflag:$0x5] =	stream.indirect.gather [spmem:s2], $0x30, s21, s26, $0xb8;
	[tilespmem:$0x1B290] =	vst v63  }
0x64: {  	s4 =	rddreg [dreg:$0x12]  }
0x65: {  	[tilespmem:s6], [sflag:$0x11] =	stream.strided.gather [hbm4b:s4+s26], $0x100, s28, s26, $0x38;
	[tilespmem:$0x1B290] =	vst v63  }
0x66: {  	_ =	swait.ge [sflag:s30], $0x100  }
0x67: {  	[sflag:s30] =	ssyncset.done $0x0  }
0x68: {  	s10 =	simm.s32 $0x16A90;
	[sflag:s30] =	ssyncadd.s32 $0xFFFFFF00  }
0x69: {  	[tilespmem:s10], [sflag:$0x6] =	stream.indirect.gather [spmem:s2], $0x30, s6, s26, $0xb8;
	[tilespmem:$0x1B290] =	vst v63  }
0x6a: {  	s5 =	rddreg [dreg:$0x13]  }
0x6b: {  	[tilespmem:s23], [sflag:$0x11] =	stream.strided.gather [hbm4b:s5+s26], $0x100, s28, s26, $0x38;
	[tilespmem:$0x1B290] =	vst v63  }
0x6c: {  	_ =	swait.ge [sflag:s30], $0x100  }
0x6d: {  	[sflag:s30] =	ssyncset.done $0x0  }
0x6e: {  	s5 =	simm.s32 $0x18290;
	[sflag:s30] =	ssyncadd.s32 $0xFFFFFF00  }
0x6f: {  	[tilespmem:s5], [sflag:$0x7] =	stream.indirect.gather [spmem:s2], $0x30, s23, s26, $0xb8;
	[tilespmem:$0x1B290] =	vst v63  }
0x70: {  	s4 =	simm.s32 $0xF190;
	s14 =	rddreg [dreg:$0x14]  }
0x71: {  	[tilespmem:s4], [sflag:$0x11] =	stream.strided.gather [hbm4b:s14+s26], $0x100, s28, s26, $0x38;
	[tilespmem:$0x1B290] =	vst v63  }
0x72: {  	_ =	swait.ge [sflag:s30], $0x100  }
0x73: {  	[sflag:s30] =	ssyncset.done $0x0  }
0x74: {  	s13 =	simm.s32 $0x19A90;
	s14 =	simm.s32 $0x1;
	[sflag:s30] =	ssyncadd.s32 $0xFFFFFF00  }
0x75: {  	[tilespmem:s13], [sflag:$0x8] =	stream.indirect.gather [spmem:s2], $0x30, s4, s26, $0xb8;
	[tilespmem:$0x1B290] =	vst v63  }
0x76: {  	_ =	swait.ge [sflag:s14], $0x1800  }
0x77: {  	[sflag:s14] =	ssyncset.done $0x0  }
0x78: {  	[sflag:s14] =	ssyncadd.s32 $0xFFFFE800;
	s14 =	simm.s32 $0xEB10  }
0x79: {  	[spmem:s3] =	stream.indirect.scatter.add.f32 [tilespmem:s15], [sflag:$0x9], $0x30, s14, s26, $0xb8;
	[tilespmem:$0x1B290] =	vst v63  }
0x7a: {  	s14 =	simm.s32 $0x2  }
0x7b: {  	_ =	swait.ge [sflag:s14], $0x1800  }
0x7c: {  	[sflag:s14] =	ssyncset.done $0x0  }
0x7d: {  	[sflag:s14] =	ssyncadd.s32 $0xFFFFE800;
	s14 =	simm.s32 $0xEC10  }
0x7e: {  	[spmem:s3] =	stream.indirect.scatter.add.f32 [tilespmem:s17], [sflag:$0xA], $0x30, s14, s26, $0xb8;
	[tilespmem:$0x1B290] =	vst v63  }
0x7f: {  	s14 =	simm.s32 $0x3  }
0x80: {  	_ =	swait.ge [sflag:s14], $0x1800  }
0x81: {  	[sflag:s14] =	ssyncset.done $0x0  }
0x82: {  	[sflag:s14] =	ssyncadd.s32 $0xFFFFE800;
	s14 =	simm.s32 $0xED10  }
0x83: {  	[spmem:s3] =	stream.indirect.scatter.add.f32 [tilespmem:s19], [sflag:$0xB], $0x30, s14, s26, $0xb8;
	[tilespmem:$0x1B290] =	vst v63  }
0x84: {  	s14 =	simm.s32 $0x4  }
0x85: {  	_ =	swait.ge [sflag:s14], $0x1800  }
0x86: {  	[sflag:s14] =	ssyncset.done $0x0  }
0x87: {  	[sflag:s14] =	ssyncadd.s32 $0xFFFFE800;
	s14 =	simm.s32 $0xEE10  }
0x88: {  	[spmem:s3] =	stream.indirect.scatter.add.f32 [tilespmem:s16], [sflag:$0xC], $0x30, s14, s26, $0xb8;
	[tilespmem:$0x1B290] =	vst v63  }
0x89: {  	s14 =	simm.s32 $0x5  }
0x8a: {  	_ =	swait.ge [sflag:s14], $0x1800  }
0x8b: {  	[sflag:s14] =	ssyncset.done $0x0  }
0x8c: {  	[sflag:s14] =	ssyncadd.s32 $0xFFFFE800;
	s14 =	simm.s32 $0xEF10  }
0x8d: {  	[spmem:s3] =	stream.indirect.scatter.add.f32 [tilespmem:s1], [sflag:$0xD], $0x30, s14, s26, $0xb8;
	[tilespmem:$0x1B290] =	vst v63  }
0x8e: {  	s14 =	simm.s32 $0x6  }
0x8f: {  	_ =	swait.ge [sflag:s14], $0x1800  }
0x90: {  	[sflag:s14] =	ssyncset.done $0x0  }
0x91: {  	[sflag:s14] =	ssyncadd.s32 $0xFFFFE800;
	s14 =	simm.s32 $0xF010  }
0x92: {  	[spmem:s3] =	stream.indirect.scatter.add.f32 [tilespmem:s10], [sflag:$0xE], $0x30, s14, s26, $0xb8;
	[tilespmem:$0x1B290] =	vst v63  }
0x93: {  	s14 =	simm.s32 $0x7  }
0x94: {  	_ =	swait.ge [sflag:s14], $0x1800  }
0x95: {  	[sflag:s14] =	ssyncset.done $0x0  }
0x96: {  	[sflag:s14] =	ssyncadd.s32 $0xFFFFE800;
	s14 =	simm.s32 $0xF110  }
0x97: {  	[spmem:s3] =	stream.indirect.scatter.add.f32 [tilespmem:s5], [sflag:$0xF], $0x30, s14, s26, $0xb8;
	[tilespmem:$0x1B290] =	vst v63  }
0x98: {  	s14 =	simm.s32 $0x8  }
0x99: {  	_ =	swait.ge [sflag:s14], $0x1800  }
0x9a: {  	[sflag:s14] =	ssyncset.done $0x0  }
0x9b: {  	[sflag:s14] =	ssyncadd.s32 $0xFFFFE800;
	s14 =	simm.s32 $0xF210  }
0x9c: {  	[spmem:s3] =	stream.indirect.scatter.add.f32 [tilespmem:s13], [sflag:$0x10], $0x30, s14, s26, $0xb8;
	[tilespmem:$0x1B290] =	vst v63  }
0x9d: {  	_ =	swait.ge [sflag:s8], $0x1800  }
0x9e: {  	s14 =	rddreg [dreg:$0x5]  }
0x9f: {  	[sflag:s8] =	ssyncset.done $0x0;
	s13 =	sadd.s32 $0x0, s14  }
0xa0: {  	[sflag:s8] =	ssyncadd.s32 $0xFFFFE800;
	s14 =	sadd.s32 $0x1000, s13  }
0xa1: {  	[tilespmem:s24], [sflag:$0x11] =	stream.strided.gather [hbm4b:s14+s26], $0x100, s28, s26, $0x38;
	[tilespmem:$0x1B290] =	vst v63  }
0xa2: {  	_ =	swait.ge [sflag:s30], $0x100  }
0xa3: {  	[sflag:s30] =	ssyncset.done $0x0  }
0xa4: {  	[sflag:s30] =	ssyncadd.s32 $0xFFFFFF00  }
0xa5: {  	[tilespmem:s15], [sflag:$0x1] =	stream.indirect.gather [spmem:s2], $0x30, s24, s26, $0xb8;
	[tilespmem:$0x1B290] =	vst v63  }
0xa6: {  	_ =	swait.ge [sflag:s9], $0x1800  }
0xa7: {  	[sflag:s9] =	ssyncset.done $0x0  }
0xa8: {  	s15 =	sadd.s32 $0x1200, s13;
	[sflag:s9] =	ssyncadd.s32 $0xFFFFE800  }
0xa9: {  	[tilespmem:s18], [sflag:$0x11] =	stream.strided.gather [hbm4b:s15+s26], $0x100, s28, s26, $0x38;
	[tilespmem:$0x1B290] =	vst v63  }
0xaa: {  	_ =	swait.ge [sflag:s30], $0x100  }
0xab: {  	[sflag:s30] =	ssyncset.done $0x0  }
0xac: {  	[sflag:s30] =	ssyncadd.s32 $0xFFFFFF00  }
0xad: {  	[tilespmem:s17], [sflag:$0x2] =	stream.indirect.gather [spmem:s2], $0x30, s18, s26, $0xb8;
	[tilespmem:$0x1B290] =	vst v63  }
0xae: {  	_ =	swait.ge [sflag:s29], $0x1800  }
0xaf: {  	[sflag:s29] =	ssyncset.done $0x0  }
0xb0: {  	s18 =	sadd.s32 $0x1400, s13;
	[sflag:s29] =	ssyncadd.s32 $0xFFFFE800  }
0xb1: {  	[tilespmem:s20], [sflag:$0x11] =	stream.strided.gather [hbm4b:s18+s26], $0x100, s28, s26, $0x38;
	[tilespmem:$0x1B290] =	vst v63  }
0xb2: {  	_ =	swait.ge [sflag:s30], $0x100  }
0xb3: {  	[sflag:s30] =	ssyncset.done $0x0  }
0xb4: {  	[sflag:s30] =	ssyncadd.s32 $0xFFFFFF00  }
0xb5: {  	[tilespmem:s19], [sflag:$0x3] =	stream.indirect.gather [spmem:s2], $0x30, s20, s26, $0xb8;
	[tilespmem:$0x1B290] =	vst v63  }
0xb6: {  	_ =	swait.ge [sflag:s31], $0x1800  }
0xb7: {  	[sflag:s31] =	ssyncset.done $0x0  }
0xb8: {  	s19 =	sadd.s32 $0x1600, s13;
	[sflag:s31] =	ssyncadd.s32 $0xFFFFE800  }
0xb9: {  	[tilespmem:s22], [sflag:$0x11] =	stream.strided.gather [hbm4b:s19+s26], $0x100, s28, s26, $0x38;
	[tilespmem:$0x1B290] =	vst v63  }
0xba: {  	_ =	swait.ge [sflag:s30], $0x100  }
0xbb: {  	[sflag:s30] =	ssyncset.done $0x0  }
0xbc: {  	[sflag:s30] =	ssyncadd.s32 $0xFFFFFF00  }
0xbd: {  	[tilespmem:s16], [sflag:$0x4] =	stream.indirect.gather [spmem:s2], $0x30, s22, s26, $0xb8;
	[tilespmem:$0x1B290] =	vst v63  }
0xbe: {  	_ =	swait.ge [sflag:s0], $0x1800  }
0xbf: {  	[sflag:s0] =	ssyncset.done $0x0  }
0xc0: {  	s20 =	sadd.s32 $0x1800, s13;
	[sflag:s0] =	ssyncadd.s32 $0xFFFFE800  }
0xc1: {  	[tilespmem:s21], [sflag:$0x11] =	stream.strided.gather [hbm4b:s20+s26], $0x100, s28, s26, $0x38;
	[tilespmem:$0x1B290] =	vst v63  }
0xc2: {  	_ =	swait.ge [sflag:s30], $0x100  }
0xc3: {  	[sflag:s30] =	ssyncset.done $0x0  }
0xc4: {  	[sflag:s30] =	ssyncadd.s32 $0xFFFFFF00  }
0xc5: {  	[tilespmem:s1], [sflag:$0x5] =	stream.indirect.gather [spmem:s2], $0x30, s21, s26, $0xb8;
	[tilespmem:$0x1B290] =	vst v63  }
0xc6: {  	_ =	swait.ge [sflag:s7], $0x1800  }
0xc7: {  	[sflag:s7] =	ssyncset.done $0x0  }
0xc8: {  	s22 =	sadd.s32 $0x1A00, s13;
	[sflag:s7] =	ssyncadd.s32 $0xFFFFE800  }
0xc9: {  	[tilespmem:s6], [sflag:$0x11] =	stream.strided.gather [hbm4b:s22+s26], $0x100, s28, s26, $0x38;
	[tilespmem:$0x1B290] =	vst v63  }
0xca: {  	_ =	swait.ge [sflag:s30], $0x100  }
0xcb: {  	[sflag:s30] =	ssyncset.done $0x0  }
0xcc: {  	[sflag:s30] =	ssyncadd.s32 $0xFFFFFF00  }
0xcd: {  	[tilespmem:s10], [sflag:$0x6] =	stream.indirect.gather [spmem:s2], $0x30, s6, s26, $0xb8;
	[tilespmem:$0x1B290] =	vst v63  }
0xce: {  	_ =	swait.ge [sflag:s11], $0x1800  }
0xcf: {  	[sflag:s11] =	ssyncset.done $0x0  }
0xd0: {  	s24 =	sadd.s32 $0x1C00, s13;
	[sflag:s11] =	ssyncadd.s32 $0xFFFFE800  }
0xd1: {  	[tilespmem:s23], [sflag:$0x11] =	stream.strided.gather [hbm4b:s24+s26], $0x100, s28, s26, $0x38;
	[tilespmem:$0x1B290] =	vst v63  }
0xd2: {  	_ =	swait.ge [sflag:s30], $0x100  }
0xd3: {  	[sflag:s30] =	ssyncset.done $0x0  }
0xd4: {  	[sflag:s30] =	ssyncadd.s32 $0xFFFFFF00  }
0xd5: {  	[tilespmem:s5], [sflag:$0x7] =	stream.indirect.gather [spmem:s2], $0x30, s23, s26, $0xb8;
	[tilespmem:$0x1B290] =	vst v63  }
0xd6: {  	_ =	swait.ge [sflag:s12], $0x1800  }
0xd7: {  	[sflag:s12] =	ssyncset.done $0x0  }
0xd8: {  	s13 =	sadd.s32 $0x1E00, s13;
	[sflag:s12] =	ssyncadd.s32 $0xFFFFE800  }
0xd9: {  	[tilespmem:s4], [sflag:$0x11] =	stream.strided.gather [hbm4b:s13+s26], $0x100, s28, s26, $0x38;
	[tilespmem:$0x1B290] =	vst v63  }
0xda: {  	_ =	swait.ge [sflag:s30], $0x100  }
0xdb: {  	s6 =	simm.s32 $0xEF90;
	[sflag:s30] =	ssyncset.done $0x0  }
0xdc: {  	s24 =	simm.s32 $0xF090;
	s13 =	simm.s32 $0x1000;
	[sflag:s30] =	ssyncadd.s32 $0xFFFFFF00  }
.LBB2_2:
0xdd: {  	s4 =	simm.s32 $0xF190;
	s15 =	simm.s32 $0x19A90;
	s1 =	simm.s32 $0x1  }
0xde: {  	[tilespmem:s15], [sflag:$0x8] =	stream.indirect.gather [spmem:s2], $0x30, s4, s26, $0xb8;
	[tilespmem:$0x1B290] =	vst v63  }
0xdf: {  	_ =	swait.ge [sflag:s1], $0x1800  }
0xe0: {  	s18 =	simm.s32 $0xF290;
	[sflag:s1] =	ssyncset.done $0x0  }
0xe1: {  	s5 =	simm.s32 $0xEB10;
	s10 =	simm.s32 $0x2;
	[sflag:s1] =	ssyncadd.s32 $0xFFFFE800  }
0xe2: {  	[spmem:s3] =	stream.indirect.scatter.add.f32 [tilespmem:s18], [sflag:$0x9], $0x30, s5, s26, $0xb8;
	[tilespmem:$0x1B290] =	vst v63  }
0xe3: {  	_ =	swait.ge [sflag:s10], $0x1800  }
0xe4: {  	s20 =	simm.s32 $0x10A90;
	[sflag:s10] =	ssyncset.done $0x0  }
0xe5: {  	s16 =	simm.s32 $0xEC10;
	s17 =	simm.s32 $0x3;
	[sflag:s10] =	ssyncadd.s32 $0xFFFFE800  }
0xe6: {  	[spmem:s3] =	stream.indirect.scatter.add.f32 [tilespmem:s20], [sflag:$0xA], $0x30, s16, s26, $0xb8;
	[tilespmem:$0x1B290] =	vst v63  }
0xe7: {  	_ =	swait.ge [sflag:s17], $0x1800  }
0xe8: {  	s22 =	simm.s32 $0x12290;
	[sflag:s17] =	ssyncset.done $0x0  }
0xe9: {  	s19 =	simm.s32 $0xED10;
	s21 =	simm.s32 $0x4;
	[sflag:s17] =	ssyncadd.s32 $0xFFFFE800  }
0xea: {  	[spmem:s3] =	stream.indirect.scatter.add.f32 [tilespmem:s22], [sflag:$0xB], $0x30, s19, s26, $0xb8;
	[tilespmem:$0x1B290] =	vst v63  }
0xeb: {  	_ =	swait.ge [sflag:s21], $0x1800  }
0xec: {  	s23 =	simm.s32 $0xEE10;
	[sflag:s21] =	ssyncset.done $0x0  }
0xed: {  	s5 =	simm.s32 $0x5;
	s16 =	simm.s32 $0x13A90;
	[sflag:s21] =	ssyncadd.s32 $0xFFFFE800  }
0xee: {  	[spmem:s3] =	stream.indirect.scatter.add.f32 [tilespmem:s16], [sflag:$0xC], $0x30, s23, s26, $0xb8;
	[tilespmem:$0x1B290] =	vst v63  }
0xef: {  	_ =	swait.ge [sflag:s5], $0x1800  }
0xf0: {  	s1 =	simm.s32 $0x15290;
	[sflag:s5] =	ssyncset.done $0x0  }
0xf1: {  	s10 =	simm.s32 $0x6;
	[sflag:s5] =	ssyncadd.s32 $0xFFFFE800;
	s5 =	simm.s32 $0xEF10  }
0xf2: {  	[spmem:s3] =	stream.indirect.scatter.add.f32 [tilespmem:s1], [sflag:$0xD], $0x30, s5, s26, $0xb8;
	[tilespmem:$0x1B290] =	vst v63  }
0xf3: {  	_ =	swait.ge [sflag:s10], $0x1800  }
0xf4: {  	s17 =	simm.s32 $0xF010;
	[sflag:s10] =	ssyncset.done $0x0  }
0xf5: {  	s19 =	simm.s32 $0x7;
	[sflag:s10] =	ssyncadd.s32 $0xFFFFE800;
	s10 =	simm.s32 $0x16A90  }
0xf6: {  	[spmem:s3] =	stream.indirect.scatter.add.f32 [tilespmem:s10], [sflag:$0xE], $0x30, s17, s26, $0xb8;
	[tilespmem:$0x1B290] =	vst v63  }
0xf7: {  	_ =	swait.ge [sflag:s19], $0x1800  }
0xf8: {  	s21 =	simm.s32 $0x8;
	[sflag:s19] =	ssyncset.done $0x0  }
0xf9: {  	s5 =	simm.s32 $0x18290;
	s17 =	simm.s32 $0xF110;
	[sflag:s19] =	ssyncadd.s32 $0xFFFFE800  }
0xfa: {  	[spmem:s3] =	stream.indirect.scatter.add.f32 [tilespmem:s5], [sflag:$0xF], $0x30, s17, s26, $0xb8;
	[tilespmem:$0x1B290] =	vst v63  }
0xfb: {  	_ =	swait.ge [sflag:s21], $0x1800  }
0xfc: {  	[sflag:s21] =	ssyncset.done $0x0  }
0xfd: {  	s23 =	simm.s32 $0xF210;
	[sflag:s21] =	ssyncadd.s32 $0xFFFFE800  }
0xfe: {  	[spmem:s3] =	stream.indirect.scatter.add.f32 [tilespmem:s15], [sflag:$0x10], $0x30, s23, s26, $0xb8;
	[tilespmem:$0x1B290] =	vst v63  }
0xff: {  	_ =	swait.ge [sflag:s8], $0x1800  }
0x100: {  	s14 =	smov.u32 s13;
	s17 =	rddreg [dreg:$0x5]  }
0x101: {  	[sflag:s8] =	ssyncset.done $0x0;
	s14 =	sadd.s32 s14, s17  }
0x102: {  	s19 =	simm.s32 $0xEA90;
	[sflag:s8] =	ssyncadd.s32 $0xFFFFE800;
	s15 =	sadd.s32 $0x1000, s14  }
0x103: {  	[tilespmem:s19], [sflag:$0x11] =	stream.strided.gather [hbm4b:s15+s26], $0x100, s28, s26, $0x38;
	[tilespmem:$0x1B290] =	vst v63  }
0x104: {  	_ =	swait.ge [sflag:s30], $0x100  }
0x105: {  	[sflag:s30] =	ssyncset.done $0x0  }
0x106: {  	[sflag:s30] =	ssyncadd.s32 $0xFFFFFF00  }
0x107: {  	[tilespmem:s18], [sflag:$0x1] =	stream.indirect.gather [spmem:s2], $0x30, s19, s26, $0xb8;
	[tilespmem:$0x1B290] =	vst v63  }
0x108: {  	_ =	swait.ge [sflag:s9], $0x1800  }
0x109: {  	[sflag:s9] =	ssyncset.done $0x0  }
0x10a: {  	s18 =	simm.s32 $0xEB90;
	s19 =	sadd.s32 $0x1200, s14;
	[sflag:s9] =	ssyncadd.s32 $0xFFFFE800  }
0x10b: {  	[tilespmem:s18], [sflag:$0x11] =	stream.strided.gather [hbm4b:s19+s26], $0x100, s28, s26, $0x38;
	[tilespmem:$0x1B290] =	vst v63  }
0x10c: {  	_ =	swait.ge [sflag:s30], $0x100  }
0x10d: {  	[sflag:s30] =	ssyncset.done $0x0  }
0x10e: {  	[sflag:s30] =	ssyncadd.s32 $0xFFFFFF00  }
0x10f: {  	[tilespmem:s20], [sflag:$0x2] =	stream.indirect.gather [spmem:s2], $0x30, s18, s26, $0xb8;
	[tilespmem:$0x1B290] =	vst v63  }
0x110: {  	_ =	swait.ge [sflag:s29], $0x1800  }
0x111: {  	[sflag:s29] =	ssyncset.done $0x0  }
0x112: {  	s21 =	sadd.s32 $0x1400, s14;
	s20 =	simm.s32 $0xEC90;
	[sflag:s29] =	ssyncadd.s32 $0xFFFFE800  }
0x113: {  	[tilespmem:s20], [sflag:$0x11] =	stream.strided.gather [hbm4b:s21+s26], $0x100, s28, s26, $0x38;
	[tilespmem:$0x1B290] =	vst v63  }
0x114: {  	_ =	swait.ge [sflag:s30], $0x100  }
0x115: {  	[sflag:s30] =	ssyncset.done $0x0  }
0x116: {  	[sflag:s30] =	ssyncadd.s32 $0xFFFFFF00  }
0x117: {  	[tilespmem:s22], [sflag:$0x3] =	stream.indirect.gather [spmem:s2], $0x30, s20, s26, $0xb8;
	[tilespmem:$0x1B290] =	vst v63  }
0x118: {  	_ =	swait.ge [sflag:s31], $0x1800  }
0x119: {  	[sflag:s31] =	ssyncset.done $0x0  }
0x11a: {  	s23 =	sadd.s32 $0x1600, s14;
	s22 =	simm.s32 $0xED90;
	[sflag:s31] =	ssyncadd.s32 $0xFFFFE800  }
0x11b: {  	[tilespmem:s22], [sflag:$0x11] =	stream.strided.gather [hbm4b:s23+s26], $0x100, s28, s26, $0x38;
	[tilespmem:$0x1B290] =	vst v63  }
0x11c: {  	_ =	swait.ge [sflag:s30], $0x100  }
0x11d: {  	[sflag:s30] =	ssyncset.done $0x0  }
0x11e: {  	[sflag:s30] =	ssyncadd.s32 $0xFFFFFF00  }
0x11f: {  	[tilespmem:s16], [sflag:$0x4] =	stream.indirect.gather [spmem:s2], $0x30, s22, s26, $0xb8;
	[tilespmem:$0x1B290] =	vst v63  }
0x120: {  	_ =	swait.ge [sflag:s0], $0x1800  }
0x121: {  	[sflag:s0] =	ssyncset.done $0x0  }
0x122: {  	s16 =	sadd.s32 $0x1800, s14;
	[sflag:s0] =	ssyncadd.s32 $0xFFFFE800  }
0x123: {  	[tilespmem:s25], [sflag:$0x11] =	stream.strided.gather [hbm4b:s16+s26], $0x100, s28, s26, $0x38;
	[tilespmem:$0x1B290] =	vst v63  }
0x124: {  	_ =	swait.ge [sflag:s30], $0x100  }
0x125: {  	[sflag:s30] =	ssyncset.done $0x0  }
0x126: {  	[sflag:s30] =	ssyncadd.s32 $0xFFFFFF00  }
0x127: {  	[tilespmem:s1], [sflag:$0x5] =	stream.indirect.gather [spmem:s2], $0x30, s25, s26, $0xb8;
	[tilespmem:$0x1B290] =	vst v63  }
0x128: {  	_ =	swait.ge [sflag:s7], $0x1800  }
0x129: {  	[sflag:s7] =	ssyncset.done $0x0  }
0x12a: {  	s1 =	sadd.s32 $0x1A00, s14;
	[sflag:s7] =	ssyncadd.s32 $0xFFFFE800  }
0x12b: {  	[tilespmem:s6], [sflag:$0x11] =	stream.strided.gather [hbm4b:s1+s26], $0x100, s28, s26, $0x38;
	[tilespmem:$0x1B290] =	vst v63  }
0x12c: {  	_ =	swait.ge [sflag:s30], $0x100  }
0x12d: {  	[sflag:s30] =	ssyncset.done $0x0  }
0x12e: {  	[sflag:s30] =	ssyncadd.s32 $0xFFFFFF00  }
0x12f: {  	[tilespmem:s10], [sflag:$0x6] =	stream.indirect.gather [spmem:s2], $0x30, s6, s26, $0xb8;
	[tilespmem:$0x1B290] =	vst v63  }
0x130: {  	_ =	swait.ge [sflag:s11], $0x1800  }
0x131: {  	[sflag:s11] =	ssyncset.done $0x0  }
0x132: {  	s10 =	sadd.s32 $0x1C00, s14;
	[sflag:s11] =	ssyncadd.s32 $0xFFFFE800  }
0x133: {  	[tilespmem:s24], [sflag:$0x11] =	stream.strided.gather [hbm4b:s10+s26], $0x100, s28, s26, $0x38;
	[tilespmem:$0x1B290] =	vst v63  }
0x134: {  	_ =	swait.ge [sflag:s30], $0x100  }
0x135: {  	[sflag:s30] =	ssyncset.done $0x0  }
0x136: {  	[sflag:s30] =	ssyncadd.s32 $0xFFFFFF00  }
0x137: {  	[tilespmem:s5], [sflag:$0x7] =	stream.indirect.gather [spmem:s2], $0x30, s24, s26, $0xb8;
	[tilespmem:$0x1B290] =	vst v63  }
0x138: {  	p5 =	sne.s32 s13, $0x3000;
	s13 =	sadd.s32 $0x1000, s13;
	_ =	swait.ge [sflag:s12], $0x1800  }
0x139: {  	s17 =	simm.s32 $0xF290;
	s19 =	simm.s32 $0x10A90;
	[sflag:s12] =	ssyncset.done $0x0  }
.Ltmp0:
0x13a: {  	s14 =	sadd.s32 $0x1E00, s14;
	[sflag:s12] =	ssyncadd.s32 $0xFFFFE800;
	(pc) =	sbr.rel @p5 .LBB2_2-.Ltmp0, $4  }
0x13b: {  	[tilespmem:s4], [sflag:$0x11] =	stream.strided.gather [hbm4b:s14+s26], $0x100, s28, s26, $0x38;
	[tilespmem:$0x1B290] =	vst v63  }
0x13c: {  	s21 =	simm.s32 $0x12290;
	s23 =	simm.s32 $0x13A90;
	_ =	swait.ge [sflag:s30], $0x100  }
0x13d: {  	s16 =	simm.s32 $0x15290;
	s1 =	simm.s32 $0x16A90;
	[sflag:s30] =	ssyncset.done $0x0  }
0x13e: {  	s10 =	simm.s32 $0x18290;
	s5 =	simm.s32 $0xF190;
	[sflag:s30] =	ssyncadd.s32 $0xFFFFFF00  }
0x13f: {  	s4 =	simm.s32 $0x19A90;
	s6 =	simm.s32 $0x1  }
0x140: {  	[tilespmem:s4], [sflag:$0x8] =	stream.indirect.gather [spmem:s2], $0x30, s5, s26, $0xb8;
	[tilespmem:$0x1B290] =	vst v63  }
0x141: {  	_ =	swait.ge [sflag:s6], $0x1800  }
0x142: {  	[sflag:s6] =	ssyncset.done $0x0  }
0x143: {  	s13 =	simm.s32 $0xEB10;
	s14 =	simm.s32 $0x2;
	[sflag:s6] =	ssyncadd.s32 $0xFFFFE800  }
0x144: {  	[spmem:s3] =	stream.indirect.scatter.add.f32 [tilespmem:s17], [sflag:$0x9], $0x30, s13, s26, $0xb8;
	[tilespmem:$0x1B290] =	vst v63  }
0x145: {  	_ =	swait.ge [sflag:s14], $0x1800  }
0x146: {  	[sflag:s14] =	ssyncset.done $0x0  }
0x147: {  	s15 =	simm.s32 $0xEC10;
	s17 =	simm.s32 $0x3;
	[sflag:s14] =	ssyncadd.s32 $0xFFFFE800  }
0x148: {  	[spmem:s3] =	stream.indirect.scatter.add.f32 [tilespmem:s19], [sflag:$0xA], $0x30, s15, s26, $0xb8;
	[tilespmem:$0x1B290] =	vst v63  }
0x149: {  	_ =	swait.ge [sflag:s17], $0x1800  }
0x14a: {  	[sflag:s17] =	ssyncset.done $0x0  }
0x14b: {  	s24 =	simm.s32 $0x4;
	s19 =	simm.s32 $0xED10;
	[sflag:s17] =	ssyncadd.s32 $0xFFFFE800  }
0x14c: {  	[spmem:s3] =	stream.indirect.scatter.add.f32 [tilespmem:s21], [sflag:$0xB], $0x30, s19, s26, $0xb8;
	[tilespmem:$0x1B290] =	vst v63  }
0x14d: {  	_ =	swait.ge [sflag:s24], $0x1800  }
0x14e: {  	[sflag:s24] =	ssyncset.done $0x0  }
0x14f: {  	s6 =	simm.s32 $0xEE10;
	s13 =	simm.s32 $0x5;
	[sflag:s24] =	ssyncadd.s32 $0xFFFFE800  }
0x150: {  	[spmem:s3] =	stream.indirect.scatter.add.f32 [tilespmem:s23], [sflag:$0xC], $0x30, s6, s26, $0xb8;
	[tilespmem:$0x1B290] =	vst v63  }
0x151: {  	_ =	swait.ge [sflag:s13], $0x1800  }
0x152: {  	[sflag:s13] =	ssyncset.done $0x0  }
0x153: {  	s14 =	simm.s32 $0xEF10;
	s15 =	simm.s32 $0x6;
	[sflag:s13] =	ssyncadd.s32 $0xFFFFE800  }
0x154: {  	[spmem:s3] =	stream.indirect.scatter.add.f32 [tilespmem:s16], [sflag:$0xD], $0x30, s14, s26, $0xb8;
	[tilespmem:$0x1B290] =	vst v63  }
0x155: {  	_ =	swait.ge [sflag:s15], $0x1800  }
0x156: {  	[sflag:s15] =	ssyncset.done $0x0  }
0x157: {  	s17 =	simm.s32 $0x7;
	s16 =	simm.s32 $0xF010;
	[sflag:s15] =	ssyncadd.s32 $0xFFFFE800  }
0x158: {  	[spmem:s3] =	stream.indirect.scatter.add.f32 [tilespmem:s1], [sflag:$0xE], $0x30, s16, s26, $0xb8;
	[tilespmem:$0x1B290] =	vst v63  }
0x159: {  	_ =	swait.ge [sflag:s17], $0x1800  }
0x15a: {  	[sflag:s17] =	ssyncset.done $0x0  }
0x15b: {  	s19 =	simm.s32 $0xF110;
	s21 =	simm.s32 $0x8;
	[sflag:s17] =	ssyncadd.s32 $0xFFFFE800  }
0x15c: {  	[spmem:s3] =	stream.indirect.scatter.add.f32 [tilespmem:s10], [sflag:$0xF], $0x30, s19, s26, $0xb8;
	[tilespmem:$0x1B290] =	vst v63  }
0x15d: {  	_ =	swait.ge [sflag:s21], $0x1800  }
0x15e: {  	[sflag:s21] =	ssyncset.done $0x0  }
0x15f: {  	s23 =	simm.s32 $0xF210;
	[sflag:s21] =	ssyncadd.s32 $0xFFFFE800  }
0x160: {  	[spmem:s3] =	stream.indirect.scatter.add.f32 [tilespmem:s4], [sflag:$0x10], $0x30, s23, s26, $0xb8;
	[tilespmem:$0x1B290] =	vst v63  }
0x161: {  	_ =	swait.ge [sflag:s8], $0x1800  }
0x162: {  	[sflag:s8] =	ssyncset.done $0x0  }
0x163: {  	[sflag:s8] =	ssyncadd.s32 $0xFFFFE800  }
0x164: {  	_ =	swait.ge [sflag:s9], $0x1800  }
0x165: {  	[sflag:s9] =	ssyncset.done $0x0  }
0x166: {  	[sflag:s9] =	ssyncadd.s32 $0xFFFFE800  }
0x167: {  	_ =	swait.ge [sflag:s29], $0x1800  }
0x168: {  	[sflag:s29] =	ssyncset.done $0x0  }
0x169: {  	[sflag:s29] =	ssyncadd.s32 $0xFFFFE800  }
0x16a: {  	_ =	swait.ge [sflag:s31], $0x1800  }
0x16b: {  	[sflag:s31] =	ssyncset.done $0x0  }
0x16c: {  	[sflag:s31] =	ssyncadd.s32 $0xFFFFE800  }
0x16d: {  	_ =	swait.ge [sflag:s0], $0x1800  }
0x16e: {  	[sflag:s0] =	ssyncset.done $0x0  }
0x16f: {  	[sflag:s0] =	ssyncadd.s32 $0xFFFFE800  }
0x170: {  	_ =	swait.ge [sflag:s7], $0x1800  }
0x171: {  	[sflag:s7] =	ssyncset.done $0x0  }
0x172: {  	[sflag:s7] =	ssyncadd.s32 $0xFFFFE800  }
0x173: {  	_ =	swait.ge [sflag:s11], $0x1800  }
0x174: {  	[sflag:s11] =	ssyncset.done $0x0  }
0x175: {  	[sflag:s11] =	ssyncadd.s32 $0xFFFFE800  }
0x176: {  	_ =	swait.ge [sflag:s12], $0x1800  }
0x177: {  	[sflag:s12] =	ssyncset.done $0x0  }
0x178: {  	[sflag:s12] =	ssyncadd.s32 $0xFFFFE800  }
0x179: {  	[bflag:$0x0] =	sbarrier.arrive $0xFFFF  }
0x17a: {  	s14 =	rddreg [dreg:$0x17]  }
0x17b: {  	s13 =	simm.s32 @!p1 $0x1FD1;
	s1 =	rddreg [dreg:$0x1c]  }
0x17c: {  	[hbm:s14], [sflag:s13] =	dma.local @!p1 [spmem:s1], $0xC30  }
0x17d: {  	s13 =	simm.s32 @!p1 $0x11  }
0x17e: {  	_ =	swait.ge @!p1 [sflag:s13], $0xC30  }
0x17f: {  	[sflag:s13] =	ssyncset.done @!p1 $0x0;
	s14 =	rddreg [dreg:$0x18]  }
0x180: {  	s1 =	rddreg [dreg:$0x1d];
	[sflag:s13] =	ssyncadd.s32 @!p1 $0xFFFFF3D0;
	s13 =	simm.s32 @!p2 $0x1FD1  }
0x181: {  	[hbm:s14], [sflag:s13] =	dma.local @!p2 [spmem:s1], $0xC30  }
0x182: {  	s13 =	simm.s32 @!p2 $0x11  }
0x183: {  	s16 =	stileid.u32;
	_ =	swait.ge @!p2 [sflag:s13], $0xC30  }
0x184: {  	s14 =	sshll.u32 @!p3 s16, $0x6;
	[sflag:s13] =	ssyncset.done @!p2 $0x0;
	s1 =	rddreg [dreg:$0x1f]  }
0x185: {  	[sflag:s13] =	ssyncadd.s32 @!p2 $0xFFFFF3D0;
	s13 =	sor.u32 @!p3 $0x1C11, s14;
	s14 =	rddreg [dreg:$0x15]  }
0x186: {  	[hbm:s14], [sflag:s13] =	dma.local @!p3 [spmem:s1], $0xED0  }
0x187: {  	s13 =	simm.s32 @!p3 $0x11  }
0x188: {  	_ =	swait.ge @!p3 [sflag:s13], $0xED0  }
0x189: {  	s14 =	sshll.u32 @!p4 s16, $0x6;
	[sflag:s13] =	ssyncset.done @!p3 $0x0;
	s1 =	rddreg [dreg:$0x1e]  }
0x18a: {  	[sflag:s13] =	ssyncadd.s32 @!p3 $0xFFFFF130;
	s13 =	sor.u32 @!p4 $0x1C11, s14;
	s14 =	rddreg [dreg:$0x16]  }
0x18b: {  	[hbm:s14], [sflag:s13] =	dma.local @!p4 [spmem:s1], $0xED0  }
0x18c: {  	s13 =	simm.s32 @!p4 $0x11  }
0x18d: {  	_ =	swait.ge @!p4 [sflag:s13], $0xED0  }
0x18e: {  	s24 =	rddreg [dreg:$0x6]  }
0x18f: {  	s15 =	rddreg [dreg:$0x19];
	s14 =	sadd.s32 $0x1, s24  }
0x190: {  	p5 =	sne.s32 s14, s15  }
.Ltmp1:
0x191: {  	_ = 	snop;
	(pc) =	sbr.rel @p5 .LBB2_1-.Ltmp1, $3  }
0x192: {  	_ =	sdelay $0x1  }
0x193: {  	s6 =	simm.s32 $0xEF90;
	[sflag:s13] =	ssyncset.done @!p4 $0x0  }
0x194: {  	s21 =	simm.s32 $0xEE90;
	s23 =	simm.s32 $0xF090;
	[sflag:s13] =	ssyncadd.s32 @!p4 $0xFFFFF130  }
0x195: {  	_ =	sfence.sel $0x180000  }
0x196: {  	[bflag:$0x0] =	sbarrier.arrive $0xFFFF  }
0x197: {  	_ =	strace $0x9000004A  }
0x198: {  	[bflag:$0x2] =	sbarrier.arrive $0xFFFF  }
0x199: {  	p0 =	sne.s32 s16, $0x0;
	s0 =	rddreg [dreg:$0x4]  }
0x19a: {  	s0 =	sadd.s32 @!p0 $0x100000, s0  }
0x19b: {  	[sflag:s0] =	ssyncadd.tile.s32 @!p0 $0x1;
	_ =	shalt  }
.Lfunc_end2:
_tile_overlayer_lowered:
.L_overlay_start_2:
0x19c: {  	(tag) =	ssettag $0x2  }
0x19d: {  	s0 =	rddreg [dreg:$0x0];
	s2 =	stileid.u32  }
0x19e: {  	s1 =	rddreg [dreg:$0x1];
	p0 =	sne.s32 s2, $0x0  }
0x19f: {  	s3 =	rddreg [dreg:$0x2];
	[bflag:$0x3] =	sbarrier.arrive $0xFFFF;
	s2 =	simm.s32 @!p0 $0x1C11  }
0x1a0: {  	[timem:s3], [sflag:s2] =	dma.local @!p0 [hbm:s0], s1  }
0x1a1: {  	s0 =	simm.s32 @!p0 $0x11  }
0x1a2: {  	_ =	swait.ge @!p0 [sflag:s0], s1  }
0x1a3: {  	s1 =	ssub.s32 @!p0 $0x0, s1;
	[sflag:s0] =	ssyncset.done @!p0 $0x0  }
0x1a4: {  	[sflag:s0] =	ssyncadd.s32 @!p0 s1  }
0x1a5: {  	[bflag:$0x3] =	sbarrier.arrive $0xFFFF  }
0x1a6: {  	_ =	shalt  }

// kernel: kernel.14.cloned.1.call-start
scs
__scs_entry_jumppad:
0x0: {  	(pc) =	sbr.rel $0x88, $3  }
0x1: {  	(tag) =	ssettag $0x0;
	lr =	simm.s32 $0x1  }
0x2: {  	[smem:$0x3F9B] =	sst lr;
	_ =	strace $0xD0000000  }
0x3: {  	_ = 	snop  }
0x4: {  	_ = 	snop  }
0x5: {  	_ = 	snop  }
0x6: {  	_ = 	snop  }
0x7: {  	_ = 	snop  }
__scs_overlays_trampoline_lowered:
0x8: {  	[smem:$0x3FAA] =	sst s0  }
0x9: {  	[smem:$0x3FAB] =	sst s1  }
0xa: {  	[smem:$0x3FAC] =	sst s2  }
0xb: {  	[smem:$0x3FAD] =	sst s3  }
0xc: {  	[smem:$0x3FAE] =	sst s4  }
0xd: {  	[smem:$0x3FAF] =	sst s5  }
0xe: {  	[smem:$0x3FB0] =	sst s6  }
0xf: {  	[smem:$0x3FB1] =	sst s7  }
0x10: {  	[smem:$0x3FB2] =	sst s8  }
0x11: {  	[smem:$0x3FB3] =	sst s9;
	s0 =	simm.s32 @!p0 $0x0  }
0x12: {  	s1 =	sld [smem:$0x3F99];
	s0 =	simm.s32 @p0 $0x1  }
0x13: {  	[smem:$0x3FB4] =	sst s0;
	s0 =	simm.s32 @!p1 $0x0  }
0x14: {  	s2 =	sld [smem:$0x3F98];
	s0 =	simm.s32 @p1 $0x1  }
0x15: {  	[smem:$0x3FB5] =	sst s0;
	s0 =	simm.s32 @!p2 $0x0  }
0x16: {  	s3 =	sld [smem:$0x3FDB];
	s0 =	simm.s32 @p2 $0x1  }
0x17: {  	s4 =	simm.s32 $0x1BF5;
	[smem:$0x3FB7] =	sst s0  }
0x18: {  	s0 =	sld [smem:$0x3F9A];
	_ =	swait.ge [sflag:s4], $0x0  }
0x19: {  	s7 =	sld [smem:$0x3F9B]  }
0x1a: {  	s8 =	sadd.s32 $0xFFFFE003, lr  }
0x1b: {  	s9 =	sadd.s32 $0xFFFFFEF7, lr;
	s5 =	simm.s32 $0xFFFFFFFF;
	p2 =	slt.u32 s8, $0xFFFFF086  }
0x1c: {  	p1 =	slt.u32 s9, $0xF7A;
	s5 =	simm.s32 @!p2 $0x0  }
0x1d: {  	s5 =	simm.s32 @p1 $0x1;
	p0 =	seq.s32 s7, s2  }
0x1e: {  	s7 =	smul.u32 @!p0 $0xF7A, s2;
	p2 =	seq.s32 @!p0 s5, $0x0  }
0x1f: {  	s9 =	smul.u32 $0xF7A, s1;
	s8 =	simm.s32 @!p0 $0x1BF5;
	p2 =	por !p2, p0  }
0x20: {  	[sflag:s8] =	ssyncset.s32 @!p0 $0xFFFFF086;
	s6 =	sadd.s32 @!p0 s3, s7;
	s7 =	simm.s32 @!p0 $0x108  }
0x21: {  	s3 =	sadd.s32 s3, s9;
	s6 =	sadd.s32 @!p0 $0x88, s6;
	s7 =	simm.s32 @p2 $0x1082  }
0x22: {  	[simem:s7], [sflag:s8] =	dma.local @!p0 [hbm:s6], $0xF7A  }
0x23: {  	s9 =	sor.u32 $0xD0000000, s2;
	s6 =	simm.s32 $0x108;
	_ =	swait.ge @!p0 [sflag:s8], $0x0  }
0x24: {  	s3 =	sadd.s32 $0x88, s3;
	s6 =	simm.s32 @!p1 $0x1082;
	[sflag:s4] =	ssyncset.s32 $0xFFFFF086  }
0x25: {  	[simem:s6], [sflag:s4] =	dma.local [hbm:s3], $0xF7A  }
0x26: {  	[smem:$0x3F9B] =	sst s1;
	(tag) =	ssettag s2;
	_ =	strace s9  }
0x27: {  	s1 =	sld [smem:$0x3FAB]  }
0x28: {  	s2 =	sld [smem:$0x3FAC]  }
0x29: {  	s4 =	sld [smem:$0x3FAE]  }
0x2a: {  	p0 =	seq.s32 s5, $0x0;
	s5 =	sld [smem:$0x3FAF]  }
0x2b: {  	s6 =	sld [smem:$0x3FB0]  }
0x2c: {  	s7 =	sld [smem:$0x3FB1]  }
0x2d: {  	s3 =	simm.s32 $0x108;
	s8 =	sld [smem:$0x3FB2]  }
0x2e: {  	s3 =	simm.s32 @!p0 $0x1082;
	s9 =	sld [smem:$0x3FB3]  }
0x2f: {  	lr =	sadd.s32 s0, s3;
	s0 =	sld [smem:$0x3FAA]  }
0x30: {  	s3 =	sld [smem:$0x3FAD]  }
0x31: {  	[smem:$0x3FB6] =	sst s10  }
0x32: {  	s10 =	sld [smem:$0x3FB4];
	_ =	sdelay $0x3  }
0x33: {  	p0 =	seq.s32 s10, $0x1;
	s10 =	sld [smem:$0x3FB6];
	_ =	sdelay $0x3  }
0x34: {  	[smem:$0x3FB6] =	sst s10  }
0x35: {  	s10 =	sld [smem:$0x3FB5];
	_ =	sdelay $0x3  }
0x36: {  	p1 =	seq.s32 s10, $0x1;
	s10 =	sld [smem:$0x3FB6];
	_ =	sdelay $0x3  }
0x37: {  	[smem:$0x3FB6] =	sst s10  }
0x38: {  	s10 =	sld [smem:$0x3FB7]  }
0x39: {  	_ = 	snop;
	(pc) =	sbr.ind lr, $3  }
0x3a: {  	_ = 	snop  }
0x3b: {  	_ = 	snop  }
0x3c: {  	p2 =	seq.s32 s10, $0x1;
	s10 =	sld [smem:$0x3FB6]  }
0x3d: {  	_ =	shalt  }
0x3e: {  	_ =	shalt  }
0x3f: {  	_ =	shalt  }
0x40: {  	_ =	shalt  }
0x41: {  	_ =	shalt  }
0x42: {  	_ =	shalt  }
0x43: {  	_ =	shalt  }
0x44: {  	_ =	shalt  }
0x45: {  	_ =	shalt  }
0x46: {  	_ =	shalt  }
0x47: {  	_ =	shalt  }
0x48: {  	_ =	shalt  }
0x49: {  	_ =	shalt  }
0x4a: {  	_ =	shalt  }
0x4b: {  	_ =	shalt  }
0x4c: {  	_ =	shalt  }
0x4d: {  	_ =	shalt  }
0x4e: {  	_ =	shalt  }
0x4f: {  	_ =	shalt  }
0x50: {  	_ =	shalt  }
0x51: {  	_ =	shalt  }
0x52: {  	_ =	shalt  }
0x53: {  	_ =	shalt  }
0x54: {  	_ =	shalt  }
0x55: {  	_ =	shalt  }
0x56: {  	_ =	shalt  }
0x57: {  	_ =	shalt  }
0x58: {  	_ =	shalt  }
0x59: {  	_ =	shalt  }
0x5a: {  	_ =	shalt  }
0x5b: {  	_ =	shalt  }
0x5c: {  	_ =	shalt  }
0x5d: {  	_ =	shalt  }
0x5e: {  	_ =	shalt  }
0x5f: {  	_ =	shalt  }
0x60: {  	_ =	shalt  }
0x61: {  	_ =	shalt  }
0x62: {  	_ =	shalt  }
0x63: {  	_ =	shalt  }
0x64: {  	_ =	shalt  }
0x65: {  	_ =	shalt  }
0x66: {  	_ =	shalt  }
0x67: {  	_ =	shalt  }
0x68: {  	_ =	shalt  }
0x69: {  	_ =	shalt  }
0x6a: {  	_ =	shalt  }
0x6b: {  	_ =	shalt  }
0x6c: {  	_ =	shalt  }
0x6d: {  	_ =	shalt  }
0x6e: {  	_ =	shalt  }
0x6f: {  	_ =	shalt  }
0x70: {  	_ =	shalt  }
0x71: {  	_ =	shalt  }
0x72: {  	_ =	shalt  }
0x73: {  	_ =	shalt  }
0x74: {  	_ =	shalt  }
0x75: {  	_ =	shalt  }
0x76: {  	_ =	shalt  }
0x77: {  	_ =	shalt  }
0x78: {  	_ =	shalt  }
0x79: {  	_ =	shalt  }
0x7a: {  	_ =	shalt  }
0x7b: {  	_ =	shalt  }
0x7c: {  	_ =	shalt  }
0x7d: {  	_ =	shalt  }
0x7e: {  	_ =	shalt  }
0x7f: {  	_ =	shalt  }
0x80: {  	_ =	shalt  }
0x81: {  	_ =	shalt  }
0x82: {  	_ =	shalt  }
0x83: {  	_ =	shalt  }
0x84: {  	_ =	shalt  }
0x85: {  	_ =	shalt  }
0x86: {  	_ =	shalt  }
0x87: {  	_ =	shalt  }
.Lfunc_end0:
.L_simem_size_0:
called_computation.2_lowered:
.L_overlay_start_0:
0x88: {  	s2 =	sld [smem:$0x3FD9]  }
0x89: {  	s3 =	sld [smem:$0x3FFE];
	_ =	sdelay $0x1  }
0x8a: {  	s1 =	srdreg.scid  }
0x8b: {  	s0 =	sand.u32 $0x1, s1  }
0x8c: {  	s17 =	sshll.u32 s0, $0xA;
	s2 =	sadd.s32 s3, s2  }
0x8d: {  	s2 =	sadd.s32 s2, s17  }
0x8e: {  	[smem:$0x3FC2] =	sst s2  }
0x8f: {  	_ = 	snop  }
0x90: {  	s2 =	sld [smem:$0x3FD0];
	(tm) =	ssettm $0x1  }
0x91: {  	s18 =	sld [smem:$0x3FFB];
	_ =	sdelay $0x3  }
0x92: {  	_ =	strace s18  }
0x93: {  	s3 =	sld [smem:$0x3FFC];
	_ =	sdelay $0x3  }
0x94: {  	_ =	strace s3  }
0x95: {  	s3 =	sld [smem:$0x3FFD];
	_ =	sdelay $0x3  }
0x96: {  	_ =	strace s3  }
0x97: {  	_ =	strace $0x8FFFFFFF  }
0x98: {  	s19 =	sld [smem:$0x3FDB];
	_ =	sdelay $0x1  }
0x99: {  	s4 =	simm.s32 $_scs_section_size  }
0x9a: {  	s5 =	simm.s32 $_size__tile_overlayer_lowered;
	s6 =	simm.s32 $_tile_overlayer_lowered  }
0x9b: {  	s22 =	simm.s32 $0x1BFF;
	s21 =	sshll.u32 s6, $0x1;
	s3 =	sadd.s32 s4, s19  }
0x9c: {  	s7 =	simm.s32 $0x0;
	s20 =	sshll.u32 s5, $0x1;
	s5 =	sadd.s32 s21, s3  }
0x9d: {  	[timem:s7], [sflag:s22] =	dma.local [hbm:s5], s20  }
0x9e: {  	_ =	swait.ge [sflag:s22], s20  }
0x9f: {  	s4 =	ssub.s32 $0x0, s20;
	[sflag:s22] =	ssyncset.done $0x0  }
0xa0: {  	[sflag:s22] =	ssyncadd.s32 s4;
	_ =	sdelay $0x1  }
0xa1: {  	s23 =	simm.s32 $0x1B8B  }
0xa2: {  	_ =	swait.ge [sflag:s23], $0x1  }
0xa3: {  	[sflag:s23] =	ssyncset.done $0x0  }
0xa4: {  	s25 =	simm.s32 $0x1B8E;
	s24 =	sld [smem:$0x3FFE];
	[sflag:s23] =	ssyncadd.s32 $0xFFFFFFFF  }
0xa5: {  	s26 =	simm.s32 $execute0_lowered;
	[smem:$0x3FD2] =	sst s25  }
0xa6: {  	s5 =	sshll.u32 s26, $0x1;
	_ =	strace $0x8000004C;
	[dreg:$0x1] =	wrdreg $0xFFFFFFFF  }
0xa7: {  	s28 =	simm.s32 $_size_execute0_lowered;
	s3 =	sadd.s32 s3, s5;
	[dreg:$0x0] =	wrdreg $0x0  }
0xa8: {  	s5 =	sshll.u32 s28, $0x1;
	[dreg:$0x2] =	wrdreg s3  }
0xa9: {  	[dreg:$0x3] =	wrdreg s5  }
0xaa: {  	[dreg:$0x4] =	wrdreg $0xC0  }
0xab: {  	_ =	task [dreg:s7], $0x5FFFF  }
0xac: {  	[dreg:$0x1] =	wrdreg $0xFFFFFFFF  }
0xad: {  	[dreg:$0x0] =	wrdreg $0x60  }
0xae: {  	[dreg:$0x2] =	wrdreg s2  }
0xaf: {  	[dreg:$0x3] =	wrdreg s24  }
0xb0: {  	[dreg:$0x4] =	wrdreg $0x75600  }
0xb1: {  	[dreg:$0x5] =	wrdreg $0x0  }
0xb2: {  	[dreg:$0x6] =	wrdreg $0x9  }
0xb3: {  	_ =	task.clear_ibuf [dreg:s7], $0x7FFFF;
	_ =	strace $0x9000004C  }
0xb4: {  	s29 =	simm.s32 $0x9;
	_ =	strace $0x8000004E  }
0xb5: {  	_ =	swait.ge [sflag:s29], $0x1  }
0xb6: {  	[sflag:s29] =	ssyncadd.s32 $0xFFFFFFFF  }
0xb7: {  	_ =	strace $0x9000004E  }
0xb8: {  	_ =	sfence  }
0xb9: {  	s30 =	sld [smem:$0x0];
	_ =	sdelay $0x2  }
0xba: {  	s31 =	sshll.u32 s1, $0xD;
	s1 =	sshrl.u32 s1, $0x2  }
0xbb: {  	s3 =	sand.u32 $0x4000, s31;
	s1 =	sadd.s32 s1, s30  }
0xbc: {  	s0 =	sor.u32 s3, s0;
	s1 =	sshll.u32 s1, $0x11  }
0xbd: {  	s0 =	sor.u32 s1, s0  }
0xbe: {  	s0 =	sadd.s32 $0x8F2B, s0  }
0xbf: {  	[sflag:s0] =	ssyncadd.remote.s32 $0x1  }
0xc0: {  	_ =	sfence.sel $0xFFFF  }
0xc1: {  	[dreg:$0x0] =	wrdreg $0xFFFFFFFF;
	(pc) =	sbr.abs _section_cstart, $3  }
0xc2: {  	[dreg:$0x1] =	wrdreg $0xFFFFFFFF  }
0xc3: {  	_ =	task.clear_ibuf [dreg:s7], $0x2FFFF;
	_ =	strace $0x9FFFFFFF  }
0xc4: {  	(tm) =	ssettm $0x7FFFFFFF  }
0xc5: {  	_ =	shalt  }
tec
execute0_lowered:
.L_overlay_start_1:
0x0: {  	(tag) =	ssettag $0x1  }
0x1: {  	s0 =	rddreg [dreg:$0x0]  }
0x2: {  	s1 =	rddreg [dreg:$0x1]  }
0x3: {  	s2 =	rddreg [dreg:$0x2]  }
0x4: {  	s3 =	rddreg [dreg:$0x3];
	s14 =	simm.s32 $0x0  }
0x5: {  	s16 =	stileid.u32;
	s4 =	srdreg.scid;
	s28 =	simm.s32 $0x28000  }
0x6: {  	s30 =	simm.s32 $0x11;
	s29 =	simm.s32 $0xB;
	s31 =	simm.s32 $0xC  }
0x7: {  	[smem:$0x7FF] =	sst s14;
	s5 =	smul.u32 $0x7680, s16;
	s4 =	sand.u32 $0x1, s4  }
0x8: {  	s7 =	sadd.s32 $0x2200, s1;
	s22 =	sshll.u32 s16, $0x5;
	s12 =	sadd.s32 $0x6F180, s2  }
0x9: {  	s25 =	sadd.s32 $0x6F180, s3;
	s26 =	sadd.s32 $0x1A030, s1;
	p0 =	seq.s32 s16, $0xF  }
0xa: {  	_ =	strace $0x8000004D;
	s6 =	ssub.s32 $0x2, s4;
	[dreg:$0xc] =	wrdreg s25  }
0xb: {  	s11 =	sshll.u32 s4, $0x4;
	[dreg:$0xd] =	wrdreg s26;
	s25 =	sadd.s32 $0x37830, s1  }
0xc: {  	s8 =	sshrl.u32 s5, $0x3;
	s9 =	sshrl.u32 s6, $0x1;
	[dreg:$0x18] =	wrdreg s25  }
0xd: {  	s10 =	sadd.s32 s8, s1;
	s6 =	ssub.s32 s6, s9;
	s8 =	sadd.s32 s0, s8  }
0xe: {  	s9 =	sadd.s32 s5, s2;
	s5 =	sadd.s32 s5, s3;
	[dreg:$0x7] =	wrdreg s8  }
0xf: {  	s18 =	sadd.s32 s22, s7;
	s0 =	sadd.s32 $0xDE30, s0;
	[dreg:$0x8] =	wrdreg s5  }
0x10: {  	s24 =	sor.u32 s11, s22;
	s23 =	sadd.s32 $0xC200, s10;
	[dreg:$0xa] =	wrdreg s0  }
0x11: {  	p2 =	sne.s32 @p0 s4, $0x0;
	s5 =	sadd.s32 s7, s24;
	[dreg:$0x9] =	wrdreg s23  }
0x12: {  	p4 =	sne.s32 @!p0 s4, $0x0;
	s0 =	sadd.s32 s11, s18;
	[dreg:$0xb] =	wrdreg s5  }
0x13: {  	p1 =	por !p2, !p0;
	s22 =	sadd.s32 $0x1AE00, s10;
	[dreg:$0x5] =	wrdreg s0  }
0x14: {  	p2 =	por p2, !p0;
	s24 =	sadd.s32 $0x28C30, s1;
	[dreg:$0x15] =	wrdreg s22  }
0x15: {  	p3 =	por !p4, p0;
	s26 =	smax.u32 s6, $0x1;
	[dreg:$0x17] =	wrdreg s24  }
0x16: {  	p4 =	por p4, p0;
	s13 =	sadd.s32 $0x200, s5;
	[dreg:$0x19] =	wrdreg s26  }
0x17: {  	s25 =	simm.s32 $0xEE90;
	s15 =	sadd.s32 $0x400, s5;
	[dreg:$0xe] =	wrdreg s13  }
0x18: {  	s18 =	simm.s32 $0xEB90;
	s17 =	sadd.s32 $0x600, s5;
	[dreg:$0xf] =	wrdreg s15  }
0x19: {  	s6 =	simm.s32 $0xEF90;
	s19 =	sadd.s32 $0x800, s5;
	[dreg:$0x10] =	wrdreg s17  }
0x1a: {  	s8 =	simm.s32 $0x9;
	s20 =	sadd.s32 $0xA00, s5;
	[dreg:$0x11] =	wrdreg s19  }
0x1b: {  	s7 =	simm.s32 $0xE;
	s21 =	sadd.s32 $0xC00, s5;
	[dreg:$0x12] =	wrdreg s20  }
0x1c: {  	s11 =	simm.s32 $0xF;
	s5 =	sadd.s32 $0xE00, s5;
	[dreg:$0x13] =	wrdreg s21  }
0x1d: {  	s23 =	sadd.s32 $0x29A00, s10;
	s0 =	sshrl.u32 @p0 s12, $0x3;
	[dreg:$0x14] =	wrdreg s5  }
0x1e: {  	s26 =	simm.s32 $0x80;
	s22 =	simm.s32 $0xED90;
	[dreg:$0x16] =	wrdreg s23  }
0x1f: {  	s12 =	simm.s32 $0x10;
	[dreg:$0x1a] =	wrdreg s0;
	s0 =	sshrl.u32 @!p0 s9, $0x3  }
0x20: {  	s20 =	simm.s32 $0xEC90;
	s21 =	simm.s32 $0xEE90;
	s23 =	simm.s32 $0xF090  }
0x21: {  	s9 =	simm.s32 $0xA;
	[dreg:$0x1b] =	wrdreg s0;
	s0 =	simm.s32 $0xD  }
.LBB2_1:
0x22: {  	[dreg:$0x6] =	wrdreg s14  }
0x23: {  	s15 =	rddreg [dreg:$0xa]  }
0x24: {  	s4 =	simm.s32 @p0 $0x1FD1;
	s13 =	rddreg [dreg:$0x1a];
	s14 =	simm.s32 @p0 $0x11  }
0x25: {  	[spmem:s13], [sflag:s4] =	dma.local @p0 [hbm:s15], $0xC30  }
0x26: {  	_ =	swait.ge @p0 [sflag:s14], $0xC30  }
0x27: {  	[sflag:s14] =	ssyncset.done @p0 $0x0;
	s13 =	rddreg [dreg:$0xc]  }
0x28: {  	[sflag:s14] =	ssyncadd.s32 @p0 $0xFFFFF3D0;
	s1 =	sshrl.u32 @!p1 s13, $0x3;
	s14 =	rddreg [dreg:$0xd]  }
0x29: {  	[dreg:$0x1c] =	wrdreg s1  }
0x2a: {  	[spmem:s1], [sflag:s4] =	dma.local @!p1 [hbm:s14], $0xC30  }
0x2b: {  	s14 =	simm.s32 @!p1 $0x11  }
0x2c: {  	_ =	swait.ge @!p1 [sflag:s14], $0xC30  }
0x2d: {  	s1 =	sshrl.u32 @!p2 s13, $0x3;
	[sflag:s14] =	ssyncset.done @!p1 $0x0  }
0x2e: {  	s13 =	simm.s32 @!p2 $0x11;
	[dreg:$0x1d] =	wrdreg s1;
	[sflag:s14] =	ssyncadd.s32 @!p1 $0xFFFFF3D0  }
0x2f: {  	[spmem:s1], [sflag:s4] =	dma.local @!p2 [hbm:s15], $0xC30  }
0x30: {  	_ =	swait.ge @!p2 [sflag:s13], $0xC30  }
0x31: {  	s14 =	sshll.u32 @!p0 s16, $0x6;
	[sflag:s13] =	ssyncset.done @!p2 $0x0;
	s4 =	rddreg [dreg:$0x7]  }
0x32: {  	[sflag:s13] =	ssyncadd.s32 @!p2 $0xFFFFF3D0;
	s13 =	sor.u32 @!p0 $0x1C11, s14;
	s14 =	rddreg [dreg:$0x1b]  }
0x33: {  	[spmem:s14], [sflag:s13] =	dma.local @!p0 [hbm:s4], $0xED0  }
0x34: {  	s14 =	simm.s32 @!p0 $0x11  }
0x35: {  	_ =	swait.ge @!p0 [sflag:s14], $0xED0  }
0x36: {  	[sflag:s14] =	ssyncset.done @!p0 $0x0  }
0x37: {  	[sflag:s14] =	ssyncadd.s32 @!p0 $0xFFFFF130;
	s14 =	rddreg [dreg:$0x8]  }
0x38: {  	s15 =	rddreg [dreg:$0x9];
	s1 =	sshrl.u32 @!p3 s14, $0x3  }
0x39: {  	[dreg:$0x1f] =	wrdreg s1  }
0x3a: {  	[spmem:s1], [sflag:s13] =	dma.local @!p3 [hbm:s15], $0xED0  }
0x3b: {  	s1 =	simm.s32 @!p3 $0x11  }
0x3c: {  	_ =	swait.ge @!p3 [sflag:s1], $0xED0  }
0x3d: {  	[sflag:s1] =	ssyncset.done @!p3 $0x0  }
0x3e: {  	[sflag:s1] =	ssyncadd.s32 @!p3 $0xFFFFF130;
	s1 =	sshrl.u32 @!p4 s14, $0x3  }
0x3f: {  	[dreg:$0x1e] =	wrdreg s1  }
0x40: {  	[spmem:s1], [sflag:s13] =	dma.local @!p4 [hbm:s4], $0xED0  }
0x41: {  	s13 =	simm.s32 @!p4 $0x11  }
0x42: {  	_ =	swait.ge @!p4 [sflag:s13], $0xED0  }
0x43: {  	[sflag:s13] =	ssyncset.done @!p4 $0x0  }
0x44: {  	[sflag:s13] =	ssyncadd.s32 @!p4 $0xFFFFF130  }
0x45: {  	[bflag:$0x0] =	sbarrier.arrive $0xFFFF  }
0x46: {  	s24 =	simm.s32 $0xEA90;
	s5 =	rddreg [dreg:$0xb]  }
0x47: {  	[tilespmem:s24], [sflag:$0x11] =	stream.strided.gather [hbm4b:s5+s26], $0x100, s28, s26, $0x38;
	[tilespmem:$0x1B290] =	vst v63  }
0x48: {  	_ =	swait.ge [sflag:s30], $0x100  }
0x49: {  	[sflag:s30] =	ssyncset.done $0x0  }
0x4a: {  	s15 =	simm.s32 $0xF290;
	[sflag:s30] =	ssyncadd.s32 $0xFFFFFF00  }
0x4b: {  	[tilespmem:s15], [sflag:$0x1] =	stream.indirect.gather [spmem:s2], $0x30, s24, s26, $0xb8;
	[tilespmem:$0x1B290] =	vst v63  }
0x4c: {  	s10 =	rddreg [dreg:$0xe]  }
0x4d: {  	[tilespmem:s18], [sflag:$0x11] =	stream.strided.gather [hbm4b:s10+s26], $0x100, s28, s26, $0x38;
	[tilespmem:$0x1B290] =	vst v63  }
0x4e: {  	_ =	swait.ge [sflag:s30], $0x100  }
0x4f: {  	[sflag:s30] =	ssyncset.done $0x0  }
0x50: {  	s17 =	simm.s32 $0x10A90;
	[sflag:s30] =	ssyncadd.s32 $0xFFFFFF00  }
0x51: {  	[tilespmem:s17], [sflag:$0x2] =	stream.indirect.gather [spmem:s2], $0x30, s18, s26, $0xb8;
	[tilespmem:$0x1B290] =	vst v63  }
0x52: {  	s14 =	rddreg [dreg:$0xf]  }
0x53: {  	[tilespmem:s20], [sflag:$0x11] =	stream.strided.gather [hbm4b:s14+s26], $0x100, s28, s26, $0x38;
	[tilespmem:$0x1B290] =	vst v63  }
0x54: {  	_ =	swait.ge [sflag:s30], $0x100  }
0x55: {  	[sflag:s30] =	ssyncset.done $0x0  }
0x56: {  	s19 =	simm.s32 $0x12290;
	[sflag:s30] =	ssyncadd.s32 $0xFFFFFF00  }
0x57: {  	[tilespmem:s19], [sflag:$0x3] =	stream.indirect.gather [spmem:s2], $0x30, s20, s26, $0xb8;
	[tilespmem:$0x1B290] =	vst v63  }
0x58: {  	s16 =	rddreg [dreg:$0x10]  }
0x59: {  	[tilespmem:s22], [sflag:$0x11] =	stream.strided.gather [hbm4b:s16+s26], $0x100, s28, s26, $0x38;
	[tilespmem:$0x1B290] =	vst v63  }
0x5a: {  	_ =	swait.ge [sflag:s30], $0x100  }
0x5b: {  	[sflag:s30] =	ssyncset.done $0x0  }
0x5c: {  	s16 =	simm.s32 $0x13A90;
	[sflag:s30] =	ssyncadd.s32 $0xFFFFFF00  }
0x5d: {  	[tilespmem:s16], [sflag:$0x4] =	stream.indirect.gather [spmem:s2], $0x30, s22, s26, $0xb8;
	[tilespmem:$0x1B290] =	vst v63  }
0x5e: {  	s1 =	rddreg [dreg:$0x11]  }
0x5f: {  	[tilespmem:s21], [sflag:$0x11] =	stream.strided.gather [hbm4b:s1+s26], $0x100, s28, s26, $0x38;
	[tilespmem:$0x1B290] =	vst v63  }
0x60: {  	_ =	swait.ge [sflag:s30], $0x100  }
0x61: {  	[sflag:s30] =	ssyncset.done $0x0  }
0x62: {  	s1 =	simm.s32 $0x15290;
	[sflag:s30] =	ssyncadd.s32 $0xFFFFFF00  }
0x63: {  	[tilespmem:s1], [sflag:$0x5] =	stream.indirect.gather [spmem:s2], $0x30, s21, s26, $0xb8;
	[tilespmem:$0x1B290] =	vst v63  }
0x64: {  	s4 =	rddreg [dreg:$0x12]  }
0x65: {  	[tilespmem:s6], [sflag:$0x11] =	stream.strided.gather [hbm4b:s4+s26], $0x100, s28, s26, $0x38;
	[tilespmem:$0x1B290] =	vst v63  }
0x66: {  	_ =	swait.ge [sflag:s30], $0x100  }
0x67: {  	[sflag:s30] =	ssyncset.done $0x0  }
0x68: {  	s10 =	simm.s32 $0x16A90;
	[sflag:s30] =	ssyncadd.s32 $0xFFFFFF00  }
0x69: {  	[tilespmem:s10], [sflag:$0x6] =	stream.indirect.gather [spmem:s2], $0x30, s6, s26, $0xb8;
	[tilespmem:$0x1B290] =	vst v63  }
0x6a: {  	s5 =	rddreg [dreg:$0x13]  }
0x6b: {  	[tilespmem:s23], [sflag:$0x11] =	stream.strided.gather [hbm4b:s5+s26], $0x100, s28, s26, $0x38;
	[tilespmem:$0x1B290] =	vst v63  }
0x6c: {  	_ =	swait.ge [sflag:s30], $0x100  }
0x6d: {  	[sflag:s30] =	ssyncset.done $0x0  }
0x6e: {  	s5 =	simm.s32 $0x18290;
	[sflag:s30] =	ssyncadd.s32 $0xFFFFFF00  }
0x6f: {  	[tilespmem:s5], [sflag:$0x7] =	stream.indirect.gather [spmem:s2], $0x30, s23, s26, $0xb8;
	[tilespmem:$0x1B290] =	vst v63  }
0x70: {  	s4 =	simm.s32 $0xF190;
	s14 =	rddreg [dreg:$0x14]  }
0x71: {  	[tilespmem:s4], [sflag:$0x11] =	stream.strided.gather [hbm4b:s14+s26], $0x100, s28, s26, $0x38;
	[tilespmem:$0x1B290] =	vst v63  }
0x72: {  	_ =	swait.ge [sflag:s30], $0x100  }
0x73: {  	[sflag:s30] =	ssyncset.done $0x0  }
0x74: {  	s13 =	simm.s32 $0x19A90;
	s14 =	simm.s32 $0x1;
	[sflag:s30] =	ssyncadd.s32 $0xFFFFFF00  }
0x75: {  	[tilespmem:s13], [sflag:$0x8] =	stream.indirect.gather [spmem:s2], $0x30, s4, s26, $0xb8;
	[tilespmem:$0x1B290] =	vst v63  }
0x76: {  	_ =	swait.ge [sflag:s14], $0x1800  }
0x77: {  	[sflag:s14] =	ssyncset.done $0x0  }
0x78: {  	[sflag:s14] =	ssyncadd.s32 $0xFFFFE800;
	s14 =	simm.s32 $0xEB10  }
0x79: {  	[spmem:s3] =	stream.indirect.scatter.add.f32 [tilespmem:s15], [sflag:$0x9], $0x30, s14, s26, $0xb8;
	[tilespmem:$0x1B290] =	vst v63  }
0x7a: {  	s14 =	simm.s32 $0x2  }
0x7b: {  	_ =	swait.ge [sflag:s14], $0x1800  }
0x7c: {  	[sflag:s14] =	ssyncset.done $0x0  }
0x7d: {  	[sflag:s14] =	ssyncadd.s32 $0xFFFFE800;
	s14 =	simm.s32 $0xEC10  }
0x7e: {  	[spmem:s3] =	stream.indirect.scatter.add.f32 [tilespmem:s17], [sflag:$0xA], $0x30, s14, s26, $0xb8;
	[tilespmem:$0x1B290] =	vst v63  }
0x7f: {  	s14 =	simm.s32 $0x3  }
0x80: {  	_ =	swait.ge [sflag:s14], $0x1800  }
0x81: {  	[sflag:s14] =	ssyncset.done $0x0  }
0x82: {  	[sflag:s14] =	ssyncadd.s32 $0xFFFFE800;
	s14 =	simm.s32 $0xED10  }
0x83: {  	[spmem:s3] =	stream.indirect.scatter.add.f32 [tilespmem:s19], [sflag:$0xB], $0x30, s14, s26, $0xb8;
	[tilespmem:$0x1B290] =	vst v63  }
0x84: {  	s14 =	simm.s32 $0x4  }
0x85: {  	_ =	swait.ge [sflag:s14], $0x1800  }
0x86: {  	[sflag:s14] =	ssyncset.done $0x0  }
0x87: {  	[sflag:s14] =	ssyncadd.s32 $0xFFFFE800;
	s14 =	simm.s32 $0xEE10  }
0x88: {  	[spmem:s3] =	stream.indirect.scatter.add.f32 [tilespmem:s16], [sflag:$0xC], $0x30, s14, s26, $0xb8;
	[tilespmem:$0x1B290] =	vst v63  }
0x89: {  	s14 =	simm.s32 $0x5  }
0x8a: {  	_ =	swait.ge [sflag:s14], $0x1800  }
0x8b: {  	[sflag:s14] =	ssyncset.done $0x0  }
0x8c: {  	[sflag:s14] =	ssyncadd.s32 $0xFFFFE800;
	s14 =	simm.s32 $0xEF10  }
0x8d: {  	[spmem:s3] =	stream.indirect.scatter.add.f32 [tilespmem:s1], [sflag:$0xD], $0x30, s14, s26, $0xb8;
	[tilespmem:$0x1B290] =	vst v63  }
0x8e: {  	s14 =	simm.s32 $0x6  }
0x8f: {  	_ =	swait.ge [sflag:s14], $0x1800  }
0x90: {  	[sflag:s14] =	ssyncset.done $0x0  }
0x91: {  	[sflag:s14] =	ssyncadd.s32 $0xFFFFE800;
	s14 =	simm.s32 $0xF010  }
0x92: {  	[spmem:s3] =	stream.indirect.scatter.add.f32 [tilespmem:s10], [sflag:$0xE], $0x30, s14, s26, $0xb8;
	[tilespmem:$0x1B290] =	vst v63  }
0x93: {  	s14 =	simm.s32 $0x7  }
0x94: {  	_ =	swait.ge [sflag:s14], $0x1800  }
0x95: {  	[sflag:s14] =	ssyncset.done $0x0  }
0x96: {  	[sflag:s14] =	ssyncadd.s32 $0xFFFFE800;
	s14 =	simm.s32 $0xF110  }
0x97: {  	[spmem:s3] =	stream.indirect.scatter.add.f32 [tilespmem:s5], [sflag:$0xF], $0x30, s14, s26, $0xb8;
	[tilespmem:$0x1B290] =	vst v63  }
0x98: {  	s14 =	simm.s32 $0x8  }
0x99: {  	_ =	swait.ge [sflag:s14], $0x1800  }
0x9a: {  	[sflag:s14] =	ssyncset.done $0x0  }
0x9b: {  	[sflag:s14] =	ssyncadd.s32 $0xFFFFE800;
	s14 =	simm.s32 $0xF210  }
0x9c: {  	[spmem:s3] =	stream.indirect.scatter.add.f32 [tilespmem:s13], [sflag:$0x10], $0x30, s14, s26, $0xb8;
	[tilespmem:$0x1B290] =	vst v63  }
0x9d: {  	_ =	swait.ge [sflag:s8], $0x1800  }
0x9e: {  	s14 =	rddreg [dreg:$0x5]  }
0x9f: {  	[sflag:s8] =	ssyncset.done $0x0;
	s13 =	sadd.s32 $0x0, s14  }
0xa0: {  	[sflag:s8] =	ssyncadd.s32 $0xFFFFE800;
	s14 =	sadd.s32 $0x1000, s13  }
0xa1: {  	[tilespmem:s24], [sflag:$0x11] =	stream.strided.gather [hbm4b:s14+s26], $0x100, s28, s26, $0x38;
	[tilespmem:$0x1B290] =	vst v63  }
0xa2: {  	_ =	swait.ge [sflag:s30], $0x100  }
0xa3: {  	[sflag:s30] =	ssyncset.done $0x0  }
0xa4: {  	[sflag:s30] =	ssyncadd.s32 $0xFFFFFF00  }
0xa5: {  	[tilespmem:s15], [sflag:$0x1] =	stream.indirect.gather [spmem:s2], $0x30, s24, s26, $0xb8;
	[tilespmem:$0x1B290] =	vst v63  }
0xa6: {  	_ =	swait.ge [sflag:s9], $0x1800  }
0xa7: {  	[sflag:s9] =	ssyncset.done $0x0  }
0xa8: {  	s15 =	sadd.s32 $0x1200, s13;
	[sflag:s9] =	ssyncadd.s32 $0xFFFFE800  }
0xa9: {  	[tilespmem:s18], [sflag:$0x11] =	stream.strided.gather [hbm4b:s15+s26], $0x100, s28, s26, $0x38;
	[tilespmem:$0x1B290] =	vst v63  }
0xaa: {  	_ =	swait.ge [sflag:s30], $0x100  }
0xab: {  	[sflag:s30] =	ssyncset.done $0x0  }
0xac: {  	[sflag:s30] =	ssyncadd.s32 $0xFFFFFF00  }
0xad: {  	[tilespmem:s17], [sflag:$0x2] =	stream.indirect.gather [spmem:s2], $0x30, s18, s26, $0xb8;
	[tilespmem:$0x1B290] =	vst v63  }
0xae: {  	_ =	swait.ge [sflag:s29], $0x1800  }
0xaf: {  	[sflag:s29] =	ssyncset.done $0x0  }
0xb0: {  	s18 =	sadd.s32 $0x1400, s13;
	[sflag:s29] =	ssyncadd.s32 $0xFFFFE800  }
0xb1: {  	[tilespmem:s20], [sflag:$0x11] =	stream.strided.gather [hbm4b:s18+s26], $0x100, s28, s26, $0x38;
	[tilespmem:$0x1B290] =	vst v63  }
0xb2: {  	_ =	swait.ge [sflag:s30], $0x100  }
0xb3: {  	[sflag:s30] =	ssyncset.done $0x0  }
0xb4: {  	[sflag:s30] =	ssyncadd.s32 $0xFFFFFF00  }
0xb5: {  	[tilespmem:s19], [sflag:$0x3] =	stream.indirect.gather [spmem:s2], $0x30, s20, s26, $0xb8;
	[tilespmem:$0x1B290] =	vst v63  }
0xb6: {  	_ =	swait.ge [sflag:s31], $0x1800  }
0xb7: {  	[sflag:s31] =	ssyncset.done $0x0  }
0xb8: {  	s19 =	sadd.s32 $0x1600, s13;
	[sflag:s31] =	ssyncadd.s32 $0xFFFFE800  }
0xb9: {  	[tilespmem:s22], [sflag:$0x11] =	stream.strided.gather [hbm4b:s19+s26], $0x100, s28, s26, $0x38;
	[tilespmem:$0x1B290] =	vst v63  }
0xba: {  	_ =	swait.ge [sflag:s30], $0x100  }
0xbb: {  	[sflag:s30] =	ssyncset.done $0x0  }
0xbc: {  	[sflag:s30] =	ssyncadd.s32 $0xFFFFFF00  }
0xbd: {  	[tilespmem:s16], [sflag:$0x4] =	stream.indirect.gather [spmem:s2], $0x30, s22, s26, $0xb8;
	[tilespmem:$0x1B290] =	vst v63  }
0xbe: {  	_ =	swait.ge [sflag:s0], $0x1800  }
0xbf: {  	[sflag:s0] =	ssyncset.done $0x0  }
0xc0: {  	s20 =	sadd.s32 $0x1800, s13;
	[sflag:s0] =	ssyncadd.s32 $0xFFFFE800  }
0xc1: {  	[tilespmem:s21], [sflag:$0x11] =	stream.strided.gather [hbm4b:s20+s26], $0x100, s28, s26, $0x38;
	[tilespmem:$0x1B290] =	vst v63  }
0xc2: {  	_ =	swait.ge [sflag:s30], $0x100  }
0xc3: {  	[sflag:s30] =	ssyncset.done $0x0  }
0xc4: {  	[sflag:s30] =	ssyncadd.s32 $0xFFFFFF00  }
0xc5: {  	[tilespmem:s1], [sflag:$0x5] =	stream.indirect.gather [spmem:s2], $0x30, s21, s26, $0xb8;
	[tilespmem:$0x1B290] =	vst v63  }
0xc6: {  	_ =	swait.ge [sflag:s7], $0x1800  }
0xc7: {  	[sflag:s7] =	ssyncset.done $0x0  }
0xc8: {  	s22 =	sadd.s32 $0x1A00, s13;
	[sflag:s7] =	ssyncadd.s32 $0xFFFFE800  }
0xc9: {  	[tilespmem:s6], [sflag:$0x11] =	stream.strided.gather [hbm4b:s22+s26], $0x100, s28, s26, $0x38;
	[tilespmem:$0x1B290] =	vst v63  }
0xca: {  	_ =	swait.ge [sflag:s30], $0x100  }
0xcb: {  	[sflag:s30] =	ssyncset.done $0x0  }
0xcc: {  	[sflag:s30] =	ssyncadd.s32 $0xFFFFFF00  }
0xcd: {  	[tilespmem:s10], [sflag:$0x6] =	stream.indirect.gather [spmem:s2], $0x30, s6, s26, $0xb8;
	[tilespmem:$0x1B290] =	vst v63  }
0xce: {  	_ =	swait.ge [sflag:s11], $0x1800  }
0xcf: {  	[sflag:s11] =	ssyncset.done $0x0  }
0xd0: {  	s24 =	sadd.s32 $0x1C00, s13;
	[sflag:s11] =	ssyncadd.s32 $0xFFFFE800  }
0xd1: {  	[tilespmem:s23], [sflag:$0x11] =	stream.strided.gather [hbm4b:s24+s26], $0x100, s28, s26, $0x38;
	[tilespmem:$0x1B290] =	vst v63  }
0xd2: {  	_ =	swait.ge [sflag:s30], $0x100  }
0xd3: {  	[sflag:s30] =	ssyncset.done $0x0  }
0xd4: {  	[sflag:s30] =	ssyncadd.s32 $0xFFFFFF00  }
0xd5: {  	[tilespmem:s5], [sflag:$0x7] =	stream.indirect.gather [spmem:s2], $0x30, s23, s26, $0xb8;
	[tilespmem:$0x1B290] =	vst v63  }
0xd6: {  	_ =	swait.ge [sflag:s12], $0x1800  }
0xd7: {  	[sflag:s12] =	ssyncset.done $0x0  }
0xd8: {  	s13 =	sadd.s32 $0x1E00, s13;
	[sflag:s12] =	ssyncadd.s32 $0xFFFFE800  }
0xd9: {  	[tilespmem:s4], [sflag:$0x11] =	stream.strided.gather [hbm4b:s13+s26], $0x100, s28, s26, $0x38;
	[tilespmem:$0x1B290] =	vst v63  }
0xda: {  	_ =	swait.ge [sflag:s30], $0x100  }
0xdb: {  	s6 =	simm.s32 $0xEF90;
	[sflag:s30] =	ssyncset.done $0x0  }
0xdc: {  	s24 =	simm.s32 $0xF090;
	s13 =	simm.s32 $0x1000;
	[sflag:s30] =	ssyncadd.s32 $0xFFFFFF00  }
.LBB2_2:
0xdd: {  	s4 =	simm.s32 $0xF190;
	s15 =	simm.s32 $0x19A90;
	s1 =	simm.s32 $0x1  }
0xde: {  	[tilespmem:s15], [sflag:$0x8] =	stream.indirect.gather [spmem:s2], $0x30, s4, s26, $0xb8;
	[tilespmem:$0x1B290] =	vst v63  }
0xdf: {  	_ =	swait.ge [sflag:s1], $0x1800  }
0xe0: {  	s18 =	simm.s32 $0xF290;
	[sflag:s1] =	ssyncset.done $0x0  }
0xe1: {  	s5 =	simm.s32 $0xEB10;
	s10 =	simm.s32 $0x2;
	[sflag:s1] =	ssyncadd.s32 $0xFFFFE800  }
0xe2: {  	[spmem:s3] =	stream.indirect.scatter.add.f32 [tilespmem:s18], [sflag:$0x9], $0x30, s5, s26, $0xb8;
	[tilespmem:$0x1B290] =	vst v63  }
0xe3: {  	_ =	swait.ge [sflag:s10], $0x1800  }
0xe4: {  	s20 =	simm.s32 $0x10A90;
	[sflag:s10] =	ssyncset.done $0x0  }
0xe5: {  	s16 =	simm.s32 $0xEC10;
	s17 =	simm.s32 $0x3;
	[sflag:s10] =	ssyncadd.s32 $0xFFFFE800  }
0xe6: {  	[spmem:s3] =	stream.indirect.scatter.add.f32 [tilespmem:s20], [sflag:$0xA], $0x30, s16, s26, $0xb8;
	[tilespmem:$0x1B290] =	vst v63  }
0xe7: {  	_ =	swait.ge [sflag:s17], $0x1800  }
0xe8: {  	s22 =	simm.s32 $0x12290;
	[sflag:s17] =	ssyncset.done $0x0  }
0xe9: {  	s19 =	simm.s32 $0xED10;
	s21 =	simm.s32 $0x4;
	[sflag:s17] =	ssyncadd.s32 $0xFFFFE800  }
0xea: {  	[spmem:s3] =	stream.indirect.scatter.add.f32 [tilespmem:s22], [sflag:$0xB], $0x30, s19, s26, $0xb8;
	[tilespmem:$0x1B290] =	vst v63  }
0xeb: {  	_ =	swait.ge [sflag:s21], $0x1800  }
0xec: {  	s23 =	simm.s32 $0xEE10;
	[sflag:s21] =	ssyncset.done $0x0  }
0xed: {  	s5 =	simm.s32 $0x5;
	s16 =	simm.s32 $0x13A90;
	[sflag:s21] =	ssyncadd.s32 $0xFFFFE800  }
0xee: {  	[spmem:s3] =	stream.indirect.scatter.add.f32 [tilespmem:s16], [sflag:$0xC], $0x30, s23, s26, $0xb8;
	[tilespmem:$0x1B290] =	vst v63  }
0xef: {  	_ =	swait.ge [sflag:s5], $0x1800  }
0xf0: {  	s1 =	simm.s32 $0x15290;
	[sflag:s5] =	ssyncset.done $0x0  }
0xf1: {  	s10 =	simm.s32 $0x6;
	[sflag:s5] =	ssyncadd.s32 $0xFFFFE800;
	s5 =	simm.s32 $0xEF10  }
0xf2: {  	[spmem:s3] =	stream.indirect.scatter.add.f32 [tilespmem:s1], [sflag:$0xD], $0x30, s5, s26, $0xb8;
	[tilespmem:$0x1B290] =	vst v63  }
0xf3: {  	_ =	swait.ge [sflag:s10], $0x1800  }
0xf4: {  	s17 =	simm.s32 $0xF010;
	[sflag:s10] =	ssyncset.done $0x0  }
0xf5: {  	s19 =	simm.s32 $0x7;
	[sflag:s10] =	ssyncadd.s32 $0xFFFFE800;
	s10 =	simm.s32 $0x16A90  }
0xf6: {  	[spmem:s3] =	stream.indirect.scatter.add.f32 [tilespmem:s10], [sflag:$0xE], $0x30, s17, s26, $0xb8;
	[tilespmem:$0x1B290] =	vst v63  }
0xf7: {  	_ =	swait.ge [sflag:s19], $0x1800  }
0xf8: {  	s21 =	simm.s32 $0x8;
	[sflag:s19] =	ssyncset.done $0x0  }
0xf9: {  	s5 =	simm.s32 $0x18290;
	s17 =	simm.s32 $0xF110;
	[sflag:s19] =	ssyncadd.s32 $0xFFFFE800  }
0xfa: {  	[spmem:s3] =	stream.indirect.scatter.add.f32 [tilespmem:s5], [sflag:$0xF], $0x30, s17, s26, $0xb8;
	[tilespmem:$0x1B290] =	vst v63  }
0xfb: {  	_ =	swait.ge [sflag:s21], $0x1800  }
0xfc: {  	[sflag:s21] =	ssyncset.done $0x0  }
0xfd: {  	s23 =	simm.s32 $0xF210;
	[sflag:s21] =	ssyncadd.s32 $0xFFFFE800  }
0xfe: {  	[spmem:s3] =	stream.indirect.scatter.add.f32 [tilespmem:s15], [sflag:$0x10], $0x30, s23, s26, $0xb8;
	[tilespmem:$0x1B290] =	vst v63  }
0xff: {  	_ =	swait.ge [sflag:s8], $0x1800  }
0x100: {  	s14 =	smov.u32 s13;
	s17 =	rddreg [dreg:$0x5]  }
0x101: {  	[sflag:s8] =	ssyncset.done $0x0;
	s14 =	sadd.s32 s14, s17  }
0x102: {  	s19 =	simm.s32 $0xEA90;
	[sflag:s8] =	ssyncadd.s32 $0xFFFFE800;
	s15 =	sadd.s32 $0x1000, s14  }
0x103: {  	[tilespmem:s19], [sflag:$0x11] =	stream.strided.gather [hbm4b:s15+s26], $0x100, s28, s26, $0x38;
	[tilespmem:$0x1B290] =	vst v63  }
0x104: {  	_ =	swait.ge [sflag:s30], $0x100  }
0x105: {  	[sflag:s30] =	ssyncset.done $0x0  }
0x106: {  	[sflag:s30] =	ssyncadd.s32 $0xFFFFFF00  }
0x107: {  	[tilespmem:s18], [sflag:$0x1] =	stream.indirect.gather [spmem:s2], $0x30, s19, s26, $0xb8;
	[tilespmem:$0x1B290] =	vst v63  }
0x108: {  	_ =	swait.ge [sflag:s9], $0x1800  }
0x109: {  	[sflag:s9] =	ssyncset.done $0x0  }
0x10a: {  	s18 =	simm.s32 $0xEB90;
	s19 =	sadd.s32 $0x1200, s14;
	[sflag:s9] =	ssyncadd.s32 $0xFFFFE800  }
0x10b: {  	[tilespmem:s18], [sflag:$0x11] =	stream.strided.gather [hbm4b:s19+s26], $0x100, s28, s26, $0x38;
	[tilespmem:$0x1B290] =	vst v63  }
0x10c: {  	_ =	swait.ge [sflag:s30], $0x100  }
0x10d: {  	[sflag:s30] =	ssyncset.done $0x0  }
0x10e: {  	[sflag:s30] =	ssyncadd.s32 $0xFFFFFF00  }
0x10f: {  	[tilespmem:s20], [sflag:$0x2] =	stream.indirect.gather [spmem:s2], $0x30, s18, s26, $0xb8;
	[tilespmem:$0x1B290] =	vst v63  }
0x110: {  	_ =	swait.ge [sflag:s29], $0x1800  }
0x111: {  	[sflag:s29] =	ssyncset.done $0x0  }
0x112: {  	s21 =	sadd.s32 $0x1400, s14;
	s20 =	simm.s32 $0xEC90;
	[sflag:s29] =	ssyncadd.s32 $0xFFFFE800  }
0x113: {  	[tilespmem:s20], [sflag:$0x11] =	stream.strided.gather [hbm4b:s21+s26], $0x100, s28, s26, $0x38;
	[tilespmem:$0x1B290] =	vst v63  }
0x114: {  	_ =	swait.ge [sflag:s30], $0x100  }
0x115: {  	[sflag:s30] =	ssyncset.done $0x0  }
0x116: {  	[sflag:s30] =	ssyncadd.s32 $0xFFFFFF00  }
0x117: {  	[tilespmem:s22], [sflag:$0x3] =	stream.indirect.gather [spmem:s2], $0x30, s20, s26, $0xb8;
	[tilespmem:$0x1B290] =	vst v63  }
0x118: {  	_ =	swait.ge [sflag:s31], $0x1800  }
0x119: {  	[sflag:s31] =	ssyncset.done $0x0  }
0x11a: {  	s23 =	sadd.s32 $0x1600, s14;
	s22 =	simm.s32 $0xED90;
	[sflag:s31] =	ssyncadd.s32 $0xFFFFE800  }
0x11b: {  	[tilespmem:s22], [sflag:$0x11] =	stream.strided.gather [hbm4b:s23+s26], $0x100, s28, s26, $0x38;
	[tilespmem:$0x1B290] =	vst v63  }
0x11c: {  	_ =	swait.ge [sflag:s30], $0x100  }
0x11d: {  	[sflag:s30] =	ssyncset.done $0x0  }
0x11e: {  	[sflag:s30] =	ssyncadd.s32 $0xFFFFFF00  }
0x11f: {  	[tilespmem:s16], [sflag:$0x4] =	stream.indirect.gather [spmem:s2], $0x30, s22, s26, $0xb8;
	[tilespmem:$0x1B290] =	vst v63  }
0x120: {  	_ =	swait.ge [sflag:s0], $0x1800  }
0x121: {  	[sflag:s0] =	ssyncset.done $0x0  }
0x122: {  	s16 =	sadd.s32 $0x1800, s14;
	[sflag:s0] =	ssyncadd.s32 $0xFFFFE800  }
0x123: {  	[tilespmem:s25], [sflag:$0x11] =	stream.strided.gather [hbm4b:s16+s26], $0x100, s28, s26, $0x38;
	[tilespmem:$0x1B290] =	vst v63  }
0x124: {  	_ =	swait.ge [sflag:s30], $0x100  }
0x125: {  	[sflag:s30] =	ssyncset.done $0x0  }
0x126: {  	[sflag:s30] =	ssyncadd.s32 $0xFFFFFF00  }
0x127: {  	[tilespmem:s1], [sflag:$0x5] =	stream.indirect.gather [spmem:s2], $0x30, s25, s26, $0xb8;
	[tilespmem:$0x1B290] =	vst v63  }
0x128: {  	_ =	swait.ge [sflag:s7], $0x1800  }
0x129: {  	[sflag:s7] =	ssyncset.done $0x0  }
0x12a: {  	s1 =	sadd.s32 $0x1A00, s14;
	[sflag:s7] =	ssyncadd.s32 $0xFFFFE800  }
0x12b: {  	[tilespmem:s6], [sflag:$0x11] =	stream.strided.gather [hbm4b:s1+s26], $0x100, s28, s26, $0x38;
	[tilespmem:$0x1B290] =	vst v63  }
0x12c: {  	_ =	swait.ge [sflag:s30], $0x100  }
0x12d: {  	[sflag:s30] =	ssyncset.done $0x0  }
0x12e: {  	[sflag:s30] =	ssyncadd.s32 $0xFFFFFF00  }
0x12f: {  	[tilespmem:s10], [sflag:$0x6] =	stream.indirect.gather [spmem:s2], $0x30, s6, s26, $0xb8;
	[tilespmem:$0x1B290] =	vst v63  }
0x130: {  	_ =	swait.ge [sflag:s11], $0x1800  }
0x131: {  	[sflag:s11] =	ssyncset.done $0x0  }
0x132: {  	s10 =	sadd.s32 $0x1C00, s14;
	[sflag:s11] =	ssyncadd.s32 $0xFFFFE800  }
0x133: {  	[tilespmem:s24], [sflag:$0x11] =	stream.strided.gather [hbm4b:s10+s26], $0x100, s28, s26, $0x38;
	[tilespmem:$0x1B290] =	vst v63  }
0x134: {  	_ =	swait.ge [sflag:s30], $0x100  }
0x135: {  	[sflag:s30] =	ssyncset.done $0x0  }
0x136: {  	[sflag:s30] =	ssyncadd.s32 $0xFFFFFF00  }
0x137: {  	[tilespmem:s5], [sflag:$0x7] =	stream.indirect.gather [spmem:s2], $0x30, s24, s26, $0xb8;
	[tilespmem:$0x1B290] =	vst v63  }
0x138: {  	p5 =	sne.s32 s13, $0x3000;
	s13 =	sadd.s32 $0x1000, s13;
	_ =	swait.ge [sflag:s12], $0x1800  }
0x139: {  	s17 =	simm.s32 $0xF290;
	s19 =	simm.s32 $0x10A90;
	[sflag:s12] =	ssyncset.done $0x0  }
.Ltmp0:
0x13a: {  	s14 =	sadd.s32 $0x1E00, s14;
	[sflag:s12] =	ssyncadd.s32 $0xFFFFE800;
	(pc) =	sbr.rel @p5 .LBB2_2-.Ltmp0, $4  }
0x13b: {  	[tilespmem:s4], [sflag:$0x11] =	stream.strided.gather [hbm4b:s14+s26], $0x100, s28, s26, $0x38;
	[tilespmem:$0x1B290] =	vst v63  }
0x13c: {  	s21 =	simm.s32 $0x12290;
	s23 =	simm.s32 $0x13A90;
	_ =	swait.ge [sflag:s30], $0x100  }
0x13d: {  	s16 =	simm.s32 $0x15290;
	s1 =	simm.s32 $0x16A90;
	[sflag:s30] =	ssyncset.done $0x0  }
0x13e: {  	s10 =	simm.s32 $0x18290;
	s5 =	simm.s32 $0xF190;
	[sflag:s30] =	ssyncadd.s32 $0xFFFFFF00  }
0x13f: {  	s4 =	simm.s32 $0x19A90;
	s6 =	simm.s32 $0x1  }
0x140: {  	[tilespmem:s4], [sflag:$0x8] =	stream.indirect.gather [spmem:s2], $0x30, s5, s26, $0xb8;
	[tilespmem:$0x1B290] =	vst v63  }
0x141: {  	_ =	swait.ge [sflag:s6], $0x1800  }
0x142: {  	[sflag:s6] =	ssyncset.done $0x0  }
0x143: {  	s13 =	simm.s32 $0xEB10;
	s14 =	simm.s32 $0x2;
	[sflag:s6] =	ssyncadd.s32 $0xFFFFE800  }
0x144: {  	[spmem:s3] =	stream.indirect.scatter.add.f32 [tilespmem:s17], [sflag:$0x9], $0x30, s13, s26, $0xb8;
	[tilespmem:$0x1B290] =	vst v63  }
0x145: {  	_ =	swait.ge [sflag:s14], $0x1800  }
0x146: {  	[sflag:s14] =	ssyncset.done $0x0  }
0x147: {  	s15 =	simm.s32 $0xEC10;
	s17 =	simm.s32 $0x3;
	[sflag:s14] =	ssyncadd.s32 $0xFFFFE800  }
0x148: {  	[spmem:s3] =	stream.indirect.scatter.add.f32 [tilespmem:s19], [sflag:$0xA], $0x30, s15, s26, $0xb8;
	[tilespmem:$0x1B290] =	vst v63  }
0x149: {  	_ =	swait.ge [sflag:s17], $0x1800  }
0x14a: {  	[sflag:s17] =	ssyncset.done $0x0  }
0x14b: {  	s24 =	simm.s32 $0x4;
	s19 =	simm.s32 $0xED10;
	[sflag:s17] =	ssyncadd.s32 $0xFFFFE800  }
0x14c: {  	[spmem:s3] =	stream.indirect.scatter.add.f32 [tilespmem:s21], [sflag:$0xB], $0x30, s19, s26, $0xb8;
	[tilespmem:$0x1B290] =	vst v63  }
0x14d: {  	_ =	swait.ge [sflag:s24], $0x1800  }
0x14e: {  	[sflag:s24] =	ssyncset.done $0x0  }
0x14f: {  	s6 =	simm.s32 $0xEE10;
	s13 =	simm.s32 $0x5;
	[sflag:s24] =	ssyncadd.s32 $0xFFFFE800  }
0x150: {  	[spmem:s3] =	stream.indirect.scatter.add.f32 [tilespmem:s23], [sflag:$0xC], $0x30, s6, s26, $0xb8;
	[tilespmem:$0x1B290] =	vst v63  }
0x151: {  	_ =	swait.ge [sflag:s13], $0x1800  }
0x152: {  	[sflag:s13] =	ssyncset.done $0x0  }
0x153: {  	s14 =	simm.s32 $0xEF10;
	s15 =	simm.s32 $0x6;
	[sflag:s13] =	ssyncadd.s32 $0xFFFFE800  }
0x154: {  	[spmem:s3] =	stream.indirect.scatter.add.f32 [tilespmem:s16], [sflag:$0xD], $0x30, s14, s26, $0xb8;
	[tilespmem:$0x1B290] =	vst v63  }
0x155: {  	_ =	swait.ge [sflag:s15], $0x1800  }
0x156: {  	[sflag:s15] =	ssyncset.done $0x0  }
0x157: {  	s17 =	simm.s32 $0x7;
	s16 =	simm.s32 $0xF010;
	[sflag:s15] =	ssyncadd.s32 $0xFFFFE800  }
0x158: {  	[spmem:s3] =	stream.indirect.scatter.add.f32 [tilespmem:s1], [sflag:$0xE], $0x30, s16, s26, $0xb8;
	[tilespmem:$0x1B290] =	vst v63  }
0x159: {  	_ =	swait.ge [sflag:s17], $0x1800  }
0x15a: {  	[sflag:s17] =	ssyncset.done $0x0  }
0x15b: {  	s19 =	simm.s32 $0xF110;
	s21 =	simm.s32 $0x8;
	[sflag:s17] =	ssyncadd.s32 $0xFFFFE800  }
0x15c: {  	[spmem:s3] =	stream.indirect.scatter.add.f32 [tilespmem:s10], [sflag:$0xF], $0x30, s19, s26, $0xb8;
	[tilespmem:$0x1B290] =	vst v63  }
0x15d: {  	_ =	swait.ge [sflag:s21], $0x1800  }
0x15e: {  	[sflag:s21] =	ssyncset.done $0x0  }
0x15f: {  	s23 =	simm.s32 $0xF210;
	[sflag:s21] =	ssyncadd.s32 $0xFFFFE800  }
0x160: {  	[spmem:s3] =	stream.indirect.scatter.add.f32 [tilespmem:s4], [sflag:$0x10], $0x30, s23, s26, $0xb8;
	[tilespmem:$0x1B290] =	vst v63  }
0x161: {  	_ =	swait.ge [sflag:s8], $0x1800  }
0x162: {  	[sflag:s8] =	ssyncset.done $0x0  }
0x163: {  	[sflag:s8] =	ssyncadd.s32 $0xFFFFE800  }
0x164: {  	_ =	swait.ge [sflag:s9], $0x1800  }
0x165: {  	[sflag:s9] =	ssyncset.done $0x0  }
0x166: {  	[sflag:s9] =	ssyncadd.s32 $0xFFFFE800  }
0x167: {  	_ =	swait.ge [sflag:s29], $0x1800  }
0x168: {  	[sflag:s29] =	ssyncset.done $0x0  }
0x169: {  	[sflag:s29] =	ssyncadd.s32 $0xFFFFE800  }
0x16a: {  	_ =	swait.ge [sflag:s31], $0x1800  }
0x16b: {  	[sflag:s31] =	ssyncset.done $0x0  }
0x16c: {  	[sflag:s31] =	ssyncadd.s32 $0xFFFFE800  }
0x16d: {  	_ =	swait.ge [sflag:s0], $0x1800  }
0x16e: {  	[sflag:s0] =	ssyncset.done $0x0  }
0x16f: {  	[sflag:s0] =	ssyncadd.s32 $0xFFFFE800  }
0x170: {  	_ =	swait.ge [sflag:s7], $0x1800  }
0x171: {  	[sflag:s7] =	ssyncset.done $0x0  }
0x172: {  	[sflag:s7] =	ssyncadd.s32 $0xFFFFE800  }
0x173: {  	_ =	swait.ge [sflag:s11], $0x1800  }
0x174: {  	[sflag:s11] =	ssyncset.done $0x0  }
0x175: {  	[sflag:s11] =	ssyncadd.s32 $0xFFFFE800  }
0x176: {  	_ =	swait.ge [sflag:s12], $0x1800  }
0x177: {  	[sflag:s12] =	ssyncset.done $0x0  }
0x178: {  	[sflag:s12] =	ssyncadd.s32 $0xFFFFE800  }
0x179: {  	[bflag:$0x0] =	sbarrier.arrive $0xFFFF  }
0x17a: {  	s14 =	rddreg [dreg:$0x17]  }
0x17b: {  	s13 =	simm.s32 @!p1 $0x1FD1;
	s1 =	rddreg [dreg:$0x1c]  }
0x17c: {  	[hbm:s14], [sflag:s13] =	dma.local @!p1 [spmem:s1], $0xC30  }
0x17d: {  	s13 =	simm.s32 @!p1 $0x11  }
0x17e: {  	_ =	swait.ge @!p1 [sflag:s13], $0xC30  }
0x17f: {  	[sflag:s13] =	ssyncset.done @!p1 $0x0;
	s14 =	rddreg [dreg:$0x18]  }
0x180: {  	s1 =	rddreg [dreg:$0x1d];
	[sflag:s13] =	ssyncadd.s32 @!p1 $0xFFFFF3D0;
	s13 =	simm.s32 @!p2 $0x1FD1  }
0x181: {  	[hbm:s14], [sflag:s13] =	dma.local @!p2 [spmem:s1], $0xC30  }
0x182: {  	s13 =	simm.s32 @!p2 $0x11  }
0x183: {  	s16 =	stileid.u32;
	_ =	swait.ge @!p2 [sflag:s13], $0xC30  }
0x184: {  	s14 =	sshll.u32 @!p3 s16, $0x6;
	[sflag:s13] =	ssyncset.done @!p2 $0x0;
	s1 =	rddreg [dreg:$0x1f]  }
0x185: {  	[sflag:s13] =	ssyncadd.s32 @!p2 $0xFFFFF3D0;
	s13 =	sor.u32 @!p3 $0x1C11, s14;
	s14 =	rddreg [dreg:$0x15]  }
0x186: {  	[hbm:s14], [sflag:s13] =	dma.local @!p3 [spmem:s1], $0xED0  }
0x187: {  	s13 =	simm.s32 @!p3 $0x11  }
0x188: {  	_ =	swait.ge @!p3 [sflag:s13], $0xED0  }
0x189: {  	s14 =	sshll.u32 @!p4 s16, $0x6;
	[sflag:s13] =	ssyncset.done @!p3 $0x0;
	s1 =	rddreg [dreg:$0x1e]  }
0x18a: {  	[sflag:s13] =	ssyncadd.s32 @!p3 $0xFFFFF130;
	s13 =	sor.u32 @!p4 $0x1C11, s14;
	s14 =	rddreg [dreg:$0x16]  }
0x18b: {  	[hbm:s14], [sflag:s13] =	dma.local @!p4 [spmem:s1], $0xED0  }
0x18c: {  	s13 =	simm.s32 @!p4 $0x11  }
0x18d: {  	_ =	swait.ge @!p4 [sflag:s13], $0xED0  }
0x18e: {  	s24 =	rddreg [dreg:$0x6]  }
0x18f: {  	s15 =	rddreg [dreg:$0x19];
	s14 =	sadd.s32 $0x1, s24  }
0x190: {  	p5 =	sne.s32 s14, s15  }
.Ltmp1:
0x191: {  	_ = 	snop;
	(pc) =	sbr.rel @p5 .LBB2_1-.Ltmp1, $3  }
0x192: {  	_ =	sdelay $0x1  }
0x193: {  	s6 =	simm.s32 $0xEF90;
	[sflag:s13] =	ssyncset.done @!p4 $0x0  }
0x194: {  	s21 =	simm.s32 $0xEE90;
	s23 =	simm.s32 $0xF090;
	[sflag:s13] =	ssyncadd.s32 @!p4 $0xFFFFF130  }
0x195: {  	_ =	sfence.sel $0x180000  }
0x196: {  	[bflag:$0x0] =	sbarrier.arrive $0xFFFF  }
0x197: {  	_ =	strace $0x9000004D  }
0x198: {  	[bflag:$0x2] =	sbarrier.arrive $0xFFFF  }
0x199: {  	p0 =	sne.s32 s16, $0x0;
	s0 =	rddreg [dreg:$0x4]  }
0x19a: {  	s0 =	sadd.s32 @!p0 $0x100000, s0  }
0x19b: {  	[sflag:s0] =	ssyncadd.tile.s32 @!p0 $0x1;
	_ =	shalt  }
.Lfunc_end2:
_tile_overlayer_lowered:
.L_overlay_start_2:
0x19c: {  	(tag) =	ssettag $0x2  }
0x19d: {  	s0 =	rddreg [dreg:$0x0];
	s2 =	stileid.u32  }
0x19e: {  	s1 =	rddreg [dreg:$0x1];
	p0 =	sne.s32 s2, $0x0  }
0x19f: {  	s3 =	rddreg [dreg:$0x2];
	[bflag:$0x3] =	sbarrier.arrive $0xFFFF;
	s2 =	simm.s32 @!p0 $0x1C11  }
0x1a0: {  	[timem:s3], [sflag:s2] =	dma.local @!p0 [hbm:s0], s1  }
0x1a1: {  	s0 =	simm.s32 @!p0 $0x11  }
0x1a2: {  	_ =	swait.ge @!p0 [sflag:s0], s1  }
0x1a3: {  	s1 =	ssub.s32 @!p0 $0x0, s1;
	[sflag:s0] =	ssyncset.done @!p0 $0x0  }
0x1a4: {  	[sflag:s0] =	ssyncadd.s32 @!p0 s1  }
0x1a5: {  	[bflag:$0x3] =	sbarrier.arrive $0xFFFF  }
0x1a6: {  	_ =	shalt  }

// kernel: kernel.8.cloned.1.call-start
scs
__scs_entry_jumppad:
0x0: {  	(pc) =	sbr.rel $0x88, $3  }
0x1: {  	(tag) =	ssettag $0x0;
	lr =	simm.s32 $0x1  }
0x2: {  	[smem:$0x3F9B] =	sst lr;
	_ =	strace $0xD0000000  }
0x3: {  	_ = 	snop  }
0x4: {  	_ = 	snop  }
0x5: {  	_ = 	snop  }
0x6: {  	_ = 	snop  }
0x7: {  	_ = 	snop  }
__scs_overlays_trampoline_lowered:
0x8: {  	[smem:$0x3FAA] =	sst s0  }
0x9: {  	[smem:$0x3FAB] =	sst s1  }
0xa: {  	[smem:$0x3FAC] =	sst s2  }
0xb: {  	[smem:$0x3FAD] =	sst s3  }
0xc: {  	[smem:$0x3FAE] =	sst s4  }
0xd: {  	[smem:$0x3FAF] =	sst s5  }
0xe: {  	[smem:$0x3FB0] =	sst s6  }
0xf: {  	[smem:$0x3FB1] =	sst s7  }
0x10: {  	[smem:$0x3FB2] =	sst s8  }
0x11: {  	[smem:$0x3FB3] =	sst s9;
	s0 =	simm.s32 @!p0 $0x0  }
0x12: {  	s1 =	sld [smem:$0x3F99];
	s0 =	simm.s32 @p0 $0x1  }
0x13: {  	[smem:$0x3FB4] =	sst s0;
	s0 =	simm.s32 @!p1 $0x0  }
0x14: {  	s2 =	sld [smem:$0x3F98];
	s0 =	simm.s32 @p1 $0x1  }
0x15: {  	[smem:$0x3FB5] =	sst s0;
	s0 =	simm.s32 @!p2 $0x0  }
0x16: {  	s3 =	sld [smem:$0x3FDB];
	s0 =	simm.s32 @p2 $0x1  }
0x17: {  	s4 =	simm.s32 $0x1BF5;
	[smem:$0x3FB7] =	sst s0  }
0x18: {  	s0 =	sld [smem:$0x3F9A];
	_ =	swait.ge [sflag:s4], $0x0  }
0x19: {  	s7 =	sld [smem:$0x3F9B]  }
0x1a: {  	s8 =	sadd.s32 $0xFFFFE003, lr  }
0x1b: {  	s9 =	sadd.s32 $0xFFFFFEF7, lr;
	s5 =	simm.s32 $0xFFFFFFFF;
	p2 =	slt.u32 s8, $0xFFFFF086  }
0x1c: {  	p1 =	slt.u32 s9, $0xF7A;
	s5 =	simm.s32 @!p2 $0x0  }
0x1d: {  	s5 =	simm.s32 @p1 $0x1;
	p0 =	seq.s32 s7, s2  }
0x1e: {  	s7 =	smul.u32 @!p0 $0xF7A, s2;
	p2 =	seq.s32 @!p0 s5, $0x0  }
0x1f: {  	s9 =	smul.u32 $0xF7A, s1;
	s8 =	simm.s32 @!p0 $0x1BF5;
	p2 =	por !p2, p0  }
0x20: {  	[sflag:s8] =	ssyncset.s32 @!p0 $0xFFFFF086;
	s6 =	sadd.s32 @!p0 s3, s7;
	s7 =	simm.s32 @!p0 $0x108  }
0x21: {  	s3 =	sadd.s32 s3, s9;
	s6 =	sadd.s32 @!p0 $0x88, s6;
	s7 =	simm.s32 @p2 $0x1082  }
0x22: {  	[simem:s7], [sflag:s8] =	dma.local @!p0 [hbm:s6], $0xF7A  }
0x23: {  	s9 =	sor.u32 $0xD0000000, s2;
	s6 =	simm.s32 $0x108;
	_ =	swait.ge @!p0 [sflag:s8], $0x0  }
0x24: {  	s3 =	sadd.s32 $0x88, s3;
	s6 =	simm.s32 @!p1 $0x1082;
	[sflag:s4] =	ssyncset.s32 $0xFFFFF086  }
0x25: {  	[simem:s6], [sflag:s4] =	dma.local [hbm:s3], $0xF7A  }
0x26: {  	[smem:$0x3F9B] =	sst s1;
	(tag) =	ssettag s2;
	_ =	strace s9  }
0x27: {  	s1 =	sld [smem:$0x3FAB]  }
0x28: {  	s2 =	sld [smem:$0x3FAC]  }
0x29: {  	s4 =	sld [smem:$0x3FAE]  }
0x2a: {  	p0 =	seq.s32 s5, $0x0;
	s5 =	sld [smem:$0x3FAF]  }
0x2b: {  	s6 =	sld [smem:$0x3FB0]  }
0x2c: {  	s7 =	sld [smem:$0x3FB1]  }
0x2d: {  	s3 =	simm.s32 $0x108;
	s8 =	sld [smem:$0x3FB2]  }
0x2e: {  	s3 =	simm.s32 @!p0 $0x1082;
	s9 =	sld [smem:$0x3FB3]  }
0x2f: {  	lr =	sadd.s32 s0, s3;
	s0 =	sld [smem:$0x3FAA]  }
0x30: {  	s3 =	sld [smem:$0x3FAD]  }
0x31: {  	[smem:$0x3FB6] =	sst s10  }
0x32: {  	s10 =	sld [smem:$0x3FB4];
	_ =	sdelay $0x3  }
0x33: {  	p0 =	seq.s32 s10, $0x1;
	s10 =	sld [smem:$0x3FB6];
	_ =	sdelay $0x3  }
0x34: {  	[smem:$0x3FB6] =	sst s10  }
0x35: {  	s10 =	sld [smem:$0x3FB5];
	_ =	sdelay $0x3  }
0x36: {  	p1 =	seq.s32 s10, $0x1;
	s10 =	sld [smem:$0x3FB6];
	_ =	sdelay $0x3  }
0x37: {  	[smem:$0x3FB6] =	sst s10  }
0x38: {  	s10 =	sld [smem:$0x3FB7]  }
0x39: {  	_ = 	snop;
	(pc) =	sbr.ind lr, $3  }
0x3a: {  	_ = 	snop  }
0x3b: {  	_ = 	snop  }
0x3c: {  	p2 =	seq.s32 s10, $0x1;
	s10 =	sld [smem:$0x3FB6]  }
0x3d: {  	_ =	shalt  }
0x3e: {  	_ =	shalt  }
0x3f: {  	_ =	shalt  }
0x40: {  	_ =	shalt  }
0x41: {  	_ =	shalt  }
0x42: {  	_ =	shalt  }
0x43: {  	_ =	shalt  }
0x44: {  	_ =	shalt  }
0x45: {  	_ =	shalt  }
0x46: {  	_ =	shalt  }
0x47: {  	_ =	shalt  }
0x48: {  	_ =	shalt  }
0x49: {  	_ =	shalt  }
0x4a: {  	_ =	shalt  }
0x4b: {  	_ =	shalt  }
0x4c: {  	_ =	shalt  }
0x4d: {  	_ =	shalt  }
0x4e: {  	_ =	shalt  }
0x4f: {  	_ =	shalt  }
0x50: {  	_ =	shalt  }
0x51: {  	_ =	shalt  }
0x52: {  	_ =	shalt  }
0x53: {  	_ =	shalt  }
0x54: {  	_ =	shalt  }
0x55: {  	_ =	shalt  }
0x56: {  	_ =	shalt  }
0x57: {  	_ =	shalt  }
0x58: {  	_ =	shalt  }
0x59: {  	_ =	shalt  }
0x5a: {  	_ =	shalt  }
0x5b: {  	_ =	shalt  }
0x5c: {  	_ =	shalt  }
0x5d: {  	_ =	shalt  }
0x5e: {  	_ =	shalt  }
0x5f: {  	_ =	shalt  }
0x60: {  	_ =	shalt  }
0x61: {  	_ =	shalt  }
0x62: {  	_ =	shalt  }
0x63: {  	_ =	shalt  }
0x64: {  	_ =	shalt  }
0x65: {  	_ =	shalt  }
0x66: {  	_ =	shalt  }
0x67: {  	_ =	shalt  }
0x68: {  	_ =	shalt  }
0x69: {  	_ =	shalt  }
0x6a: {  	_ =	shalt  }
0x6b: {  	_ =	shalt  }
0x6c: {  	_ =	shalt  }
0x6d: {  	_ =	shalt  }
0x6e: {  	_ =	shalt  }
0x6f: {  	_ =	shalt  }
0x70: {  	_ =	shalt  }
0x71: {  	_ =	shalt  }
0x72: {  	_ =	shalt  }
0x73: {  	_ =	shalt  }
0x74: {  	_ =	shalt  }
0x75: {  	_ =	shalt  }
0x76: {  	_ =	shalt  }
0x77: {  	_ =	shalt  }
0x78: {  	_ =	shalt  }
0x79: {  	_ =	shalt  }
0x7a: {  	_ =	shalt  }
0x7b: {  	_ =	shalt  }
0x7c: {  	_ =	shalt  }
0x7d: {  	_ =	shalt  }
0x7e: {  	_ =	shalt  }
0x7f: {  	_ =	shalt  }
0x80: {  	_ =	shalt  }
0x81: {  	_ =	shalt  }
0x82: {  	_ =	shalt  }
0x83: {  	_ =	shalt  }
0x84: {  	_ =	shalt  }
0x85: {  	_ =	shalt  }
0x86: {  	_ =	shalt  }
0x87: {  	_ =	shalt  }
.Lfunc_end0:
.L_simem_size_0:
called_computation_lowered:
.L_overlay_start_0:
0x88: {  	s2 =	sld [smem:$0x3FD9]  }
0x89: {  	s3 =	sld [smem:$0x3FFE];
	_ =	sdelay $0x1  }
0x8a: {  	s1 =	srdreg.scid  }
0x8b: {  	s0 =	sand.u32 $0x1, s1  }
0x8c: {  	s17 =	sshll.u32 s0, $0xA;
	s2 =	sadd.s32 s3, s2  }
0x8d: {  	s2 =	sadd.s32 s2, s17  }
0x8e: {  	[smem:$0x3FC2] =	sst s2  }
0x8f: {  	_ = 	snop  }
0x90: {  	s2 =	sld [smem:$0x3FD0];
	(tm) =	ssettm $0x1  }
0x91: {  	s18 =	sld [smem:$0x3FFB];
	_ =	sdelay $0x3  }
0x92: {  	_ =	strace s18  }
0x93: {  	s3 =	sld [smem:$0x3FFC];
	_ =	sdelay $0x3  }
0x94: {  	_ =	strace s3  }
0x95: {  	s3 =	sld [smem:$0x3FFD];
	_ =	sdelay $0x3  }
0x96: {  	_ =	strace s3  }
0x97: {  	_ =	strace $0x8FFFFFFF  }
0x98: {  	s19 =	sld [smem:$0x3FDB];
	_ =	sdelay $0x1  }
0x99: {  	s4 =	simm.s32 $_scs_section_size  }
0x9a: {  	s5 =	simm.s32 $_size__tile_overlayer_lowered;
	s6 =	simm.s32 $_tile_overlayer_lowered  }
0x9b: {  	s22 =	simm.s32 $0x1BFF;
	s21 =	sshll.u32 s6, $0x1;
	s3 =	sadd.s32 s4, s19  }
0x9c: {  	s7 =	simm.s32 $0x0;
	s20 =	sshll.u32 s5, $0x1;
	s5 =	sadd.s32 s21, s3  }
0x9d: {  	[timem:s7], [sflag:s22] =	dma.local [hbm:s5], s20  }
0x9e: {  	_ =	swait.ge [sflag:s22], s20  }
0x9f: {  	s4 =	ssub.s32 $0x0, s20;
	[sflag:s22] =	ssyncset.done $0x0  }
0xa0: {  	[sflag:s22] =	ssyncadd.s32 s4;
	_ =	sdelay $0x1  }
0xa1: {  	s23 =	simm.s32 $0x1B8B  }
0xa2: {  	_ =	swait.ge [sflag:s23], $0x1  }
0xa3: {  	[sflag:s23] =	ssyncset.done $0x0  }
0xa4: {  	s25 =	simm.s32 $0x1B8E;
	s24 =	sld [smem:$0x3FFE];
	[sflag:s23] =	ssyncadd.s32 $0xFFFFFFFF  }
0xa5: {  	s26 =	simm.s32 $execute0_lowered;
	[smem:$0x3FD2] =	sst s25  }
0xa6: {  	s5 =	sshll.u32 s26, $0x1;
	_ =	strace $0x80000046;
	[dreg:$0x1] =	wrdreg $0xFFFFFFFF  }
0xa7: {  	s28 =	simm.s32 $_size_execute0_lowered;
	s3 =	sadd.s32 s3, s5;
	[dreg:$0x0] =	wrdreg $0x0  }
0xa8: {  	s5 =	sshll.u32 s28, $0x1;
	[dreg:$0x2] =	wrdreg s3  }
0xa9: {  	[dreg:$0x3] =	wrdreg s5  }
0xaa: {  	[dreg:$0x4] =	wrdreg $0xC0  }
0xab: {  	_ =	task [dreg:s7], $0x5FFFF  }
0xac: {  	[dreg:$0x1] =	wrdreg $0xFFFFFFFF  }
0xad: {  	[dreg:$0x0] =	wrdreg $0x60  }
0xae: {  	[dreg:$0x2] =	wrdreg s24  }
0xaf: {  	[dreg:$0x3] =	wrdreg s2  }
0xb0: {  	[dreg:$0x4] =	wrdreg $0x9  }
0xb1: {  	_ =	task.clear_ibuf [dreg:s7], $0x5FFFF;
	_ =	strace $0x90000046  }
0xb2: {  	s29 =	simm.s32 $0x9;
	_ =	strace $0x80000048  }
0xb3: {  	_ =	swait.ge [sflag:s29], $0x1  }
0xb4: {  	[sflag:s29] =	ssyncadd.s32 $0xFFFFFFFF  }
0xb5: {  	_ =	strace $0x90000048  }
0xb6: {  	_ =	sfence  }
0xb7: {  	s30 =	sld [smem:$0x0];
	_ =	sdelay $0x2  }
0xb8: {  	s31 =	sshll.u32 s1, $0xD;
	s1 =	sshrl.u32 s1, $0x2  }
0xb9: {  	s3 =	sand.u32 $0x4000, s31;
	s1 =	sadd.s32 s1, s30  }
0xba: {  	s0 =	sor.u32 s3, s0;
	s1 =	sshll.u32 s1, $0x11  }
0xbb: {  	s0 =	sor.u32 s1, s0  }
0xbc: {  	s0 =	sadd.s32 $0x8F2B, s0  }
0xbd: {  	[sflag:s0] =	ssyncadd.remote.s32 $0x1  }
0xbe: {  	_ =	sfence.sel $0xFFFF  }
0xbf: {  	[dreg:$0x0] =	wrdreg $0xFFFFFFFF;
	(pc) =	sbr.abs _section_cstart, $3  }
0xc0: {  	[dreg:$0x1] =	wrdreg $0xFFFFFFFF  }
0xc1: {  	_ =	task.clear_ibuf [dreg:s7], $0x2FFFF;
	_ =	strace $0x9FFFFFFF  }
0xc2: {  	(tm) =	ssettm $0x7FFFFFFF  }
0xc3: {  	_ =	shalt  }
tec
execute0_lowered:
.L_overlay_start_1:
0x0: {  	(tag) =	ssettag $0x1  }
0x1: {  	s1 =	srdreg.scid;
	s0 =	stileid.u32  }
0x2: {  	s4 =	sand.u32 $0x1, s1;
	s31 =	sshll.u32 s0, $0x1  }
0x3: {  	s3 =	rddreg [dreg:$0x0];
	s6 =	sor.u32 s4, s31  }
0x4: {  	s5 =	rddreg [dreg:$0x1];
	s2 =	simm.s32 $0x0;
	s7 =	smul.u32 $0x1400, s6  }
0x5: {  	[smem:$0x7FF] =	sst s2;
	s4 =	ssub.s32 $0x2, s4;
	s6 =	smul.u32 $0x4E2, s6  }
0x6: {  	s1 =	rddreg [dreg:$0x2];
	_ =	strace $0x80000047;
	s8 =	sshrl.u32 s4, $0x1  }
0x7: {  	s8 =	ssub.s32 s4, s8;
	s7 =	sshrl.u32 s7, $0x3;
	s4 =	sadd.s32 s5, s6  }
0x8: {  	s5 =	smax.u32 s8, $0x1;
	s6 =	simm.s32 $0x2720;
	s3 =	sadd.s32 s3, s7  }
0x9: {  	v0 =	vimm.f32 $0.0e+00;
	v1 =	vimm.f32 $1.000000000e+00;
	s8 =	simm.s32 $0x0;
	s7 =	simm.s32 $0x1;
	s3 =	sadd.s32 $0x7200, s3  }
.LBB2_1:
0xa: {  	s9 =	simm.s32 $0x40;
	s10 =	simm.s32 $0x0  }
.LBB2_2:
0xb: {  	p0 =	sne.s32 s9, $0x9C40;
	[tilespmem:s10+$0x0] =	vst v0;
	s10 =	smov.u32 s9;
	s9 =	sadd.s32 $0x40, s9  }
.Ltmp0:
0xc: {  	(pc) =	sbr.rel @p0 .LBB2_2-.Ltmp0, $2  }
0xd: {  	_ =	sdelay $0x2  }
0xe: {  	s10 =	sshra.s32 s10, $0x2  }
0xf: {  	[tilespmem:s10+$0x0] =	vst v0;
	s9 =	simm.s32 $0x0  }
0x10: {  	[tilespmem:s6], [sflag:$0x1] =	stream.linear.gather [hbm4b:s3+s9], $0x1400, $0x38;
	[tilespmem:$0x3B20] =	vst v63  }
0x11: {  	_ =	swait.ge [sflag:s7], $0x1400  }
0x12: {  	[sflag:s7] =	ssyncset.done $0x0  }
0x13: {  	s10 =	simm.s32 $0x0;
	s9 =	simm.s32 $0x40;
	[sflag:s7] =	ssyncadd.s32 $0xFFFFEC00  }
.LBB2_4:
0x14: {  	p0 =	sne.s32 s9, $0x4FC0;
	v2 =	vld [tilespmem:s10+$0x2720];
	_ =	sdelay $0x3  }
.Ltmp1:
0x15: {  	(pc) =	sbr.rel @p0 .LBB2_4-.Ltmp1, $2  }
0x16: {  	_ =	sdelay $0x2  }
0x17: {  	s10 =	sshra.s32 s9, $0x2;
	s9 =	sadd.s32 $0x40, s9;
	[tilespmem:v2+s2+$0x0] =	vst.idx.add.f32.msk $0xffff, v1  }
0x18: {  	v2 =	vld [tilespmem:s10+$0x2720];
	_ =	sdelay $0x5  }
0x19: {  	s8 =	sadd.s32 $0x1, s8  }
0x1a: {  	p0 =	sne.s32 s8, s5  }
.Ltmp2:
0x1b: {  	[tilespmem:v2+s2+$0x0] =	vst.idx.add.f32.msk $0xffff, v1;
	(pc) =	sbr.rel @p0 .LBB2_1-.Ltmp2, $4  }
0x1c: {  	[hbm4b:s4+s2] =	stream.linear.scatter [tilespmem:s2], [sflag:$0x1], $0x2710, $0x38;
	[tilespmem:$0x3B20] =	vst v63  }
0x1d: {  	_ =	swait.ge [sflag:s7], $0x2710  }
0x1e: {  	[sflag:s7] =	ssyncset.done $0x0  }
0x1f: {  	[sflag:s7] =	ssyncadd.s32 $0xFFFFD8F0  }
0x20: {  	_ =	sfence.sel $0x180000  }
0x21: {  	[bflag:$0x0] =	sbarrier.arrive $0xFFFF  }
0x22: {  	p0 =	sne.s32 s0, $0x0;
	_ =	strace $0x90000047  }
0x23: {  	s0 =	sadd.s32 @!p0 $0x100000, s1;
	[bflag:$0x2] =	sbarrier.arrive $0xFFFF  }
0x24: {  	[sflag:s0] =	ssyncadd.tile.s32 @!p0 $0x1;
	_ =	shalt  }
.Lfunc_end2:
_tile_overlayer_lowered:
.L_overlay_start_2:
0x25: {  	(tag) =	ssettag $0x2  }
0x26: {  	s0 =	rddreg [dreg:$0x0];
	s2 =	stileid.u32  }
0x27: {  	s1 =	rddreg [dreg:$0x1];
	p0 =	sne.s32 s2, $0x0  }
0x28: {  	s3 =	rddreg [dreg:$0x2];
	[bflag:$0x3] =	sbarrier.arrive $0xFFFF;
	s2 =	simm.s32 @!p0 $0x1C01  }
0x29: {  	[timem:s3], [sflag:s2] =	dma.local @!p0 [hbm:s0], s1  }
0x2a: {  	s0 =	simm.s32 @!p0 $0x1  }
0x2b: {  	_ =	swait.ge @!p0 [sflag:s0], s1  }
0x2c: {  	s1 =	ssub.s32 @!p0 $0x0, s1;
	[sflag:s0] =	ssyncset.done @!p0 $0x0  }
0x2d: {  	[sflag:s0] =	ssyncadd.s32 @!p0 s1  }
0x2e: {  	[bflag:$0x3] =	sbarrier.arrive $0xFFFF  }
0x2f: {  	_ =	shalt  }

</sc_bundles>
